<compile_context>
chip_gen: v7x
topology: tpu7x:2x2x1
jax: 0.10.2.dev20260603
libtpu: 0.0.44.dev20260713+nightly
codegen_flags: <defaults>
</compile_context>

<pallas_src>
import jax
import jax.numpy as jnp
from jax import lax
from jax.experimental import pallas as pl
from jax.experimental.pallas import tpu as pltpu
from jax.experimental.pallas import tpu_sc as plsc

N = 100000
E = 1600000
NMOL = 1000
OUT = 32

NC = 2
NS = 16
NW = NC * NS

CH = 128
EB = 8
E_BLOCKS = 49
EPW = E_BLOCKS * EB * CH
E_PAD = NW * EPW
N_PAD = 102400
RPW = N_PAD // NW
RPS = N_PAD // NS
MOLP = 1024
MW = 25
MROWS = 32

_MESH = dict(core_axis_name="c", subcore_axis_name="s", num_cores=NC,
             num_subcores=NS)


def _worker_ids():
    c = lax.axis_index("c")
    s = lax.axis_index("s")
    return c, s, c * NS + s


def _hist_body(dst_hbm, mol_hbm, x_hbm, emb_hbm, deg_out, cnt_out, feat_out,
               deg_acc, cnt_acc, idx_v, ones_v, zrows, xrows, sem):
    c, s, wid = _worker_ids()

    def fill_z(i, carry):
        zrows[i, :] = jnp.zeros((16,), jnp.float32)
        return carry

    lax.fori_loop(0, 256, fill_z, None)

    def fill_o(i, carry):
        ones_v[i, :] = jnp.ones((16,), jnp.float32)
        return carry

    lax.fori_loop(0, CH, fill_o, None)

    base = s * RPS

    def zero_acc(k, carry):
        pltpu.sync_copy(zrows, deg_acc.at[pl.ds(base + k * 256, 256)])
        return carry

    lax.fori_loop(0, RPS // 256, zero_acc, None)
    pltpu.sync_copy(zrows.at[pl.ds(0, MOLP // NS)],
                    cnt_acc.at[pl.ds(s * (MOLP // NS), MOLP // NS)])
    plsc.subcore_barrier()

    @pl.when(wid < MW)
    def _embed_loop():
        def emb_block(b, carry):
            pltpu.sync_copy(x_hbm.at[pl.ds(wid * MROWS + b * EB, EB)], idx_v)
            descs = [
                pltpu.async_copy(emb_hbm.at[idx_v.at[j]],
                                 xrows.at[pl.ds(j * CH, CH)], sem)
                for j in range(EB)
            ]
            for d in descs:
                d.wait()

            def do_relu(i, carry2):
                xrows[i, :] = jnp.maximum(xrows[i, :], 0.0)
                return carry2

            lax.fori_loop(0, EB * CH, do_relu, None)
            pltpu.sync_copy(
                xrows, feat_out.at[pl.ds(wid * MROWS * CH + b * EB * CH,
                                         EB * CH)])
            return carry

        lax.fori_loop(0, MROWS // EB, emb_block, None)

    ebase = wid * (EPW // CH)

    def deg_block(b, carry):
        pltpu.sync_copy(dst_hbm.at[pl.ds(ebase + b * EB, EB)], idx_v)
        for j in range(EB):
            pltpu.sync_copy(ones_v, deg_acc.at[idx_v.at[j]], add=True)
        return carry

    lax.fori_loop(0, E_BLOCKS, deg_block, None)

    @pl.when(wid < MW)
    def _cnt_loop():
        mbase = wid * MROWS

        def cnt_block(b, carry):
            pltpu.sync_copy(mol_hbm.at[pl.ds(mbase + b * EB, EB)], idx_v)
            for j in range(EB):
                pltpu.sync_copy(ones_v, cnt_acc.at[idx_v.at[j]], add=True)
            return carry

        lax.fori_loop(0, MROWS // EB, cnt_block, None)

    plsc.subcore_barrier()

    def wr_deg(k, carry):
        pltpu.sync_copy(deg_acc.at[pl.ds(base + k * 256, 256)],
                        deg_out.at[c, pl.ds(base + k * 256, 256)])
        return carry

    lax.fori_loop(0, RPS // 256, wr_deg, None)
    pltpu.sync_copy(cnt_acc.at[pl.ds(s * (MOLP // NS), MOLP // NS)],
                    cnt_out.at[c, pl.ds(s * (MOLP // NS), MOLP // NS)])


def _hist_call(dst2d, mol2d, x2d, emb):
    k = pl.kernel(
        _hist_body,
        out_type=(
            jax.ShapeDtypeStruct((NC, N_PAD, 16), jnp.float32),
            jax.ShapeDtypeStruct((NC, MOLP, 16), jnp.float32),
            jax.ShapeDtypeStruct((N_PAD, 16), jnp.float32),
        ),
        mesh=plsc.VectorSubcoreMesh(**_MESH),
        compiler_params=pltpu.CompilerParams(use_tc_tiling_on_sc=False),
        scratch_types=[
            pltpu.VMEM_SHARED((N_PAD, 16), jnp.float32),
            pltpu.VMEM_SHARED((MOLP, 16), jnp.float32),
            pltpu.VMEM((EB, CH), jnp.int32),
            pltpu.VMEM((CH, 16), jnp.float32),
            pltpu.VMEM((256, 16), jnp.float32),
            pltpu.VMEM((EB * CH, 16), jnp.float32),
            pltpu.SemaphoreType.DMA,
        ],
    )
    return k(dst2d, mol2d, x2d, emb)


def _edge_body(src_hbm, dst_hbm, feat_hbm, out_hbm, acc, sidx, didx, rows,
               zrows, sem):
    c, s, wid = _worker_ids()

    def fill_z(i, carry):
        zrows[i, :] = jnp.zeros((16,), jnp.float32)
        return carry

    lax.fori_loop(0, 256, fill_z, None)

    base = s * RPS

    def zero_acc(k, carry):
        pltpu.sync_copy(zrows, acc.at[pl.ds(base + k * 256, 256)])
        return carry

    lax.fori_loop(0, RPS // 256, zero_acc, None)
    plsc.subcore_barrier()

    ebase = wid * (EPW // CH)

    def block(b, carry):
        pltpu.sync_copy(src_hbm.at[pl.ds(ebase + b * EB, EB)], sidx)
        pltpu.sync_copy(dst_hbm.at[pl.ds(ebase + b * EB, EB)], didx)
        descs = [
            pltpu.async_copy(feat_hbm.at[sidx.at[j]],
                             rows.at[pl.ds(j * CH, CH)], sem)
            for j in range(EB)
        ]
        for d in descs:
            d.wait()
        for j in range(EB):
            pltpu.sync_copy(rows.at[pl.ds(j * CH, CH)], acc.at[didx.at[j]],
                            add=True)
        return carry

    lax.fori_loop(0, E_BLOCKS, block, None)
    plsc.subcore_barrier()

    for k in range(6):
        pltpu.sync_copy(acc.at[pl.ds(base + k * 1024, 1024)],
                        out_hbm.at[c, pl.ds(base + k * 1024, 1024)])
    pltpu.sync_copy(acc.at[pl.ds(base + 6144, 256)],
                    out_hbm.at[c, pl.ds(base + 6144, 256)])


def _edge_call(src2d, dst2d, feat):
    k = pl.kernel(
        _edge_body,
        out_type=jax.ShapeDtypeStruct((NC, N_PAD, 16), jnp.float32),
        mesh=plsc.VectorSubcoreMesh(**_MESH),
        compiler_params=pltpu.CompilerParams(use_tc_tiling_on_sc=False),
        scratch_types=[
            pltpu.VMEM_SHARED((N_PAD, 16), jnp.float32),
            pltpu.VMEM((EB, CH), jnp.int32),
            pltpu.VMEM((EB, CH), jnp.int32),
            pltpu.VMEM((EB * CH, 16), jnp.float32),
            pltpu.VMEM((256, 16), jnp.float32),
            pltpu.SemaphoreType.DMA,
        ],
    )
    return k(src2d, dst2d, feat)


def _pool_body(y_hbm, mol_hbm, out_hbm, acc, midx, ybuf, zbuf):
    c, s, wid = _worker_ids()

    def fill_z(i, carry):
        zbuf[i, pl.ds(0, 16)] = jnp.zeros((16,), jnp.float32)
        zbuf[i, pl.ds(16, 16)] = jnp.zeros((16,), jnp.float32)
        return carry

    lax.fori_loop(0, MOLP // NS, fill_z, None)
    pltpu.sync_copy(zbuf, acc.at[pl.ds(s * (MOLP // NS), MOLP // NS)])
    plsc.subcore_barrier()

    @pl.when(wid < MW)
    def _pool_loop():
        pltpu.sync_copy(mol_hbm.at[pl.ds(wid * MROWS, MROWS)], midx)
        rbase = wid * MROWS * CH

        def chunk(b, carry):
            pltpu.sync_copy(y_hbm.at[pl.ds(rbase + b * CH, CH)], ybuf)
            pltpu.sync_copy(ybuf, acc.at[midx.at[b]], add=True)
            return carry

        lax.fori_loop(0, MROWS, chunk, None)

    plsc.subcore_barrier()
    pltpu.sync_copy(acc.at[pl.ds(s * (MOLP // NS), MOLP // NS)],
                    out_hbm.at[c, pl.ds(s * (MOLP // NS), MOLP // NS)])


def _pool_call(y, mol2d):
    k = pl.kernel(
        _pool_body,
        out_type=jax.ShapeDtypeStruct((NC, MOLP, OUT), jnp.float32),
        mesh=plsc.VectorSubcoreMesh(**_MESH),
        compiler_params=pltpu.CompilerParams(use_tc_tiling_on_sc=False),
        scratch_types=[
            pltpu.VMEM_SHARED((MOLP, OUT), jnp.float32),
            pltpu.VMEM((MROWS, CH), jnp.int32),
            pltpu.VMEM((CH, OUT), jnp.float32),
            pltpu.VMEM((MOLP // NS, OUT), jnp.float32),
        ],
    )
    return k(y, mol2d)


NPK = N_PAD // 8
BR = 512


def _mlp_body(xf_ref, xa2_ref_a, xa2_ref_b, dg_ref_a, dg_ref_b, k0t_ref,
              k0b_ref, k1_ref, out_ref):
    r = 1.0 / jnp.maximum(dg_ref_a[...][0] + dg_ref_b[...][0], 1.0)
    xf = xf_ref[...] * r
    xa = (xa2_ref_a[...][0] + xa2_ref_b[...][0]) * r
    h = jnp.maximum(
        jnp.dot(xf, k0t_ref[...], preferred_element_type=jnp.float32)
        + jnp.dot(xa, k0b_ref[...], preferred_element_type=jnp.float32), 0.0)
    out_ref[...] = jnp.maximum(
        jnp.dot(h, k1_ref[...], preferred_element_type=jnp.float32), 0.0)


def _mlp_call(featp, aggp, degp, k0t, k0b, k1):
    return pl.pallas_call(
        _mlp_body,
        grid=(NPK // BR,),
        in_specs=[
            pl.BlockSpec((BR, 128), lambda i: (i, 0)),
            pl.BlockSpec((1, BR, 128), lambda i: (0, i, 0)),
            pl.BlockSpec((1, BR, 128), lambda i: (1, i, 0)),
            pl.BlockSpec((1, BR, 128), lambda i: (0, i, 0)),
            pl.BlockSpec((1, BR, 128), lambda i: (1, i, 0)),
            pl.BlockSpec((128, 256), lambda i: (0, 0)),
            pl.BlockSpec((128, 256), lambda i: (0, 0)),
            pl.BlockSpec((256, 128), lambda i: (0, 0)),
        ],
        out_specs=pl.BlockSpec((BR, 128), lambda i: (i, 0)),
        out_shape=jax.ShapeDtypeStruct((NPK, 128), jnp.float32),
    )(featp, aggp, aggp, degp, degp, k0t, k0b, k1)


def _final_body(xf0_ref, xm0_ref, xa2_ref_a, xa2_ref_b, dg_ref_a, dg_ref_b,
                k1t_ref, k1b_ref, k2_ref, kfa_ref, kfb_ref, kfc_ref, out_ref):
    r = 1.0 / jnp.maximum(dg_ref_a[...][0] + dg_ref_b[...][0], 1.0)
    xm0 = xm0_ref[...]
    xm = xm0 * r
    xa = (xa2_ref_a[...][0] + xa2_ref_b[...][0]) * r
    h = jnp.maximum(
        jnp.dot(xm, k1t_ref[...], preferred_element_type=jnp.float32)
        + jnp.dot(xa, k1b_ref[...], preferred_element_type=jnp.float32), 0.0)
    m1 = jnp.maximum(
        jnp.dot(h, k2_ref[...], preferred_element_type=jnp.float32), 0.0)
    out_ref[...] = (
        jnp.dot(xf0_ref[...], kfa_ref[...], preferred_element_type=jnp.float32)
        + jnp.dot(xm0, kfb_ref[...], preferred_element_type=jnp.float32)
        + jnp.dot(m1, kfc_ref[...], preferred_element_type=jnp.float32))


def _final_call(featp, msg0p, aggp, degp, k1t, k1b, k2, kfa, kfb, kfc):
    return pl.pallas_call(
        _final_body,
        grid=(NPK // BR,),
        in_specs=[
            pl.BlockSpec((BR, 128), lambda i: (i, 0)),
            pl.BlockSpec((BR, 128), lambda i: (i, 0)),
            pl.BlockSpec((1, BR, 128), lambda i: (0, i, 0)),
            pl.BlockSpec((1, BR, 128), lambda i: (1, i, 0)),
            pl.BlockSpec((1, BR, 128), lambda i: (0, i, 0)),
            pl.BlockSpec((1, BR, 128), lambda i: (1, i, 0)),
            pl.BlockSpec((128, 256), lambda i: (0, 0)),
            pl.BlockSpec((128, 256), lambda i: (0, 0)),
            pl.BlockSpec((256, 128), lambda i: (0, 0)),
            pl.BlockSpec((128, 256), lambda i: (0, 0)),
            pl.BlockSpec((128, 256), lambda i: (0, 0)),
            pl.BlockSpec((128, 256), lambda i: (0, 0)),
        ],
        out_specs=pl.BlockSpec((BR, 256), lambda i: (i, 0)),
        out_shape=jax.ShapeDtypeStruct((NPK, 256), jnp.float32),
    )(featp, msg0p, aggp, aggp, degp, degp, k1t, k1b, k2, kfa, kfb, kfc)


def _finish_body(pA_ref, pB_ref, cA_ref, cB_ref, fcb_ref, out_ref):
    pool = pA_ref[...] + pB_ref[...]
    cnt = jnp.maximum(cA_ref[...][:, 0] + cB_ref[...][:, 0], 1.0)
    out_ref[...] = pool[:NMOL] / cnt[:NMOL, None] + fcb_ref[...][None, :]


def _finish_call(pA, pB, cA, cB, fc_b):
    return pl.pallas_call(
        _finish_body,
        grid=(1,),
        in_specs=[
            pl.BlockSpec((MOLP, OUT), lambda i: (0, 0)),
            pl.BlockSpec((MOLP, OUT), lambda i: (0, 0)),
            pl.BlockSpec((MOLP, 16), lambda i: (0, 0)),
            pl.BlockSpec((MOLP, 16), lambda i: (0, 0)),
            pl.BlockSpec((OUT,), lambda i: (0,)),
        ],
        out_specs=pl.BlockSpec((NMOL, OUT), lambda i: (0, 0)),
        out_shape=jax.ShapeDtypeStruct((NMOL, OUT), jnp.float32),
    )(pA, pB, cA, cB, fc_b)


def kernel(x, edges_tensor, molecule_ids, embed_table, W_0_0, W_0_1, W_1_0,
           W_1_1, fc_w, fc_b):
    x2d = jnp.pad(x.astype(jnp.int32), (0, N_PAD - N)).reshape(N_PAD // CH, CH)
    mol2d = jnp.pad(molecule_ids.astype(jnp.int32), (0, N_PAD - N),
                    constant_values=NMOL).reshape(N_PAD // CH, CH)
    src2d = jnp.pad(edges_tensor[0].astype(jnp.int32), (0, E_PAD - E),
                    constant_values=N).reshape(E_PAD // CH, CH)
    dst2d = jnp.pad(edges_tensor[1].astype(jnp.int32), (0, E_PAD - E),
                    constant_values=N).reshape(E_PAD // CH, CH)

    i8 = jnp.eye(8, dtype=jnp.float32)
    k0t = jnp.kron(i8, W_0_0[:16])
    k0b = jnp.kron(i8, W_0_0[16:])
    k1 = jnp.kron(i8, W_0_1)
    k1t = jnp.kron(i8, W_1_0[:16])
    k1b = jnp.kron(i8, W_1_0[16:])
    k2 = jnp.kron(i8, W_1_1)
    kfa = jnp.kron(i8, fc_w[0:16])
    kfb = jnp.kron(i8, fc_w[16:32])
    kfc = jnp.kron(i8, fc_w[32:48])

    deg2, cnt2, feat0 = _hist_call(dst2d, mol2d, x2d, embed_table)
    degp = deg2.reshape(NC, NPK, 128)
    featp = feat0.reshape(NPK, 128)

    agg0 = _edge_call(src2d, dst2d, feat0)
    msg0p = _mlp_call(featp, agg0.reshape(NC, NPK, 128), degp, k0t, k0b, k1)
    agg1 = _edge_call(src2d, dst2d, msg0p.reshape(N_PAD, 16))
    yp = _final_call(featp, msg0p, agg1.reshape(NC, NPK, 128), degp, k1t, k1b,
                     k2, kfa, kfb, kfc)
    pool2 = _pool_call(yp.reshape(N_PAD, OUT), mol2d)
    return _finish_call(pool2[0], pool2[1], cnt2[0], cnt2[1], fc_b)

# --- scband reference (transcript-rebuilt; emitter-appended) ---
"""Pipeline reference for scband-ccn1-d-7584912245325 (READ-ONLY COPY).

The authoritative reference and input builder live on the scoring server;
editing this copy changes nothing except your own understanding.
"""

import jax, jax.numpy as jnp
import numpy as np

N = 100000
E = 1600000
H = 16
MSG = [16, 16]
MLP = [32]
OUT = 32
NMOL = 1000
NCON = 2  # 1D CCN contractions: identity + neighborhood sum


def setup_inputs(seed: int = 0) -> dict:
    key = jax.random.key(seed)
    ks = jax.random.split(key, 16)
    inp = {}
    inp["x"] = jax.random.randint(ks[0], (N,), 0, 32)
    inp["edges_tensor"] = jax.random.randint(ks[1], (2, E), 0, N)
    inp["molecule_ids"] = jnp.sort(jax.random.randint(ks[2], (N,), 0, NMOL))
    inp["embed_table"] = jax.random.normal(ks[3], (32, H), dtype=jnp.float32) * 0.1
    # message MLP weights: per layer, dims d1 -> mlp sizes -> message_sizes[layer]
    ki = 4
    for layer in range(len(MSG)):
        d1 = (H if layer == 0 else MSG[layer - 1]) * NCON
        dims = [d1] + MLP + [MSG[layer]]
        for l in range(len(dims) - 1):
            w = jax.random.normal(ks[ki], (dims[l], dims[l + 1]), dtype=jnp.float32) * (1.0 / np.sqrt(dims[l]))
            inp[f"W_{layer}_{l}"] = w
            ki += 1
    num_final = H + sum(MSG)
    inp["fc_w"] = jax.random.normal(ks[ki], (num_final, OUT), dtype=jnp.float32) * (1.0 / np.sqrt(num_final))
    inp["fc_b"] = jnp.zeros((OUT,), dtype=jnp.float32)
    return inp


def reference(x, edges_tensor, molecule_ids, embed_table, W_0_0, W_0_1, W_1_0, W_1_1, fc_w, fc_b):
    src = edges_tensor[0]
    dst = edges_tensor[1]
    # initial dense features from atom-type embedding
    dense_feature = jax.nn.relu(jnp.take(embed_table, x, axis=0))
    # receptive-field size normalization (degree)
    deg = jax.ops.segment_sum(jnp.ones((E,), jnp.float32), dst, num_segments=N)
    deg = jnp.maximum(deg, 1.0)
    weights = [[W_0_0, W_0_1], [W_1_0, W_1_1]]
    messages = []
    feat = dense_feature
    for layer in range(len(MSG)):
        # contraction 1: identity; contraction 2: sum over receptive-field neighbors
        gathered = jnp.take(feat, src, axis=0)
        agg = jax.ops.segment_sum(gathered, dst, num_segments=N)
        m = jnp.concatenate([feat, agg], axis=1)
        # ccn1d_normalizing: divide by receptive-field size
        m = m / deg[:, None]
        h = m
        for w in weights[layer]:
            h = jax.nn.relu(jnp.matmul(h, w))
        messages.append(h)
        feat = h
    total_representation = jnp.concatenate([dense_feature] + messages, axis=1)
    # ccn1d_shrinking to molecule level: mean-pool per molecule
    rep = jax.ops.segment_sum(total_representation, molecule_ids, num_segments=NMOL)
    cnt = jax.ops.segment_sum(jnp.ones((N,), jnp.float32), molecule_ids, num_segments=NMOL)
    rep = rep / jnp.maximum(cnt, 1.0)[:, None]
    return jnp.matmul(rep, fc_w) + fc_b

if __name__ == "__main__":
    import jax
    _d = setup_inputs()
    print(jax.jit(kernel)(*tuple(_d.values())))

</pallas_src>

<mosaic_0001>
#map = affine_map<(d0, d1) -> (0, 0)>
#map1 = affine_map<(d0, d1) -> (0, 0, 0)>
module attributes {stable_mosaic.version = 14 : i64} {
  func.func @_edge_body(%arg0: i32, %arg1: i32, %arg2: memref<12544x128xi32, #tpu.memory_space<hbm>>, %arg3: memref<12544x128xi32, #tpu.memory_space<hbm>>, %arg4: memref<102400x16xf32, #tpu.memory_space<hbm>>, %arg5: memref<2x102400x16xf32, #tpu.memory_space<hbm>>, %arg6: memref<102400x16xf32, #tpu.memory_space<vmem_shared>>, %arg7: memref<8x128xi32, #tpu.memory_space<vmem>>, %arg8: memref<8x128xi32, #tpu.memory_space<vmem>>, %arg9: memref<1024x16xf32, #tpu.memory_space<vmem>>, %arg10: memref<256x16xf32, #tpu.memory_space<vmem>>, %arg11: memref<!tpu.dma_semaphore, #tpu.memory_space<semaphore_mem>>) attributes {dimension_semantics = [#tpu.dimension_semantics<core_parallel>, #tpu.dimension_semantics<subcore_parallel>], iteration_bounds = array<i64: 2, 16>, scalar_prefetch = 0 : i64, scratch_operands = 6 : i64, tpu.core_type = #tpu.core_type<sc_vector_subcore>, window_params = [{transform_indices = #map}, {transform_indices = #map}, {transform_indices = #map}, {transform_indices = #map1}]} {
    %mul3A = arith.constant 16 : i32
    %mul3A_0 = arith.muli %arg0, %mul3A : i32
    %add3A = arith.addi %mul3A_0, %arg1 : i32
    %scan3A = arith.constant 0 : i32
    %scan3A_1 = arith.constant 256 : i32
    %scan3A_2 = arith.addi %scan3A, %scan3A_1 : i32
    %scan3A_3 = arith.constant 1 : i32
    scf.for %scan3A_48 = %scan3A to %scan3A_2 step %scan3A_3  : i32 {
      %broadcast_in_dim3A = arith.constant 0.000000e+00 : f32
      %broadcast_in_dim3A_49 = vector.broadcast %broadcast_in_dim3A : f32 to vector<16xf32>
      %swap3A = arith.index_cast %scan3A_48 : i32 to index
      %swap3A_50 = arith.constant 0 : index
      %swap3A_51 = tpu.vector_load %arg10[%swap3A, %swap3A_50] {strides = array<i32>} : memref<256x16xf32, #tpu.memory_space<vmem>>, vector<1x16xf32>,
      %swap3A_52 = vector.shape_cast %swap3A_51 : vector<1x16xf32> to vector<16xf32>
      %swap3A_53 = vector.shape_cast %broadcast_in_dim3A_49 : vector<16xf32> to vector<1x16xf32>
      tpu.vector_store %arg10[%swap3A, %swap3A_50], %swap3A_53 {strides = array<i32>} : memref<256x16xf32, #tpu.memory_space<vmem>>, vector<1x16xf32>,
    }
    %scan3A_4 = arith.constant 256 : i32
    %mul3A_5 = arith.constant 6400 : i32
    %mul3A_6 = arith.muli %arg1, %mul3A_5 : i32
    %scan3A_7 = arith.constant 0 : i32
    %scan3A_8 = arith.constant 25 : i32
    %scan3A_9 = arith.addi %scan3A_7, %scan3A_8 : i32
    %scan3A_10 = arith.constant 1 : i32
    scf.for %scan3A_48 = %scan3A_7 to %scan3A_9 step %scan3A_10  : i32 {
      %mul3A_49 = arith.constant 256 : i32
      %mul3A_50 = arith.muli %scan3A_48, %mul3A_49 : i32
      %add3A_51 = arith.addi %mul3A_6, %mul3A_50 : i32
      "tpu.region"() ({
        %run_scoped3A = tpu.sem_alloc : memref<!tpu.dma_semaphore, #tpu.memory_space<semaphore_mem>>
        %dma_start3A = arith.constant 0 : i32
        %dma_start3A_52 = tpu.memref_slice %arg6[%add3A_51, %dma_start3A] : memref<102400x16xf32, #tpu.memory_space<vmem_shared>> -> memref<256x16xf32, #tpu.memory_space<vmem_shared>>
        %dma_start3A_53 = arith.constant 0 : i32
        %dma_start3A_54 = tpu.memref_slice %arg6[%add3A_51, %dma_start3A_53] : memref<102400x16xf32, #tpu.memory_space<vmem_shared>> -> memref<256x16xf32, #tpu.memory_space<vmem_shared>>
        tpu.enqueue_dma source(%arg10 : memref<256x16xf32, #tpu.memory_space<vmem>>) target(%dma_start3A_54 : memref<256x16xf32, #tpu.memory_space<vmem_shared>>) target_semaphore(%run_scoped3A : memref<!tpu.dma_semaphore, #tpu.memory_space<semaphore_mem>>)
        %dma_wait3A = arith.constant 0 : i32
        %dma_wait3A_55 = tpu.memref_slice %arg6[%add3A_51, %dma_wait3A] : memref<102400x16xf32, #tpu.memory_space<vmem_shared>> -> memref<256x16xf32, #tpu.memory_space<vmem_shared>>
        %dma_wait3A_56 = arith.constant 0 : i32
        %dma_wait3A_57 = tpu.memref_slice %arg6[%add3A_51, %dma_wait3A_56] : memref<102400x16xf32, #tpu.memory_space<vmem_shared>> -> memref<256x16xf32, #tpu.memory_space<vmem_shared>>
        tpu.wait_dma2 semaphore(%run_scoped3A : memref<!tpu.dma_semaphore, #tpu.memory_space<semaphore_mem>>) src(%arg10 : memref<256x16xf32, #tpu.memory_space<vmem>>) dst(%dma_wait3A_57 : memref<256x16xf32, #tpu.memory_space<vmem_shared>>)
        tpu.yield
      }) : () -> ()
    }
    %scan3A_11 = arith.constant 25 : i32
    %barrier3A = arith.constant 0 : index
    tpu.barrier barrier_id(%barrier3A)
    %mul3A_12 = arith.constant 392 : i32
    %mul3A_13 = arith.muli %add3A, %mul3A_12 : i32
    %scan3A_14 = arith.constant 0 : i32
    %scan3A_15 = arith.constant 49 : i32
    %scan3A_16 = arith.addi %scan3A_14, %scan3A_15 : i32
    %scan3A_17 = arith.constant 1 : i32
    scf.for %scan3A_48 = %scan3A_14 to %scan3A_16 step %scan3A_17  : i32 {
      %mul3A_49 = arith.constant 8 : i32
      %mul3A_50 = arith.muli %scan3A_48, %mul3A_49 : i32
      %add3A_51 = arith.addi %mul3A_13, %mul3A_50 : i32
      "tpu.region"() ({
        %run_scoped3A_220 = tpu.sem_alloc : memref<!tpu.dma_semaphore, #tpu.memory_space<semaphore_mem>>
        %dma_start3A_221 = arith.constant 0 : i32
        %dma_start3A_222 = tpu.memref_slice %arg2[%add3A_51, %dma_start3A_221] : memref<12544x128xi32, #tpu.memory_space<hbm>> -> memref<8x128xi32, #tpu.memory_space<hbm>>
        %dma_start3A_223 = arith.constant 0 : i32
        %dma_start3A_224 = tpu.memref_slice %arg2[%add3A_51, %dma_start3A_223] : memref<12544x128xi32, #tpu.memory_space<hbm>> -> memref<8x128xi32, #tpu.memory_space<hbm>>
        tpu.enqueue_dma source(%dma_start3A_224 : memref<8x128xi32, #tpu.memory_space<hbm>>) target(%arg7 : memref<8x128xi32, #tpu.memory_space<vmem>>) target_semaphore(%run_scoped3A_220 : memref<!tpu.dma_semaphore, #tpu.memory_space<semaphore_mem>>)
        %dma_wait3A_225 = arith.constant 0 : i32
        %dma_wait3A_226 = tpu.memref_slice %arg2[%add3A_51, %dma_wait3A_225] : memref<12544x128xi32, #tpu.memory_space<hbm>> -> memref<8x128xi32, #tpu.memory_space<hbm>>
        %dma_wait3A_227 = arith.constant 0 : i32
        %dma_wait3A_228 = tpu.memref_slice %arg2[%add3A_51, %dma_wait3A_227] : memref<12544x128xi32, #tpu.memory_space<hbm>> -> memref<8x128xi32, #tpu.memory_space<hbm>>
        tpu.wait_dma2 semaphore(%run_scoped3A_220 : memref<!tpu.dma_semaphore, #tpu.memory_space<semaphore_mem>>) src(%dma_wait3A_228 : memref<8x128xi32, #tpu.memory_space<hbm>>) dst(%arg7 : memref<8x128xi32, #tpu.memory_space<vmem>>)
        tpu.yield
      }) : () -> ()
      %mul3A_52 = arith.constant 8 : i32
      %mul3A_53 = arith.muli %scan3A_48, %mul3A_52 : i32
      %add3A_54 = arith.addi %mul3A_13, %mul3A_53 : i32
      "tpu.region"() ({
        %run_scoped3A_220 = tpu.sem_alloc : memref<!tpu.dma_semaphore, #tpu.memory_space<semaphore_mem>>
        %dma_start3A_221 = arith.constant 0 : i32
        %dma_start3A_222 = tpu.memref_slice %arg3[%add3A_54, %dma_start3A_221] : memref<12544x128xi32, #tpu.memory_space<hbm>> -> memref<8x128xi32, #tpu.memory_space<hbm>>
        %dma_start3A_223 = arith.constant 0 : i32
        %dma_start3A_224 = tpu.memref_slice %arg3[%add3A_54, %dma_start3A_223] : memref<12544x128xi32, #tpu.memory_space<hbm>> -> memref<8x128xi32, #tpu.memory_space<hbm>>
        tpu.enqueue_dma source(%dma_start3A_224 : memref<8x128xi32, #tpu.memory_space<hbm>>) target(%arg8 : memref<8x128xi32, #tpu.memory_space<vmem>>) target_semaphore(%run_scoped3A_220 : memref<!tpu.dma_semaphore, #tpu.memory_space<semaphore_mem>>)
        %dma_wait3A_225 = arith.constant 0 : i32
        %dma_wait3A_226 = tpu.memref_slice %arg3[%add3A_54, %dma_wait3A_225] : memref<12544x128xi32, #tpu.memory_space<hbm>> -> memref<8x128xi32, #tpu.memory_space<hbm>>
        %dma_wait3A_227 = arith.constant 0 : i32
        %dma_wait3A_228 = tpu.memref_slice %arg3[%add3A_54, %dma_wait3A_227] : memref<12544x128xi32, #tpu.memory_space<hbm>> -> memref<8x128xi32, #tpu.memory_space<hbm>>
        tpu.wait_dma2 semaphore(%run_scoped3A_220 : memref<!tpu.dma_semaphore, #tpu.memory_space<semaphore_mem>>) src(%dma_wait3A_228 : memref<8x128xi32, #tpu.memory_space<hbm>>) dst(%arg8 : memref<8x128xi32, #tpu.memory_space<vmem>>)
        tpu.yield
      }) : () -> ()
      %dma_start3A = arith.constant 0 : i32
      %dma_start3A_55 = arith.constant 0 : i32
      %dma_start3A_56 = arith.constant 0 : i32
      %dma_start3A_57 = tpu.memref_slice %arg9[%dma_start3A_55, %dma_start3A_56] : memref<1024x16xf32, #tpu.memory_space<vmem>> -> memref<128x16xf32, #tpu.memory_space<vmem>>
      %dma_start3A_58 = arith.constant 0 : i32
      %dma_start3A_59 = tpu.memref_slice %arg7[%dma_start3A, %dma_start3A_58] : memref<8x128xi32, #tpu.memory_space<vmem>> -> memref<1x128xi32, #tpu.memory_space<vmem>>
      %dma_start3A_60 = tpu.memref_squeeze %dma_start3A_59 : memref<1x128xi32, #tpu.memory_space<vmem>> -> memref<128xi32, #tpu.memory_space<vmem>>
      %dma_start3A_61 = arith.constant 0 : i32
      %dma_start3A_62 = arith.constant 0 : i32
      %dma_start3A_63 = tpu.memref_slice %arg4[%dma_start3A_61, %dma_start3A_62] : memref<102400x16xf32, #tpu.memory_space<hbm>> -> memref<102400x16xf32, #tpu.memory_space<hbm>>
      tpu.enqueue_indirect_dma source(%dma_start3A_63 : memref<102400x16xf32, #tpu.memory_space<hbm>>) target(%dma_start3A_57 : memref<128x16xf32, #tpu.memory_space<vmem>>) offsets(%dma_start3A_60 : memref<128xi32, #tpu.memory_space<vmem>>) semaphore(%arg11 : memref<!tpu.dma_semaphore, #tpu.memory_space<semaphore_mem>>)
      %dma_start3A_64 = arith.constant 1 : i32
      %dma_start3A_65 = arith.constant 128 : i32
      %dma_start3A_66 = arith.constant 0 : i32
      %dma_start3A_67 = tpu.memref_slice %arg9[%dma_start3A_65, %dma_start3A_66] : memref<1024x16xf32, #tpu.memory_space<vmem>> -> memref<128x16xf32, #tpu.memory_space<vmem>>
      %dma_start3A_68 = arith.constant 0 : i32
      %dma_start3A_69 = tpu.memref_slice %arg7[%dma_start3A_64, %dma_start3A_68] : memref<8x128xi32, #tpu.memory_space<vmem>> -> memref<1x128xi32, #tpu.memory_space<vmem>>
      %dma_start3A_70 = tpu.memref_squeeze %dma_start3A_69 : memref<1x128xi32, #tpu.memory_space<vmem>> -> memref<128xi32, #tpu.memory_space<vmem>>
      %dma_start3A_71 = arith.constant 0 : i32
      %dma_start3A_72 = arith.constant 0 : i32
      %dma_start3A_73 = tpu.memref_slice %arg4[%dma_start3A_71, %dma_start3A_72] : memref<102400x16xf32, #tpu.memory_space<hbm>> -> memref<102400x16xf32, #tpu.memory_space<hbm>>
      tpu.enqueue_indirect_dma source(%dma_start3A_73 : memref<102400x16xf32, #tpu.memory_space<hbm>>) target(%dma_start3A_67 : memref<128x16xf32, #tpu.memory_space<vmem>>) offsets(%dma_start3A_70 : memref<128xi32, #tpu.memory_space<vmem>>) semaphore(%arg11 : memref<!tpu.dma_semaphore, #tpu.memory_space<semaphore_mem>>)
      %dma_start3A_74 = arith.constant 2 : i32
      %dma_start3A_75 = arith.constant 256 : i32
      %dma_start3A_76 = arith.constant 0 : i32
      %dma_start3A_77 = tpu.memref_slice %arg9[%dma_start3A_75, %dma_start3A_76] : memref<1024x16xf32, #tpu.memory_space<vmem>> -> memref<128x16xf32, #tpu.memory_space<vmem>>
      %dma_start3A_78 = arith.constant 0 : i32
      %dma_start3A_79 = tpu.memref_slice %arg7[%dma_start3A_74, %dma_start3A_78] : memref<8x128xi32, #tpu.memory_space<vmem>> -> memref<1x128xi32, #tpu.memory_space<vmem>>
      %dma_start3A_80 = tpu.memref_squeeze %dma_start3A_79 : memref<1x128xi32, #tpu.memory_space<vmem>> -> memref<128xi32, #tpu.memory_space<vmem>>
      %dma_start3A_81 = arith.constant 0 : i32
      %dma_start3A_82 = arith.constant 0 : i32
      %dma_start3A_83 = tpu.memref_slice %arg4[%dma_start3A_81, %dma_start3A_82] : memref<102400x16xf32, #tpu.memory_space<hbm>> -> memref<102400x16xf32, #tpu.memory_space<hbm>>
      tpu.enqueue_indirect_dma source(%dma_start3A_83 : memref<102400x16xf32, #tpu.memory_space<hbm>>) target(%dma_start3A_77 : memref<128x16xf32, #tpu.memory_space<vmem>>) offsets(%dma_start3A_80 : memref<128xi32, #tpu.memory_space<vmem>>) semaphore(%arg11 : memref<!tpu.dma_semaphore, #tpu.memory_space<semaphore_mem>>)
      %dma_start3A_84 = arith.constant 3 : i32
      %dma_start3A_85 = arith.constant 384 : i32
      %dma_start3A_86 = arith.constant 0 : i32
      %dma_start3A_87 = tpu.memref_slice %arg9[%dma_start3A_85, %dma_start3A_86] : memref<1024x16xf32, #tpu.memory_space<vmem>> -> memref<128x16xf32, #tpu.memory_space<vmem>>
      %dma_start3A_88 = arith.constant 0 : i32
      %dma_start3A_89 = tpu.memref_slice %arg7[%dma_start3A_84, %dma_start3A_88] : memref<8x128xi32, #tpu.memory_space<vmem>> -> memref<1x128xi32, #tpu.memory_space<vmem>>
      %dma_start3A_90 = tpu.memref_squeeze %dma_start3A_89 : memref<1x128xi32, #tpu.memory_space<vmem>> -> memref<128xi32, #tpu.memory_space<vmem>>
      %dma_start3A_91 = arith.constant 0 : i32
      %dma_start3A_92 = arith.constant 0 : i32
      %dma_start3A_93 = tpu.memref_slice %arg4[%dma_start3A_91, %dma_start3A_92] : memref<102400x16xf32, #tpu.memory_space<hbm>> -> memref<102400x16xf32, #tpu.memory_space<hbm>>
      tpu.enqueue_indirect_dma source(%dma_start3A_93 : memref<102400x16xf32, #tpu.memory_space<hbm>>) target(%dma_start3A_87 : memref<128x16xf32, #tpu.memory_space<vmem>>) offsets(%dma_start3A_90 : memref<128xi32, #tpu.memory_space<vmem>>) semaphore(%arg11 : memref<!tpu.dma_semaphore, #tpu.memory_space<semaphore_mem>>)
      %dma_start3A_94 = arith.constant 4 : i32
      %dma_start3A_95 = arith.constant 512 : i32
      %dma_start3A_96 = arith.constant 0 : i32
      %dma_start3A_97 = tpu.memref_slice %arg9[%dma_start3A_95, %dma_start3A_96] : memref<1024x16xf32, #tpu.memory_space<vmem>> -> memref<128x16xf32, #tpu.memory_space<vmem>>
      %dma_start3A_98 = arith.constant 0 : i32
      %dma_start3A_99 = tpu.memref_slice %arg7[%dma_start3A_94, %dma_start3A_98] : memref<8x128xi32, #tpu.memory_space<vmem>> -> memref<1x128xi32, #tpu.memory_space<vmem>>
      %dma_start3A_100 = tpu.memref_squeeze %dma_start3A_99 : memref<1x128xi32, #tpu.memory_space<vmem>> -> memref<128xi32, #tpu.memory_space<vmem>>
      %dma_start3A_101 = arith.constant 0 : i32
      %dma_start3A_102 = arith.constant 0 : i32
      %dma_start3A_103 = tpu.memref_slice %arg4[%dma_start3A_101, %dma_start3A_102] : memref<102400x16xf32, #tpu.memory_space<hbm>> -> memref<102400x16xf32, #tpu.memory_space<hbm>>
      tpu.enqueue_indirect_dma source(%dma_start3A_103 : memref<102400x16xf32, #tpu.memory_space<hbm>>) target(%dma_start3A_97 : memref<128x16xf32, #tpu.memory_space<vmem>>) offsets(%dma_start3A_100 : memref<128xi32, #tpu.memory_space<vmem>>) semaphore(%arg11 : memref<!tpu.dma_semaphore, #tpu.memory_space<semaphore_mem>>)
      %dma_start3A_104 = arith.constant 5 : i32
      %dma_start3A_105 = arith.constant 640 : i32
      %dma_start3A_106 = arith.constant 0 : i32
      %dma_start3A_107 = tpu.memref_slice %arg9[%dma_start3A_105, %dma_start3A_106] : memref<1024x16xf32, #tpu.memory_space<vmem>> -> memref<128x16xf32, #tpu.memory_space<vmem>>
      %dma_start3A_108 = arith.constant 0 : i32
      %dma_start3A_109 = tpu.memref_slice %arg7[%dma_start3A_104, %dma_start3A_108] : memref<8x128xi32, #tpu.memory_space<vmem>> -> memref<1x128xi32, #tpu.memory_space<vmem>>
      %dma_start3A_110 = tpu.memref_squeeze %dma_start3A_109 : memref<1x128xi32, #tpu.memory_space<vmem>> -> memref<128xi32, #tpu.memory_space<vmem>>
      %dma_start3A_111 = arith.constant 0 : i32
      %dma_start3A_112 = arith.constant 0 : i32
      %dma_start3A_113 = tpu.memref_slice %arg4[%dma_start3A_111, %dma_start3A_112] : memref<102400x16xf32, #tpu.memory_space<hbm>> -> memref<102400x16xf32, #tpu.memory_space<hbm>>
      tpu.enqueue_indirect_dma source(%dma_start3A_113 : memref<102400x16xf32, #tpu.memory_space<hbm>>) target(%dma_start3A_107 : memref<128x16xf32, #tpu.memory_space<vmem>>) offsets(%dma_start3A_110 : memref<128xi32, #tpu.memory_space<vmem>>) semaphore(%arg11 : memref<!tpu.dma_semaphore, #tpu.memory_space<semaphore_mem>>)
      %dma_start3A_114 = arith.constant 6 : i32
      %dma_start3A_115 = arith.constant 768 : i32
      %dma_start3A_116 = arith.constant 0 : i32
      %dma_start3A_117 = tpu.memref_slice %arg9[%dma_start3A_115, %dma_start3A_116] : memref<1024x16xf32, #tpu.memory_space<vmem>> -> memref<128x16xf32, #tpu.memory_space<vmem>>
      %dma_start3A_118 = arith.constant 0 : i32
      %dma_start3A_119 = tpu.memref_slice %arg7[%dma_start3A_114, %dma_start3A_118] : memref<8x128xi32, #tpu.memory_space<vmem>> -> memref<1x128xi32, #tpu.memory_space<vmem>>
      %dma_start3A_120 = tpu.memref_squeeze %dma_start3A_119 : memref<1x128xi32, #tpu.memory_space<vmem>> -> memref<128xi32, #tpu.memory_space<vmem>>
      %dma_start3A_121 = arith.constant 0 : i32
      %dma_start3A_122 = arith.constant 0 : i32
      %dma_start3A_123 = tpu.memref_slice %arg4[%dma_start3A_121, %dma_start3A_122] : memref<102400x16xf32, #tpu.memory_space<hbm>> -> memref<102400x16xf32, #tpu.memory_space<hbm>>
      tpu.enqueue_indirect_dma source(%dma_start3A_123 : memref<102400x16xf32, #tpu.memory_space<hbm>>) target(%dma_start3A_117 : memref<128x16xf32, #tpu.memory_space<vmem>>) offsets(%dma_start3A_120 : memref<128xi32, #tpu.memory_space<vmem>>) semaphore(%arg11 : memref<!tpu.dma_semaphore, #tpu.memory_space<semaphore_mem>>)
      %dma_start3A_124 = arith.constant 7 : i32
      %dma_start3A_125 = arith.constant 896 : i32
      %dma_start3A_126 = arith.constant 0 : i32
      %dma_start3A_127 = tpu.memref_slice %arg9[%dma_start3A_125, %dma_start3A_126] : memref<1024x16xf32, #tpu.memory_space<vmem>> -> memref<128x16xf32, #tpu.memory_space<vmem>>
      %dma_start3A_128 = arith.constant 0 : i32
      %dma_start3A_129 = tpu.memref_slice %arg7[%dma_start3A_124, %dma_start3A_128] : memref<8x128xi32, #tpu.memory_space<vmem>> -> memref<1x128xi32, #tpu.memory_space<vmem>>
      %dma_start3A_130 = tpu.memref_squeeze %dma_start3A_129 : memref<1x128xi32, #tpu.memory_space<vmem>> -> memref<128xi32, #tpu.memory_space<vmem>>
      %dma_start3A_131 = arith.constant 0 : i32
      %dma_start3A_132 = arith.constant 0 : i32
      %dma_start3A_133 = tpu.memref_slice %arg4[%dma_start3A_131, %dma_start3A_132] : memref<102400x16xf32, #tpu.memory_space<hbm>> -> memref<102400x16xf32, #tpu.memory_space<hbm>>
      tpu.enqueue_indirect_dma source(%dma_start3A_133 : memref<102400x16xf32, #tpu.memory_space<hbm>>) target(%dma_start3A_127 : memref<128x16xf32, #tpu.memory_space<vmem>>) offsets(%dma_start3A_130 : memref<128xi32, #tpu.memory_space<vmem>>) semaphore(%arg11 : memref<!tpu.dma_semaphore, #tpu.memory_space<semaphore_mem>>)
      %dma_wait3A = arith.constant 0 : i32
      %dma_wait3A_134 = arith.constant 0 : i32
      %dma_wait3A_135 = arith.constant 0 : i32
      %dma_wait3A_136 = tpu.memref_slice %arg9[%dma_wait3A_134, %dma_wait3A_135] : memref<1024x16xf32, #tpu.memory_space<vmem>> -> memref<128x16xf32, #tpu.memory_space<vmem>>
      %dma_wait3A_137 = arith.constant 0 : i32
      %dma_wait3A_138 = tpu.memref_slice %arg7[%dma_wait3A, %dma_wait3A_137] : memref<8x128xi32, #tpu.memory_space<vmem>> -> memref<1x128xi32, #tpu.memory_space<vmem>>
      %dma_wait3A_139 = tpu.memref_squeeze %dma_wait3A_138 : memref<1x128xi32, #tpu.memory_space<vmem>> -> memref<128xi32, #tpu.memory_space<vmem>>
      %dma_wait3A_140 = arith.constant 0 : i32
      %dma_wait3A_141 = arith.constant 0 : i32
      %dma_wait3A_142 = tpu.memref_slice %arg4[%dma_wait3A_140, %dma_wait3A_141] : memref<102400x16xf32, #tpu.memory_space<hbm>> -> memref<102400x16xf32, #tpu.memory_space<hbm>>
      tpu.wait_indirect_dma semaphore(%arg11 : memref<!tpu.dma_semaphore, #tpu.memory_space<semaphore_mem>>) src(%dma_wait3A_142 : memref<102400x16xf32, #tpu.memory_space<hbm>>) dst(%dma_wait3A_136 : memref<128x16xf32, #tpu.memory_space<vmem>>)
      %dma_wait3A_143 = arith.constant 1 : i32
      %dma_wait3A_144 = arith.constant 128 : i32
      %dma_wait3A_145 = arith.constant 0 : i32
      %dma_wait3A_146 = tpu.memref_slice %arg9[%dma_wait3A_144, %dma_wait3A_145] : memref<1024x16xf32, #tpu.memory_space<vmem>> -> memref<128x16xf32, #tpu.memory_space<vmem>>
      %dma_wait3A_147 = arith.constant 0 : i32
      %dma_wait3A_148 = tpu.memref_slice %arg7[%dma_wait3A_143, %dma_wait3A_147] : memref<8x128xi32, #tpu.memory_space<vmem>> -> memref<1x128xi32, #tpu.memory_space<vmem>>
      %dma_wait3A_149 = tpu.memref_squeeze %dma_wait3A_148 : memref<1x128xi32, #tpu.memory_space<vmem>> -> memref<128xi32, #tpu.memory_space<vmem>>
      %dma_wait3A_150 = arith.constant 0 : i32
      %dma_wait3A_151 = arith.constant 0 : i32
      %dma_wait3A_152 = tpu.memref_slice %arg4[%dma_wait3A_150, %dma_wait3A_151] : memref<102400x16xf32, #tpu.memory_space<hbm>> -> memref<102400x16xf32, #tpu.memory_space<hbm>>
      tpu.wait_indirect_dma semaphore(%arg11 : memref<!tpu.dma_semaphore, #tpu.memory_space<semaphore_mem>>) src(%dma_wait3A_152 : memref<102400x16xf32, #tpu.memory_space<hbm>>) dst(%dma_wait3A_146 : memref<128x16xf32, #tpu.memory_space<vmem>>)
      %dma_wait3A_153 = arith.constant 2 : i32
      %dma_wait3A_154 = arith.constant 256 : i32
      %dma_wait3A_155 = arith.constant 0 : i32
      %dma_wait3A_156 = tpu.memref_slice %arg9[%dma_wait3A_154, %dma_wait3A_155] : memref<1024x16xf32, #tpu.memory_space<vmem>> -> memref<128x16xf32, #tpu.memory_space<vmem>>
      %dma_wait3A_157 = arith.constant 0 : i32
      %dma_wait3A_158 = tpu.memref_slice %arg7[%dma_wait3A_153, %dma_wait3A_157] : memref<8x128xi32, #tpu.memory_space<vmem>> -> memref<1x128xi32, #tpu.memory_space<vmem>>
      %dma_wait3A_159 = tpu.memref_squeeze %dma_wait3A_158 : memref<1x128xi32, #tpu.memory_space<vmem>> -> memref<128xi32, #tpu.memory_space<vmem>>
      %dma_wait3A_160 = arith.constant 0 : i32
      %dma_wait3A_161 = arith.constant 0 : i32
      %dma_wait3A_162 = tpu.memref_slice %arg4[%dma_wait3A_160, %dma_wait3A_161] : memref<102400x16xf32, #tpu.memory_space<hbm>> -> memref<102400x16xf32, #tpu.memory_space<hbm>>
      tpu.wait_indirect_dma semaphore(%arg11 : memref<!tpu.dma_semaphore, #tpu.memory_space<semaphore_mem>>) src(%dma_wait3A_162 : memref<102400x16xf32, #tpu.memory_space<hbm>>) dst(%dma_wait3A_156 : memref<128x16xf32, #tpu.memory_space<vmem>>)
      %dma_wait3A_163 = arith.constant 3 : i32
      %dma_wait3A_164 = arith.constant 384 : i32
      %dma_wait3A_165 = arith.constant 0 : i32
      %dma_wait3A_166 = tpu.memref_slice %arg9[%dma_wait3A_164, %dma_wait3A_165] : memref<1024x16xf32, #tpu.memory_space<vmem>> -> memref<128x16xf32, #tpu.memory_space<vmem>>
      %dma_wait3A_167 = arith.constant 0 : i32
      %dma_wait3A_168 = tpu.memref_slice %arg7[%dma_wait3A_163, %dma_wait3A_167] : memref<8x128xi32, #tpu.memory_space<vmem>> -> memref<1x128xi32, #tpu.memory_space<vmem>>
      %dma_wait3A_169 = tpu.memref_squeeze %dma_wait3A_168 : memref<1x128xi32, #tpu.memory_space<vmem>> -> memref<128xi32, #tpu.memory_space<vmem>>
      %dma_wait3A_170 = arith.constant 0 : i32
      %dma_wait3A_171 = arith.constant 0 : i32
      %dma_wait3A_172 = tpu.memref_slice %arg4[%dma_wait3A_170, %dma_wait3A_171] : memref<102400x16xf32, #tpu.memory_space<hbm>> -> memref<102400x16xf32, #tpu.memory_space<hbm>>
      tpu.wait_indirect_dma semaphore(%arg11 : memref<!tpu.dma_semaphore, #tpu.memory_space<semaphore_mem>>) src(%dma_wait3A_172 : memref<102400x16xf32, #tpu.memory_space<hbm>>) dst(%dma_wait3A_166 : memref<128x16xf32, #tpu.memory_space<vmem>>)
      %dma_wait3A_173 = arith.constant 4 : i32
      %dma_wait3A_174 = arith.constant 512 : i32
      %dma_wait3A_175 = arith.constant 0 : i32
      %dma_wait3A_176 = tpu.memref_slice %arg9[%dma_wait3A_174, %dma_wait3A_175] : memref<1024x16xf32, #tpu.memory_space<vmem>> -> memref<128x16xf32, #tpu.memory_space<vmem>>
      %dma_wait3A_177 = arith.constant 0 : i32
      %dma_wait3A_178 = tpu.memref_slice %arg7[%dma_wait3A_173, %dma_wait3A_177] : memref<8x128xi32, #tpu.memory_space<vmem>> -> memref<1x128xi32, #tpu.memory_space<vmem>>
      %dma_wait3A_179 = tpu.memref_squeeze %dma_wait3A_178 : memref<1x128xi32, #tpu.memory_space<vmem>> -> memref<128xi32, #tpu.memory_space<vmem>>
      %dma_wait3A_180 = arith.constant 0 : i32
      %dma_wait3A_181 = arith.constant 0 : i32
      %dma_wait3A_182 = tpu.memref_slice %arg4[%dma_wait3A_180, %dma_wait3A_181] : memref<102400x16xf32, #tpu.memory_space<hbm>> -> memref<102400x16xf32, #tpu.memory_space<hbm>>
      tpu.wait_indirect_dma semaphore(%arg11 : memref<!tpu.dma_semaphore, #tpu.memory_space<semaphore_mem>>) src(%dma_wait3A_182 : memref<102400x16xf32, #tpu.memory_space<hbm>>) dst(%dma_wait3A_176 : memref<128x16xf32, #tpu.memory_space<vmem>>)
      %dma_wait3A_183 = arith.constant 5 : i32
      %dma_wait3A_184 = arith.constant 640 : i32
      %dma_wait3A_185 = arith.constant 0 : i32
      %dma_wait3A_186 = tpu.memref_slice %arg9[%dma_wait3A_184, %dma_wait3A_185] : memref<1024x16xf32, #tpu.memory_space<vmem>> -> memref<128x16xf32, #tpu.memory_space<vmem>>
      %dma_wait3A_187 = arith.constant 0 : i32
      %dma_wait3A_188 = tpu.memref_slice %arg7[%dma_wait3A_183, %dma_wait3A_187] : memref<8x128xi32, #tpu.memory_space<vmem>> -> memref<1x128xi32, #tpu.memory_space<vmem>>
      %dma_wait3A_189 = tpu.memref_squeeze %dma_wait3A_188 : memref<1x128xi32, #tpu.memory_space<vmem>> -> memref<128xi32, #tpu.memory_space<vmem>>
      %dma_wait3A_190 = arith.constant 0 : i32
      %dma_wait3A_191 = arith.constant 0 : i32
      %dma_wait3A_192 = tpu.memref_slice %arg4[%dma_wait3A_190, %dma_wait3A_191] : memref<102400x16xf32, #tpu.memory_space<hbm>> -> memref<102400x16xf32, #tpu.memory_space<hbm>>
      tpu.wait_indirect_dma semaphore(%arg11 : memref<!tpu.dma_semaphore, #tpu.memory_space<semaphore_mem>>) src(%dma_wait3A_192 : memref<102400x16xf32, #tpu.memory_space<hbm>>) dst(%dma_wait3A_186 : memref<128x16xf32, #tpu.memory_space<vmem>>)
      %dma_wait3A_193 = arith.constant 6 : i32
      %dma_wait3A_194 = arith.constant 768 : i32
      %dma_wait3A_195 = arith.constant 0 : i32
      %dma_wait3A_196 = tpu.memref_slice %arg9[%dma_wait3A_194, %dma_wait3A_195] : memref<1024x16xf32, #tpu.memory_space<vmem>> -> memref<128x16xf32, #tpu.memory_space<vmem>>
      %dma_wait3A_197 = arith.constant 0 : i32
      %dma_wait3A_198 = tpu.memref_slice %arg7[%dma_wait3A_193, %dma_wait3A_197] : memref<8x128xi32, #tpu.memory_space<vmem>> -> memref<1x128xi32, #tpu.memory_space<vmem>>
      %dma_wait3A_199 = tpu.memref_squeeze %dma_wait3A_198 : memref<1x128xi32, #tpu.memory_space<vmem>> -> memref<128xi32, #tpu.memory_space<vmem>>
      %dma_wait3A_200 = arith.constant 0 : i32
      %dma_wait3A_201 = arith.constant 0 : i32
      %dma_wait3A_202 = tpu.memref_slice %arg4[%dma_wait3A_200, %dma_wait3A_201] : memref<102400x16xf32, #tpu.memory_space<hbm>> -> memref<102400x16xf32, #tpu.memory_space<hbm>>
      tpu.wait_indirect_dma semaphore(%arg11 : memref<!tpu.dma_semaphore, #tpu.memory_space<semaphore_mem>>) src(%dma_wait3A_202 : memref<102400x16xf32, #tpu.memory_space<hbm>>) dst(%dma_wait3A_196 : memref<128x16xf32, #tpu.memory_space<vmem>>)
      %dma_wait3A_203 = arith.constant 7 : i32
      %dma_wait3A_204 = arith.constant 896 : i32
      %dma_wait3A_205 = arith.constant 0 : i32
      %dma_wait3A_206 = tpu.memref_slice %arg9[%dma_wait3A_204, %dma_wait3A_205] : memref<1024x16xf32, #tpu.memory_space<vmem>> -> memref<128x16xf32, #tpu.memory_space<vmem>>
      %dma_wait3A_207 = arith.constant 0 : i32
      %dma_wait3A_208 = tpu.memref_slice %arg7[%dma_wait3A_203, %dma_wait3A_207] : memref<8x128xi32, #tpu.memory_space<vmem>> -> memref<1x128xi32, #tpu.memory_space<vmem>>
      %dma_wait3A_209 = tpu.memref_squeeze %dma_wait3A_208 : memref<1x128xi32, #tpu.memory_space<vmem>> -> memref<128xi32, #tpu.memory_space<vmem>>
      %dma_wait3A_210 = arith.constant 0 : i32
      %dma_wait3A_211 = arith.constant 0 : i32
      %dma_wait3A_212 = tpu.memref_slice %arg4[%dma_wait3A_210, %dma_wait3A_211] : memref<102400x16xf32, #tpu.memory_space<hbm>> -> memref<102400x16xf32, #tpu.memory_space<hbm>>
      tpu.wait_indirect_dma semaphore(%arg11 : memref<!tpu.dma_semaphore, #tpu.memory_space<semaphore_mem>>) src(%dma_wait3A_212 : memref<102400x16xf32, #tpu.memory_space<hbm>>) dst(%dma_wait3A_206 : memref<128x16xf32, #tpu.memory_space<vmem>>)
      %run_scoped3A = arith.constant 0 : i32
      "tpu.region"() ({
        %run_scoped3A_220 = tpu.sem_alloc : memref<!tpu.dma_semaphore, #tpu.memory_space<semaphore_mem>>
        %dma_start3A_221 = arith.constant 0 : i32
        %dma_start3A_222 = arith.constant 0 : i32
        %dma_start3A_223 = tpu.memref_slice %arg9[%dma_start3A_221, %dma_start3A_222] : memref<1024x16xf32, #tpu.memory_space<vmem>> -> memref<128x16xf32, #tpu.memory_space<vmem>>
        %dma_start3A_224 = arith.constant 0 : i32
        %dma_start3A_225 = tpu.memref_slice %arg8[%run_scoped3A, %dma_start3A_224] : memref<8x128xi32, #tpu.memory_space<vmem>> -> memref<1x128xi32, #tpu.memory_space<vmem>>
        %dma_start3A_226 = tpu.memref_squeeze %dma_start3A_225 : memref<1x128xi32, #tpu.memory_space<vmem>> -> memref<128xi32, #tpu.memory_space<vmem>>
        %dma_start3A_227 = arith.constant 0 : i32
        %dma_start3A_228 = arith.constant 0 : i32
        %dma_start3A_229 = tpu.memref_slice %arg6[%dma_start3A_227, %dma_start3A_228] : memref<102400x16xf32, #tpu.memory_space<vmem_shared>> -> memref<102400x16xf32, #tpu.memory_space<vmem_shared>>
        tpu.enqueue_indirect_dma source(%dma_start3A_223 : memref<128x16xf32, #tpu.memory_space<vmem>>) target(%dma_start3A_229 : memref<102400x16xf32, #tpu.memory_space<vmem_shared>>) offsets(%dma_start3A_226 : memref<128xi32, #tpu.memory_space<vmem>>) semaphore(%run_scoped3A_220 : memref<!tpu.dma_semaphore, #tpu.memory_space<semaphore_mem>>) {add = true}
        %dma_wait3A_230 = arith.constant 0 : i32
        %dma_wait3A_231 = arith.constant 0 : i32
        %dma_wait3A_232 = tpu.memref_slice %arg9[%dma_wait3A_230, %dma_wait3A_231] : memref<1024x16xf32, #tpu.memory_space<vmem>> -> memref<128x16xf32, #tpu.memory_space<vmem>>
        %dma_wait3A_233 = arith.constant 0 : i32
        %dma_wait3A_234 = tpu.memref_slice %arg8[%run_scoped3A, %dma_wait3A_233] : memref<8x128xi32, #tpu.memory_space<vmem>> -> memref<1x128xi32, #tpu.memory_space<vmem>>
        %dma_wait3A_235 = tpu.memref_squeeze %dma_wait3A_234 : memref<1x128xi32, #tpu.memory_space<vmem>> -> memref<128xi32, #tpu.memory_space<vmem>>
        %dma_wait3A_236 = arith.constant 0 : i32
        %dma_wait3A_237 = arith.constant 0 : i32
        %dma_wait3A_238 = tpu.memref_slice %arg6[%dma_wait3A_236, %dma_wait3A_237] : memref<102400x16xf32, #tpu.memory_space<vmem_shared>> -> memref<102400x16xf32, #tpu.memory_space<vmem_shared>>
        tpu.wait_indirect_dma semaphore(%run_scoped3A_220 : memref<!tpu.dma_semaphore, #tpu.memory_space<semaphore_mem>>) src(%dma_wait3A_232 : memref<128x16xf32, #tpu.memory_space<vmem>>) dst(%dma_wait3A_238 : memref<102400x16xf32, #tpu.memory_space<vmem_shared>>)
        tpu.yield
      }) : () -> ()
      %run_scoped3A_213 = arith.constant 1 : i32
      "tpu.region"() ({
        %run_scoped3A_220 = tpu.sem_alloc : memref<!tpu.dma_semaphore, #tpu.memory_space<semaphore_mem>>
        %dma_start3A_221 = arith.constant 128 : i32
        %dma_start3A_222 = arith.constant 0 : i32
        %dma_start3A_223 = tpu.memref_slice %arg9[%dma_start3A_221, %dma_start3A_222] : memref<1024x16xf32, #tpu.memory_space<vmem>> -> memref<128x16xf32, #tpu.memory_space<vmem>>
        %dma_start3A_224 = arith.constant 0 : i32
        %dma_start3A_225 = tpu.memref_slice %arg8[%run_scoped3A_213, %dma_start3A_224] : memref<8x128xi32, #tpu.memory_space<vmem>> -> memref<1x128xi32, #tpu.memory_space<vmem>>
        %dma_start3A_226 = tpu.memref_squeeze %dma_start3A_225 : memref<1x128xi32, #tpu.memory_space<vmem>> -> memref<128xi32, #tpu.memory_space<vmem>>
        %dma_start3A_227 = arith.constant 0 : i32
        %dma_start3A_228 = arith.constant 0 : i32
        %dma_start3A_229 = tpu.memref_slice %arg6[%dma_start3A_227, %dma_start3A_228] : memref<102400x16xf32, #tpu.memory_space<vmem_shared>> -> memref<102400x16xf32, #tpu.memory_space<vmem_shared>>
        tpu.enqueue_indirect_dma source(%dma_start3A_223 : memref<128x16xf32, #tpu.memory_space<vmem>>) target(%dma_start3A_229 : memref<102400x16xf32, #tpu.memory_space<vmem_shared>>) offsets(%dma_start3A_226 : memref<128xi32, #tpu.memory_space<vmem>>) semaphore(%run_scoped3A_220 : memref<!tpu.dma_semaphore, #tpu.memory_space<semaphore_mem>>) {add = true}
        %dma_wait3A_230 = arith.constant 128 : i32
        %dma_wait3A_231 = arith.constant 0 : i32
        %dma_wait3A_232 = tpu.memref_slice %arg9[%dma_wait3A_230, %dma_wait3A_231] : memref<1024x16xf32, #tpu.memory_space<vmem>> -> memref<128x16xf32, #tpu.memory_space<vmem>>
        %dma_wait3A_233 = arith.constant 0 : i32
        %dma_wait3A_234 = tpu.memref_slice %arg8[%run_scoped3A_213, %dma_wait3A_233] : memref<8x128xi32, #tpu.memory_space<vmem>> -> memref<1x128xi32, #tpu.memory_space<vmem>>
        %dma_wait3A_235 = tpu.memref_squeeze %dma_wait3A_234 : memref<1x128xi32, #tpu.memory_space<vmem>> -> memref<128xi32, #tpu.memory_space<vmem>>
        %dma_wait3A_236 = arith.constant 0 : i32
        %dma_wait3A_237 = arith.constant 0 : i32
        %dma_wait3A_238 = tpu.memref_slice %arg6[%dma_wait3A_236, %dma_wait3A_237] : memref<102400x16xf32, #tpu.memory_space<vmem_shared>> -> memref<102400x16xf32, #tpu.memory_space<vmem_shared>>
        tpu.wait_indirect_dma semaphore(%run_scoped3A_220 : memref<!tpu.dma_semaphore, #tpu.memory_space<semaphore_mem>>) src(%dma_wait3A_232 : memref<128x16xf32, #tpu.memory_space<vmem>>) dst(%dma_wait3A_238 : memref<102400x16xf32, #tpu.memory_space<vmem_shared>>)
        tpu.yield
      }) : () -> ()
      %run_scoped3A_214 = arith.constant 2 : i32
      "tpu.region"() ({
        %run_scoped3A_220 = tpu.sem_alloc : memref<!tpu.dma_semaphore, #tpu.memory_space<semaphore_mem>>
        %dma_start3A_221 = arith.constant 256 : i32
        %dma_start3A_222 = arith.constant 0 : i32
        %dma_start3A_223 = tpu.memref_slice %arg9[%dma_start3A_221, %dma_start3A_222] : memref<1024x16xf32, #tpu.memory_space<vmem>> -> memref<128x16xf32, #tpu.memory_space<vmem>>
        %dma_start3A_224 = arith.constant 0 : i32
        %dma_start3A_225 = tpu.memref_slice %arg8[%run_scoped3A_214, %dma_start3A_224] : memref<8x128xi32, #tpu.memory_space<vmem>> -> memref<1x128xi32, #tpu.memory_space<vmem>>
        %dma_start3A_226 = tpu.memref_squeeze %dma_start3A_225 : memref<1x128xi32, #tpu.memory_space<vmem>> -> memref<128xi32, #tpu.memory_space<vmem>>
        %dma_start3A_227 = arith.constant 0 : i32
        %dma_start3A_228 = arith.constant 0 : i32
        %dma_start3A_229 = tpu.memref_slice %arg6[%dma_start3A_227, %dma_start3A_228] : memref<102400x16xf32, #tpu.memory_space<vmem_shared>> -> memref<102400x16xf32, #tpu.memory_space<vmem_shared>>
        tpu.enqueue_indirect_dma source(%dma_start3A_223 : memref<128x16xf32, #tpu.memory_space<vmem>>) target(%dma_start3A_229 : memref<102400x16xf32, #tpu.memory_space<vmem_shared>>) offsets(%dma_start3A_226 : memref<128xi32, #tpu.memory_space<vmem>>) semaphore(%run_scoped3A_220 : memref<!tpu.dma_semaphore, #tpu.memory_space<semaphore_mem>>) {add = true}
        %dma_wait3A_230 = arith.constant 256 : i32
        %dma_wait3A_231 = arith.constant 0 : i32
        %dma_wait3A_232 = tpu.memref_slice %arg9[%dma_wait3A_230, %dma_wait3A_231] : memref<1024x16xf32, #tpu.memory_space<vmem>> -> memref<128x16xf32, #tpu.memory_space<vmem>>
        %dma_wait3A_233 = arith.constant 0 : i32
        %dma_wait3A_234 = tpu.memref_slice %arg8[%run_scoped3A_214, %dma_wait3A_233] : memref<8x128xi32, #tpu.memory_space<vmem>> -> memref<1x128xi32, #tpu.memory_space<vmem>>
        %dma_wait3A_235 = tpu.memref_squeeze %dma_wait3A_234 : memref<1x128xi32, #tpu.memory_space<vmem>> -> memref<128xi32, #tpu.memory_space<vmem>>
        %dma_wait3A_236 = arith.constant 0 : i32
        %dma_wait3A_237 = arith.constant 0 : i32
        %dma_wait3A_238 = tpu.memref_slice %arg6[%dma_wait3A_236, %dma_wait3A_237] : memref<102400x16xf32, #tpu.memory_space<vmem_shared>> -> memref<102400x16xf32, #tpu.memory_space<vmem_shared>>
        tpu.wait_indirect_dma semaphore(%run_scoped3A_220 : memref<!tpu.dma_semaphore, #tpu.memory_space<semaphore_mem>>) src(%dma_wait3A_232 : memref<128x16xf32, #tpu.memory_space<vmem>>) dst(%dma_wait3A_238 : memref<102400x16xf32, #tpu.memory_space<vmem_shared>>)
        tpu.yield
      }) : () -> ()
      %run_scoped3A_215 = arith.constant 3 : i32
      "tpu.region"() ({
        %run_scoped3A_220 = tpu.sem_alloc : memref<!tpu.dma_semaphore, #tpu.memory_space<semaphore_mem>>
        %dma_start3A_221 = arith.constant 384 : i32
        %dma_start3A_222 = arith.constant 0 : i32
        %dma_start3A_223 = tpu.memref_slice %arg9[%dma_start3A_221, %dma_start3A_222] : memref<1024x16xf32, #tpu.memory_space<vmem>> -> memref<128x16xf32, #tpu.memory_space<vmem>>
        %dma_start3A_224 = arith.constant 0 : i32
        %dma_start3A_225 = tpu.memref_slice %arg8[%run_scoped3A_215, %dma_start3A_224] : memref<8x128xi32, #tpu.memory_space<vmem>> -> memref<1x128xi32, #tpu.memory_space<vmem>>
        %dma_start3A_226 = tpu.memref_squeeze %dma_start3A_225 : memref<1x128xi32, #tpu.memory_space<vmem>> -> memref<128xi32, #tpu.memory_space<vmem>>
        %dma_start3A_227 = arith.constant 0 : i32
        %dma_start3A_228 = arith.constant 0 : i32
        %dma_start3A_229 = tpu.memref_slice %arg6[%dma_start3A_227, %dma_start3A_228] : memref<102400x16xf32, #tpu.memory_space<vmem_shared>> -> memref<102400x16xf32, #tpu.memory_space<vmem_shared>>
        tpu.enqueue_indirect_dma source(%dma_start3A_223 : memref<128x16xf32, #tpu.memory_space<vmem>>) target(%dma_start3A_229 : memref<102400x16xf32, #tpu.memory_space<vmem_shared>>) offsets(%dma_start3A_226 : memref<128xi32, #tpu.memory_space<vmem>>) semaphore(%run_scoped3A_220 : memref<!tpu.dma_semaphore, #tpu.memory_space<semaphore_mem>>) {add = true}
        %dma_wait3A_230 = arith.constant 384 : i32
        %dma_wait3A_231 = arith.constant 0 : i32
        %dma_wait3A_232 = tpu.memref_slice %arg9[%dma_wait3A_230, %dma_wait3A_231] : memref<1024x16xf32, #tpu.memory_space<vmem>> -> memref<128x16xf32, #tpu.memory_space<vmem>>
        %dma_wait3A_233 = arith.constant 0 : i32
        %dma_wait3A_234 = tpu.memref_slice %arg8[%run_scoped3A_215, %dma_wait3A_233] : memref<8x128xi32, #tpu.memory_space<vmem>> -> memref<1x128xi32, #tpu.memory_space<vmem>>
        %dma_wait3A_235 = tpu.memref_squeeze %dma_wait3A_234 : memref<1x128xi32, #tpu.memory_space<vmem>> -> memref<128xi32, #tpu.memory_space<vmem>>
        %dma_wait3A_236 = arith.constant 0 : i32
        %dma_wait3A_237 = arith.constant 0 : i32
        %dma_wait3A_238 = tpu.memref_slice %arg6[%dma_wait3A_236, %dma_wait3A_237] : memref<102400x16xf32, #tpu.memory_space<vmem_shared>> -> memref<102400x16xf32, #tpu.memory_space<vmem_shared>>
        tpu.wait_indirect_dma semaphore(%run_scoped3A_220 : memref<!tpu.dma_semaphore, #tpu.memory_space<semaphore_mem>>) src(%dma_wait3A_232 : memref<128x16xf32, #tpu.memory_space<vmem>>) dst(%dma_wait3A_238 : memref<102400x16xf32, #tpu.memory_space<vmem_shared>>)
        tpu.yield
      }) : () -> ()
      %run_scoped3A_216 = arith.constant 4 : i32
      "tpu.region"() ({
        %run_scoped3A_220 = tpu.sem_alloc : memref<!tpu.dma_semaphore, #tpu.memory_space<semaphore_mem>>
        %dma_start3A_221 = arith.constant 512 : i32
        %dma_start3A_222 = arith.constant 0 : i32
        %dma_start3A_223 = tpu.memref_slice %arg9[%dma_start3A_221, %dma_start3A_222] : memref<1024x16xf32, #tpu.memory_space<vmem>> -> memref<128x16xf32, #tpu.memory_space<vmem>>
        %dma_start3A_224 = arith.constant 0 : i32
        %dma_start3A_225 = tpu.memref_slice %arg8[%run_scoped3A_216, %dma_start3A_224] : memref<8x128xi32, #tpu.memory_space<vmem>> -> memref<1x128xi32, #tpu.memory_space<vmem>>
        %dma_start3A_226 = tpu.memref_squeeze %dma_start3A_225 : memref<1x128xi32, #tpu.memory_space<vmem>> -> memref<128xi32, #tpu.memory_space<vmem>>
        %dma_start3A_227 = arith.constant 0 : i32
        %dma_start3A_228 = arith.constant 0 : i32
        %dma_start3A_229 = tpu.memref_slice %arg6[%dma_start3A_227, %dma_start3A_228] : memref<102400x16xf32, #tpu.memory_space<vmem_shared>> -> memref<102400x16xf32, #tpu.memory_space<vmem_shared>>
        tpu.enqueue_indirect_dma source(%dma_start3A_223 : memref<128x16xf32, #tpu.memory_space<vmem>>) target(%dma_start3A_229 : memref<102400x16xf32, #tpu.memory_space<vmem_shared>>) offsets(%dma_start3A_226 : memref<128xi32, #tpu.memory_space<vmem>>) semaphore(%run_scoped3A_220 : memref<!tpu.dma_semaphore, #tpu.memory_space<semaphore_mem>>) {add = true}
        %dma_wait3A_230 = arith.constant 512 : i32
        %dma_wait3A_231 = arith.constant 0 : i32
        %dma_wait3A_232 = tpu.memref_slice %arg9[%dma_wait3A_230, %dma_wait3A_231] : memref<1024x16xf32, #tpu.memory_space<vmem>> -> memref<128x16xf32, #tpu.memory_space<vmem>>
        %dma_wait3A_233 = arith.constant 0 : i32
        %dma_wait3A_234 = tpu.memref_slice %arg8[%run_scoped3A_216, %dma_wait3A_233] : memref<8x128xi32, #tpu.memory_space<vmem>> -> memref<1x128xi32, #tpu.memory_space<vmem>>
        %dma_wait3A_235 = tpu.memref_squeeze %dma_wait3A_234 : memref<1x128xi32, #tpu.memory_space<vmem>> -> memref<128xi32, #tpu.memory_space<vmem>>
        %dma_wait3A_236 = arith.constant 0 : i32
        %dma_wait3A_237 = arith.constant 0 : i32
        %dma_wait3A_238 = tpu.memref_slice %arg6[%dma_wait3A_236, %dma_wait3A_237] : memref<102400x16xf32, #tpu.memory_space<vmem_shared>> -> memref<102400x16xf32, #tpu.memory_space<vmem_shared>>
        tpu.wait_indirect_dma semaphore(%run_scoped3A_220 : memref<!tpu.dma_semaphore, #tpu.memory_space<semaphore_mem>>) src(%dma_wait3A_232 : memref<128x16xf32, #tpu.memory_space<vmem>>) dst(%dma_wait3A_238 : memref<102400x16xf32, #tpu.memory_space<vmem_shared>>)
        tpu.yield
      }) : () -> ()
      %run_scoped3A_217 = arith.constant 5 : i32
      "tpu.region"() ({
        %run_scoped3A_220 = tpu.sem_alloc : memref<!tpu.dma_semaphore, #tpu.memory_space<semaphore_mem>>
        %dma_start3A_221 = arith.constant 640 : i32
        %dma_start3A_222 = arith.constant 0 : i32
        %dma_start3A_223 = tpu.memref_slice %arg9[%dma_start3A_221, %dma_start3A_222] : memref<1024x16xf32, #tpu.memory_space<vmem>> -> memref<128x16xf32, #tpu.memory_space<vmem>>
        %dma_start3A_224 = arith.constant 0 : i32
        %dma_start3A_225 = tpu.memref_slice %arg8[%run_scoped3A_217, %dma_start3A_224] : memref<8x128xi32, #tpu.memory_space<vmem>> -> memref<1x128xi32, #tpu.memory_space<vmem>>
        %dma_start3A_226 = tpu.memref_squeeze %dma_start3A_225 : memref<1x128xi32, #tpu.memory_space<vmem>> -> memref<128xi32, #tpu.memory_space<vmem>>
        %dma_start3A_227 = arith.constant 0 : i32
        %dma_start3A_228 = arith.constant 0 : i32
        %dma_start3A_229 = tpu.memref_slice %arg6[%dma_start3A_227, %dma_start3A_228] : memref<102400x16xf32, #tpu.memory_space<vmem_shared>> -> memref<102400x16xf32, #tpu.memory_space<vmem_shared>>
        tpu.enqueue_indirect_dma source(%dma_start3A_223 : memref<128x16xf32, #tpu.memory_space<vmem>>) target(%dma_start3A_229 : memref<102400x16xf32, #tpu.memory_space<vmem_shared>>) offsets(%dma_start3A_226 : memref<128xi32, #tpu.memory_space<vmem>>) semaphore(%run_scoped3A_220 : memref<!tpu.dma_semaphore, #tpu.memory_space<semaphore_mem>>) {add = true}
        %dma_wait3A_230 = arith.constant 640 : i32
        %dma_wait3A_231 = arith.constant 0 : i32
        %dma_wait3A_232 = tpu.memref_slice %arg9[%dma_wait3A_230, %dma_wait3A_231] : memref<1024x16xf32, #tpu.memory_space<vmem>> -> memref<128x16xf32, #tpu.memory_space<vmem>>
        %dma_wait3A_233 = arith.constant 0 : i32
        %dma_wait3A_234 = tpu.memref_slice %arg8[%run_scoped3A_217, %dma_wait3A_233] : memref<8x128xi32, #tpu.memory_space<vmem>> -> memref<1x128xi32, #tpu.memory_space<vmem>>
        %dma_wait3A_235 = tpu.memref_squeeze %dma_wait3A_234 : memref<1x128xi32, #tpu.memory_space<vmem>> -> memref<128xi32, #tpu.memory_space<vmem>>
        %dma_wait3A_236 = arith.constant 0 : i32
        %dma_wait3A_237 = arith.constant 0 : i32
        %dma_wait3A_238 = tpu.memref_slice %arg6[%dma_wait3A_236, %dma_wait3A_237] : memref<102400x16xf32, #tpu.memory_space<vmem_shared>> -> memref<102400x16xf32, #tpu.memory_space<vmem_shared>>
        tpu.wait_indirect_dma semaphore(%run_scoped3A_220 : memref<!tpu.dma_semaphore, #tpu.memory_space<semaphore_mem>>) src(%dma_wait3A_232 : memref<128x16xf32, #tpu.memory_space<vmem>>) dst(%dma_wait3A_238 : memref<102400x16xf32, #tpu.memory_space<vmem_shared>>)
        tpu.yield
      }) : () -> ()
      %run_scoped3A_218 = arith.constant 6 : i32
      "tpu.region"() ({
        %run_scoped3A_220 = tpu.sem_alloc : memref<!tpu.dma_semaphore, #tpu.memory_space<semaphore_mem>>
        %dma_start3A_221 = arith.constant 768 : i32
        %dma_start3A_222 = arith.constant 0 : i32
        %dma_start3A_223 = tpu.memref_slice %arg9[%dma_start3A_221, %dma_start3A_222] : memref<1024x16xf32, #tpu.memory_space<vmem>> -> memref<128x16xf32, #tpu.memory_space<vmem>>
        %dma_start3A_224 = arith.constant 0 : i32
        %dma_start3A_225 = tpu.memref_slice %arg8[%run_scoped3A_218, %dma_start3A_224] : memref<8x128xi32, #tpu.memory_space<vmem>> -> memref<1x128xi32, #tpu.memory_space<vmem>>
        %dma_start3A_226 = tpu.memref_squeeze %dma_start3A_225 : memref<1x128xi32, #tpu.memory_space<vmem>> -> memref<128xi32, #tpu.memory_space<vmem>>
        %dma_start3A_227 = arith.constant 0 : i32
        %dma_start3A_228 = arith.constant 0 : i32
        %dma_start3A_229 = tpu.memref_slice %arg6[%dma_start3A_227, %dma_start3A_228] : memref<102400x16xf32, #tpu.memory_space<vmem_shared>> -> memref<102400x16xf32, #tpu.memory_space<vmem_shared>>
        tpu.enqueue_indirect_dma source(%dma_start3A_223 : memref<128x16xf32, #tpu.memory_space<vmem>>) target(%dma_start3A_229 : memref<102400x16xf32, #tpu.memory_space<vmem_shared>>) offsets(%dma_start3A_226 : memref<128xi32, #tpu.memory_space<vmem>>) semaphore(%run_scoped3A_220 : memref<!tpu.dma_semaphore, #tpu.memory_space<semaphore_mem>>) {add = true}
        %dma_wait3A_230 = arith.constant 768 : i32
        %dma_wait3A_231 = arith.constant 0 : i32
        %dma_wait3A_232 = tpu.memref_slice %arg9[%dma_wait3A_230, %dma_wait3A_231] : memref<1024x16xf32, #tpu.memory_space<vmem>> -> memref<128x16xf32, #tpu.memory_space<vmem>>
        %dma_wait3A_233 = arith.constant 0 : i32
        %dma_wait3A_234 = tpu.memref_slice %arg8[%run_scoped3A_218, %dma_wait3A_233] : memref<8x128xi32, #tpu.memory_space<vmem>> -> memref<1x128xi32, #tpu.memory_space<vmem>>
        %dma_wait3A_235 = tpu.memref_squeeze %dma_wait3A_234 : memref<1x128xi32, #tpu.memory_space<vmem>> -> memref<128xi32, #tpu.memory_space<vmem>>
        %dma_wait3A_236 = arith.constant 0 : i32
        %dma_wait3A_237 = arith.constant 0 : i32
        %dma_wait3A_238 = tpu.memref_slice %arg6[%dma_wait3A_236, %dma_wait3A_237] : memref<102400x16xf32, #tpu.memory_space<vmem_shared>> -> memref<102400x16xf32, #tpu.memory_space<vmem_shared>>
        tpu.wait_indirect_dma semaphore(%run_scoped3A_220 : memref<!tpu.dma_semaphore, #tpu.memory_space<semaphore_mem>>) src(%dma_wait3A_232 : memref<128x16xf32, #tpu.memory_space<vmem>>) dst(%dma_wait3A_238 : memref<102400x16xf32, #tpu.memory_space<vmem_shared>>)
        tpu.yield
      }) : () -> ()
      %run_scoped3A_219 = arith.constant 7 : i32
      "tpu.region"() ({
        %run_scoped3A_220 = tpu.sem_alloc : memref<!tpu.dma_semaphore, #tpu.memory_space<semaphore_mem>>
        %dma_start3A_221 = arith.constant 896 : i32
        %dma_start3A_222 = arith.constant 0 : i32
        %dma_start3A_223 = tpu.memref_slice %arg9[%dma_start3A_221, %dma_start3A_222] : memref<1024x16xf32, #tpu.memory_space<vmem>> -> memref<128x16xf32, #tpu.memory_space<vmem>>
        %dma_start3A_224 = arith.constant 0 : i32
        %dma_start3A_225 = tpu.memref_slice %arg8[%run_scoped3A_219, %dma_start3A_224] : memref<8x128xi32, #tpu.memory_space<vmem>> -> memref<1x128xi32, #tpu.memory_space<vmem>>
        %dma_start3A_226 = tpu.memref_squeeze %dma_start3A_225 : memref<1x128xi32, #tpu.memory_space<vmem>> -> memref<128xi32, #tpu.memory_space<vmem>>
        %dma_start3A_227 = arith.constant 0 : i32
        %dma_start3A_228 = arith.constant 0 : i32
        %dma_start3A_229 = tpu.memref_slice %arg6[%dma_start3A_227, %dma_start3A_228] : memref<102400x16xf32, #tpu.memory_space<vmem_shared>> -> memref<102400x16xf32, #tpu.memory_space<vmem_shared>>
        tpu.enqueue_indirect_dma source(%dma_start3A_223 : memref<128x16xf32, #tpu.memory_space<vmem>>) target(%dma_start3A_229 : memref<102400x16xf32, #tpu.memory_space<vmem_shared>>) offsets(%dma_start3A_226 : memref<128xi32, #tpu.memory_space<vmem>>) semaphore(%run_scoped3A_220 : memref<!tpu.dma_semaphore, #tpu.memory_space<semaphore_mem>>) {add = true}
        %dma_wait3A_230 = arith.constant 896 : i32
        %dma_wait3A_231 = arith.constant 0 : i32
        %dma_wait3A_232 = tpu.memref_slice %arg9[%dma_wait3A_230, %dma_wait3A_231] : memref<1024x16xf32, #tpu.memory_space<vmem>> -> memref<128x16xf32, #tpu.memory_space<vmem>>
        %dma_wait3A_233 = arith.constant 0 : i32
        %dma_wait3A_234 = tpu.memref_slice %arg8[%run_scoped3A_219, %dma_wait3A_233] : memref<8x128xi32, #tpu.memory_space<vmem>> -> memref<1x128xi32, #tpu.memory_space<vmem>>
        %dma_wait3A_235 = tpu.memref_squeeze %dma_wait3A_234 : memref<1x128xi32, #tpu.memory_space<vmem>> -> memref<128xi32, #tpu.memory_space<vmem>>
        %dma_wait3A_236 = arith.constant 0 : i32
        %dma_wait3A_237 = arith.constant 0 : i32
        %dma_wait3A_238 = tpu.memref_slice %arg6[%dma_wait3A_236, %dma_wait3A_237] : memref<102400x16xf32, #tpu.memory_space<vmem_shared>> -> memref<102400x16xf32, #tpu.memory_space<vmem_shared>>
        tpu.wait_indirect_dma semaphore(%run_scoped3A_220 : memref<!tpu.dma_semaphore, #tpu.memory_space<semaphore_mem>>) src(%dma_wait3A_232 : memref<128x16xf32, #tpu.memory_space<vmem>>) dst(%dma_wait3A_238 : memref<102400x16xf32, #tpu.memory_space<vmem_shared>>)
        tpu.yield
      }) : () -> ()
    }
    %scan3A_18 = arith.constant 49 : i32
    %barrier3A_19 = arith.constant 0 : index
    tpu.barrier barrier_id(%barrier3A_19)
    %add3A_20 = arith.constant 0 : i32
    %add3A_21 = arith.addi %mul3A_6, %add3A_20 : i32
    %add3A_22 = arith.constant 0 : i32
    %add3A_23 = arith.addi %mul3A_6, %add3A_22 : i32
    "tpu.region"() ({
      %run_scoped3A = tpu.sem_alloc : memref<!tpu.dma_semaphore, #tpu.memory_space<semaphore_mem>>
      %dma_start3A = arith.constant 0 : i32
      %dma_start3A_48 = tpu.memref_slice %arg5[%arg0, %add3A_23, %dma_start3A] : memref<2x102400x16xf32, #tpu.memory_space<hbm>> -> memref<1x1024x16xf32, #tpu.memory_space<hbm>>
      %dma_start3A_49 = tpu.memref_squeeze %dma_start3A_48 : memref<1x1024x16xf32, #tpu.memory_space<hbm>> -> memref<1024x16xf32, #tpu.memory_space<hbm>>
      %dma_start3A_50 = arith.constant 0 : i32
      %dma_start3A_51 = tpu.memref_slice %arg6[%add3A_21, %dma_start3A_50] : memref<102400x16xf32, #tpu.memory_space<vmem_shared>> -> memref<1024x16xf32, #tpu.memory_space<vmem_shared>>
      tpu.enqueue_dma source(%dma_start3A_51 : memref<1024x16xf32, #tpu.memory_space<vmem_shared>>) target(%dma_start3A_49 : memref<1024x16xf32, #tpu.memory_space<hbm>>) target_semaphore(%run_scoped3A : memref<!tpu.dma_semaphore, #tpu.memory_space<semaphore_mem>>)
      %dma_wait3A = arith.constant 0 : i32
      %dma_wait3A_52 = tpu.memref_slice %arg5[%arg0, %add3A_23, %dma_wait3A] : memref<2x102400x16xf32, #tpu.memory_space<hbm>> -> memref<1x1024x16xf32, #tpu.memory_space<hbm>>
      %dma_wait3A_53 = tpu.memref_squeeze %dma_wait3A_52 : memref<1x1024x16xf32, #tpu.memory_space<hbm>> -> memref<1024x16xf32, #tpu.memory_space<hbm>>
      %dma_wait3A_54 = arith.constant 0 : i32
      %dma_wait3A_55 = tpu.memref_slice %arg6[%add3A_21, %dma_wait3A_54] : memref<102400x16xf32, #tpu.memory_space<vmem_shared>> -> memref<1024x16xf32, #tpu.memory_space<vmem_shared>>
      tpu.wait_dma2 semaphore(%run_scoped3A : memref<!tpu.dma_semaphore, #tpu.memory_space<semaphore_mem>>) src(%dma_wait3A_55 : memref<1024x16xf32, #tpu.memory_space<vmem_shared>>) dst(%dma_wait3A_53 : memref<1024x16xf32, #tpu.memory_space<hbm>>)
      tpu.yield
    }) : () -> ()
    %add3A_24 = arith.constant 1024 : i32
    %add3A_25 = arith.addi %mul3A_6, %add3A_24 : i32
    %add3A_26 = arith.constant 1024 : i32
    %add3A_27 = arith.addi %mul3A_6, %add3A_26 : i32
    "tpu.region"() ({
      %run_scoped3A = tpu.sem_alloc : memref<!tpu.dma_semaphore, #tpu.memory_space<semaphore_mem>>
      %dma_start3A = arith.constant 0 : i32
      %dma_start3A_48 = tpu.memref_slice %arg5[%arg0, %add3A_27, %dma_start3A] : memref<2x102400x16xf32, #tpu.memory_space<hbm>> -> memref<1x1024x16xf32, #tpu.memory_space<hbm>>
      %dma_start3A_49 = tpu.memref_squeeze %dma_start3A_48 : memref<1x1024x16xf32, #tpu.memory_space<hbm>> -> memref<1024x16xf32, #tpu.memory_space<hbm>>
      %dma_start3A_50 = arith.constant 0 : i32
      %dma_start3A_51 = tpu.memref_slice %arg6[%add3A_25, %dma_start3A_50] : memref<102400x16xf32, #tpu.memory_space<vmem_shared>> -> memref<1024x16xf32, #tpu.memory_space<vmem_shared>>
      tpu.enqueue_dma source(%dma_start3A_51 : memref<1024x16xf32, #tpu.memory_space<vmem_shared>>) target(%dma_start3A_49 : memref<1024x16xf32, #tpu.memory_space<hbm>>) target_semaphore(%run_scoped3A : memref<!tpu.dma_semaphore, #tpu.memory_space<semaphore_mem>>)
      %dma_wait3A = arith.constant 0 : i32
      %dma_wait3A_52 = tpu.memref_slice %arg5[%arg0, %add3A_27, %dma_wait3A] : memref<2x102400x16xf32, #tpu.memory_space<hbm>> -> memref<1x1024x16xf32, #tpu.memory_space<hbm>>
      %dma_wait3A_53 = tpu.memref_squeeze %dma_wait3A_52 : memref<1x1024x16xf32, #tpu.memory_space<hbm>> -> memref<1024x16xf32, #tpu.memory_space<hbm>>
      %dma_wait3A_54 = arith.constant 0 : i32
      %dma_wait3A_55 = tpu.memref_slice %arg6[%add3A_25, %dma_wait3A_54] : memref<102400x16xf32, #tpu.memory_space<vmem_shared>> -> memref<1024x16xf32, #tpu.memory_space<vmem_shared>>
      tpu.wait_dma2 semaphore(%run_scoped3A : memref<!tpu.dma_semaphore, #tpu.memory_space<semaphore_mem>>) src(%dma_wait3A_55 : memref<1024x16xf32, #tpu.memory_space<vmem_shared>>) dst(%dma_wait3A_53 : memref<1024x16xf32, #tpu.memory_space<hbm>>)
      tpu.yield
    }) : () -> ()
    %add3A_28 = arith.constant 2048 : i32
    %add3A_29 = arith.addi %mul3A_6, %add3A_28 : i32
    %add3A_30 = arith.constant 2048 : i32
    %add3A_31 = arith.addi %mul3A_6, %add3A_30 : i32
    "tpu.region"() ({
      %run_scoped3A = tpu.sem_alloc : memref<!tpu.dma_semaphore, #tpu.memory_space<semaphore_mem>>
      %dma_start3A = arith.constant 0 : i32
      %dma_start3A_48 = tpu.memref_slice %arg5[%arg0, %add3A_31, %dma_start3A] : memref<2x102400x16xf32, #tpu.memory_space<hbm>> -> memref<1x1024x16xf32, #tpu.memory_space<hbm>>
      %dma_start3A_49 = tpu.memref_squeeze %dma_start3A_48 : memref<1x1024x16xf32, #tpu.memory_space<hbm>> -> memref<1024x16xf32, #tpu.memory_space<hbm>>
      %dma_start3A_50 = arith.constant 0 : i32
      %dma_start3A_51 = tpu.memref_slice %arg6[%add3A_29, %dma_start3A_50] : memref<102400x16xf32, #tpu.memory_space<vmem_shared>> -> memref<1024x16xf32, #tpu.memory_space<vmem_shared>>
      tpu.enqueue_dma source(%dma_start3A_51 : memref<1024x16xf32, #tpu.memory_space<vmem_shared>>) target(%dma_start3A_49 : memref<1024x16xf32, #tpu.memory_space<hbm>>) target_semaphore(%run_scoped3A : memref<!tpu.dma_semaphore, #tpu.memory_space<semaphore_mem>>)
      %dma_wait3A = arith.constant 0 : i32
      %dma_wait3A_52 = tpu.memref_slice %arg5[%arg0, %add3A_31, %dma_wait3A] : memref<2x102400x16xf32, #tpu.memory_space<hbm>> -> memref<1x1024x16xf32, #tpu.memory_space<hbm>>
      %dma_wait3A_53 = tpu.memref_squeeze %dma_wait3A_52 : memref<1x1024x16xf32, #tpu.memory_space<hbm>> -> memref<1024x16xf32, #tpu.memory_space<hbm>>
      %dma_wait3A_54 = arith.constant 0 : i32
      %dma_wait3A_55 = tpu.memref_slice %arg6[%add3A_29, %dma_wait3A_54] : memref<102400x16xf32, #tpu.memory_space<vmem_shared>> -> memref<1024x16xf32, #tpu.memory_space<vmem_shared>>
      tpu.wait_dma2 semaphore(%run_scoped3A : memref<!tpu.dma_semaphore, #tpu.memory_space<semaphore_mem>>) src(%dma_wait3A_55 : memref<1024x16xf32, #tpu.memory_space<vmem_shared>>) dst(%dma_wait3A_53 : memref<1024x16xf32, #tpu.memory_space<hbm>>)
      tpu.yield
    }) : () -> ()
    %add3A_32 = arith.constant 3072 : i32
    %add3A_33 = arith.addi %mul3A_6, %add3A_32 : i32
    %add3A_34 = arith.constant 3072 : i32
    %add3A_35 = arith.addi %mul3A_6, %add3A_34 : i32
    "tpu.region"() ({
      %run_scoped3A = tpu.sem_alloc : memref<!tpu.dma_semaphore, #tpu.memory_space<semaphore_mem>>
      %dma_start3A = arith.constant 0 : i32
      %dma_start3A_48 = tpu.memref_slice %arg5[%arg0, %add3A_35, %dma_start3A] : memref<2x102400x16xf32, #tpu.memory_space<hbm>> -> memref<1x1024x16xf32, #tpu.memory_space<hbm>>
      %dma_start3A_49 = tpu.memref_squeeze %dma_start3A_48 : memref<1x1024x16xf32, #tpu.memory_space<hbm>> -> memref<1024x16xf32, #tpu.memory_space<hbm>>
      %dma_start3A_50 = arith.constant 0 : i32
      %dma_start3A_51 = tpu.memref_slice %arg6[%add3A_33, %dma_start3A_50] : memref<102400x16xf32, #tpu.memory_space<vmem_shared>> -> memref<1024x16xf32, #tpu.memory_space<vmem_shared>>
      tpu.enqueue_dma source(%dma_start3A_51 : memref<1024x16xf32, #tpu.memory_space<vmem_shared>>) target(%dma_start3A_49 : memref<1024x16xf32, #tpu.memory_space<hbm>>) target_semaphore(%run_scoped3A : memref<!tpu.dma_semaphore, #tpu.memory_space<semaphore_mem>>)
      %dma_wait3A = arith.constant 0 : i32
      %dma_wait3A_52 = tpu.memref_slice %arg5[%arg0, %add3A_35, %dma_wait3A] : memref<2x102400x16xf32, #tpu.memory_space<hbm>> -> memref<1x1024x16xf32, #tpu.memory_space<hbm>>
      %dma_wait3A_53 = tpu.memref_squeeze %dma_wait3A_52 : memref<1x1024x16xf32, #tpu.memory_space<hbm>> -> memref<1024x16xf32, #tpu.memory_space<hbm>>
      %dma_wait3A_54 = arith.constant 0 : i32
      %dma_wait3A_55 = tpu.memref_slice %arg6[%add3A_33, %dma_wait3A_54] : memref<102400x16xf32, #tpu.memory_space<vmem_shared>> -> memref<1024x16xf32, #tpu.memory_space<vmem_shared>>
      tpu.wait_dma2 semaphore(%run_scoped3A : memref<!tpu.dma_semaphore, #tpu.memory_space<semaphore_mem>>) src(%dma_wait3A_55 : memref<1024x16xf32, #tpu.memory_space<vmem_shared>>) dst(%dma_wait3A_53 : memref<1024x16xf32, #tpu.memory_space<hbm>>)
      tpu.yield
    }) : () -> ()
    %add3A_36 = arith.constant 4096 : i32
    %add3A_37 = arith.addi %mul3A_6, %add3A_36 : i32
    %add3A_38 = arith.constant 4096 : i32
    %add3A_39 = arith.addi %mul3A_6, %add3A_38 : i32
    "tpu.region"() ({
      %run_scoped3A = tpu.sem_alloc : memref<!tpu.dma_semaphore, #tpu.memory_space<semaphore_mem>>
      %dma_start3A = arith.constant 0 : i32
      %dma_start3A_48 = tpu.memref_slice %arg5[%arg0, %add3A_39, %dma_start3A] : memref<2x102400x16xf32, #tpu.memory_space<hbm>> -> memref<1x1024x16xf32, #tpu.memory_space<hbm>>
      %dma_start3A_49 = tpu.memref_squeeze %dma_start3A_48 : memref<1x1024x16xf32, #tpu.memory_space<hbm>> -> memref<1024x16xf32, #tpu.memory_space<hbm>>
      %dma_start3A_50 = arith.constant 0 : i32
      %dma_start3A_51 = tpu.memref_slice %arg6[%add3A_37, %dma_start3A_50] : memref<102400x16xf32, #tpu.memory_space<vmem_shared>> -> memref<1024x16xf32, #tpu.memory_space<vmem_shared>>
      tpu.enqueue_dma source(%dma_start3A_51 : memref<1024x16xf32, #tpu.memory_space<vmem_shared>>) target(%dma_start3A_49 : memref<1024x16xf32, #tpu.memory_space<hbm>>) target_semaphore(%run_scoped3A : memref<!tpu.dma_semaphore, #tpu.memory_space<semaphore_mem>>)
      %dma_wait3A = arith.constant 0 : i32
      %dma_wait3A_52 = tpu.memref_slice %arg5[%arg0, %add3A_39, %dma_wait3A] : memref<2x102400x16xf32, #tpu.memory_space<hbm>> -> memref<1x1024x16xf32, #tpu.memory_space<hbm>>
      %dma_wait3A_53 = tpu.memref_squeeze %dma_wait3A_52 : memref<1x1024x16xf32, #tpu.memory_space<hbm>> -> memref<1024x16xf32, #tpu.memory_space<hbm>>
      %dma_wait3A_54 = arith.constant 0 : i32
      %dma_wait3A_55 = tpu.memref_slice %arg6[%add3A_37, %dma_wait3A_54] : memref<102400x16xf32, #tpu.memory_space<vmem_shared>> -> memref<1024x16xf32, #tpu.memory_space<vmem_shared>>
      tpu.wait_dma2 semaphore(%run_scoped3A : memref<!tpu.dma_semaphore, #tpu.memory_space<semaphore_mem>>) src(%dma_wait3A_55 : memref<1024x16xf32, #tpu.memory_space<vmem_shared>>) dst(%dma_wait3A_53 : memref<1024x16xf32, #tpu.memory_space<hbm>>)
      tpu.yield
    }) : () -> ()
    %add3A_40 = arith.constant 5120 : i32
    %add3A_41 = arith.addi %mul3A_6, %add3A_40 : i32
    %add3A_42 = arith.constant 5120 : i32
    %add3A_43 = arith.addi %mul3A_6, %add3A_42 : i32
    "tpu.region"() ({
      %run_scoped3A = tpu.sem_alloc : memref<!tpu.dma_semaphore, #tpu.memory_space<semaphore_mem>>
      %dma_start3A = arith.constant 0 : i32
      %dma_start3A_48 = tpu.memref_slice %arg5[%arg0, %add3A_43, %dma_start3A] : memref<2x102400x16xf32, #tpu.memory_space<hbm>> -> memref<1x1024x16xf32, #tpu.memory_space<hbm>>
      %dma_start3A_49 = tpu.memref_squeeze %dma_start3A_48 : memref<1x1024x16xf32, #tpu.memory_space<hbm>> -> memref<1024x16xf32, #tpu.memory_space<hbm>>
      %dma_start3A_50 = arith.constant 0 : i32
      %dma_start3A_51 = tpu.memref_slice %arg6[%add3A_41, %dma_start3A_50] : memref<102400x16xf32, #tpu.memory_space<vmem_shared>> -> memref<1024x16xf32, #tpu.memory_space<vmem_shared>>
      tpu.enqueue_dma source(%dma_start3A_51 : memref<1024x16xf32, #tpu.memory_space<vmem_shared>>) target(%dma_start3A_49 : memref<1024x16xf32, #tpu.memory_space<hbm>>) target_semaphore(%run_scoped3A : memref<!tpu.dma_semaphore, #tpu.memory_space<semaphore_mem>>)
      %dma_wait3A = arith.constant 0 : i32
      %dma_wait3A_52 = tpu.memref_slice %arg5[%arg0, %add3A_43, %dma_wait3A] : memref<2x102400x16xf32, #tpu.memory_space<hbm>> -> memref<1x1024x16xf32, #tpu.memory_space<hbm>>
      %dma_wait3A_53 = tpu.memref_squeeze %dma_wait3A_52 : memref<1x1024x16xf32, #tpu.memory_space<hbm>> -> memref<1024x16xf32, #tpu.memory_space<hbm>>
      %dma_wait3A_54 = arith.constant 0 : i32
      %dma_wait3A_55 = tpu.memref_slice %arg6[%add3A_41, %dma_wait3A_54] : memref<102400x16xf32, #tpu.memory_space<vmem_shared>> -> memref<1024x16xf32, #tpu.memory_space<vmem_shared>>
      tpu.wait_dma2 semaphore(%run_scoped3A : memref<!tpu.dma_semaphore, #tpu.memory_space<semaphore_mem>>) src(%dma_wait3A_55 : memref<1024x16xf32, #tpu.memory_space<vmem_shared>>) dst(%dma_wait3A_53 : memref<1024x16xf32, #tpu.memory_space<hbm>>)
      tpu.yield
    }) : () -> ()
    %add3A_44 = arith.constant 6144 : i32
    %add3A_45 = arith.addi %mul3A_6, %add3A_44 : i32
    %add3A_46 = arith.constant 6144 : i32
    %add3A_47 = arith.addi %mul3A_6, %add3A_46 : i32
    "tpu.region"() ({
      %run_scoped3A = tpu.sem_alloc : memref<!tpu.dma_semaphore, #tpu.memory_space<semaphore_mem>>
      %dma_start3A = arith.constant 0 : i32
      %dma_start3A_48 = tpu.memref_slice %arg5[%arg0, %add3A_47, %dma_start3A] : memref<2x102400x16xf32, #tpu.memory_space<hbm>> -> memref<1x256x16xf32, #tpu.memory_space<hbm>>
      %dma_start3A_49 = tpu.memref_squeeze %dma_start3A_48 : memref<1x256x16xf32, #tpu.memory_space<hbm>> -> memref<256x16xf32, #tpu.memory_space<hbm>>
      %dma_start3A_50 = arith.constant 0 : i32
      %dma_start3A_51 = tpu.memref_slice %arg6[%add3A_45, %dma_start3A_50] : memref<102400x16xf32, #tpu.memory_space<vmem_shared>> -> memref<256x16xf32, #tpu.memory_space<vmem_shared>>
      tpu.enqueue_dma source(%dma_start3A_51 : memref<256x16xf32, #tpu.memory_space<vmem_shared>>) target(%dma_start3A_49 : memref<256x16xf32, #tpu.memory_space<hbm>>) target_semaphore(%run_scoped3A : memref<!tpu.dma_semaphore, #tpu.memory_space<semaphore_mem>>)
      %dma_wait3A = arith.constant 0 : i32
      %dma_wait3A_52 = tpu.memref_slice %arg5[%arg0, %add3A_47, %dma_wait3A] : memref<2x102400x16xf32, #tpu.memory_space<hbm>> -> memref<1x256x16xf32, #tpu.memory_space<hbm>>
      %dma_wait3A_53 = tpu.memref_squeeze %dma_wait3A_52 : memref<1x256x16xf32, #tpu.memory_space<hbm>> -> memref<256x16xf32, #tpu.memory_space<hbm>>
      %dma_wait3A_54 = arith.constant 0 : i32
      %dma_wait3A_55 = tpu.memref_slice %arg6[%add3A_45, %dma_wait3A_54] : memref<102400x16xf32, #tpu.memory_space<vmem_shared>> -> memref<256x16xf32, #tpu.memory_space<vmem_shared>>
      tpu.wait_dma2 semaphore(%run_scoped3A : memref<!tpu.dma_semaphore, #tpu.memory_space<semaphore_mem>>) src(%dma_wait3A_55 : memref<256x16xf32, #tpu.memory_space<vmem_shared>>) dst(%dma_wait3A_53 : memref<256x16xf32, #tpu.memory_space<hbm>>)
      tpu.yield
    }) : () -> ()
    return
  }
}

#map = affine_map<(d0, d1) -> (0, 0)>
#map1 = affine_map<(d0, d1) -> (0, 0, 0)>
module attributes {stable_mosaic.version = 14 : i64} {
  func.func @_edge_body(%arg0: i32, %arg1: i32, %arg2: memref<12544x128xi32, #tpu.memory_space<hbm>>, %arg3: memref<12544x128xi32, #tpu.memory_space<hbm>>, %arg4: memref<102400x16xf32, #tpu.memory_space<hbm>>, %arg5: memref<2x102400x16xf32, #tpu.memory_space<hbm>>, %arg6: memref<102400x16xf32, #tpu.memory_space<vmem_shared>>, %arg7: memref<8x128xi32, #tpu.memory_space<vmem>>, %arg8: memref<8x128xi32, #tpu.memory_space<vmem>>, %arg9: memref<1024x16xf32, #tpu.memory_space<vmem>>, %arg10: memref<256x16xf32, #tpu.memory_space<vmem>>, %arg11: memref<!tpu.dma_semaphore, #tpu.memory_space<semaphore_mem>>) attributes {dimension_semantics = [#tpu.dimension_semantics<core_parallel>, #tpu.dimension_semantics<subcore_parallel>], iteration_bounds = array<i64: 2, 16>, scalar_prefetch = 0 : i64, scratch_operands = 6 : i64, tpu.core_type = #tpu.core_type<sc_vector_subcore>, window_params = [{transform_indices = #map}, {transform_indices = #map}, {transform_indices = #map}, {transform_indices = #map1}]} {
    %mul3A = arith.constant 16 : i32
    %mul3A_0 = arith.muli %arg0, %mul3A : i32
    %add3A = arith.addi %mul3A_0, %arg1 : i32
    %scan3A = arith.constant 0 : i32
    %scan3A_1 = arith.constant 256 : i32
    %scan3A_2 = arith.addi %scan3A, %scan3A_1 : i32
    %scan3A_3 = arith.constant 1 : i32
    scf.for %scan3A_48 = %scan3A to %scan3A_2 step %scan3A_3  : i32 {
      %broadcast_in_dim3A = arith.constant 0.000000e+00 : f32
      %broadcast_in_dim3A_49 = vector.broadcast %broadcast_in_dim3A : f32 to vector<16xf32>
      %swap3A = arith.index_cast %scan3A_48 : i32 to index
      %swap3A_50 = arith.constant 0 : index
      %swap3A_51 = tpu.vector_load %arg10[%swap3A, %swap3A_50] {strides = array<i32>} : memref<256x16xf32, #tpu.memory_space<vmem>>, vector<1x16xf32>,
      %swap3A_52 = vector.shape_cast %swap3A_51 : vector<1x16xf32> to vector<16xf32>
      %swap3A_53 = vector.shape_cast %broadcast_in_dim3A_49 : vector<16xf32> to vector<1x16xf32>
      tpu.vector_store %arg10[%swap3A, %swap3A_50], %swap3A_53 {strides = array<i32>} : memref<256x16xf32, #tpu.memory_space<vmem>>, vector<1x16xf32>,
    }
    %scan3A_4 = arith.constant 256 : i32
    %mul3A_5 = arith.constant 6400 : i32
    %mul3A_6 = arith.muli %arg1, %mul3A_5 : i32
    %scan3A_7 = arith.constant 0 : i32
    %scan3A_8 = arith.constant 25 : i32
    %scan3A_9 = arith.addi %scan3A_7, %scan3A_8 : i32
    %scan3A_10 = arith.constant 1 : i32
    scf.for %scan3A_48 = %scan3A_7 to %scan3A_9 step %scan3A_10  : i32 {
      %mul3A_49 = arith.constant 256 : i32
      %mul3A_50 = arith.muli %scan3A_48, %mul3A_49 : i32
      %add3A_51 = arith.addi %mul3A_6, %mul3A_50 : i32
      "tpu.region"() ({
        %run_scoped3A = tpu.sem_alloc : memref<!tpu.dma_semaphore, #tpu.memory_space<semaphore_mem>>
        %dma_start3A = arith.constant 0 : i32
        %dma_start3A_52 = tpu.memref_slice %arg6[%add3A_51, %dma_start3A] : memref<102400x16xf32, #tpu.memory_space<vmem_shared>> -> memref<256x16xf32, #tpu.memory_space<vmem_shared>>
        %dma_start3A_53 = arith.constant 0 : i32
        %dma_start3A_54 = tpu.memref_slice %arg6[%add3A_51, %dma_start3A_53] : memref<102400x16xf32, #tpu.memory_space<vmem_shared>> -> memref<256x16xf32, #tpu.memory_space<vmem_shared>>
        tpu.enqueue_dma source(%arg10 : memref<256x16xf32, #tpu.memory_space<vmem>>) target(%dma_start3A_54 : memref<256x16xf32, #tpu.memory_space<vmem_shared>>) target_semaphore(%run_scoped3A : memref<!tpu.dma_semaphore, #tpu.memory_space<semaphore_mem>>)
        %dma_wait3A = arith.constant 0 : i32
        %dma_wait3A_55 = tpu.memref_slice %arg6[%add3A_51, %dma_wait3A] : memref<102400x16xf32, #tpu.memory_space<vmem_shared>> -> memref<256x16xf32, #tpu.memory_space<vmem_shared>>
        %dma_wait3A_56 = arith.constant 0 : i32
        %dma_wait3A_57 = tpu.memref_slice %arg6[%add3A_51, %dma_wait3A_56] : memref<102400x16xf32, #tpu.memory_space<vmem_shared>> -> memref<256x16xf32, #tpu.memory_space<vmem_shared>>
        tpu.wait_dma2 semaphore(%run_scoped3A : memref<!tpu.dma_semaphore, #tpu.memory_space<semaphore_mem>>) src(%arg10 : memref<256x16xf32, #tpu.memory_space<vmem>>) dst(%dma_wait3A_57 : memref<256x16xf32, #tpu.memory_space<vmem_shared>>)
        tpu.yield
      }) : () -> ()
    }
    %scan3A_11 = arith.constant 25 : i32
    %barrier3A = arith.constant 0 : index
    tpu.barrier barrier_id(%barrier3A)
    %mul3A_12 = arith.constant 392 : i32
    %mul3A_13 = arith.muli %add3A, %mul3A_12 : i32
    %scan3A_14 = arith.constant 0 : i32
    %scan3A_15 = arith.constant 49 : i32
    %scan3A_16 = arith.addi %scan3A_14, %scan3A_15 : i32
    %scan3A_17 = arith.constant 1 : i32
    scf.for %scan3A_48 = %scan3A_14 to %scan3A_16 step %scan3A_17  : i32 {
      %mul3A_49 = arith.constant 8 : i32
      %mul3A_50 = arith.muli %scan3A_48, %mul3A_49 : i32
      %add3A_51 = arith.addi %mul3A_13, %mul3A_50 : i32
      "tpu.region"() ({
        %run_scoped3A_220 = tpu.sem_alloc : memref<!tpu.dma_semaphore, #tpu.memory_space<semaphore_mem>>
        %dma_start3A_221 = arith.constant 0 : i32
        %dma_start3A_222 = tpu.memref_slice %arg2[%add3A_51, %dma_start3A_221] : memref<12544x128xi32, #tpu.memory_space<hbm>> -> memref<8x128xi32, #tpu.memory_space<hbm>>
        %dma_start3A_223 = arith.constant 0 : i32
        %dma_start3A_224 = tpu.memref_slice %arg2[%add3A_51, %dma_start3A_223] : memref<12544x128xi32, #tpu.memory_space<hbm>> -> memref<8x128xi32, #tpu.memory_space<hbm>>
        tpu.enqueue_dma source(%dma_start3A_224 : memref<8x128xi32, #tpu.memory_space<hbm>>) target(%arg7 : memref<8x128xi32, #tpu.memory_space<vmem>>) target_semaphore(%run_scoped3A_220 : memref<!tpu.dma_semaphore, #tpu.memory_space<semaphore_mem>>)
        %dma_wait3A_225 = arith.constant 0 : i32
        %dma_wait3A_226 = tpu.memref_slice %arg2[%add3A_51, %dma_wait3A_225] : memref<12544x128xi32, #tpu.memory_space<hbm>> -> memref<8x128xi32, #tpu.memory_space<hbm>>
        %dma_wait3A_227 = arith.constant 0 : i32
        %dma_wait3A_228 = tpu.memref_slice %arg2[%add3A_51, %dma_wait3A_227] : memref<12544x128xi32, #tpu.memory_space<hbm>> -> memref<8x128xi32, #tpu.memory_space<hbm>>
        tpu.wait_dma2 semaphore(%run_scoped3A_220 : memref<!tpu.dma_semaphore, #tpu.memory_space<semaphore_mem>>) src(%dma_wait3A_228 : memref<8x128xi32, #tpu.memory_space<hbm>>) dst(%arg7 : memref<8x128xi32, #tpu.memory_space<vmem>>)
        tpu.yield
      }) : () -> ()
      %mul3A_52 = arith.constant 8 : i32
      %mul3A_53 = arith.muli %scan3A_48, %mul3A_52 : i32
      %add3A_54 = arith.addi %mul3A_13, %mul3A_53 : i32
      "tpu.region"() ({
        %run_scoped3A_220 = tpu.sem_alloc : memref<!tpu.dma_semaphore, #tpu.memory_space<semaphore_mem>>
        %dma_start3A_221 = arith.constant 0 : i32
        %dma_start3A_222 = tpu.memref_slice %arg3[%add3A_54, %dma_start3A_221] : memref<12544x128xi32, #tpu.memory_space<hbm>> -> memref<8x128xi32, #tpu.memory_space<hbm>>
        %dma_start3A_223 = arith.constant 0 : i32
        %dma_start3A_224 = tpu.memref_slice %arg3[%add3A_54, %dma_start3A_223] : memref<12544x128xi32, #tpu.memory_space<hbm>> -> memref<8x128xi32, #tpu.memory_space<hbm>>
        tpu.enqueue_dma source(%dma_start3A_224 : memref<8x128xi32, #tpu.memory_space<hbm>>) target(%arg8 : memref<8x128xi32, #tpu.memory_space<vmem>>) target_semaphore(%run_scoped3A_220 : memref<!tpu.dma_semaphore, #tpu.memory_space<semaphore_mem>>)
        %dma_wait3A_225 = arith.constant 0 : i32
        %dma_wait3A_226 = tpu.memref_slice %arg3[%add3A_54, %dma_wait3A_225] : memref<12544x128xi32, #tpu.memory_space<hbm>> -> memref<8x128xi32, #tpu.memory_space<hbm>>
        %dma_wait3A_227 = arith.constant 0 : i32
        %dma_wait3A_228 = tpu.memref_slice %arg3[%add3A_54, %dma_wait3A_227] : memref<12544x128xi32, #tpu.memory_space<hbm>> -> memref<8x128xi32, #tpu.memory_space<hbm>>
        tpu.wait_dma2 semaphore(%run_scoped3A_220 : memref<!tpu.dma_semaphore, #tpu.memory_space<semaphore_mem>>) src(%dma_wait3A_228 : memref<8x128xi32, #tpu.memory_space<hbm>>) dst(%arg8 : memref<8x128xi32, #tpu.memory_space<vmem>>)
        tpu.yield
      }) : () -> ()
      %dma_start3A = arith.constant 0 : i32
      %dma_start3A_55 = arith.constant 0 : i32
      %dma_start3A_56 = arith.constant 0 : i32
      %dma_start3A_57 = tpu.memref_slice %arg9[%dma_start3A_55, %dma_start3A_56] : memref<1024x16xf32, #tpu.memory_space<vmem>> -> memref<128x16xf32, #tpu.memory_space<vmem>>
      %dma_start3A_58 = arith.constant 0 : i32
      %dma_start3A_59 = tpu.memref_slice %arg7[%dma_start3A, %dma_start3A_58] : memref<8x128xi32, #tpu.memory_space<vmem>> -> memref<1x128xi32, #tpu.memory_space<vmem>>
      %dma_start3A_60 = tpu.memref_squeeze %dma_start3A_59 : memref<1x128xi32, #tpu.memory_space<vmem>> -> memref<128xi32, #tpu.memory_space<vmem>>
      %dma_start3A_61 = arith.constant 0 : i32
      %dma_start3A_62 = arith.constant 0 : i32
      %dma_start3A_63 = tpu.memref_slice %arg4[%dma_start3A_61, %dma_start3A_62] : memref<102400x16xf32, #tpu.memory_space<hbm>> -> memref<102400x16xf32, #tpu.memory_space<hbm>>
      tpu.enqueue_indirect_dma source(%dma_start3A_63 : memref<102400x16xf32, #tpu.memory_space<hbm>>) target(%dma_start3A_57 : memref<128x16xf32, #tpu.memory_space<vmem>>) offsets(%dma_start3A_60 : memref<128xi32, #tpu.memory_space<vmem>>) semaphore(%arg11 : memref<!tpu.dma_semaphore, #tpu.memory_space<semaphore_mem>>)
      %dma_start3A_64 = arith.constant 1 : i32
      %dma_start3A_65 = arith.constant 128 : i32
      %dma_start3A_66 = arith.constant 0 : i32
      %dma_start3A_67 = tpu.memref_slice %arg9[%dma_start3A_65, %dma_start3A_66] : memref<1024x16xf32, #tpu.memory_space<vmem>> -> memref<128x16xf32, #tpu.memory_space<vmem>>
      %dma_start3A_68 = arith.constant 0 : i32
      %dma_start3A_69 = tpu.memref_slice %arg7[%dma_start3A_64, %dma_start3A_68] : memref<8x128xi32, #tpu.memory_space<vmem>> -> memref<1x128xi32, #tpu.memory_space<vmem>>
      %dma_start3A_70 = tpu.memref_squeeze %dma_start3A_69 : memref<1x128xi32, #tpu.memory_space<vmem>> -> memref<128xi32, #tpu.memory_space<vmem>>
      %dma_start3A_71 = arith.constant 0 : i32
      %dma_start3A_72 = arith.constant 0 : i32
      %dma_start3A_73 = tpu.memref_slice %arg4[%dma_start3A_71, %dma_start3A_72] : memref<102400x16xf32, #tpu.memory_space<hbm>> -> memref<102400x16xf32, #tpu.memory_space<hbm>>
      tpu.enqueue_indirect_dma source(%dma_start3A_73 : memref<102400x16xf32, #tpu.memory_space<hbm>>) target(%dma_start3A_67 : memref<128x16xf32, #tpu.memory_space<vmem>>) offsets(%dma_start3A_70 : memref<128xi32, #tpu.memory_space<vmem>>) semaphore(%arg11 : memref<!tpu.dma_semaphore, #tpu.memory_space<semaphore_mem>>)
      %dma_start3A_74 = arith.constant 2 : i32
      %dma_start3A_75 = arith.constant 256 : i32
      %dma_start3A_76 = arith.constant 0 : i32
      %dma_start3A_77 = tpu.memref_slice %arg9[%dma_start3A_75, %dma_start3A_76] : memref<1024x16xf32, #tpu.memory_space<vmem>> -> memref<128x16xf32, #tpu.memory_space<vmem>>
      %dma_start3A_78 = arith.constant 0 : i32
      %dma_start3A_79 = tpu.memref_slice %arg7[%dma_start3A_74, %dma_start3A_78] : memref<8x128xi32, #tpu.memory_space<vmem>> -> memref<1x128xi32, #tpu.memory_space<vmem>>
      %dma_start3A_80 = tpu.memref_squeeze %dma_start3A_79 : memref<1x128xi32, #tpu.memory_space<vmem>> -> memref<128xi32, #tpu.memory_space<vmem>>
      %dma_start3A_81 = arith.constant 0 : i32
      %dma_start3A_82 = arith.constant 0 : i32
      %dma_start3A_83 = tpu.memref_slice %arg4[%dma_start3A_81, %dma_start3A_82] : memref<102400x16xf32, #tpu.memory_space<hbm>> -> memref<102400x16xf32, #tpu.memory_space<hbm>>
      tpu.enqueue_indirect_dma source(%dma_start3A_83 : memref<102400x16xf32, #tpu.memory_space<hbm>>) target(%dma_start3A_77 : memref<128x16xf32, #tpu.memory_space<vmem>>) offsets(%dma_start3A_80 : memref<128xi32, #tpu.memory_space<vmem>>) semaphore(%arg11 : memref<!tpu.dma_semaphore, #tpu.memory_space<semaphore_mem>>)
      %dma_start3A_84 = arith.constant 3 : i32
      %dma_start3A_85 = arith.constant 384 : i32
      %dma_start3A_86 = arith.constant 0 : i32
      %dma_start3A_87 = tpu.memref_slice %arg9[%dma_start3A_85, %dma_start3A_86] : memref<1024x16xf32, #tpu.memory_space<vmem>> -> memref<128x16xf32, #tpu.memory_space<vmem>>
      %dma_start3A_88 = arith.constant 0 : i32
      %dma_start3A_89 = tpu.memref_slice %arg7[%dma_start3A_84, %dma_start3A_88] : memref<8x128xi32, #tpu.memory_space<vmem>> -> memref<1x128xi32, #tpu.memory_space<vmem>>
      %dma_start3A_90 = tpu.memref_squeeze %dma_start3A_89 : memref<1x128xi32, #tpu.memory_space<vmem>> -> memref<128xi32, #tpu.memory_space<vmem>>
      %dma_start3A_91 = arith.constant 0 : i32
      %dma_start3A_92 = arith.constant 0 : i32
      %dma_start3A_93 = tpu.memref_slice %arg4[%dma_start3A_91, %dma_start3A_92] : memref<102400x16xf32, #tpu.memory_space<hbm>> -> memref<102400x16xf32, #tpu.memory_space<hbm>>
      tpu.enqueue_indirect_dma source(%dma_start3A_93 : memref<102400x16xf32, #tpu.memory_space<hbm>>) target(%dma_start3A_87 : memref<128x16xf32, #tpu.memory_space<vmem>>) offsets(%dma_start3A_90 : memref<128xi32, #tpu.memory_space<vmem>>) semaphore(%arg11 : memref<!tpu.dma_semaphore, #tpu.memory_space<semaphore_mem>>)
      %dma_start3A_94 = arith.constant 4 : i32
      %dma_start3A_95 = arith.constant 512 : i32
      %dma_start3A_96 = arith.constant 0 : i32
      %dma_start3A_97 = tpu.memref_slice %arg9[%dma_start3A_95, %dma_start3A_96] : memref<1024x16xf32, #tpu.memory_space<vmem>> -> memref<128x16xf32, #tpu.memory_space<vmem>>
      %dma_start3A_98 = arith.constant 0 : i32
      %dma_start3A_99 = tpu.memref_slice %arg7[%dma_start3A_94, %dma_start3A_98] : memref<8x128xi32, #tpu.memory_space<vmem>> -> memref<1x128xi32, #tpu.memory_space<vmem>>
      %dma_start3A_100 = tpu.memref_squeeze %dma_start3A_99 : memref<1x128xi32, #tpu.memory_space<vmem>> -> memref<128xi32, #tpu.memory_space<vmem>>
      %dma_start3A_101 = arith.constant 0 : i32
      %dma_start3A_102 = arith.constant 0 : i32
      %dma_start3A_103 = tpu.memref_slice %arg4[%dma_start3A_101, %dma_start3A_102] : memref<102400x16xf32, #tpu.memory_space<hbm>> -> memref<102400x16xf32, #tpu.memory_space<hbm>>
      tpu.enqueue_indirect_dma source(%dma_start3A_103 : memref<102400x16xf32, #tpu.memory_space<hbm>>) target(%dma_start3A_97 : memref<128x16xf32, #tpu.memory_space<vmem>>) offsets(%dma_start3A_100 : memref<128xi32, #tpu.memory_space<vmem>>) semaphore(%arg11 : memref<!tpu.dma_semaphore, #tpu.memory_space<semaphore_mem>>)
      %dma_start3A_104 = arith.constant 5 : i32
      %dma_start3A_105 = arith.constant 640 : i32
      %dma_start3A_106 = arith.constant 0 : i32
      %dma_start3A_107 = tpu.memref_slice %arg9[%dma_start3A_105, %dma_start3A_106] : memref<1024x16xf32, #tpu.memory_space<vmem>> -> memref<128x16xf32, #tpu.memory_space<vmem>>
      %dma_start3A_108 = arith.constant 0 : i32
      %dma_start3A_109 = tpu.memref_slice %arg7[%dma_start3A_104, %dma_start3A_108] : memref<8x128xi32, #tpu.memory_space<vmem>> -> memref<1x128xi32, #tpu.memory_space<vmem>>
      %dma_start3A_110 = tpu.memref_squeeze %dma_start3A_109 : memref<1x128xi32, #tpu.memory_space<vmem>> -> memref<128xi32, #tpu.memory_space<vmem>>
      %dma_start3A_111 = arith.constant 0 : i32
      %dma_start3A_112 = arith.constant 0 : i32
      %dma_start3A_113 = tpu.memref_slice %arg4[%dma_start3A_111, %dma_start3A_112] : memref<102400x16xf32, #tpu.memory_space<hbm>> -> memref<102400x16xf32, #tpu.memory_space<hbm>>
      tpu.enqueue_indirect_dma source(%dma_start3A_113 : memref<102400x16xf32, #tpu.memory_space<hbm>>) target(%dma_start3A_107 : memref<128x16xf32, #tpu.memory_space<vmem>>) offsets(%dma_start3A_110 : memref<128xi32, #tpu.memory_space<vmem>>) semaphore(%arg11 : memref<!tpu.dma_semaphore, #tpu.memory_space<semaphore_mem>>)
      %dma_start3A_114 = arith.constant 6 : i32
      %dma_start3A_115 = arith.constant 768 : i32
      %dma_start3A_116 = arith.constant 0 : i32
      %dma_start3A_117 = tpu.memref_slice %arg9[%dma_start3A_115, %dma_start3A_116] : memref<1024x16xf32, #tpu.memory_space<vmem>> -> memref<128x16xf32, #tpu.memory_space<vmem>>
      %dma_start3A_118 = arith.constant 0 : i32
      %dma_start3A_119 = tpu.memref_slice %arg7[%dma_start3A_114, %dma_start3A_118] : memref<8x128xi32, #tpu.memory_space<vmem>> -> memref<1x128xi32, #tpu.memory_space<vmem>>
      %dma_start3A_120 = tpu.memref_squeeze %dma_start3A_119 : memref<1x128xi32, #tpu.memory_space<vmem>> -> memref<128xi32, #tpu.memory_space<vmem>>
      %dma_start3A_121 = arith.constant 0 : i32
      %dma_start3A_122 = arith.constant 0 : i32
      %dma_start3A_123 = tpu.memref_slice %arg4[%dma_start3A_121, %dma_start3A_122] : memref<102400x16xf32, #tpu.memory_space<hbm>> -> memref<102400x16xf32, #tpu.memory_space<hbm>>
      tpu.enqueue_indirect_dma source(%dma_start3A_123 : memref<102400x16xf32, #tpu.memory_space<hbm>>) target(%dma_start3A_117 : memref<128x16xf32, #tpu.memory_space<vmem>>) offsets(%dma_start3A_120 : memref<128xi32, #tpu.memory_space<vmem>>) semaphore(%arg11 : memref<!tpu.dma_semaphore, #tpu.memory_space<semaphore_mem>>)
      %dma_start3A_124 = arith.constant 7 : i32
      %dma_start3A_125 = arith.constant 896 : i32
      %dma_start3A_126 = arith.constant 0 : i32
      %dma_start3A_127 = tpu.memref_slice %arg9[%dma_start3A_125, %dma_start3A_126] : memref<1024x16xf32, #tpu.memory_space<vmem>> -> memref<128x16xf32, #tpu.memory_space<vmem>>
      %dma_start3A_128 = arith.constant 0 : i32
      %dma_start3A_129 = tpu.memref_slice %arg7[%dma_start3A_124, %dma_start3A_128] : memref<8x128xi32, #tpu.memory_space<vmem>> -> memref<1x128xi32, #tpu.memory_space<vmem>>
      %dma_start3A_130 = tpu.memref_squeeze %dma_start3A_129 : memref<1x128xi32, #tpu.memory_space<vmem>> -> memref<128xi32, #tpu.memory_space<vmem>>
      %dma_start3A_131 = arith.constant 0 : i32
      %dma_start3A_132 = arith.constant 0 : i32
      %dma_start3A_133 = tpu.memref_slice %arg4[%dma_start3A_131, %dma_start3A_132] : memref<102400x16xf32, #tpu.memory_space<hbm>> -> memref<102400x16xf32, #tpu.memory_space<hbm>>
      tpu.enqueue_indirect_dma source(%dma_start3A_133 : memref<102400x16xf32, #tpu.memory_space<hbm>>) target(%dma_start3A_127 : memref<128x16xf32, #tpu.memory_space<vmem>>) offsets(%dma_start3A_130 : memref<128xi32, #tpu.memory_space<vmem>>) semaphore(%arg11 : memref<!tpu.dma_semaphore, #tpu.memory_space<semaphore_mem>>)
      %dma_wait3A = arith.constant 0 : i32
      %dma_wait3A_134 = arith.constant 0 : i32
      %dma_wait3A_135 = arith.constant 0 : i32
      %dma_wait3A_136 = tpu.memref_slice %arg9[%dma_wait3A_134, %dma_wait3A_135] : memref<1024x16xf32, #tpu.memory_space<vmem>> -> memref<128x16xf32, #tpu.memory_space<vmem>>
      %dma_wait3A_137 = arith.constant 0 : i32
      %dma_wait3A_138 = tpu.memref_slice %arg7[%dma_wait3A, %dma_wait3A_137] : memref<8x128xi32, #tpu.memory_space<vmem>> -> memref<1x128xi32, #tpu.memory_space<vmem>>
      %dma_wait3A_139 = tpu.memref_squeeze %dma_wait3A_138 : memref<1x128xi32, #tpu.memory_space<vmem>> -> memref<128xi32, #tpu.memory_space<vmem>>
      %dma_wait3A_140 = arith.constant 0 : i32
      %dma_wait3A_141 = arith.constant 0 : i32
      %dma_wait3A_142 = tpu.memref_slice %arg4[%dma_wait3A_140, %dma_wait3A_141] : memref<102400x16xf32, #tpu.memory_space<hbm>> -> memref<102400x16xf32, #tpu.memory_space<hbm>>
      tpu.wait_indirect_dma semaphore(%arg11 : memref<!tpu.dma_semaphore, #tpu.memory_space<semaphore_mem>>) src(%dma_wait3A_142 : memref<102400x16xf32, #tpu.memory_space<hbm>>) dst(%dma_wait3A_136 : memref<128x16xf32, #tpu.memory_space<vmem>>)
      %dma_wait3A_143 = arith.constant 1 : i32
      %dma_wait3A_144 = arith.constant 128 : i32
      %dma_wait3A_145 = arith.constant 0 : i32
      %dma_wait3A_146 = tpu.memref_slice %arg9[%dma_wait3A_144, %dma_wait3A_145] : memref<1024x16xf32, #tpu.memory_space<vmem>> -> memref<128x16xf32, #tpu.memory_space<vmem>>
      %dma_wait3A_147 = arith.constant 0 : i32
      %dma_wait3A_148 = tpu.memref_slice %arg7[%dma_wait3A_143, %dma_wait3A_147] : memref<8x128xi32, #tpu.memory_space<vmem>> -> memref<1x128xi32, #tpu.memory_space<vmem>>
      %dma_wait3A_149 = tpu.memref_squeeze %dma_wait3A_148 : memref<1x128xi32, #tpu.memory_space<vmem>> -> memref<128xi32, #tpu.memory_space<vmem>>
      %dma_wait3A_150 = arith.constant 0 : i32
      %dma_wait3A_151 = arith.constant 0 : i32
      %dma_wait3A_152 = tpu.memref_slice %arg4[%dma_wait3A_150, %dma_wait3A_151] : memref<102400x16xf32, #tpu.memory_space<hbm>> -> memref<102400x16xf32, #tpu.memory_space<hbm>>
      tpu.wait_indirect_dma semaphore(%arg11 : memref<!tpu.dma_semaphore, #tpu.memory_space<semaphore_mem>>) src(%dma_wait3A_152 : memref<102400x16xf32, #tpu.memory_space<hbm>>) dst(%dma_wait3A_146 : memref<128x16xf32, #tpu.memory_space<vmem>>)
      %dma_wait3A_153 = arith.constant 2 : i32
      %dma_wait3A_154 = arith.constant 256 : i32
      %dma_wait3A_155 = arith.constant 0 : i32
      %dma_wait3A_156 = tpu.memref_slice %arg9[%dma_wait3A_154, %dma_wait3A_155] : memref<1024x16xf32, #tpu.memory_space<vmem>> -> memref<128x16xf32, #tpu.memory_space<vmem>>
      %dma_wait3A_157 = arith.constant 0 : i32
      %dma_wait3A_158 = tpu.memref_slice %arg7[%dma_wait3A_153, %dma_wait3A_157] : memref<8x128xi32, #tpu.memory_space<vmem>> -> memref<1x128xi32, #tpu.memory_space<vmem>>
      %dma_wait3A_159 = tpu.memref_squeeze %dma_wait3A_158 : memref<1x128xi32, #tpu.memory_space<vmem>> -> memref<128xi32, #tpu.memory_space<vmem>>
      %dma_wait3A_160 = arith.constant 0 : i32
      %dma_wait3A_161 = arith.constant 0 : i32
      %dma_wait3A_162 = tpu.memref_slice %arg4[%dma_wait3A_160, %dma_wait3A_161] : memref<102400x16xf32, #tpu.memory_space<hbm>> -> memref<102400x16xf32, #tpu.memory_space<hbm>>
      tpu.wait_indirect_dma semaphore(%arg11 : memref<!tpu.dma_semaphore, #tpu.memory_space<semaphore_mem>>) src(%dma_wait3A_162 : memref<102400x16xf32, #tpu.memory_space<hbm>>) dst(%dma_wait3A_156 : memref<128x16xf32, #tpu.memory_space<vmem>>)
      %dma_wait3A_163 = arith.constant 3 : i32
      %dma_wait3A_164 = arith.constant 384 : i32
      %dma_wait3A_165 = arith.constant 0 : i32
      %dma_wait3A_166 = tpu.memref_slice %arg9[%dma_wait3A_164, %dma_wait3A_165] : memref<1024x16xf32, #tpu.memory_space<vmem>> -> memref<128x16xf32, #tpu.memory_space<vmem>>
      %dma_wait3A_167 = arith.constant 0 : i32
      %dma_wait3A_168 = tpu.memref_slice %arg7[%dma_wait3A_163, %dma_wait3A_167] : memref<8x128xi32, #tpu.memory_space<vmem>> -> memref<1x128xi32, #tpu.memory_space<vmem>>
      %dma_wait3A_169 = tpu.memref_squeeze %dma_wait3A_168 : memref<1x128xi32, #tpu.memory_space<vmem>> -> memref<128xi32, #tpu.memory_space<vmem>>
      %dma_wait3A_170 = arith.constant 0 : i32
      %dma_wait3A_171 = arith.constant 0 : i32
      %dma_wait3A_172 = tpu.memref_slice %arg4[%dma_wait3A_170, %dma_wait3A_171] : memref<102400x16xf32, #tpu.memory_space<hbm>> -> memref<102400x16xf32, #tpu.memory_space<hbm>>
      tpu.wait_indirect_dma semaphore(%arg11 : memref<!tpu.dma_semaphore, #tpu.memory_space<semaphore_mem>>) src(%dma_wait3A_172 : memref<102400x16xf32, #tpu.memory_space<hbm>>) dst(%dma_wait3A_166 : memref<128x16xf32, #tpu.memory_space<vmem>>)
      %dma_wait3A_173 = arith.constant 4 : i32
      %dma_wait3A_174 = arith.constant 512 : i32
      %dma_wait3A_175 = arith.constant 0 : i32
      %dma_wait3A_176 = tpu.memref_slice %arg9[%dma_wait3A_174, %dma_wait3A_175] : memref<1024x16xf32, #tpu.memory_space<vmem>> -> memref<128x16xf32, #tpu.memory_space<vmem>>
      %dma_wait3A_177 = arith.constant 0 : i32
      %dma_wait3A_178 = tpu.memref_slice %arg7[%dma_wait3A_173, %dma_wait3A_177] : memref<8x128xi32, #tpu.memory_space<vmem>> -> memref<1x128xi32, #tpu.memory_space<vmem>>
      %dma_wait3A_179 = tpu.memref_squeeze %dma_wait3A_178 : memref<1x128xi32, #tpu.memory_space<vmem>> -> memref<128xi32, #tpu.memory_space<vmem>>
      %dma_wait3A_180 = arith.constant 0 : i32
      %dma_wait3A_181 = arith.constant 0 : i32
      %dma_wait3A_182 = tpu.memref_slice %arg4[%dma_wait3A_180, %dma_wait3A_181] : memref<102400x16xf32, #tpu.memory_space<hbm>> -> memref<102400x16xf32, #tpu.memory_space<hbm>>
      tpu.wait_indirect_dma semaphore(%arg11 : memref<!tpu.dma_semaphore, #tpu.memory_space<semaphore_mem>>) src(%dma_wait3A_182 : memref<102400x16xf32, #tpu.memory_space<hbm>>) dst(%dma_wait3A_176 : memref<128x16xf32, #tpu.memory_space<vmem>>)
      %dma_wait3A_183 = arith.constant 5 : i32
      %dma_wait3A_184 = arith.constant 640 : i32
      %dma_wait3A_185 = arith.constant 0 : i32
      %dma_wait3A_186 = tpu.memref_slice %arg9[%dma_wait3A_184, %dma_wait3A_185] : memref<1024x16xf32, #tpu.memory_space<vmem>> -> memref<128x16xf32, #tpu.memory_space<vmem>>
      %dma_wait3A_187 = arith.constant 0 : i32
      %dma_wait3A_188 = tpu.memref_slice %arg7[%dma_wait3A_183, %dma_wait3A_187] : memref<8x128xi32, #tpu.memory_space<vmem>> -> memref<1x128xi32, #tpu.memory_space<vmem>>
      %dma_wait3A_189 = tpu.memref_squeeze %dma_wait3A_188 : memref<1x128xi32, #tpu.memory_space<vmem>> -> memref<128xi32, #tpu.memory_space<vmem>>
      %dma_wait3A_190 = arith.constant 0 : i32
      %dma_wait3A_191 = arith.constant 0 : i32
      %dma_wait3A_192 = tpu.memref_slice %arg4[%dma_wait3A_190, %dma_wait3A_191] : memref<102400x16xf32, #tpu.memory_space<hbm>> -> memref<102400x16xf32, #tpu.memory_space<hbm>>
      tpu.wait_indirect_dma semaphore(%arg11 : memref<!tpu.dma_semaphore, #tpu.memory_space<semaphore_mem>>) src(%dma_wait3A_192 : memref<102400x16xf32, #tpu.memory_space<hbm>>) dst(%dma_wait3A_186 : memref<128x16xf32, #tpu.memory_space<vmem>>)
      %dma_wait3A_193 = arith.constant 6 : i32
      %dma_wait3A_194 = arith.constant 768 : i32
      %dma_wait3A_195 = arith.constant 0 : i32
      %dma_wait3A_196 = tpu.memref_slice %arg9[%dma_wait3A_194, %dma_wait3A_195] : memref<1024x16xf32, #tpu.memory_space<vmem>> -> memref<128x16xf32, #tpu.memory_space<vmem>>
      %dma_wait3A_197 = arith.constant 0 : i32
      %dma_wait3A_198 = tpu.memref_slice %arg7[%dma_wait3A_193, %dma_wait3A_197] : memref<8x128xi32, #tpu.memory_space<vmem>> -> memref<1x128xi32, #tpu.memory_space<vmem>>
      %dma_wait3A_199 = tpu.memref_squeeze %dma_wait3A_198 : memref<1x128xi32, #tpu.memory_space<vmem>> -> memref<128xi32, #tpu.memory_space<vmem>>
      %dma_wait3A_200 = arith.constant 0 : i32
      %dma_wait3A_201 = arith.constant 0 : i32
      %dma_wait3A_202 = tpu.memref_slice %arg4[%dma_wait3A_200, %dma_wait3A_201] : memref<102400x16xf32, #tpu.memory_space<hbm>> -> memref<102400x16xf32, #tpu.memory_space<hbm>>
      tpu.wait_indirect_dma semaphore(%arg11 : memref<!tpu.dma_semaphore, #tpu.memory_space<semaphore_mem>>) src(%dma_wait3A_202 : memref<102400x16xf32, #tpu.memory_space<hbm>>) dst(%dma_wait3A_196 : memref<128x16xf32, #tpu.memory_space<vmem>>)
      %dma_wait3A_203 = arith.constant 7 : i32
      %dma_wait3A_204 = arith.constant 896 : i32
      %dma_wait3A_205 = arith.constant 0 : i32
      %dma_wait3A_206 = tpu.memref_slice %arg9[%dma_wait3A_204, %dma_wait3A_205] : memref<1024x16xf32, #tpu.memory_space<vmem>> -> memref<128x16xf32, #tpu.memory_space<vmem>>
      %dma_wait3A_207 = arith.constant 0 : i32
      %dma_wait3A_208 = tpu.memref_slice %arg7[%dma_wait3A_203, %dma_wait3A_207] : memref<8x128xi32, #tpu.memory_space<vmem>> -> memref<1x128xi32, #tpu.memory_space<vmem>>
      %dma_wait3A_209 = tpu.memref_squeeze %dma_wait3A_208 : memref<1x128xi32, #tpu.memory_space<vmem>> -> memref<128xi32, #tpu.memory_space<vmem>>
      %dma_wait3A_210 = arith.constant 0 : i32
      %dma_wait3A_211 = arith.constant 0 : i32
      %dma_wait3A_212 = tpu.memref_slice %arg4[%dma_wait3A_210, %dma_wait3A_211] : memref<102400x16xf32, #tpu.memory_space<hbm>> -> memref<102400x16xf32, #tpu.memory_space<hbm>>
      tpu.wait_indirect_dma semaphore(%arg11 : memref<!tpu.dma_semaphore, #tpu.memory_space<semaphore_mem>>) src(%dma_wait3A_212 : memref<102400x16xf32, #tpu.memory_space<hbm>>) dst(%dma_wait3A_206 : memref<128x16xf32, #tpu.memory_space<vmem>>)
      %run_scoped3A = arith.constant 0 : i32
      "tpu.region"() ({
        %run_scoped3A_220 = tpu.sem_alloc : memref<!tpu.dma_semaphore, #tpu.memory_space<semaphore_mem>>
        %dma_start3A_221 = arith.constant 0 : i32
        %dma_start3A_222 = arith.constant 0 : i32
        %dma_start3A_223 = tpu.memref_slice %arg9[%dma_start3A_221, %dma_start3A_222] : memref<1024x16xf32, #tpu.memory_space<vmem>> -> memref<128x16xf32, #tpu.memory_space<vmem>>
        %dma_start3A_224 = arith.constant 0 : i32
        %dma_start3A_225 = tpu.memref_slice %arg8[%run_scoped3A, %dma_start3A_224] : memref<8x128xi32, #tpu.memory_space<vmem>> -> memref<1x128xi32, #tpu.memory_space<vmem>>
        %dma_start3A_226 = tpu.memref_squeeze %dma_start3A_225 : memref<1x128xi32, #tpu.memory_space<vmem>> -> memref<128xi32, #tpu.memory_space<vmem>>
        %dma_start3A_227 = arith.constant 0 : i32
        %dma_start3A_228 = arith.constant 0 : i32
        %dma_start3A_229 = tpu.memref_slice %arg6[%dma_start3A_227, %dma_start3A_228] : memref<102400x16xf32, #tpu.memory_space<vmem_shared>> -> memref<102400x16xf32, #tpu.memory_space<vmem_shared>>
        tpu.enqueue_indirect_dma source(%dma_start3A_223 : memref<128x16xf32, #tpu.memory_space<vmem>>) target(%dma_start3A_229 : memref<102400x16xf32, #tpu.memory_space<vmem_shared>>) offsets(%dma_start3A_226 : memref<128xi32, #tpu.memory_space<vmem>>) semaphore(%run_scoped3A_220 : memref<!tpu.dma_semaphore, #tpu.memory_space<semaphore_mem>>) {add = true}
        %dma_wait3A_230 = arith.constant 0 : i32
        %dma_wait3A_231 = arith.constant 0 : i32
        %dma_wait3A_232 = tpu.memref_slice %arg9[%dma_wait3A_230, %dma_wait3A_231] : memref<1024x16xf32, #tpu.memory_space<vmem>> -> memref<128x16xf32, #tpu.memory_space<vmem>>
        %dma_wait3A_233 = arith.constant 0 : i32
        %dma_wait3A_234 = tpu.memref_slice %arg8[%run_scoped3A, %dma_wait3A_233] : memref<8x128xi32, #tpu.memory_space<vmem>> -> memref<1x128xi32, #tpu.memory_space<vmem>>
        %dma_wait3A_235 = tpu.memref_squeeze %dma_wait3A_234 : memref<1x128xi32, #tpu.memory_space<vmem>> -> memref<128xi32, #tpu.memory_space<vmem>>
        %dma_wait3A_236 = arith.constant 0 : i32
        %dma_wait3A_237 = arith.constant 0 : i32
        %dma_wait3A_238 = tpu.memref_slice %arg6[%dma_wait3A_236, %dma_wait3A_237] : memref<102400x16xf32, #tpu.memory_space<vmem_shared>> -> memref<102400x16xf32, #tpu.memory_space<vmem_shared>>
        tpu.wait_indirect_dma semaphore(%run_scoped3A_220 : memref<!tpu.dma_semaphore, #tpu.memory_space<semaphore_mem>>) src(%dma_wait3A_232 : memref<128x16xf32, #tpu.memory_space<vmem>>) dst(%dma_wait3A_238 : memref<102400x16xf32, #tpu.memory_space<vmem_shared>>)
        tpu.yield
      }) : () -> ()
      %run_scoped3A_213 = arith.constant 1 : i32
      "tpu.region"() ({
        %run_scoped3A_220 = tpu.sem_alloc : memref<!tpu.dma_semaphore, #tpu.memory_space<semaphore_mem>>
        %dma_start3A_221 = arith.constant 128 : i32
        %dma_start3A_222 = arith.constant 0 : i32
        %dma_start3A_223 = tpu.memref_slice %arg9[%dma_start3A_221, %dma_start3A_222] : memref<1024x16xf32, #tpu.memory_space<vmem>> -> memref<128x16xf32, #tpu.memory_space<vmem>>
        %dma_start3A_224 = arith.constant 0 : i32
        %dma_start3A_225 = tpu.memref_slice %arg8[%run_scoped3A_213, %dma_start3A_224] : memref<8x128xi32, #tpu.memory_space<vmem>> -> memref<1x128xi32, #tpu.memory_space<vmem>>
        %dma_start3A_226 = tpu.memref_squeeze %dma_start3A_225 : memref<1x128xi32, #tpu.memory_space<vmem>> -> memref<128xi32, #tpu.memory_space<vmem>>
        %dma_start3A_227 = arith.constant 0 : i32
        %dma_start3A_228 = arith.constant 0 : i32
        %dma_start3A_229 = tpu.memref_slice %arg6[%dma_start3A_227, %dma_start3A_228] : memref<102400x16xf32, #tpu.memory_space<vmem_shared>> -> memref<102400x16xf32, #tpu.memory_space<vmem_shared>>
        tpu.enqueue_indirect_dma source(%dma_start3A_223 : memref<128x16xf32, #tpu.memory_space<vmem>>) target(%dma_start3A_229 : memref<102400x16xf32, #tpu.memory_space<vmem_shared>>) offsets(%dma_start3A_226 : memref<128xi32, #tpu.memory_space<vmem>>) semaphore(%run_scoped3A_220 : memref<!tpu.dma_semaphore, #tpu.memory_space<semaphore_mem>>) {add = true}
        %dma_wait3A_230 = arith.constant 128 : i32
        %dma_wait3A_231 = arith.constant 0 : i32
        %dma_wait3A_232 = tpu.memref_slice %arg9[%dma_wait3A_230, %dma_wait3A_231] : memref<1024x16xf32, #tpu.memory_space<vmem>> -> memref<128x16xf32, #tpu.memory_space<vmem>>
        %dma_wait3A_233 = arith.constant 0 : i32
        %dma_wait3A_234 = tpu.memref_slice %arg8[%run_scoped3A_213, %dma_wait3A_233] : memref<8x128xi32, #tpu.memory_space<vmem>> -> memref<1x128xi32, #tpu.memory_space<vmem>>
        %dma_wait3A_235 = tpu.memref_squeeze %dma_wait3A_234 : memref<1x128xi32, #tpu.memory_space<vmem>> -> memref<128xi32, #tpu.memory_space<vmem>>
        %dma_wait3A_236 = arith.constant 0 : i32
        %dma_wait3A_237 = arith.constant 0 : i32
        %dma_wait3A_238 = tpu.memref_slice %arg6[%dma_wait3A_236, %dma_wait3A_237] : memref<102400x16xf32, #tpu.memory_space<vmem_shared>> -> memref<102400x16xf32, #tpu.memory_space<vmem_shared>>
        tpu.wait_indirect_dma semaphore(%run_scoped3A_220 : memref<!tpu.dma_semaphore, #tpu.memory_space<semaphore_mem>>) src(%dma_wait3A_232 : memref<128x16xf32, #tpu.memory_space<vmem>>) dst(%dma_wait3A_238 : memref<102400x16xf32, #tpu.memory_space<vmem_shared>>)
        tpu.yield
      }) : () -> ()
      %run_scoped3A_214 = arith.constant 2 : i32
      "tpu.region"() ({
        %run_scoped3A_220 = tpu.sem_alloc : memref<!tpu.dma_semaphore, #tpu.memory_space<semaphore_mem>>
        %dma_start3A_221 = arith.constant 256 : i32
        %dma_start3A_222 = arith.constant 0 : i32
        %dma_start3A_223 = tpu.memref_slice %arg9[%dma_start3A_221, %dma_start3A_222] : memref<1024x16xf32, #tpu.memory_space<vmem>> -> memref<128x16xf32, #tpu.memory_space<vmem>>
        %dma_start3A_224 = arith.constant 0 : i32
        %dma_start3A_225 = tpu.memref_slice %arg8[%run_scoped3A_214, %dma_start3A_224] : memref<8x128xi32, #tpu.memory_space<vmem>> -> memref<1x128xi32, #tpu.memory_space<vmem>>
        %dma_start3A_226 = tpu.memref_squeeze %dma_start3A_225 : memref<1x128xi32, #tpu.memory_space<vmem>> -> memref<128xi32, #tpu.memory_space<vmem>>
        %dma_start3A_227 = arith.constant 0 : i32
        %dma_start3A_228 = arith.constant 0 : i32
        %dma_start3A_229 = tpu.memref_slice %arg6[%dma_start3A_227, %dma_start3A_228] : memref<102400x16xf32, #tpu.memory_space<vmem_shared>> -> memref<102400x16xf32, #tpu.memory_space<vmem_shared>>
        tpu.enqueue_indirect_dma source(%dma_start3A_223 : memref<128x16xf32, #tpu.memory_space<vmem>>) target(%dma_start3A_229 : memref<102400x16xf32, #tpu.memory_space<vmem_shared>>) offsets(%dma_start3A_226 : memref<128xi32, #tpu.memory_space<vmem>>) semaphore(%run_scoped3A_220 : memref<!tpu.dma_semaphore, #tpu.memory_space<semaphore_mem>>) {add = true}
        %dma_wait3A_230 = arith.constant 256 : i32
        %dma_wait3A_231 = arith.constant 0 : i32
        %dma_wait3A_232 = tpu.memref_slice %arg9[%dma_wait3A_230, %dma_wait3A_231] : memref<1024x16xf32, #tpu.memory_space<vmem>> -> memref<128x16xf32, #tpu.memory_space<vmem>>
        %dma_wait3A_233 = arith.constant 0 : i32
        %dma_wait3A_234 = tpu.memref_slice %arg8[%run_scoped3A_214, %dma_wait3A_233] : memref<8x128xi32, #tpu.memory_space<vmem>> -> memref<1x128xi32, #tpu.memory_space<vmem>>
        %dma_wait3A_235 = tpu.memref_squeeze %dma_wait3A_234 : memref<1x128xi32, #tpu.memory_space<vmem>> -> memref<128xi32, #tpu.memory_space<vmem>>
        %dma_wait3A_236 = arith.constant 0 : i32
        %dma_wait3A_237 = arith.constant 0 : i32
        %dma_wait3A_238 = tpu.memref_slice %arg6[%dma_wait3A_236, %dma_wait3A_237] : memref<102400x16xf32, #tpu.memory_space<vmem_shared>> -> memref<102400x16xf32, #tpu.memory_space<vmem_shared>>
        tpu.wait_indirect_dma semaphore(%run_scoped3A_220 : memref<!tpu.dma_semaphore, #tpu.memory_space<semaphore_mem>>) src(%dma_wait3A_232 : memref<128x16xf32, #tpu.memory_space<vmem>>) dst(%dma_wait3A_238 : memref<102400x16xf32, #tpu.memory_space<vmem_shared>>)
        tpu.yield
      }) : () -> ()
      %run_scoped3A_215 = arith.constant 3 : i32
      "tpu.region"() ({
        %run_scoped3A_220 = tpu.sem_alloc : memref<!tpu.dma_semaphore, #tpu.memory_space<semaphore_mem>>
        %dma_start3A_221 = arith.constant 384 : i32
        %dma_start3A_222 = arith.constant 0 : i32
        %dma_start3A_223 = tpu.memref_slice %arg9[%dma_start3A_221, %dma_start3A_222] : memref<1024x16xf32, #tpu.memory_space<vmem>> -> memref<128x16xf32, #tpu.memory_space<vmem>>
        %dma_start3A_224 = arith.constant 0 : i32
        %dma_start3A_225 = tpu.memref_slice %arg8[%run_scoped3A_215, %dma_start3A_224] : memref<8x128xi32, #tpu.memory_space<vmem>> -> memref<1x128xi32, #tpu.memory_space<vmem>>
        %dma_start3A_226 = tpu.memref_squeeze %dma_start3A_225 : memref<1x128xi32, #tpu.memory_space<vmem>> -> memref<128xi32, #tpu.memory_space<vmem>>
        %dma_start3A_227 = arith.constant 0 : i32
        %dma_start3A_228 = arith.constant 0 : i32
        %dma_start3A_229 = tpu.memref_slice %arg6[%dma_start3A_227, %dma_start3A_228] : memref<102400x16xf32, #tpu.memory_space<vmem_shared>> -> memref<102400x16xf32, #tpu.memory_space<vmem_shared>>
        tpu.enqueue_indirect_dma source(%dma_start3A_223 : memref<128x16xf32, #tpu.memory_space<vmem>>) target(%dma_start3A_229 : memref<102400x16xf32, #tpu.memory_space<vmem_shared>>) offsets(%dma_start3A_226 : memref<128xi32, #tpu.memory_space<vmem>>) semaphore(%run_scoped3A_220 : memref<!tpu.dma_semaphore, #tpu.memory_space<semaphore_mem>>) {add = true}
        %dma_wait3A_230 = arith.constant 384 : i32
        %dma_wait3A_231 = arith.constant 0 : i32
        %dma_wait3A_232 = tpu.memref_slice %arg9[%dma_wait3A_230, %dma_wait3A_231] : memref<1024x16xf32, #tpu.memory_space<vmem>> -> memref<128x16xf32, #tpu.memory_space<vmem>>
        %dma_wait3A_233 = arith.constant 0 : i32
        %dma_wait3A_234 = tpu.memref_slice %arg8[%run_scoped3A_215, %dma_wait3A_233] : memref<8x128xi32, #tpu.memory_space<vmem>> -> memref<1x128xi32, #tpu.memory_space<vmem>>
        %dma_wait3A_235 = tpu.memref_squeeze %dma_wait3A_234 : memref<1x128xi32, #tpu.memory_space<vmem>> -> memref<128xi32, #tpu.memory_space<vmem>>
        %dma_wait3A_236 = arith.constant 0 : i32
        %dma_wait3A_237 = arith.constant 0 : i32
        %dma_wait3A_238 = tpu.memref_slice %arg6[%dma_wait3A_236, %dma_wait3A_237] : memref<102400x16xf32, #tpu.memory_space<vmem_shared>> -> memref<102400x16xf32, #tpu.memory_space<vmem_shared>>
        tpu.wait_indirect_dma semaphore(%run_scoped3A_220 : memref<!tpu.dma_semaphore, #tpu.memory_space<semaphore_mem>>) src(%dma_wait3A_232 : memref<128x16xf32, #tpu.memory_space<vmem>>) dst(%dma_wait3A_238 : memref<102400x16xf32, #tpu.memory_space<vmem_shared>>)
        tpu.yield
      }) : () -> ()
      %run_scoped3A_216 = arith.constant 4 : i32
      "tpu.region"() ({
        %run_scoped3A_220 = tpu.sem_alloc : memref<!tpu.dma_semaphore, #tpu.memory_space<semaphore_mem>>
        %dma_start3A_221 = arith.constant 512 : i32
        %dma_start3A_222 = arith.constant 0 : i32
        %dma_start3A_223 = tpu.memref_slice %arg9[%dma_start3A_221, %dma_start3A_222] : memref<1024x16xf32, #tpu.memory_space<vmem>> -> memref<128x16xf32, #tpu.memory_space<vmem>>
        %dma_start3A_224 = arith.constant 0 : i32
        %dma_start3A_225 = tpu.memref_slice %arg8[%run_scoped3A_216, %dma_start3A_224] : memref<8x128xi32, #tpu.memory_space<vmem>> -> memref<1x128xi32, #tpu.memory_space<vmem>>
        %dma_start3A_226 = tpu.memref_squeeze %dma_start3A_225 : memref<1x128xi32, #tpu.memory_space<vmem>> -> memref<128xi32, #tpu.memory_space<vmem>>
        %dma_start3A_227 = arith.constant 0 : i32
        %dma_start3A_228 = arith.constant 0 : i32
        %dma_start3A_229 = tpu.memref_slice %arg6[%dma_start3A_227, %dma_start3A_228] : memref<102400x16xf32, #tpu.memory_space<vmem_shared>> -> memref<102400x16xf32, #tpu.memory_space<vmem_shared>>
        tpu.enqueue_indirect_dma source(%dma_start3A_223 : memref<128x16xf32, #tpu.memory_space<vmem>>) target(%dma_start3A_229 : memref<102400x16xf32, #tpu.memory_space<vmem_shared>>) offsets(%dma_start3A_226 : memref<128xi32, #tpu.memory_space<vmem>>) semaphore(%run_scoped3A_220 : memref<!tpu.dma_semaphore, #tpu.memory_space<semaphore_mem>>) {add = true}
        %dma_wait3A_230 = arith.constant 512 : i32
        %dma_wait3A_231 = arith.constant 0 : i32
        %dma_wait3A_232 = tpu.memref_slice %arg9[%dma_wait3A_230, %dma_wait3A_231] : memref<1024x16xf32, #tpu.memory_space<vmem>> -> memref<128x16xf32, #tpu.memory_space<vmem>>
        %dma_wait3A_233 = arith.constant 0 : i32
        %dma_wait3A_234 = tpu.memref_slice %arg8[%run_scoped3A_216, %dma_wait3A_233] : memref<8x128xi32, #tpu.memory_space<vmem>> -> memref<1x128xi32, #tpu.memory_space<vmem>>
        %dma_wait3A_235 = tpu.memref_squeeze %dma_wait3A_234 : memref<1x128xi32, #tpu.memory_space<vmem>> -> memref<128xi32, #tpu.memory_space<vmem>>
        %dma_wait3A_236 = arith.constant 0 : i32
        %dma_wait3A_237 = arith.constant 0 : i32
        %dma_wait3A_238 = tpu.memref_slice %arg6[%dma_wait3A_236, %dma_wait3A_237] : memref<102400x16xf32, #tpu.memory_space<vmem_shared>> -> memref<102400x16xf32, #tpu.memory_space<vmem_shared>>
        tpu.wait_indirect_dma semaphore(%run_scoped3A_220 : memref<!tpu.dma_semaphore, #tpu.memory_space<semaphore_mem>>) src(%dma_wait3A_232 : memref<128x16xf32, #tpu.memory_space<vmem>>) dst(%dma_wait3A_238 : memref<102400x16xf32, #tpu.memory_space<vmem_shared>>)
        tpu.yield
      }) : () -> ()
      %run_scoped3A_217 = arith.constant 5 : i32
      "tpu.region"() ({
        %run_scoped3A_220 = tpu.sem_alloc : memref<!tpu.dma_semaphore, #tpu.memory_space<semaphore_mem>>
        %dma_start3A_221 = arith.constant 640 : i32
        %dma_start3A_222 = arith.constant 0 : i32
        %dma_start3A_223 = tpu.memref_slice %arg9[%dma_start3A_221, %dma_start3A_222] : memref<1024x16xf32, #tpu.memory_space<vmem>> -> memref<128x16xf32, #tpu.memory_space<vmem>>
        %dma_start3A_224 = arith.constant 0 : i32
        %dma_start3A_225 = tpu.memref_slice %arg8[%run_scoped3A_217, %dma_start3A_224] : memref<8x128xi32, #tpu.memory_space<vmem>> -> memref<1x128xi32, #tpu.memory_space<vmem>>
        %dma_start3A_226 = tpu.memref_squeeze %dma_start3A_225 : memref<1x128xi32, #tpu.memory_space<vmem>> -> memref<128xi32, #tpu.memory_space<vmem>>
        %dma_start3A_227 = arith.constant 0 : i32
        %dma_start3A_228 = arith.constant 0 : i32
        %dma_start3A_229 = tpu.memref_slice %arg6[%dma_start3A_227, %dma_start3A_228] : memref<102400x16xf32, #tpu.memory_space<vmem_shared>> -> memref<102400x16xf32, #tpu.memory_space<vmem_shared>>
        tpu.enqueue_indirect_dma source(%dma_start3A_223 : memref<128x16xf32, #tpu.memory_space<vmem>>) target(%dma_start3A_229 : memref<102400x16xf32, #tpu.memory_space<vmem_shared>>) offsets(%dma_start3A_226 : memref<128xi32, #tpu.memory_space<vmem>>) semaphore(%run_scoped3A_220 : memref<!tpu.dma_semaphore, #tpu.memory_space<semaphore_mem>>) {add = true}
        %dma_wait3A_230 = arith.constant 640 : i32
        %dma_wait3A_231 = arith.constant 0 : i32
        %dma_wait3A_232 = tpu.memref_slice %arg9[%dma_wait3A_230, %dma_wait3A_231] : memref<1024x16xf32, #tpu.memory_space<vmem>> -> memref<128x16xf32, #tpu.memory_space<vmem>>
        %dma_wait3A_233 = arith.constant 0 : i32
        %dma_wait3A_234 = tpu.memref_slice %arg8[%run_scoped3A_217, %dma_wait3A_233] : memref<8x128xi32, #tpu.memory_space<vmem>> -> memref<1x128xi32, #tpu.memory_space<vmem>>
        %dma_wait3A_235 = tpu.memref_squeeze %dma_wait3A_234 : memref<1x128xi32, #tpu.memory_space<vmem>> -> memref<128xi32, #tpu.memory_space<vmem>>
        %dma_wait3A_236 = arith.constant 0 : i32
        %dma_wait3A_237 = arith.constant 0 : i32
        %dma_wait3A_238 = tpu.memref_slice %arg6[%dma_wait3A_236, %dma_wait3A_237] : memref<102400x16xf32, #tpu.memory_space<vmem_shared>> -> memref<102400x16xf32, #tpu.memory_space<vmem_shared>>
        tpu.wait_indirect_dma semaphore(%run_scoped3A_220 : memref<!tpu.dma_semaphore, #tpu.memory_space<semaphore_mem>>) src(%dma_wait3A_232 : memref<128x16xf32, #tpu.memory_space<vmem>>) dst(%dma_wait3A_238 : memref<102400x16xf32, #tpu.memory_space<vmem_shared>>)
        tpu.yield
      }) : () -> ()
      %run_scoped3A_218 = arith.constant 6 : i32
      "tpu.region"() ({
        %run_scoped3A_220 = tpu.sem_alloc : memref<!tpu.dma_semaphore, #tpu.memory_space<semaphore_mem>>
        %dma_start3A_221 = arith.constant 768 : i32
        %dma_start3A_222 = arith.constant 0 : i32
        %dma_start3A_223 = tpu.memref_slice %arg9[%dma_start3A_221, %dma_start3A_222] : memref<1024x16xf32, #tpu.memory_space<vmem>> -> memref<128x16xf32, #tpu.memory_space<vmem>>
        %dma_start3A_224 = arith.constant 0 : i32
        %dma_start3A_225 = tpu.memref_slice %arg8[%run_scoped3A_218, %dma_start3A_224] : memref<8x128xi32, #tpu.memory_space<vmem>> -> memref<1x128xi32, #tpu.memory_space<vmem>>
        %dma_start3A_226 = tpu.memref_squeeze %dma_start3A_225 : memref<1x128xi32, #tpu.memory_space<vmem>> -> memref<128xi32, #tpu.memory_space<vmem>>
        %dma_start3A_227 = arith.constant 0 : i32
        %dma_start3A_228 = arith.constant 0 : i32
        %dma_start3A_229 = tpu.memref_slice %arg6[%dma_start3A_227, %dma_start3A_228] : memref<102400x16xf32, #tpu.memory_space<vmem_shared>> -> memref<102400x16xf32, #tpu.memory_space<vmem_shared>>
        tpu.enqueue_indirect_dma source(%dma_start3A_223 : memref<128x16xf32, #tpu.memory_space<vmem>>) target(%dma_start3A_229 : memref<102400x16xf32, #tpu.memory_space<vmem_shared>>) offsets(%dma_start3A_226 : memref<128xi32, #tpu.memory_space<vmem>>) semaphore(%run_scoped3A_220 : memref<!tpu.dma_semaphore, #tpu.memory_space<semaphore_mem>>) {add = true}
        %dma_wait3A_230 = arith.constant 768 : i32
        %dma_wait3A_231 = arith.constant 0 : i32
        %dma_wait3A_232 = tpu.memref_slice %arg9[%dma_wait3A_230, %dma_wait3A_231] : memref<1024x16xf32, #tpu.memory_space<vmem>> -> memref<128x16xf32, #tpu.memory_space<vmem>>
        %dma_wait3A_233 = arith.constant 0 : i32
        %dma_wait3A_234 = tpu.memref_slice %arg8[%run_scoped3A_218, %dma_wait3A_233] : memref<8x128xi32, #tpu.memory_space<vmem>> -> memref<1x128xi32, #tpu.memory_space<vmem>>
        %dma_wait3A_235 = tpu.memref_squeeze %dma_wait3A_234 : memref<1x128xi32, #tpu.memory_space<vmem>> -> memref<128xi32, #tpu.memory_space<vmem>>
        %dma_wait3A_236 = arith.constant 0 : i32
        %dma_wait3A_237 = arith.constant 0 : i32
        %dma_wait3A_238 = tpu.memref_slice %arg6[%dma_wait3A_236, %dma_wait3A_237] : memref<102400x16xf32, #tpu.memory_space<vmem_shared>> -> memref<102400x16xf32, #tpu.memory_space<vmem_shared>>
        tpu.wait_indirect_dma semaphore(%run_scoped3A_220 : memref<!tpu.dma_semaphore, #tpu.memory_space<semaphore_mem>>) src(%dma_wait3A_232 : memref<128x16xf32, #tpu.memory_space<vmem>>) dst(%dma_wait3A_238 : memref<102400x16xf32, #tpu.memory_space<vmem_shared>>)
        tpu.yield
      }) : () -> ()
      %run_scoped3A_219 = arith.constant 7 : i32
      "tpu.region"() ({
        %run_scoped3A_220 = tpu.sem_alloc : memref<!tpu.dma_semaphore, #tpu.memory_space<semaphore_mem>>
        %dma_start3A_221 = arith.constant 896 : i32
        %dma_start3A_222 = arith.constant 0 : i32
        %dma_start3A_223 = tpu.memref_slice %arg9[%dma_start3A_221, %dma_start3A_222] : memref<1024x16xf32, #tpu.memory_space<vmem>> -> memref<128x16xf32, #tpu.memory_space<vmem>>
        %dma_start3A_224 = arith.constant 0 : i32
        %dma_start3A_225 = tpu.memref_slice %arg8[%run_scoped3A_219, %dma_start3A_224] : memref<8x128xi32, #tpu.memory_space<vmem>> -> memref<1x128xi32, #tpu.memory_space<vmem>>
        %dma_start3A_226 = tpu.memref_squeeze %dma_start3A_225 : memref<1x128xi32, #tpu.memory_space<vmem>> -> memref<128xi32, #tpu.memory_space<vmem>>
        %dma_start3A_227 = arith.constant 0 : i32
        %dma_start3A_228 = arith.constant 0 : i32
        %dma_start3A_229 = tpu.memref_slice %arg6[%dma_start3A_227, %dma_start3A_228] : memref<102400x16xf32, #tpu.memory_space<vmem_shared>> -> memref<102400x16xf32, #tpu.memory_space<vmem_shared>>
        tpu.enqueue_indirect_dma source(%dma_start3A_223 : memref<128x16xf32, #tpu.memory_space<vmem>>) target(%dma_start3A_229 : memref<102400x16xf32, #tpu.memory_space<vmem_shared>>) offsets(%dma_start3A_226 : memref<128xi32, #tpu.memory_space<vmem>>) semaphore(%run_scoped3A_220 : memref<!tpu.dma_semaphore, #tpu.memory_space<semaphore_mem>>) {add = true}
        %dma_wait3A_230 = arith.constant 896 : i32
        %dma_wait3A_231 = arith.constant 0 : i32
        %dma_wait3A_232 = tpu.memref_slice %arg9[%dma_wait3A_230, %dma_wait3A_231] : memref<1024x16xf32, #tpu.memory_space<vmem>> -> memref<128x16xf32, #tpu.memory_space<vmem>>
        %dma_wait3A_233 = arith.constant 0 : i32
        %dma_wait3A_234 = tpu.memref_slice %arg8[%run_scoped3A_219, %dma_wait3A_233] : memref<8x128xi32, #tpu.memory_space<vmem>> -> memref<1x128xi32, #tpu.memory_space<vmem>>
        %dma_wait3A_235 = tpu.memref_squeeze %dma_wait3A_234 : memref<1x128xi32, #tpu.memory_space<vmem>> -> memref<128xi32, #tpu.memory_space<vmem>>
        %dma_wait3A_236 = arith.constant 0 : i32
        %dma_wait3A_237 = arith.constant 0 : i32
        %dma_wait3A_238 = tpu.memref_slice %arg6[%dma_wait3A_236, %dma_wait3A_237] : memref<102400x16xf32, #tpu.memory_space<vmem_shared>> -> memref<102400x16xf32, #tpu.memory_space<vmem_shared>>
        tpu.wait_indirect_dma semaphore(%run_scoped3A_220 : memref<!tpu.dma_semaphore, #tpu.memory_space<semaphore_mem>>) src(%dma_wait3A_232 : memref<128x16xf32, #tpu.memory_space<vmem>>) dst(%dma_wait3A_238 : memref<102400x16xf32, #tpu.memory_space<vmem_shared>>)
        tpu.yield
      }) : () -> ()
    }
    %scan3A_18 = arith.constant 49 : i32
    %barrier3A_19 = arith.constant 0 : index
    tpu.barrier barrier_id(%barrier3A_19)
    %add3A_20 = arith.constant 0 : i32
    %add3A_21 = arith.addi %mul3A_6, %add3A_20 : i32
    %add3A_22 = arith.constant 0 : i32
    %add3A_23 = arith.addi %mul3A_6, %add3A_22 : i32
    "tpu.region"() ({
      %run_scoped3A = tpu.sem_alloc : memref<!tpu.dma_semaphore, #tpu.memory_space<semaphore_mem>>
      %dma_start3A = arith.constant 0 : i32
      %dma_start3A_48 = tpu.memref_slice %arg5[%arg0, %add3A_23, %dma_start3A] : memref<2x102400x16xf32, #tpu.memory_space<hbm>> -> memref<1x1024x16xf32, #tpu.memory_space<hbm>>
      %dma_start3A_49 = tpu.memref_squeeze %dma_start3A_48 : memref<1x1024x16xf32, #tpu.memory_space<hbm>> -> memref<1024x16xf32, #tpu.memory_space<hbm>>
      %dma_start3A_50 = arith.constant 0 : i32
      %dma_start3A_51 = tpu.memref_slice %arg6[%add3A_21, %dma_start3A_50] : memref<102400x16xf32, #tpu.memory_space<vmem_shared>> -> memref<1024x16xf32, #tpu.memory_space<vmem_shared>>
      tpu.enqueue_dma source(%dma_start3A_51 : memref<1024x16xf32, #tpu.memory_space<vmem_shared>>) target(%dma_start3A_49 : memref<1024x16xf32, #tpu.memory_space<hbm>>) target_semaphore(%run_scoped3A : memref<!tpu.dma_semaphore, #tpu.memory_space<semaphore_mem>>)
      %dma_wait3A = arith.constant 0 : i32
      %dma_wait3A_52 = tpu.memref_slice %arg5[%arg0, %add3A_23, %dma_wait3A] : memref<2x102400x16xf32, #tpu.memory_space<hbm>> -> memref<1x1024x16xf32, #tpu.memory_space<hbm>>
      %dma_wait3A_53 = tpu.memref_squeeze %dma_wait3A_52 : memref<1x1024x16xf32, #tpu.memory_space<hbm>> -> memref<1024x16xf32, #tpu.memory_space<hbm>>
      %dma_wait3A_54 = arith.constant 0 : i32
      %dma_wait3A_55 = tpu.memref_slice %arg6[%add3A_21, %dma_wait3A_54] : memref<102400x16xf32, #tpu.memory_space<vmem_shared>> -> memref<1024x16xf32, #tpu.memory_space<vmem_shared>>
      tpu.wait_dma2 semaphore(%run_scoped3A : memref<!tpu.dma_semaphore, #tpu.memory_space<semaphore_mem>>) src(%dma_wait3A_55 : memref<1024x16xf32, #tpu.memory_space<vmem_shared>>) dst(%dma_wait3A_53 : memref<1024x16xf32, #tpu.memory_space<hbm>>)
      tpu.yield
    }) : () -> ()
    %add3A_24 = arith.constant 1024 : i32
    %add3A_25 = arith.addi %mul3A_6, %add3A_24 : i32
    %add3A_26 = arith.constant 1024 : i32
    %add3A_27 = arith.addi %mul3A_6, %add3A_26 : i32
    "tpu.region"() ({
      %run_scoped3A = tpu.sem_alloc : memref<!tpu.dma_semaphore, #tpu.memory_space<semaphore_mem>>
      %dma_start3A = arith.constant 0 : i32
      %dma_start3A_48 = tpu.memref_slice %arg5[%arg0, %add3A_27, %dma_start3A] : memref<2x102400x16xf32, #tpu.memory_space<hbm>> -> memref<1x1024x16xf32, #tpu.memory_space<hbm>>
      %dma_start3A_49 = tpu.memref_squeeze %dma_start3A_48 : memref<1x1024x16xf32, #tpu.memory_space<hbm>> -> memref<1024x16xf32, #tpu.memory_space<hbm>>
      %dma_start3A_50 = arith.constant 0 : i32
      %dma_start3A_51 = tpu.memref_slice %arg6[%add3A_25, %dma_start3A_50] : memref<102400x16xf32, #tpu.memory_space<vmem_shared>> -> memref<1024x16xf32, #tpu.memory_space<vmem_shared>>
      tpu.enqueue_dma source(%dma_start3A_51 : memref<1024x16xf32, #tpu.memory_space<vmem_shared>>) target(%dma_start3A_49 : memref<1024x16xf32, #tpu.memory_space<hbm>>) target_semaphore(%run_scoped3A : memref<!tpu.dma_semaphore, #tpu.memory_space<semaphore_mem>>)
      %dma_wait3A = arith.constant 0 : i32
      %dma_wait3A_52 = tpu.memref_slice %arg5[%arg0, %add3A_27, %dma_wait3A] : memref<2x102400x16xf32, #tpu.memory_space<hbm>> -> memref<1x1024x16xf32, #tpu.memory_space<hbm>>
      %dma_wait3A_53 = tpu.memref_squeeze %dma_wait3A_52 : memref<1x1024x16xf32, #tpu.memory_space<hbm>> -> memref<1024x16xf32, #tpu.memory_space<hbm>>
      %dma_wait3A_54 = arith.constant 0 : i32
      %dma_wait3A_55 = tpu.memref_slice %arg6[%add3A_25, %dma_wait3A_54] : memref<102400x16xf32, #tpu.memory_space<vmem_shared>> -> memref<1024x16xf32, #tpu.memory_space<vmem_shared>>
      tpu.wait_dma2 semaphore(%run_scoped3A : memref<!tpu.dma_semaphore, #tpu.memory_space<semaphore_mem>>) src(%dma_wait3A_55 : memref<1024x16xf32, #tpu.memory_space<vmem_shared>>) dst(%dma_wait3A_53 : memref<1024x16xf32, #tpu.memory_space<hbm>>)
      tpu.yield
    }) : () -> ()
    %add3A_28 = arith.constant 2048 : i32
    %add3A_29 = arith.addi %mul3A_6, %add3A_28 : i32
    %add3A_30 = arith.constant 2048 : i32
    %add3A_31 = arith.addi %mul3A_6, %add3A_30 : i32
    "tpu.region"() ({
      %run_scoped3A = tpu.sem_alloc : memref<!tpu.dma_semaphore, #tpu.memory_space<semaphore_mem>>
      %dma_start3A = arith.constant 0 : i32
      %dma_start3A_48 = tpu.memref_slice %arg5[%arg0, %add3A_31, %dma_start3A] : memref<2x102400x16xf32, #tpu.memory_space<hbm>> -> memref<1x1024x16xf32, #tpu.memory_space<hbm>>
      %dma_start3A_49 = tpu.memref_squeeze %dma_start3A_48 : memref<1x1024x16xf32, #tpu.memory_space<hbm>> -> memref<1024x16xf32, #tpu.memory_space<hbm>>
      %dma_start3A_50 = arith.constant 0 : i32
      %dma_start3A_51 = tpu.memref_slice %arg6[%add3A_29, %dma_start3A_50] : memref<102400x16xf32, #tpu.memory_space<vmem_shared>> -> memref<1024x16xf32, #tpu.memory_space<vmem_shared>>
      tpu.enqueue_dma source(%dma_start3A_51 : memref<1024x16xf32, #tpu.memory_space<vmem_shared>>) target(%dma_start3A_49 : memref<1024x16xf32, #tpu.memory_space<hbm>>) target_semaphore(%run_scoped3A : memref<!tpu.dma_semaphore, #tpu.memory_space<semaphore_mem>>)
      %dma_wait3A = arith.constant 0 : i32
      %dma_wait3A_52 = tpu.memref_slice %arg5[%arg0, %add3A_31, %dma_wait3A] : memref<2x102400x16xf32, #tpu.memory_space<hbm>> -> memref<1x1024x16xf32, #tpu.memory_space<hbm>>
      %dma_wait3A_53 = tpu.memref_squeeze %dma_wait3A_52 : memref<1x1024x16xf32, #tpu.memory_space<hbm>> -> memref<1024x16xf32, #tpu.memory_space<hbm>>
      %dma_wait3A_54 = arith.constant 0 : i32
      %dma_wait3A_55 = tpu.memref_slice %arg6[%add3A_29, %dma_wait3A_54] : memref<102400x16xf32, #tpu.memory_space<vmem_shared>> -> memref<1024x16xf32, #tpu.memory_space<vmem_shared>>
      tpu.wait_dma2 semaphore(%run_scoped3A : memref<!tpu.dma_semaphore, #tpu.memory_space<semaphore_mem>>) src(%dma_wait3A_55 : memref<1024x16xf32, #tpu.memory_space<vmem_shared>>) dst(%dma_wait3A_53 : memref<1024x16xf32, #tpu.memory_space<hbm>>)
      tpu.yield
    }) : () -> ()
    %add3A_32 = arith.constant 3072 : i32
    %add3A_33 = arith.addi %mul3A_6, %add3A_32 : i32
    %add3A_34 = arith.constant 3072 : i32
    %add3A_35 = arith.addi %mul3A_6, %add3A_34 : i32
    "tpu.region"() ({
      %run_scoped3A = tpu.sem_alloc : memref<!tpu.dma_semaphore, #tpu.memory_space<semaphore_mem>>
      %dma_start3A = arith.constant 0 : i32
      %dma_start3A_48 = tpu.memref_slice %arg5[%arg0, %add3A_35, %dma_start3A] : memref<2x102400x16xf32, #tpu.memory_space<hbm>> -> memref<1x1024x16xf32, #tpu.memory_space<hbm>>
      %dma_start3A_49 = tpu.memref_squeeze %dma_start3A_48 : memref<1x1024x16xf32, #tpu.memory_space<hbm>> -> memref<1024x16xf32, #tpu.memory_space<hbm>>
      %dma_start3A_50 = arith.constant 0 : i32
      %dma_start3A_51 = tpu.memref_slice %arg6[%add3A_33, %dma_start3A_50] : memref<102400x16xf32, #tpu.memory_space<vmem_shared>> -> memref<1024x16xf32, #tpu.memory_space<vmem_shared>>
      tpu.enqueue_dma source(%dma_start3A_51 : memref<1024x16xf32, #tpu.memory_space<vmem_shared>>) target(%dma_start3A_49 : memref<1024x16xf32, #tpu.memory_space<hbm>>) target_semaphore(%run_scoped3A : memref<!tpu.dma_semaphore, #tpu.memory_space<semaphore_mem>>)
      %dma_wait3A = arith.constant 0 : i32
      %dma_wait3A_52 = tpu.memref_slice %arg5[%arg0, %add3A_35, %dma_wait3A] : memref<2x102400x16xf32, #tpu.memory_space<hbm>> -> memref<1x1024x16xf32, #tpu.memory_space<hbm>>
      %dma_wait3A_53 = tpu.memref_squeeze %dma_wait3A_52 : memref<1x1024x16xf32, #tpu.memory_space<hbm>> -> memref<1024x16xf32, #tpu.memory_space<hbm>>
      %dma_wait3A_54 = arith.constant 0 : i32
      %dma_wait3A_55 = tpu.memref_slice %arg6[%add3A_33, %dma_wait3A_54] : memref<102400x16xf32, #tpu.memory_space<vmem_shared>> -> memref<1024x16xf32, #tpu.memory_space<vmem_shared>>
      tpu.wait_dma2 semaphore(%run_scoped3A : memref<!tpu.dma_semaphore, #tpu.memory_space<semaphore_mem>>) src(%dma_wait3A_55 : memref<1024x16xf32, #tpu.memory_space<vmem_shared>>) dst(%dma_wait3A_53 : memref<1024x16xf32, #tpu.memory_space<hbm>>)
      tpu.yield
    }) : () -> ()
    %add3A_36 = arith.constant 4096 : i32
    %add3A_37 = arith.addi %mul3A_6, %add3A_36 : i32
    %add3A_38 = arith.constant 4096 : i32
    %add3A_39 = arith.addi %mul3A_6, %add3A_38 : i32
    "tpu.region"() ({
      %run_scoped3A = tpu.sem_alloc : memref<!tpu.dma_semaphore, #tpu.memory_space<semaphore_mem>>
      %dma_start3A = arith.constant 0 : i32
      %dma_start3A_48 = tpu.memref_slice %arg5[%arg0, %add3A_39, %dma_start3A] : memref<2x102400x16xf32, #tpu.memory_space<hbm>> -> memref<1x1024x16xf32, #tpu.memory_space<hbm>>
      %dma_start3A_49 = tpu.memref_squeeze %dma_start3A_48 : memref<1x1024x16xf32, #tpu.memory_space<hbm>> -> memref<1024x16xf32, #tpu.memory_space<hbm>>
      %dma_start3A_50 = arith.constant 0 : i32
      %dma_start3A_51 = tpu.memref_slice %arg6[%add3A_37, %dma_start3A_50] : memref<102400x16xf32, #tpu.memory_space<vmem_shared>> -> memref<1024x16xf32, #tpu.memory_space<vmem_shared>>
      tpu.enqueue_dma source(%dma_start3A_51 : memref<1024x16xf32, #tpu.memory_space<vmem_shared>>) target(%dma_start3A_49 : memref<1024x16xf32, #tpu.memory_space<hbm>>) target_semaphore(%run_scoped3A : memref<!tpu.dma_semaphore, #tpu.memory_space<semaphore_mem>>)
      %dma_wait3A = arith.constant 0 : i32
      %dma_wait3A_52 = tpu.memref_slice %arg5[%arg0, %add3A_39, %dma_wait3A] : memref<2x102400x16xf32, #tpu.memory_space<hbm>> -> memref<1x1024x16xf32, #tpu.memory_space<hbm>>
      %dma_wait3A_53 = tpu.memref_squeeze %dma_wait3A_52 : memref<1x1024x16xf32, #tpu.memory_space<hbm>> -> memref<1024x16xf32, #tpu.memory_space<hbm>>
      %dma_wait3A_54 = arith.constant 0 : i32
      %dma_wait3A_55 = tpu.memref_slice %arg6[%add3A_37, %dma_wait3A_54] : memref<102400x16xf32, #tpu.memory_space<vmem_shared>> -> memref<1024x16xf32, #tpu.memory_space<vmem_shared>>
      tpu.wait_dma2 semaphore(%run_scoped3A : memref<!tpu.dma_semaphore, #tpu.memory_space<semaphore_mem>>) src(%dma_wait3A_55 : memref<1024x16xf32, #tpu.memory_space<vmem_shared>>) dst(%dma_wait3A_53 : memref<1024x16xf32, #tpu.memory_space<hbm>>)
      tpu.yield
    }) : () -> ()
    %add3A_40 = arith.constant 5120 : i32
    %add3A_41 = arith.addi %mul3A_6, %add3A_40 : i32
    %add3A_42 = arith.constant 5120 : i32
    %add3A_43 = arith.addi %mul3A_6, %add3A_42 : i32
    "tpu.region"() ({
      %run_scoped3A = tpu.sem_alloc : memref<!tpu.dma_semaphore, #tpu.memory_space<semaphore_mem>>
      %dma_start3A = arith.constant 0 : i32
      %dma_start3A_48 = tpu.memref_slice %arg5[%arg0, %add3A_43, %dma_start3A] : memref<2x102400x16xf32, #tpu.memory_space<hbm>> -> memref<1x1024x16xf32, #tpu.memory_space<hbm>>
      %dma_start3A_49 = tpu.memref_squeeze %dma_start3A_48 : memref<1x1024x16xf32, #tpu.memory_space<hbm>> -> memref<1024x16xf32, #tpu.memory_space<hbm>>
      %dma_start3A_50 = arith.constant 0 : i32
      %dma_start3A_51 = tpu.memref_slice %arg6[%add3A_41, %dma_start3A_50] : memref<102400x16xf32, #tpu.memory_space<vmem_shared>> -> memref<1024x16xf32, #tpu.memory_space<vmem_shared>>
      tpu.enqueue_dma source(%dma_start3A_51 : memref<1024x16xf32, #tpu.memory_space<vmem_shared>>) target(%dma_start3A_49 : memref<1024x16xf32, #tpu.memory_space<hbm>>) target_semaphore(%run_scoped3A : memref<!tpu.dma_semaphore, #tpu.memory_space<semaphore_mem>>)
      %dma_wait3A = arith.constant 0 : i32
      %dma_wait3A_52 = tpu.memref_slice %arg5[%arg0, %add3A_43, %dma_wait3A] : memref<2x102400x16xf32, #tpu.memory_space<hbm>> -> memref<1x1024x16xf32, #tpu.memory_space<hbm>>
      %dma_wait3A_53 = tpu.memref_squeeze %dma_wait3A_52 : memref<1x1024x16xf32, #tpu.memory_space<hbm>> -> memref<1024x16xf32, #tpu.memory_space<hbm>>
      %dma_wait3A_54 = arith.constant 0 : i32
      %dma_wait3A_55 = tpu.memref_slice %arg6[%add3A_41, %dma_wait3A_54] : memref<102400x16xf32, #tpu.memory_space<vmem_shared>> -> memref<1024x16xf32, #tpu.memory_space<vmem_shared>>
      tpu.wait_dma2 semaphore(%run_scoped3A : memref<!tpu.dma_semaphore, #tpu.memory_space<semaphore_mem>>) src(%dma_wait3A_55 : memref<1024x16xf32, #tpu.memory_space<vmem_shared>>) dst(%dma_wait3A_53 : memref<1024x16xf32, #tpu.memory_space<hbm>>)
      tpu.yield
    }) : () -> ()
    %add3A_44 = arith.constant 6144 : i32
    %add3A_45 = arith.addi %mul3A_6, %add3A_44 : i32
    %add3A_46 = arith.constant 6144 : i32
    %add3A_47 = arith.addi %mul3A_6, %add3A_46 : i32
    "tpu.region"() ({
      %run_scoped3A = tpu.sem_alloc : memref<!tpu.dma_semaphore, #tpu.memory_space<semaphore_mem>>
      %dma_start3A = arith.constant 0 : i32
      %dma_start3A_48 = tpu.memref_slice %arg5[%arg0, %add3A_47, %dma_start3A] : memref<2x102400x16xf32, #tpu.memory_space<hbm>> -> memref<1x256x16xf32, #tpu.memory_space<hbm>>
      %dma_start3A_49 = tpu.memref_squeeze %dma_start3A_48 : memref<1x256x16xf32, #tpu.memory_space<hbm>> -> memref<256x16xf32, #tpu.memory_space<hbm>>
      %dma_start3A_50 = arith.constant 0 : i32
      %dma_start3A_51 = tpu.memref_slice %arg6[%add3A_45, %dma_start3A_50] : memref<102400x16xf32, #tpu.memory_space<vmem_shared>> -> memref<256x16xf32, #tpu.memory_space<vmem_shared>>
      tpu.enqueue_dma source(%dma_start3A_51 : memref<256x16xf32, #tpu.memory_space<vmem_shared>>) target(%dma_start3A_49 : memref<256x16xf32, #tpu.memory_space<hbm>>) target_semaphore(%run_scoped3A : memref<!tpu.dma_semaphore, #tpu.memory_space<semaphore_mem>>)
      %dma_wait3A = arith.constant 0 : i32
      %dma_wait3A_52 = tpu.memref_slice %arg5[%arg0, %add3A_47, %dma_wait3A] : memref<2x102400x16xf32, #tpu.memory_space<hbm>> -> memref<1x256x16xf32, #tpu.memory_space<hbm>>
      %dma_wait3A_53 = tpu.memref_squeeze %dma_wait3A_52 : memref<1x256x16xf32, #tpu.memory_space<hbm>> -> memref<256x16xf32, #tpu.memory_space<hbm>>
      %dma_wait3A_54 = arith.constant 0 : i32
      %dma_wait3A_55 = tpu.memref_slice %arg6[%add3A_45, %dma_wait3A_54] : memref<102400x16xf32, #tpu.memory_space<vmem_shared>> -> memref<256x16xf32, #tpu.memory_space<vmem_shared>>
      tpu.wait_dma2 semaphore(%run_scoped3A : memref<!tpu.dma_semaphore, #tpu.memory_space<semaphore_mem>>) src(%dma_wait3A_55 : memref<256x16xf32, #tpu.memory_space<vmem_shared>>) dst(%dma_wait3A_53 : memref<256x16xf32, #tpu.memory_space<hbm>>)
      tpu.yield
    }) : () -> ()
    return
  }
}

#map = affine_map<(d0, d1) -> (0, 0)>
#map1 = affine_map<(d0, d1) -> (0, 0, 0)>
module attributes {stable_mosaic.version = 14 : i64} {
  func.func @_hist_body(%arg0: i32, %arg1: i32, %arg2: memref<12544x128xi32, #tpu.memory_space<hbm>>, %arg3: memref<800x128xi32, #tpu.memory_space<hbm>>, %arg4: memref<800x128xi32, #tpu.memory_space<hbm>>, %arg5: memref<32x16xf32, #tpu.memory_space<hbm>>, %arg6: memref<2x102400x16xf32, #tpu.memory_space<hbm>>, %arg7: memref<2x1024x16xf32, #tpu.memory_space<hbm>>, %arg8: memref<102400x16xf32, #tpu.memory_space<hbm>>, %arg9: memref<102400x16xf32, #tpu.memory_space<vmem_shared>>, %arg10: memref<1024x16xf32, #tpu.memory_space<vmem_shared>>, %arg11: memref<8x128xi32, #tpu.memory_space<vmem>>, %arg12: memref<128x16xf32, #tpu.memory_space<vmem>>, %arg13: memref<256x16xf32, #tpu.memory_space<vmem>>, %arg14: memref<1024x16xf32, #tpu.memory_space<vmem>>, %arg15: memref<!tpu.dma_semaphore, #tpu.memory_space<semaphore_mem>>) attributes {dimension_semantics = [#tpu.dimension_semantics<core_parallel>, #tpu.dimension_semantics<subcore_parallel>], iteration_bounds = array<i64: 2, 16>, scalar_prefetch = 0 : i64, scratch_operands = 7 : i64, tpu.core_type = #tpu.core_type<sc_vector_subcore>, window_params = [{transform_indices = #map}, {transform_indices = #map}, {transform_indices = #map}, {transform_indices = #map}, {transform_indices = #map1}, {transform_indices = #map1}, {transform_indices = #map}]} {
    %mul3A = arith.constant 16 : i32
    %mul3A_0 = arith.muli %arg0, %mul3A : i32
    %add3A = arith.addi %mul3A_0, %arg1 : i32
    %scan3A = arith.constant 0 : i32
    %scan3A_1 = arith.constant 256 : i32
    %scan3A_2 = arith.addi %scan3A, %scan3A_1 : i32
    %scan3A_3 = arith.constant 1 : i32
    scf.for %scan3A_43 = %scan3A to %scan3A_2 step %scan3A_3  : i32 {
      %broadcast_in_dim3A = arith.constant 0.000000e+00 : f32
      %broadcast_in_dim3A_44 = vector.broadcast %broadcast_in_dim3A : f32 to vector<16xf32>
      %swap3A = arith.index_cast %scan3A_43 : i32 to index
      %swap3A_45 = arith.constant 0 : index
      %swap3A_46 = tpu.vector_load %arg13[%swap3A, %swap3A_45] {strides = array<i32>} : memref<256x16xf32, #tpu.memory_space<vmem>>, vector<1x16xf32>,
      %swap3A_47 = vector.shape_cast %swap3A_46 : vector<1x16xf32> to vector<16xf32>
      %swap3A_48 = vector.shape_cast %broadcast_in_dim3A_44 : vector<16xf32> to vector<1x16xf32>
      tpu.vector_store %arg13[%swap3A, %swap3A_45], %swap3A_48 {strides = array<i32>} : memref<256x16xf32, #tpu.memory_space<vmem>>, vector<1x16xf32>,
    }
    %scan3A_4 = arith.constant 256 : i32
    %scan3A_5 = arith.constant 0 : i32
    %scan3A_6 = arith.constant 128 : i32
    %scan3A_7 = arith.addi %scan3A_5, %scan3A_6 : i32
    %scan3A_8 = arith.constant 1 : i32
    scf.for %scan3A_43 = %scan3A_5 to %scan3A_7 step %scan3A_8  : i32 {
      %broadcast_in_dim3A = arith.constant 1.000000e+00 : f32
      %broadcast_in_dim3A_44 = vector.broadcast %broadcast_in_dim3A : f32 to vector<16xf32>
      %swap3A = arith.index_cast %scan3A_43 : i32 to index
      %swap3A_45 = arith.constant 0 : index
      %swap3A_46 = tpu.vector_load %arg12[%swap3A, %swap3A_45] {strides = array<i32>} : memref<128x16xf32, #tpu.memory_space<vmem>>, vector<1x16xf32>,
      %swap3A_47 = vector.shape_cast %swap3A_46 : vector<1x16xf32> to vector<16xf32>
      %swap3A_48 = vector.shape_cast %broadcast_in_dim3A_44 : vector<16xf32> to vector<1x16xf32>
      tpu.vector_store %arg12[%swap3A, %swap3A_45], %swap3A_48 {strides = array<i32>} : memref<128x16xf32, #tpu.memory_space<vmem>>, vector<1x16xf32>,
    }
    %scan3A_9 = arith.constant 128 : i32
    %mul3A_10 = arith.constant 6400 : i32
    %mul3A_11 = arith.muli %arg1, %mul3A_10 : i32
    %scan3A_12 = arith.constant 0 : i32
    %scan3A_13 = arith.constant 25 : i32
    %scan3A_14 = arith.addi %scan3A_12, %scan3A_13 : i32
    %scan3A_15 = arith.constant 1 : i32
    scf.for %scan3A_43 = %scan3A_12 to %scan3A_14 step %scan3A_15  : i32 {
      %mul3A_44 = arith.constant 256 : i32
      %mul3A_45 = arith.muli %scan3A_43, %mul3A_44 : i32
      %add3A_46 = arith.addi %mul3A_11, %mul3A_45 : i32
      "tpu.region"() ({
        %run_scoped3A = tpu.sem_alloc : memref<!tpu.dma_semaphore, #tpu.memory_space<semaphore_mem>>
        %dma_start3A = arith.constant 0 : i32
        %dma_start3A_47 = tpu.memref_slice %arg9[%add3A_46, %dma_start3A] : memref<102400x16xf32, #tpu.memory_space<vmem_shared>> -> memref<256x16xf32, #tpu.memory_space<vmem_shared>>
        %dma_start3A_48 = arith.constant 0 : i32
        %dma_start3A_49 = tpu.memref_slice %arg9[%add3A_46, %dma_start3A_48] : memref<102400x16xf32, #tpu.memory_space<vmem_shared>> -> memref<256x16xf32, #tpu.memory_space<vmem_shared>>
        tpu.enqueue_dma source(%arg13 : memref<256x16xf32, #tpu.memory_space<vmem>>) target(%dma_start3A_49 : memref<256x16xf32, #tpu.memory_space<vmem_shared>>) target_semaphore(%run_scoped3A : memref<!tpu.dma_semaphore, #tpu.memory_space<semaphore_mem>>)
        %dma_wait3A = arith.constant 0 : i32
        %dma_wait3A_50 = tpu.memref_slice %arg9[%add3A_46, %dma_wait3A] : memref<102400x16xf32, #tpu.memory_space<vmem_shared>> -> memref<256x16xf32, #tpu.memory_space<vmem_shared>>
        %dma_wait3A_51 = arith.constant 0 : i32
        %dma_wait3A_52 = tpu.memref_slice %arg9[%add3A_46, %dma_wait3A_51] : memref<102400x16xf32, #tpu.memory_space<vmem_shared>> -> memref<256x16xf32, #tpu.memory_space<vmem_shared>>
        tpu.wait_dma2 semaphore(%run_scoped3A : memref<!tpu.dma_semaphore, #tpu.memory_space<semaphore_mem>>) src(%arg13 : memref<256x16xf32, #tpu.memory_space<vmem>>) dst(%dma_wait3A_52 : memref<256x16xf32, #tpu.memory_space<vmem_shared>>)
        tpu.yield
      }) : () -> ()
    }
    %scan3A_16 = arith.constant 25 : i32
    %mul3A_17 = arith.constant 64 : i32
    %mul3A_18 = arith.muli %arg1, %mul3A_17 : i32
    "tpu.region"() ({
      %run_scoped3A = tpu.sem_alloc : memref<!tpu.dma_semaphore, #tpu.memory_space<semaphore_mem>>
      %dma_start3A = arith.constant 0 : i32
      %dma_start3A_43 = arith.constant 0 : i32
      %dma_start3A_44 = tpu.memref_slice %arg13[%dma_start3A, %dma_start3A_43] : memref<256x16xf32, #tpu.memory_space<vmem>> -> memref<64x16xf32, #tpu.memory_space<vmem>>
      %dma_start3A_45 = arith.constant 0 : i32
      %dma_start3A_46 = tpu.memref_slice %arg10[%mul3A_18, %dma_start3A_45] : memref<1024x16xf32, #tpu.memory_space<vmem_shared>> -> memref<64x16xf32, #tpu.memory_space<vmem_shared>>
      %dma_start3A_47 = arith.constant 0 : i32
      %dma_start3A_48 = tpu.memref_slice %arg10[%mul3A_18, %dma_start3A_47] : memref<1024x16xf32, #tpu.memory_space<vmem_shared>> -> memref<64x16xf32, #tpu.memory_space<vmem_shared>>
      %dma_start3A_49 = arith.constant 0 : i32
      %dma_start3A_50 = arith.constant 0 : i32
      %dma_start3A_51 = tpu.memref_slice %arg13[%dma_start3A_49, %dma_start3A_50] : memref<256x16xf32, #tpu.memory_space<vmem>> -> memref<64x16xf32, #tpu.memory_space<vmem>>
      tpu.enqueue_dma source(%dma_start3A_51 : memref<64x16xf32, #tpu.memory_space<vmem>>) target(%dma_start3A_48 : memref<64x16xf32, #tpu.memory_space<vmem_shared>>) target_semaphore(%run_scoped3A : memref<!tpu.dma_semaphore, #tpu.memory_space<semaphore_mem>>)
      %dma_wait3A = arith.constant 0 : i32
      %dma_wait3A_52 = arith.constant 0 : i32
      %dma_wait3A_53 = tpu.memref_slice %arg13[%dma_wait3A, %dma_wait3A_52] : memref<256x16xf32, #tpu.memory_space<vmem>> -> memref<64x16xf32, #tpu.memory_space<vmem>>
      %dma_wait3A_54 = arith.constant 0 : i32
      %dma_wait3A_55 = tpu.memref_slice %arg10[%mul3A_18, %dma_wait3A_54] : memref<1024x16xf32, #tpu.memory_space<vmem_shared>> -> memref<64x16xf32, #tpu.memory_space<vmem_shared>>
      %dma_wait3A_56 = arith.constant 0 : i32
      %dma_wait3A_57 = tpu.memref_slice %arg10[%mul3A_18, %dma_wait3A_56] : memref<1024x16xf32, #tpu.memory_space<vmem_shared>> -> memref<64x16xf32, #tpu.memory_space<vmem_shared>>
      %dma_wait3A_58 = arith.constant 0 : i32
      %dma_wait3A_59 = arith.constant 0 : i32
      %dma_wait3A_60 = tpu.memref_slice %arg13[%dma_wait3A_58, %dma_wait3A_59] : memref<256x16xf32, #tpu.memory_space<vmem>> -> memref<64x16xf32, #tpu.memory_space<vmem>>
      tpu.wait_dma2 semaphore(%run_scoped3A : memref<!tpu.dma_semaphore, #tpu.memory_space<semaphore_mem>>) src(%dma_wait3A_60 : memref<64x16xf32, #tpu.memory_space<vmem>>) dst(%dma_wait3A_57 : memref<64x16xf32, #tpu.memory_space<vmem_shared>>)
      tpu.yield
    }) : () -> ()
    %barrier3A = arith.constant 0 : index
    tpu.barrier barrier_id(%barrier3A)
    %lt3A = arith.constant 25 : i32
    %lt3A_19 = arith.cmpi slt, %add3A, %lt3A : i32
    %convert_element_type3A = arith.extui %lt3A_19 : i1 to i32
    %cond3A = arith.constant 0 : i32
    %cond3A_20 = arith.cmpi ne, %convert_element_type3A, %cond3A : i32
    scf.if %cond3A_20 {
      %scan3A_43 = arith.constant 0 : i32
      %scan3A_44 = arith.constant 4 : i32
      %scan3A_45 = arith.addi %scan3A_43, %scan3A_44 : i32
      %scan3A_46 = arith.constant 1 : i32
      scf.for %scan3A_48 = %scan3A_43 to %scan3A_45 step %scan3A_46  : i32 {
        %mul3A_49 = arith.constant 32 : i32
        %mul3A_50 = arith.muli %add3A, %mul3A_49 : i32
        %mul3A_51 = arith.constant 8 : i32
        %mul3A_52 = arith.muli %scan3A_48, %mul3A_51 : i32
        %add3A_53 = arith.addi %mul3A_50, %mul3A_52 : i32
        "tpu.region"() ({
          %run_scoped3A = tpu.sem_alloc : memref<!tpu.dma_semaphore, #tpu.memory_space<semaphore_mem>>
          %dma_start3A_226 = arith.constant 0 : i32
          %dma_start3A_227 = tpu.memref_slice %arg4[%add3A_53, %dma_start3A_226] : memref<800x128xi32, #tpu.memory_space<hbm>> -> memref<8x128xi32, #tpu.memory_space<hbm>>
          %dma_start3A_228 = arith.constant 0 : i32
          %dma_start3A_229 = tpu.memref_slice %arg4[%add3A_53, %dma_start3A_228] : memref<800x128xi32, #tpu.memory_space<hbm>> -> memref<8x128xi32, #tpu.memory_space<hbm>>
          tpu.enqueue_dma source(%dma_start3A_229 : memref<8x128xi32, #tpu.memory_space<hbm>>) target(%arg11 : memref<8x128xi32, #tpu.memory_space<vmem>>) target_semaphore(%run_scoped3A : memref<!tpu.dma_semaphore, #tpu.memory_space<semaphore_mem>>)
          %dma_wait3A_230 = arith.constant 0 : i32
          %dma_wait3A_231 = tpu.memref_slice %arg4[%add3A_53, %dma_wait3A_230] : memref<800x128xi32, #tpu.memory_space<hbm>> -> memref<8x128xi32, #tpu.memory_space<hbm>>
          %dma_wait3A_232 = arith.constant 0 : i32
          %dma_wait3A_233 = tpu.memref_slice %arg4[%add3A_53, %dma_wait3A_232] : memref<800x128xi32, #tpu.memory_space<hbm>> -> memref<8x128xi32, #tpu.memory_space<hbm>>
          tpu.wait_dma2 semaphore(%run_scoped3A : memref<!tpu.dma_semaphore, #tpu.memory_space<semaphore_mem>>) src(%dma_wait3A_233 : memref<8x128xi32, #tpu.memory_space<hbm>>) dst(%arg11 : memref<8x128xi32, #tpu.memory_space<vmem>>)
          tpu.yield
        }) : () -> ()
        %dma_start3A = arith.constant 0 : i32
        %dma_start3A_54 = arith.constant 0 : i32
        %dma_start3A_55 = arith.constant 0 : i32
        %dma_start3A_56 = tpu.memref_slice %arg14[%dma_start3A_54, %dma_start3A_55] : memref<1024x16xf32, #tpu.memory_space<vmem>> -> memref<128x16xf32, #tpu.memory_space<vmem>>
        %dma_start3A_57 = arith.constant 0 : i32
        %dma_start3A_58 = tpu.memref_slice %arg11[%dma_start3A, %dma_start3A_57] : memref<8x128xi32, #tpu.memory_space<vmem>> -> memref<1x128xi32, #tpu.memory_space<vmem>>
        %dma_start3A_59 = tpu.memref_squeeze %dma_start3A_58 : memref<1x128xi32, #tpu.memory_space<vmem>> -> memref<128xi32, #tpu.memory_space<vmem>>
        %dma_start3A_60 = arith.constant 0 : i32
        %dma_start3A_61 = arith.constant 0 : i32
        %dma_start3A_62 = tpu.memref_slice %arg5[%dma_start3A_60, %dma_start3A_61] : memref<32x16xf32, #tpu.memory_space<hbm>> -> memref<32x16xf32, #tpu.memory_space<hbm>>
        tpu.enqueue_indirect_dma source(%dma_start3A_62 : memref<32x16xf32, #tpu.memory_space<hbm>>) target(%dma_start3A_56 : memref<128x16xf32, #tpu.memory_space<vmem>>) offsets(%dma_start3A_59 : memref<128xi32, #tpu.memory_space<vmem>>) semaphore(%arg15 : memref<!tpu.dma_semaphore, #tpu.memory_space<semaphore_mem>>)
        %dma_start3A_63 = arith.constant 1 : i32
        %dma_start3A_64 = arith.constant 128 : i32
        %dma_start3A_65 = arith.constant 0 : i32
        %dma_start3A_66 = tpu.memref_slice %arg14[%dma_start3A_64, %dma_start3A_65] : memref<1024x16xf32, #tpu.memory_space<vmem>> -> memref<128x16xf32, #tpu.memory_space<vmem>>
        %dma_start3A_67 = arith.constant 0 : i32
        %dma_start3A_68 = tpu.memref_slice %arg11[%dma_start3A_63, %dma_start3A_67] : memref<8x128xi32, #tpu.memory_space<vmem>> -> memref<1x128xi32, #tpu.memory_space<vmem>>
        %dma_start3A_69 = tpu.memref_squeeze %dma_start3A_68 : memref<1x128xi32, #tpu.memory_space<vmem>> -> memref<128xi32, #tpu.memory_space<vmem>>
        %dma_start3A_70 = arith.constant 0 : i32
        %dma_start3A_71 = arith.constant 0 : i32
        %dma_start3A_72 = tpu.memref_slice %arg5[%dma_start3A_70, %dma_start3A_71] : memref<32x16xf32, #tpu.memory_space<hbm>> -> memref<32x16xf32, #tpu.memory_space<hbm>>
        tpu.enqueue_indirect_dma source(%dma_start3A_72 : memref<32x16xf32, #tpu.memory_space<hbm>>) target(%dma_start3A_66 : memref<128x16xf32, #tpu.memory_space<vmem>>) offsets(%dma_start3A_69 : memref<128xi32, #tpu.memory_space<vmem>>) semaphore(%arg15 : memref<!tpu.dma_semaphore, #tpu.memory_space<semaphore_mem>>)
        %dma_start3A_73 = arith.constant 2 : i32
        %dma_start3A_74 = arith.constant 256 : i32
        %dma_start3A_75 = arith.constant 0 : i32
        %dma_start3A_76 = tpu.memref_slice %arg14[%dma_start3A_74, %dma_start3A_75] : memref<1024x16xf32, #tpu.memory_space<vmem>> -> memref<128x16xf32, #tpu.memory_space<vmem>>
        %dma_start3A_77 = arith.constant 0 : i32
        %dma_start3A_78 = tpu.memref_slice %arg11[%dma_start3A_73, %dma_start3A_77] : memref<8x128xi32, #tpu.memory_space<vmem>> -> memref<1x128xi32, #tpu.memory_space<vmem>>
        %dma_start3A_79 = tpu.memref_squeeze %dma_start3A_78 : memref<1x128xi32, #tpu.memory_space<vmem>> -> memref<128xi32, #tpu.memory_space<vmem>>
        %dma_start3A_80 = arith.constant 0 : i32
        %dma_start3A_81 = arith.constant 0 : i32
        %dma_start3A_82 = tpu.memref_slice %arg5[%dma_start3A_80, %dma_start3A_81] : memref<32x16xf32, #tpu.memory_space<hbm>> -> memref<32x16xf32, #tpu.memory_space<hbm>>
        tpu.enqueue_indirect_dma source(%dma_start3A_82 : memref<32x16xf32, #tpu.memory_space<hbm>>) target(%dma_start3A_76 : memref<128x16xf32, #tpu.memory_space<vmem>>) offsets(%dma_start3A_79 : memref<128xi32, #tpu.memory_space<vmem>>) semaphore(%arg15 : memref<!tpu.dma_semaphore, #tpu.memory_space<semaphore_mem>>)
        %dma_start3A_83 = arith.constant 3 : i32
        %dma_start3A_84 = arith.constant 384 : i32
        %dma_start3A_85 = arith.constant 0 : i32
        %dma_start3A_86 = tpu.memref_slice %arg14[%dma_start3A_84, %dma_start3A_85] : memref<1024x16xf32, #tpu.memory_space<vmem>> -> memref<128x16xf32, #tpu.memory_space<vmem>>
        %dma_start3A_87 = arith.constant 0 : i32
        %dma_start3A_88 = tpu.memref_slice %arg11[%dma_start3A_83, %dma_start3A_87] : memref<8x128xi32, #tpu.memory_space<vmem>> -> memref<1x128xi32, #tpu.memory_space<vmem>>
        %dma_start3A_89 = tpu.memref_squeeze %dma_start3A_88 : memref<1x128xi32, #tpu.memory_space<vmem>> -> memref<128xi32, #tpu.memory_space<vmem>>
        %dma_start3A_90 = arith.constant 0 : i32
        %dma_start3A_91 = arith.constant 0 : i32
        %dma_start3A_92 = tpu.memref_slice %arg5[%dma_start3A_90, %dma_start3A_91] : memref<32x16xf32, #tpu.memory_space<hbm>> -> memref<32x16xf32, #tpu.memory_space<hbm>>
        tpu.enqueue_indirect_dma source(%dma_start3A_92 : memref<32x16xf32, #tpu.memory_space<hbm>>) target(%dma_start3A_86 : memref<128x16xf32, #tpu.memory_space<vmem>>) offsets(%dma_start3A_89 : memref<128xi32, #tpu.memory_space<vmem>>) semaphore(%arg15 : memref<!tpu.dma_semaphore, #tpu.memory_space<semaphore_mem>>)
        %dma_start3A_93 = arith.constant 4 : i32
        %dma_start3A_94 = arith.constant 512 : i32
        %dma_start3A_95 = arith.constant 0 : i32
        %dma_start3A_96 = tpu.memref_slice %arg14[%dma_start3A_94, %dma_start3A_95] : memref<1024x16xf32, #tpu.memory_space<vmem>> -> memref<128x16xf32, #tpu.memory_space<vmem>>
        %dma_start3A_97 = arith.constant 0 : i32
        %dma_start3A_98 = tpu.memref_slice %arg11[%dma_start3A_93, %dma_start3A_97] : memref<8x128xi32, #tpu.memory_space<vmem>> -> memref<1x128xi32, #tpu.memory_space<vmem>>
        %dma_start3A_99 = tpu.memref_squeeze %dma_start3A_98 : memref<1x128xi32, #tpu.memory_space<vmem>> -> memref<128xi32, #tpu.memory_space<vmem>>
        %dma_start3A_100 = arith.constant 0 : i32
        %dma_start3A_101 = arith.constant 0 : i32
        %dma_start3A_102 = tpu.memref_slice %arg5[%dma_start3A_100, %dma_start3A_101] : memref<32x16xf32, #tpu.memory_space<hbm>> -> memref<32x16xf32, #tpu.memory_space<hbm>>
        tpu.enqueue_indirect_dma source(%dma_start3A_102 : memref<32x16xf32, #tpu.memory_space<hbm>>) target(%dma_start3A_96 : memref<128x16xf32, #tpu.memory_space<vmem>>) offsets(%dma_start3A_99 : memref<128xi32, #tpu.memory_space<vmem>>) semaphore(%arg15 : memref<!tpu.dma_semaphore, #tpu.memory_space<semaphore_mem>>)
        %dma_start3A_103 = arith.constant 5 : i32
        %dma_start3A_104 = arith.constant 640 : i32
        %dma_start3A_105 = arith.constant 0 : i32
        %dma_start3A_106 = tpu.memref_slice %arg14[%dma_start3A_104, %dma_start3A_105] : memref<1024x16xf32, #tpu.memory_space<vmem>> -> memref<128x16xf32, #tpu.memory_space<vmem>>
        %dma_start3A_107 = arith.constant 0 : i32
        %dma_start3A_108 = tpu.memref_slice %arg11[%dma_start3A_103, %dma_start3A_107] : memref<8x128xi32, #tpu.memory_space<vmem>> -> memref<1x128xi32, #tpu.memory_space<vmem>>
        %dma_start3A_109 = tpu.memref_squeeze %dma_start3A_108 : memref<1x128xi32, #tpu.memory_space<vmem>> -> memref<128xi32, #tpu.memory_space<vmem>>
        %dma_start3A_110 = arith.constant 0 : i32
        %dma_start3A_111 = arith.constant 0 : i32
        %dma_start3A_112 = tpu.memref_slice %arg5[%dma_start3A_110, %dma_start3A_111] : memref<32x16xf32, #tpu.memory_space<hbm>> -> memref<32x16xf32, #tpu.memory_space<hbm>>
        tpu.enqueue_indirect_dma source(%dma_start3A_112 : memref<32x16xf32, #tpu.memory_space<hbm>>) target(%dma_start3A_106 : memref<128x16xf32, #tpu.memory_space<vmem>>) offsets(%dma_start3A_109 : memref<128xi32, #tpu.memory_space<vmem>>) semaphore(%arg15 : memref<!tpu.dma_semaphore, #tpu.memory_space<semaphore_mem>>)
        %dma_start3A_113 = arith.constant 6 : i32
        %dma_start3A_114 = arith.constant 768 : i32
        %dma_start3A_115 = arith.constant 0 : i32
        %dma_start3A_116 = tpu.memref_slice %arg14[%dma_start3A_114, %dma_start3A_115] : memref<1024x16xf32, #tpu.memory_space<vmem>> -> memref<128x16xf32, #tpu.memory_space<vmem>>
        %dma_start3A_117 = arith.constant 0 : i32
        %dma_start3A_118 = tpu.memref_slice %arg11[%dma_start3A_113, %dma_start3A_117] : memref<8x128xi32, #tpu.memory_space<vmem>> -> memref<1x128xi32, #tpu.memory_space<vmem>>
        %dma_start3A_119 = tpu.memref_squeeze %dma_start3A_118 : memref<1x128xi32, #tpu.memory_space<vmem>> -> memref<128xi32, #tpu.memory_space<vmem>>
        %dma_start3A_120 = arith.constant 0 : i32
        %dma_start3A_121 = arith.constant 0 : i32
        %dma_start3A_122 = tpu.memref_slice %arg5[%dma_start3A_120, %dma_start3A_121] : memref<32x16xf32, #tpu.memory_space<hbm>> -> memref<32x16xf32, #tpu.memory_space<hbm>>
        tpu.enqueue_indirect_dma source(%dma_start3A_122 : memref<32x16xf32, #tpu.memory_space<hbm>>) target(%dma_start3A_116 : memref<128x16xf32, #tpu.memory_space<vmem>>) offsets(%dma_start3A_119 : memref<128xi32, #tpu.memory_space<vmem>>) semaphore(%arg15 : memref<!tpu.dma_semaphore, #tpu.memory_space<semaphore_mem>>)
        %dma_start3A_123 = arith.constant 7 : i32
        %dma_start3A_124 = arith.constant 896 : i32
        %dma_start3A_125 = arith.constant 0 : i32
        %dma_start3A_126 = tpu.memref_slice %arg14[%dma_start3A_124, %dma_start3A_125] : memref<1024x16xf32, #tpu.memory_space<vmem>> -> memref<128x16xf32, #tpu.memory_space<vmem>>
        %dma_start3A_127 = arith.constant 0 : i32
        %dma_start3A_128 = tpu.memref_slice %arg11[%dma_start3A_123, %dma_start3A_127] : memref<8x128xi32, #tpu.memory_space<vmem>> -> memref<1x128xi32, #tpu.memory_space<vmem>>
        %dma_start3A_129 = tpu.memref_squeeze %dma_start3A_128 : memref<1x128xi32, #tpu.memory_space<vmem>> -> memref<128xi32, #tpu.memory_space<vmem>>
        %dma_start3A_130 = arith.constant 0 : i32
        %dma_start3A_131 = arith.constant 0 : i32
        %dma_start3A_132 = tpu.memref_slice %arg5[%dma_start3A_130, %dma_start3A_131] : memref<32x16xf32, #tpu.memory_space<hbm>> -> memref<32x16xf32, #tpu.memory_space<hbm>>
        tpu.enqueue_indirect_dma source(%dma_start3A_132 : memref<32x16xf32, #tpu.memory_space<hbm>>) target(%dma_start3A_126 : memref<128x16xf32, #tpu.memory_space<vmem>>) offsets(%dma_start3A_129 : memref<128xi32, #tpu.memory_space<vmem>>) semaphore(%arg15 : memref<!tpu.dma_semaphore, #tpu.memory_space<semaphore_mem>>)
        %dma_wait3A = arith.constant 0 : i32
        %dma_wait3A_133 = arith.constant 0 : i32
        %dma_wait3A_134 = arith.constant 0 : i32
        %dma_wait3A_135 = tpu.memref_slice %arg14[%dma_wait3A_133, %dma_wait3A_134] : memref<1024x16xf32, #tpu.memory_space<vmem>> -> memref<128x16xf32, #tpu.memory_space<vmem>>
        %dma_wait3A_136 = arith.constant 0 : i32
        %dma_wait3A_137 = tpu.memref_slice %arg11[%dma_wait3A, %dma_wait3A_136] : memref<8x128xi32, #tpu.memory_space<vmem>> -> memref<1x128xi32, #tpu.memory_space<vmem>>
        %dma_wait3A_138 = tpu.memref_squeeze %dma_wait3A_137 : memref<1x128xi32, #tpu.memory_space<vmem>> -> memref<128xi32, #tpu.memory_space<vmem>>
        %dma_wait3A_139 = arith.constant 0 : i32
        %dma_wait3A_140 = arith.constant 0 : i32
        %dma_wait3A_141 = tpu.memref_slice %arg5[%dma_wait3A_139, %dma_wait3A_140] : memref<32x16xf32, #tpu.memory_space<hbm>> -> memref<32x16xf32, #tpu.memory_space<hbm>>
        tpu.wait_indirect_dma semaphore(%arg15 : memref<!tpu.dma_semaphore, #tpu.memory_space<semaphore_mem>>) src(%dma_wait3A_141 : memref<32x16xf32, #tpu.memory_space<hbm>>) dst(%dma_wait3A_135 : memref<128x16xf32, #tpu.memory_space<vmem>>)
        %dma_wait3A_142 = arith.constant 1 : i32
        %dma_wait3A_143 = arith.constant 128 : i32
        %dma_wait3A_144 = arith.constant 0 : i32
        %dma_wait3A_145 = tpu.memref_slice %arg14[%dma_wait3A_143, %dma_wait3A_144] : memref<1024x16xf32, #tpu.memory_space<vmem>> -> memref<128x16xf32, #tpu.memory_space<vmem>>
        %dma_wait3A_146 = arith.constant 0 : i32
        %dma_wait3A_147 = tpu.memref_slice %arg11[%dma_wait3A_142, %dma_wait3A_146] : memref<8x128xi32, #tpu.memory_space<vmem>> -> memref<1x128xi32, #tpu.memory_space<vmem>>
        %dma_wait3A_148 = tpu.memref_squeeze %dma_wait3A_147 : memref<1x128xi32, #tpu.memory_space<vmem>> -> memref<128xi32, #tpu.memory_space<vmem>>
        %dma_wait3A_149 = arith.constant 0 : i32
        %dma_wait3A_150 = arith.constant 0 : i32
        %dma_wait3A_151 = tpu.memref_slice %arg5[%dma_wait3A_149, %dma_wait3A_150] : memref<32x16xf32, #tpu.memory_space<hbm>> -> memref<32x16xf32, #tpu.memory_space<hbm>>
        tpu.wait_indirect_dma semaphore(%arg15 : memref<!tpu.dma_semaphore, #tpu.memory_space<semaphore_mem>>) src(%dma_wait3A_151 : memref<32x16xf32, #tpu.memory_space<hbm>>) dst(%dma_wait3A_145 : memref<128x16xf32, #tpu.memory_space<vmem>>)
        %dma_wait3A_152 = arith.constant 2 : i32
        %dma_wait3A_153 = arith.constant 256 : i32
        %dma_wait3A_154 = arith.constant 0 : i32
        %dma_wait3A_155 = tpu.memref_slice %arg14[%dma_wait3A_153, %dma_wait3A_154] : memref<1024x16xf32, #tpu.memory_space<vmem>> -> memref<128x16xf32, #tpu.memory_space<vmem>>
        %dma_wait3A_156 = arith.constant 0 : i32
        %dma_wait3A_157 = tpu.memref_slice %arg11[%dma_wait3A_152, %dma_wait3A_156] : memref<8x128xi32, #tpu.memory_space<vmem>> -> memref<1x128xi32, #tpu.memory_space<vmem>>
        %dma_wait3A_158 = tpu.memref_squeeze %dma_wait3A_157 : memref<1x128xi32, #tpu.memory_space<vmem>> -> memref<128xi32, #tpu.memory_space<vmem>>
        %dma_wait3A_159 = arith.constant 0 : i32
        %dma_wait3A_160 = arith.constant 0 : i32
        %dma_wait3A_161 = tpu.memref_slice %arg5[%dma_wait3A_159, %dma_wait3A_160] : memref<32x16xf32, #tpu.memory_space<hbm>> -> memref<32x16xf32, #tpu.memory_space<hbm>>
        tpu.wait_indirect_dma semaphore(%arg15 : memref<!tpu.dma_semaphore, #tpu.memory_space<semaphore_mem>>) src(%dma_wait3A_161 : memref<32x16xf32, #tpu.memory_space<hbm>>) dst(%dma_wait3A_155 : memref<128x16xf32, #tpu.memory_space<vmem>>)
        %dma_wait3A_162 = arith.constant 3 : i32
        %dma_wait3A_163 = arith.constant 384 : i32
        %dma_wait3A_164 = arith.constant 0 : i32
        %dma_wait3A_165 = tpu.memref_slice %arg14[%dma_wait3A_163, %dma_wait3A_164] : memref<1024x16xf32, #tpu.memory_space<vmem>> -> memref<128x16xf32, #tpu.memory_space<vmem>>
        %dma_wait3A_166 = arith.constant 0 : i32
        %dma_wait3A_167 = tpu.memref_slice %arg11[%dma_wait3A_162, %dma_wait3A_166] : memref<8x128xi32, #tpu.memory_space<vmem>> -> memref<1x128xi32, #tpu.memory_space<vmem>>
        %dma_wait3A_168 = tpu.memref_squeeze %dma_wait3A_167 : memref<1x128xi32, #tpu.memory_space<vmem>> -> memref<128xi32, #tpu.memory_space<vmem>>
        %dma_wait3A_169 = arith.constant 0 : i32
        %dma_wait3A_170 = arith.constant 0 : i32
        %dma_wait3A_171 = tpu.memref_slice %arg5[%dma_wait3A_169, %dma_wait3A_170] : memref<32x16xf32, #tpu.memory_space<hbm>> -> memref<32x16xf32, #tpu.memory_space<hbm>>
        tpu.wait_indirect_dma semaphore(%arg15 : memref<!tpu.dma_semaphore, #tpu.memory_space<semaphore_mem>>) src(%dma_wait3A_171 : memref<32x16xf32, #tpu.memory_space<hbm>>) dst(%dma_wait3A_165 : memref<128x16xf32, #tpu.memory_space<vmem>>)
        %dma_wait3A_172 = arith.constant 4 : i32
        %dma_wait3A_173 = arith.constant 512 : i32
        %dma_wait3A_174 = arith.constant 0 : i32
        %dma_wait3A_175 = tpu.memref_slice %arg14[%dma_wait3A_173, %dma_wait3A_174] : memref<1024x16xf32, #tpu.memory_space<vmem>> -> memref<128x16xf32, #tpu.memory_space<vmem>>
        %dma_wait3A_176 = arith.constant 0 : i32
        %dma_wait3A_177 = tpu.memref_slice %arg11[%dma_wait3A_172, %dma_wait3A_176] : memref<8x128xi32, #tpu.memory_space<vmem>> -> memref<1x128xi32, #tpu.memory_space<vmem>>
        %dma_wait3A_178 = tpu.memref_squeeze %dma_wait3A_177 : memref<1x128xi32, #tpu.memory_space<vmem>> -> memref<128xi32, #tpu.memory_space<vmem>>
        %dma_wait3A_179 = arith.constant 0 : i32
        %dma_wait3A_180 = arith.constant 0 : i32
        %dma_wait3A_181 = tpu.memref_slice %arg5[%dma_wait3A_179, %dma_wait3A_180] : memref<32x16xf32, #tpu.memory_space<hbm>> -> memref<32x16xf32, #tpu.memory_space<hbm>>
        tpu.wait_indirect_dma semaphore(%arg15 : memref<!tpu.dma_semaphore, #tpu.memory_space<semaphore_mem>>) src(%dma_wait3A_181 : memref<32x16xf32, #tpu.memory_space<hbm>>) dst(%dma_wait3A_175 : memref<128x16xf32, #tpu.memory_space<vmem>>)
        %dma_wait3A_182 = arith.constant 5 : i32
        %dma_wait3A_183 = arith.constant 640 : i32
        %dma_wait3A_184 = arith.constant 0 : i32
        %dma_wait3A_185 = tpu.memref_slice %arg14[%dma_wait3A_183, %dma_wait3A_184] : memref<1024x16xf32, #tpu.memory_space<vmem>> -> memref<128x16xf32, #tpu.memory_space<vmem>>
        %dma_wait3A_186 = arith.constant 0 : i32
        %dma_wait3A_187 = tpu.memref_slice %arg11[%dma_wait3A_182, %dma_wait3A_186] : memref<8x128xi32, #tpu.memory_space<vmem>> -> memref<1x128xi32, #tpu.memory_space<vmem>>
        %dma_wait3A_188 = tpu.memref_squeeze %dma_wait3A_187 : memref<1x128xi32, #tpu.memory_space<vmem>> -> memref<128xi32, #tpu.memory_space<vmem>>
        %dma_wait3A_189 = arith.constant 0 : i32
        %dma_wait3A_190 = arith.constant 0 : i32
        %dma_wait3A_191 = tpu.memref_slice %arg5[%dma_wait3A_189, %dma_wait3A_190] : memref<32x16xf32, #tpu.memory_space<hbm>> -> memref<32x16xf32, #tpu.memory_space<hbm>>
        tpu.wait_indirect_dma semaphore(%arg15 : memref<!tpu.dma_semaphore, #tpu.memory_space<semaphore_mem>>) src(%dma_wait3A_191 : memref<32x16xf32, #tpu.memory_space<hbm>>) dst(%dma_wait3A_185 : memref<128x16xf32, #tpu.memory_space<vmem>>)
        %dma_wait3A_192 = arith.constant 6 : i32
        %dma_wait3A_193 = arith.constant 768 : i32
        %dma_wait3A_194 = arith.constant 0 : i32
        %dma_wait3A_195 = tpu.memref_slice %arg14[%dma_wait3A_193, %dma_wait3A_194] : memref<1024x16xf32, #tpu.memory_space<vmem>> -> memref<128x16xf32, #tpu.memory_space<vmem>>
        %dma_wait3A_196 = arith.constant 0 : i32
        %dma_wait3A_197 = tpu.memref_slice %arg11[%dma_wait3A_192, %dma_wait3A_196] : memref<8x128xi32, #tpu.memory_space<vmem>> -> memref<1x128xi32, #tpu.memory_space<vmem>>
        %dma_wait3A_198 = tpu.memref_squeeze %dma_wait3A_197 : memref<1x128xi32, #tpu.memory_space<vmem>> -> memref<128xi32, #tpu.memory_space<vmem>>
        %dma_wait3A_199 = arith.constant 0 : i32
        %dma_wait3A_200 = arith.constant 0 : i32
        %dma_wait3A_201 = tpu.memref_slice %arg5[%dma_wait3A_199, %dma_wait3A_200] : memref<32x16xf32, #tpu.memory_space<hbm>> -> memref<32x16xf32, #tpu.memory_space<hbm>>
        tpu.wait_indirect_dma semaphore(%arg15 : memref<!tpu.dma_semaphore, #tpu.memory_space<semaphore_mem>>) src(%dma_wait3A_201 : memref<32x16xf32, #tpu.memory_space<hbm>>) dst(%dma_wait3A_195 : memref<128x16xf32, #tpu.memory_space<vmem>>)
        %dma_wait3A_202 = arith.constant 7 : i32
        %dma_wait3A_203 = arith.constant 896 : i32
        %dma_wait3A_204 = arith.constant 0 : i32
        %dma_wait3A_205 = tpu.memref_slice %arg14[%dma_wait3A_203, %dma_wait3A_204] : memref<1024x16xf32, #tpu.memory_space<vmem>> -> memref<128x16xf32, #tpu.memory_space<vmem>>
        %dma_wait3A_206 = arith.constant 0 : i32
        %dma_wait3A_207 = tpu.memref_slice %arg11[%dma_wait3A_202, %dma_wait3A_206] : memref<8x128xi32, #tpu.memory_space<vmem>> -> memref<1x128xi32, #tpu.memory_space<vmem>>
        %dma_wait3A_208 = tpu.memref_squeeze %dma_wait3A_207 : memref<1x128xi32, #tpu.memory_space<vmem>> -> memref<128xi32, #tpu.memory_space<vmem>>
        %dma_wait3A_209 = arith.constant 0 : i32
        %dma_wait3A_210 = arith.constant 0 : i32
        %dma_wait3A_211 = tpu.memref_slice %arg5[%dma_wait3A_209, %dma_wait3A_210] : memref<32x16xf32, #tpu.memory_space<hbm>> -> memref<32x16xf32, #tpu.memory_space<hbm>>
        tpu.wait_indirect_dma semaphore(%arg15 : memref<!tpu.dma_semaphore, #tpu.memory_space<semaphore_mem>>) src(%dma_wait3A_211 : memref<32x16xf32, #tpu.memory_space<hbm>>) dst(%dma_wait3A_205 : memref<128x16xf32, #tpu.memory_space<vmem>>)
        %scan3A_212 = arith.constant 0 : i32
        %scan3A_213 = arith.constant 1024 : i32
        %scan3A_214 = arith.addi %scan3A_212, %scan3A_213 : i32
        %scan3A_215 = arith.constant 1 : i32
        scf.for %scan3A_226 = %scan3A_212 to %scan3A_214 step %scan3A_215  : i32 {
          %get3A = arith.index_cast %scan3A_226 : i32 to index
          %get3A_227 = arith.constant 0 : index
          %get3A_228 = tpu.vector_load %arg14[%get3A, %get3A_227] {strides = array<i32>} : memref<1024x16xf32, #tpu.memory_space<vmem>>, vector<1x16xf32>,
          %get3A_229 = vector.shape_cast %get3A_228 : vector<1x16xf32> to vector<16xf32>
          %max3A = arith.constant 0.000000e+00 : f32
          %max3A_230 = vector.broadcast %max3A : f32 to vector<16xf32>
          %max3A_231 = arith.maximumf %get3A_229, %max3A_230 : vector<16xf32>
          %swap3A = arith.index_cast %scan3A_226 : i32 to index
          %swap3A_232 = arith.constant 0 : index
          %swap3A_233 = tpu.vector_load %arg14[%swap3A, %swap3A_232] {strides = array<i32>} : memref<1024x16xf32, #tpu.memory_space<vmem>>, vector<1x16xf32>,
          %swap3A_234 = vector.shape_cast %swap3A_233 : vector<1x16xf32> to vector<16xf32>
          %swap3A_235 = vector.shape_cast %max3A_231 : vector<16xf32> to vector<1x16xf32>
          tpu.vector_store %arg14[%swap3A, %swap3A_232], %swap3A_235 {strides = array<i32>} : memref<1024x16xf32, #tpu.memory_space<vmem>>, vector<1x16xf32>,
        }
        %scan3A_216 = arith.constant 1024 : i32
        %mul3A_217 = arith.constant 32 : i32
        %mul3A_218 = arith.muli %add3A, %mul3A_217 : i32
        %mul3A_219 = arith.constant 128 : i32
        %mul3A_220 = arith.muli %mul3A_218, %mul3A_219 : i32
        %mul3A_221 = arith.constant 8 : i32
        %mul3A_222 = arith.muli %scan3A_48, %mul3A_221 : i32
        %mul3A_223 = arith.constant 128 : i32
        %mul3A_224 = arith.muli %mul3A_222, %mul3A_223 : i32
        %add3A_225 = arith.addi %mul3A_220, %mul3A_224 : i32
        "tpu.region"() ({
          %run_scoped3A = tpu.sem_alloc : memref<!tpu.dma_semaphore, #tpu.memory_space<semaphore_mem>>
          %dma_start3A_226 = arith.constant 0 : i32
          %dma_start3A_227 = tpu.memref_slice %arg8[%add3A_225, %dma_start3A_226] : memref<102400x16xf32, #tpu.memory_space<hbm>> -> memref<1024x16xf32, #tpu.memory_space<hbm>>
          %dma_start3A_228 = arith.constant 0 : i32
          %dma_start3A_229 = tpu.memref_slice %arg8[%add3A_225, %dma_start3A_228] : memref<102400x16xf32, #tpu.memory_space<hbm>> -> memref<1024x16xf32, #tpu.memory_space<hbm>>
          tpu.enqueue_dma source(%arg14 : memref<1024x16xf32, #tpu.memory_space<vmem>>) target(%dma_start3A_229 : memref<1024x16xf32, #tpu.memory_space<hbm>>) target_semaphore(%run_scoped3A : memref<!tpu.dma_semaphore, #tpu.memory_space<semaphore_mem>>)
          %dma_wait3A_230 = arith.constant 0 : i32
          %dma_wait3A_231 = tpu.memref_slice %arg8[%add3A_225, %dma_wait3A_230] : memref<102400x16xf32, #tpu.memory_space<hbm>> -> memref<1024x16xf32, #tpu.memory_space<hbm>>
          %dma_wait3A_232 = arith.constant 0 : i32
          %dma_wait3A_233 = tpu.memref_slice %arg8[%add3A_225, %dma_wait3A_232] : memref<102400x16xf32, #tpu.memory_space<hbm>> -> memref<1024x16xf32, #tpu.memory_space<hbm>>
          tpu.wait_dma2 semaphore(%run_scoped3A : memref<!tpu.dma_semaphore, #tpu.memory_space<semaphore_mem>>) src(%arg14 : memref<1024x16xf32, #tpu.memory_space<vmem>>) dst(%dma_wait3A_233 : memref<1024x16xf32, #tpu.memory_space<hbm>>)
          tpu.yield
        }) : () -> ()
      }
      %scan3A_47 = arith.constant 4 : i32
    } else {
    }
    %mul3A_21 = arith.constant 392 : i32
    %mul3A_22 = arith.muli %add3A, %mul3A_21 : i32
    %scan3A_23 = arith.constant 0 : i32
    %scan3A_24 = arith.constant 49 : i32
    %scan3A_25 = arith.addi %scan3A_23, %scan3A_24 : i32
    %scan3A_26 = arith.constant 1 : i32
    scf.for %scan3A_43 = %scan3A_23 to %scan3A_25 step %scan3A_26  : i32 {
      %mul3A_44 = arith.constant 8 : i32
      %mul3A_45 = arith.muli %scan3A_43, %mul3A_44 : i32
      %add3A_46 = arith.addi %mul3A_22, %mul3A_45 : i32
      "tpu.region"() ({
        %run_scoped3A_54 = tpu.sem_alloc : memref<!tpu.dma_semaphore, #tpu.memory_space<semaphore_mem>>
        %dma_start3A = arith.constant 0 : i32
        %dma_start3A_55 = tpu.memref_slice %arg2[%add3A_46, %dma_start3A] : memref<12544x128xi32, #tpu.memory_space<hbm>> -> memref<8x128xi32, #tpu.memory_space<hbm>>
        %dma_start3A_56 = arith.constant 0 : i32
        %dma_start3A_57 = tpu.memref_slice %arg2[%add3A_46, %dma_start3A_56] : memref<12544x128xi32, #tpu.memory_space<hbm>> -> memref<8x128xi32, #tpu.memory_space<hbm>>
        tpu.enqueue_dma source(%dma_start3A_57 : memref<8x128xi32, #tpu.memory_space<hbm>>) target(%arg11 : memref<8x128xi32, #tpu.memory_space<vmem>>) target_semaphore(%run_scoped3A_54 : memref<!tpu.dma_semaphore, #tpu.memory_space<semaphore_mem>>)
        %dma_wait3A = arith.constant 0 : i32
        %dma_wait3A_58 = tpu.memref_slice %arg2[%add3A_46, %dma_wait3A] : memref<12544x128xi32, #tpu.memory_space<hbm>> -> memref<8x128xi32, #tpu.memory_space<hbm>>
        %dma_wait3A_59 = arith.constant 0 : i32
        %dma_wait3A_60 = tpu.memref_slice %arg2[%add3A_46, %dma_wait3A_59] : memref<12544x128xi32, #tpu.memory_space<hbm>> -> memref<8x128xi32, #tpu.memory_space<hbm>>
        tpu.wait_dma2 semaphore(%run_scoped3A_54 : memref<!tpu.dma_semaphore, #tpu.memory_space<semaphore_mem>>) src(%dma_wait3A_60 : memref<8x128xi32, #tpu.memory_space<hbm>>) dst(%arg11 : memref<8x128xi32, #tpu.memory_space<vmem>>)
        tpu.yield
      }) : () -> ()
      %run_scoped3A = arith.constant 0 : i32
      "tpu.region"() ({
        %run_scoped3A_54 = tpu.sem_alloc : memref<!tpu.dma_semaphore, #tpu.memory_space<semaphore_mem>>
        %dma_start3A = arith.constant 0 : i32
        %dma_start3A_55 = tpu.memref_slice %arg11[%run_scoped3A, %dma_start3A] : memref<8x128xi32, #tpu.memory_space<vmem>> -> memref<1x128xi32, #tpu.memory_space<vmem>>
        %dma_start3A_56 = tpu.memref_squeeze %dma_start3A_55 : memref<1x128xi32, #tpu.memory_space<vmem>> -> memref<128xi32, #tpu.memory_space<vmem>>
        %dma_start3A_57 = arith.constant 0 : i32
        %dma_start3A_58 = arith.constant 0 : i32
        %dma_start3A_59 = tpu.memref_slice %arg9[%dma_start3A_57, %dma_start3A_58] : memref<102400x16xf32, #tpu.memory_space<vmem_shared>> -> memref<102400x16xf32, #tpu.memory_space<vmem_shared>>
        tpu.enqueue_indirect_dma source(%arg12 : memref<128x16xf32, #tpu.memory_space<vmem>>) target(%dma_start3A_59 : memref<102400x16xf32, #tpu.memory_space<vmem_shared>>) offsets(%dma_start3A_56 : memref<128xi32, #tpu.memory_space<vmem>>) semaphore(%run_scoped3A_54 : memref<!tpu.dma_semaphore, #tpu.memory_space<semaphore_mem>>) {add = true}
        %dma_wait3A = arith.constant 0 : i32
        %dma_wait3A_60 = tpu.memref_slice %arg11[%run_scoped3A, %dma_wait3A] : memref<8x128xi32, #tpu.memory_space<vmem>> -> memref<1x128xi32, #tpu.memory_space<vmem>>
        %dma_wait3A_61 = tpu.memref_squeeze %dma_wait3A_60 : memref<1x128xi32, #tpu.memory_space<vmem>> -> memref<128xi32, #tpu.memory_space<vmem>>
        %dma_wait3A_62 = arith.constant 0 : i32
        %dma_wait3A_63 = arith.constant 0 : i32
        %dma_wait3A_64 = tpu.memref_slice %arg9[%dma_wait3A_62, %dma_wait3A_63] : memref<102400x16xf32, #tpu.memory_space<vmem_shared>> -> memref<102400x16xf32, #tpu.memory_space<vmem_shared>>
        tpu.wait_indirect_dma semaphore(%run_scoped3A_54 : memref<!tpu.dma_semaphore, #tpu.memory_space<semaphore_mem>>) src(%arg12 : memref<128x16xf32, #tpu.memory_space<vmem>>) dst(%dma_wait3A_64 : memref<102400x16xf32, #tpu.memory_space<vmem_shared>>)
        tpu.yield
      }) : () -> ()
      %run_scoped3A_47 = arith.constant 1 : i32
      "tpu.region"() ({
        %run_scoped3A_54 = tpu.sem_alloc : memref<!tpu.dma_semaphore, #tpu.memory_space<semaphore_mem>>
        %dma_start3A = arith.constant 0 : i32
        %dma_start3A_55 = tpu.memref_slice %arg11[%run_scoped3A_47, %dma_start3A] : memref<8x128xi32, #tpu.memory_space<vmem>> -> memref<1x128xi32, #tpu.memory_space<vmem>>
        %dma_start3A_56 = tpu.memref_squeeze %dma_start3A_55 : memref<1x128xi32, #tpu.memory_space<vmem>> -> memref<128xi32, #tpu.memory_space<vmem>>
        %dma_start3A_57 = arith.constant 0 : i32
        %dma_start3A_58 = arith.constant 0 : i32
        %dma_start3A_59 = tpu.memref_slice %arg9[%dma_start3A_57, %dma_start3A_58] : memref<102400x16xf32, #tpu.memory_space<vmem_shared>> -> memref<102400x16xf32, #tpu.memory_space<vmem_shared>>
        tpu.enqueue_indirect_dma source(%arg12 : memref<128x16xf32, #tpu.memory_space<vmem>>) target(%dma_start3A_59 : memref<102400x16xf32, #tpu.memory_space<vmem_shared>>) offsets(%dma_start3A_56 : memref<128xi32, #tpu.memory_space<vmem>>) semaphore(%run_scoped3A_54 : memref<!tpu.dma_semaphore, #tpu.memory_space<semaphore_mem>>) {add = true}
        %dma_wait3A = arith.constant 0 : i32
        %dma_wait3A_60 = tpu.memref_slice %arg11[%run_scoped3A_47, %dma_wait3A] : memref<8x128xi32, #tpu.memory_space<vmem>> -> memref<1x128xi32, #tpu.memory_space<vmem>>
        %dma_wait3A_61 = tpu.memref_squeeze %dma_wait3A_60 : memref<1x128xi32, #tpu.memory_space<vmem>> -> memref<128xi32, #tpu.memory_space<vmem>>
        %dma_wait3A_62 = arith.constant 0 : i32
        %dma_wait3A_63 = arith.constant 0 : i32
        %dma_wait3A_64 = tpu.memref_slice %arg9[%dma_wait3A_62, %dma_wait3A_63] : memref<102400x16xf32, #tpu.memory_space<vmem_shared>> -> memref<102400x16xf32, #tpu.memory_space<vmem_shared>>
        tpu.wait_indirect_dma semaphore(%run_scoped3A_54 : memref<!tpu.dma_semaphore, #tpu.memory_space<semaphore_mem>>) src(%arg12 : memref<128x16xf32, #tpu.memory_space<vmem>>) dst(%dma_wait3A_64 : memref<102400x16xf32, #tpu.memory_space<vmem_shared>>)
        tpu.yield
      }) : () -> ()
      %run_scoped3A_48 = arith.constant 2 : i32
      "tpu.region"() ({
        %run_scoped3A_54 = tpu.sem_alloc : memref<!tpu.dma_semaphore, #tpu.memory_space<semaphore_mem>>
        %dma_start3A = arith.constant 0 : i32
        %dma_start3A_55 = tpu.memref_slice %arg11[%run_scoped3A_48, %dma_start3A] : memref<8x128xi32, #tpu.memory_space<vmem>> -> memref<1x128xi32, #tpu.memory_space<vmem>>
        %dma_start3A_56 = tpu.memref_squeeze %dma_start3A_55 : memref<1x128xi32, #tpu.memory_space<vmem>> -> memref<128xi32, #tpu.memory_space<vmem>>
        %dma_start3A_57 = arith.constant 0 : i32
        %dma_start3A_58 = arith.constant 0 : i32
        %dma_start3A_59 = tpu.memref_slice %arg9[%dma_start3A_57, %dma_start3A_58] : memref<102400x16xf32, #tpu.memory_space<vmem_shared>> -> memref<102400x16xf32, #tpu.memory_space<vmem_shared>>
        tpu.enqueue_indirect_dma source(%arg12 : memref<128x16xf32, #tpu.memory_space<vmem>>) target(%dma_start3A_59 : memref<102400x16xf32, #tpu.memory_space<vmem_shared>>) offsets(%dma_start3A_56 : memref<128xi32, #tpu.memory_space<vmem>>) semaphore(%run_scoped3A_54 : memref<!tpu.dma_semaphore, #tpu.memory_space<semaphore_mem>>) {add = true}
        %dma_wait3A = arith.constant 0 : i32
        %dma_wait3A_60 = tpu.memref_slice %arg11[%run_scoped3A_48, %dma_wait3A] : memref<8x128xi32, #tpu.memory_space<vmem>> -> memref<1x128xi32, #tpu.memory_space<vmem>>
        %dma_wait3A_61 = tpu.memref_squeeze %dma_wait3A_60 : memref<1x128xi32, #tpu.memory_space<vmem>> -> memref<128xi32, #tpu.memory_space<vmem>>
        %dma_wait3A_62 = arith.constant 0 : i32
        %dma_wait3A_63 = arith.constant 0 : i32
        %dma_wait3A_64 = tpu.memref_slice %arg9[%dma_wait3A_62, %dma_wait3A_63] : memref<102400x16xf32, #tpu.memory_space<vmem_shared>> -> memref<102400x16xf32, #tpu.memory_space<vmem_shared>>
        tpu.wait_indirect_dma semaphore(%run_scoped3A_54 : memref<!tpu.dma_semaphore, #tpu.memory_space<semaphore_mem>>) src(%arg12 : memref<128x16xf32, #tpu.memory_space<vmem>>) dst(%dma_wait3A_64 : memref<102400x16xf32, #tpu.memory_space<vmem_shared>>)
        tpu.yield
      }) : () -> ()
      %run_scoped3A_49 = arith.constant 3 : i32
      "tpu.region"() ({
        %run_scoped3A_54 = tpu.sem_alloc : memref<!tpu.dma_semaphore, #tpu.memory_space<semaphore_mem>>
        %dma_start3A = arith.constant 0 : i32
        %dma_start3A_55 = tpu.memref_slice %arg11[%run_scoped3A_49, %dma_start3A] : memref<8x128xi32, #tpu.memory_space<vmem>> -> memref<1x128xi32, #tpu.memory_space<vmem>>
        %dma_start3A_56 = tpu.memref_squeeze %dma_start3A_55 : memref<1x128xi32, #tpu.memory_space<vmem>> -> memref<128xi32, #tpu.memory_space<vmem>>
        %dma_start3A_57 = arith.constant 0 : i32
        %dma_start3A_58 = arith.constant 0 : i32
        %dma_start3A_59 = tpu.memref_slice %arg9[%dma_start3A_57, %dma_start3A_58] : memref<102400x16xf32, #tpu.memory_space<vmem_shared>> -> memref<102400x16xf32, #tpu.memory_space<vmem_shared>>
        tpu.enqueue_indirect_dma source(%arg12 : memref<128x16xf32, #tpu.memory_space<vmem>>) target(%dma_start3A_59 : memref<102400x16xf32, #tpu.memory_space<vmem_shared>>) offsets(%dma_start3A_56 : memref<128xi32, #tpu.memory_space<vmem>>) semaphore(%run_scoped3A_54 : memref<!tpu.dma_semaphore, #tpu.memory_space<semaphore_mem>>) {add = true}
        %dma_wait3A = arith.constant 0 : i32
        %dma_wait3A_60 = tpu.memref_slice %arg11[%run_scoped3A_49, %dma_wait3A] : memref<8x128xi32, #tpu.memory_space<vmem>> -> memref<1x128xi32, #tpu.memory_space<vmem>>
        %dma_wait3A_61 = tpu.memref_squeeze %dma_wait3A_60 : memref<1x128xi32, #tpu.memory_space<vmem>> -> memref<128xi32, #tpu.memory_space<vmem>>
        %dma_wait3A_62 = arith.constant 0 : i32
        %dma_wait3A_63 = arith.constant 0 : i32
        %dma_wait3A_64 = tpu.memref_slice %arg9[%dma_wait3A_62, %dma_wait3A_63] : memref<102400x16xf32, #tpu.memory_space<vmem_shared>> -> memref<102400x16xf32, #tpu.memory_space<vmem_shared>>
        tpu.wait_indirect_dma semaphore(%run_scoped3A_54 : memref<!tpu.dma_semaphore, #tpu.memory_space<semaphore_mem>>) src(%arg12 : memref<128x16xf32, #tpu.memory_space<vmem>>) dst(%dma_wait3A_64 : memref<102400x16xf32, #tpu.memory_space<vmem_shared>>)
        tpu.yield
      }) : () -> ()
      %run_scoped3A_50 = arith.constant 4 : i32
      "tpu.region"() ({
        %run_scoped3A_54 = tpu.sem_alloc : memref<!tpu.dma_semaphore, #tpu.memory_space<semaphore_mem>>
        %dma_start3A = arith.constant 0 : i32
        %dma_start3A_55 = tpu.memref_slice %arg11[%run_scoped3A_50, %dma_start3A] : memref<8x128xi32, #tpu.memory_space<vmem>> -> memref<1x128xi32, #tpu.memory_space<vmem>>
        %dma_start3A_56 = tpu.memref_squeeze %dma_start3A_55 : memref<1x128xi32, #tpu.memory_space<vmem>> -> memref<128xi32, #tpu.memory_space<vmem>>
        %dma_start3A_57 = arith.constant 0 : i32
        %dma_start3A_58 = arith.constant 0 : i32
        %dma_start3A_59 = tpu.memref_slice %arg9[%dma_start3A_57, %dma_start3A_58] : memref<102400x16xf32, #tpu.memory_space<vmem_shared>> -> memref<102400x16xf32, #tpu.memory_space<vmem_shared>>
        tpu.enqueue_indirect_dma source(%arg12 : memref<128x16xf32, #tpu.memory_space<vmem>>) target(%dma_start3A_59 : memref<102400x16xf32, #tpu.memory_space<vmem_shared>>) offsets(%dma_start3A_56 : memref<128xi32, #tpu.memory_space<vmem>>) semaphore(%run_scoped3A_54 : memref<!tpu.dma_semaphore, #tpu.memory_space<semaphore_mem>>) {add = true}
        %dma_wait3A = arith.constant 0 : i32
        %dma_wait3A_60 = tpu.memref_slice %arg11[%run_scoped3A_50, %dma_wait3A] : memref<8x128xi32, #tpu.memory_space<vmem>> -> memref<1x128xi32, #tpu.memory_space<vmem>>
        %dma_wait3A_61 = tpu.memref_squeeze %dma_wait3A_60 : memref<1x128xi32, #tpu.memory_space<vmem>> -> memref<128xi32, #tpu.memory_space<vmem>>
        %dma_wait3A_62 = arith.constant 0 : i32
        %dma_wait3A_63 = arith.constant 0 : i32
        %dma_wait3A_64 = tpu.memref_slice %arg9[%dma_wait3A_62, %dma_wait3A_63] : memref<102400x16xf32, #tpu.memory_space<vmem_shared>> -> memref<102400x16xf32, #tpu.memory_space<vmem_shared>>
        tpu.wait_indirect_dma semaphore(%run_scoped3A_54 : memref<!tpu.dma_semaphore, #tpu.memory_space<semaphore_mem>>) src(%arg12 : memref<128x16xf32, #tpu.memory_space<vmem>>) dst(%dma_wait3A_64 : memref<102400x16xf32, #tpu.memory_space<vmem_shared>>)
        tpu.yield
      }) : () -> ()
      %run_scoped3A_51 = arith.constant 5 : i32
      "tpu.region"() ({
        %run_scoped3A_54 = tpu.sem_alloc : memref<!tpu.dma_semaphore, #tpu.memory_space<semaphore_mem>>
        %dma_start3A = arith.constant 0 : i32
        %dma_start3A_55 = tpu.memref_slice %arg11[%run_scoped3A_51, %dma_start3A] : memref<8x128xi32, #tpu.memory_space<vmem>> -> memref<1x128xi32, #tpu.memory_space<vmem>>
        %dma_start3A_56 = tpu.memref_squeeze %dma_start3A_55 : memref<1x128xi32, #tpu.memory_space<vmem>> -> memref<128xi32, #tpu.memory_space<vmem>>
        %dma_start3A_57 = arith.constant 0 : i32
        %dma_start3A_58 = arith.constant 0 : i32
        %dma_start3A_59 = tpu.memref_slice %arg9[%dma_start3A_57, %dma_start3A_58] : memref<102400x16xf32, #tpu.memory_space<vmem_shared>> -> memref<102400x16xf32, #tpu.memory_space<vmem_shared>>
        tpu.enqueue_indirect_dma source(%arg12 : memref<128x16xf32, #tpu.memory_space<vmem>>) target(%dma_start3A_59 : memref<102400x16xf32, #tpu.memory_space<vmem_shared>>) offsets(%dma_start3A_56 : memref<128xi32, #tpu.memory_space<vmem>>) semaphore(%run_scoped3A_54 : memref<!tpu.dma_semaphore, #tpu.memory_space<semaphore_mem>>) {add = true}
        %dma_wait3A = arith.constant 0 : i32
        %dma_wait3A_60 = tpu.memref_slice %arg11[%run_scoped3A_51, %dma_wait3A] : memref<8x128xi32, #tpu.memory_space<vmem>> -> memref<1x128xi32, #tpu.memory_space<vmem>>
        %dma_wait3A_61 = tpu.memref_squeeze %dma_wait3A_60 : memref<1x128xi32, #tpu.memory_space<vmem>> -> memref<128xi32, #tpu.memory_space<vmem>>
        %dma_wait3A_62 = arith.constant 0 : i32
        %dma_wait3A_63 = arith.constant 0 : i32
        %dma_wait3A_64 = tpu.memref_slice %arg9[%dma_wait3A_62, %dma_wait3A_63] : memref<102400x16xf32, #tpu.memory_space<vmem_shared>> -> memref<102400x16xf32, #tpu.memory_space<vmem_shared>>
        tpu.wait_indirect_dma semaphore(%run_scoped3A_54 : memref<!tpu.dma_semaphore, #tpu.memory_space<semaphore_mem>>) src(%arg12 : memref<128x16xf32, #tpu.memory_space<vmem>>) dst(%dma_wait3A_64 : memref<102400x16xf32, #tpu.memory_space<vmem_shared>>)
        tpu.yield
      }) : () -> ()
      %run_scoped3A_52 = arith.constant 6 : i32
      "tpu.region"() ({
        %run_scoped3A_54 = tpu.sem_alloc : memref<!tpu.dma_semaphore, #tpu.memory_space<semaphore_mem>>
        %dma_start3A = arith.constant 0 : i32
        %dma_start3A_55 = tpu.memref_slice %arg11[%run_scoped3A_52, %dma_start3A] : memref<8x128xi32, #tpu.memory_space<vmem>> -> memref<1x128xi32, #tpu.memory_space<vmem>>
        %dma_start3A_56 = tpu.memref_squeeze %dma_start3A_55 : memref<1x128xi32, #tpu.memory_space<vmem>> -> memref<128xi32, #tpu.memory_space<vmem>>
        %dma_start3A_57 = arith.constant 0 : i32
        %dma_start3A_58 = arith.constant 0 : i32
        %dma_start3A_59 = tpu.memref_slice %arg9[%dma_start3A_57, %dma_start3A_58] : memref<102400x16xf32, #tpu.memory_space<vmem_shared>> -> memref<102400x16xf32, #tpu.memory_space<vmem_shared>>
        tpu.enqueue_indirect_dma source(%arg12 : memref<128x16xf32, #tpu.memory_space<vmem>>) target(%dma_start3A_59 : memref<102400x16xf32, #tpu.memory_space<vmem_shared>>) offsets(%dma_start3A_56 : memref<128xi32, #tpu.memory_space<vmem>>) semaphore(%run_scoped3A_54 : memref<!tpu.dma_semaphore, #tpu.memory_space<semaphore_mem>>) {add = true}
        %dma_wait3A = arith.constant 0 : i32
        %dma_wait3A_60 = tpu.memref_slice %arg11[%run_scoped3A_52, %dma_wait3A] : memref<8x128xi32, #tpu.memory_space<vmem>> -> memref<1x128xi32, #tpu.memory_space<vmem>>
        %dma_wait3A_61 = tpu.memref_squeeze %dma_wait3A_60 : memref<1x128xi32, #tpu.memory_space<vmem>> -> memref<128xi32, #tpu.memory_space<vmem>>
        %dma_wait3A_62 = arith.constant 0 : i32
        %dma_wait3A_63 = arith.constant 0 : i32
        %dma_wait3A_64 = tpu.memref_slice %arg9[%dma_wait3A_62, %dma_wait3A_63] : memref<102400x16xf32, #tpu.memory_space<vmem_shared>> -> memref<102400x16xf32, #tpu.memory_space<vmem_shared>>
        tpu.wait_indirect_dma semaphore(%run_scoped3A_54 : memref<!tpu.dma_semaphore, #tpu.memory_space<semaphore_mem>>) src(%arg12 : memref<128x16xf32, #tpu.memory_space<vmem>>) dst(%dma_wait3A_64 : memref<102400x16xf32, #tpu.memory_space<vmem_shared>>)
        tpu.yield
      }) : () -> ()
      %run_scoped3A_53 = arith.constant 7 : i32
      "tpu.region"() ({
        %run_scoped3A_54 = tpu.sem_alloc : memref<!tpu.dma_semaphore, #tpu.memory_space<semaphore_mem>>
        %dma_start3A = arith.constant 0 : i32
        %dma_start3A_55 = tpu.memref_slice %arg11[%run_scoped3A_53, %dma_start3A] : memref<8x128xi32, #tpu.memory_space<vmem>> -> memref<1x128xi32, #tpu.memory_space<vmem>>
        %dma_start3A_56 = tpu.memref_squeeze %dma_start3A_55 : memref<1x128xi32, #tpu.memory_space<vmem>> -> memref<128xi32, #tpu.memory_space<vmem>>
        %dma_start3A_57 = arith.constant 0 : i32
        %dma_start3A_58 = arith.constant 0 : i32
        %dma_start3A_59 = tpu.memref_slice %arg9[%dma_start3A_57, %dma_start3A_58] : memref<102400x16xf32, #tpu.memory_space<vmem_shared>> -> memref<102400x16xf32, #tpu.memory_space<vmem_shared>>
        tpu.enqueue_indirect_dma source(%arg12 : memref<128x16xf32, #tpu.memory_space<vmem>>) target(%dma_start3A_59 : memref<102400x16xf32, #tpu.memory_space<vmem_shared>>) offsets(%dma_start3A_56 : memref<128xi32, #tpu.memory_space<vmem>>) semaphore(%run_scoped3A_54 : memref<!tpu.dma_semaphore, #tpu.memory_space<semaphore_mem>>) {add = true}
        %dma_wait3A = arith.constant 0 : i32
        %dma_wait3A_60 = tpu.memref_slice %arg11[%run_scoped3A_53, %dma_wait3A] : memref<8x128xi32, #tpu.memory_space<vmem>> -> memref<1x128xi32, #tpu.memory_space<vmem>>
        %dma_wait3A_61 = tpu.memref_squeeze %dma_wait3A_60 : memref<1x128xi32, #tpu.memory_space<vmem>> -> memref<128xi32, #tpu.memory_space<vmem>>
        %dma_wait3A_62 = arith.constant 0 : i32
        %dma_wait3A_63 = arith.constant 0 : i32
        %dma_wait3A_64 = tpu.memref_slice %arg9[%dma_wait3A_62, %dma_wait3A_63] : memref<102400x16xf32, #tpu.memory_space<vmem_shared>> -> memref<102400x16xf32, #tpu.memory_space<vmem_shared>>
        tpu.wait_indirect_dma semaphore(%run_scoped3A_54 : memref<!tpu.dma_semaphore, #tpu.memory_space<semaphore_mem>>) src(%arg12 : memref<128x16xf32, #tpu.memory_space<vmem>>) dst(%dma_wait3A_64 : memref<102400x16xf32, #tpu.memory_space<vmem_shared>>)
        tpu.yield
      }) : () -> ()
    }
    %scan3A_27 = arith.constant 49 : i32
    %lt3A_28 = arith.constant 25 : i32
    %lt3A_29 = arith.cmpi slt, %add3A, %lt3A_28 : i32
    %convert_element_type3A_30 = arith.extui %lt3A_29 : i1 to i32
    %cond3A_31 = arith.constant 0 : i32
    %cond3A_32 = arith.cmpi ne, %convert_element_type3A_30, %cond3A_31 : i32
    scf.if %cond3A_32 {
      %mul3A_43 = arith.constant 32 : i32
      %mul3A_44 = arith.muli %add3A, %mul3A_43 : i32
      %scan3A_45 = arith.constant 0 : i32
      %scan3A_46 = arith.constant 4 : i32
      %scan3A_47 = arith.addi %scan3A_45, %scan3A_46 : i32
      %scan3A_48 = arith.constant 1 : i32
      scf.for %scan3A_50 = %scan3A_45 to %scan3A_47 step %scan3A_48  : i32 {
        %mul3A_51 = arith.constant 8 : i32
        %mul3A_52 = arith.muli %scan3A_50, %mul3A_51 : i32
        %add3A_53 = arith.addi %mul3A_44, %mul3A_52 : i32
        "tpu.region"() ({
          %run_scoped3A_61 = tpu.sem_alloc : memref<!tpu.dma_semaphore, #tpu.memory_space<semaphore_mem>>
          %dma_start3A = arith.constant 0 : i32
          %dma_start3A_62 = tpu.memref_slice %arg3[%add3A_53, %dma_start3A] : memref<800x128xi32, #tpu.memory_space<hbm>> -> memref<8x128xi32, #tpu.memory_space<hbm>>
          %dma_start3A_63 = arith.constant 0 : i32
          %dma_start3A_64 = tpu.memref_slice %arg3[%add3A_53, %dma_start3A_63] : memref<800x128xi32, #tpu.memory_space<hbm>> -> memref<8x128xi32, #tpu.memory_space<hbm>>
          tpu.enqueue_dma source(%dma_start3A_64 : memref<8x128xi32, #tpu.memory_space<hbm>>) target(%arg11 : memref<8x128xi32, #tpu.memory_space<vmem>>) target_semaphore(%run_scoped3A_61 : memref<!tpu.dma_semaphore, #tpu.memory_space<semaphore_mem>>)
          %dma_wait3A = arith.constant 0 : i32
          %dma_wait3A_65 = tpu.memref_slice %arg3[%add3A_53, %dma_wait3A] : memref<800x128xi32, #tpu.memory_space<hbm>> -> memref<8x128xi32, #tpu.memory_space<hbm>>
          %dma_wait3A_66 = arith.constant 0 : i32
          %dma_wait3A_67 = tpu.memref_slice %arg3[%add3A_53, %dma_wait3A_66] : memref<800x128xi32, #tpu.memory_space<hbm>> -> memref<8x128xi32, #tpu.memory_space<hbm>>
          tpu.wait_dma2 semaphore(%run_scoped3A_61 : memref<!tpu.dma_semaphore, #tpu.memory_space<semaphore_mem>>) src(%dma_wait3A_67 : memref<8x128xi32, #tpu.memory_space<hbm>>) dst(%arg11 : memref<8x128xi32, #tpu.memory_space<vmem>>)
          tpu.yield
        }) : () -> ()
        %run_scoped3A = arith.constant 0 : i32
        "tpu.region"() ({
          %run_scoped3A_61 = tpu.sem_alloc : memref<!tpu.dma_semaphore, #tpu.memory_space<semaphore_mem>>
          %dma_start3A = arith.constant 0 : i32
          %dma_start3A_62 = tpu.memref_slice %arg11[%run_scoped3A, %dma_start3A] : memref<8x128xi32, #tpu.memory_space<vmem>> -> memref<1x128xi32, #tpu.memory_space<vmem>>
          %dma_start3A_63 = tpu.memref_squeeze %dma_start3A_62 : memref<1x128xi32, #tpu.memory_space<vmem>> -> memref<128xi32, #tpu.memory_space<vmem>>
          %dma_start3A_64 = arith.constant 0 : i32
          %dma_start3A_65 = arith.constant 0 : i32
          %dma_start3A_66 = tpu.memref_slice %arg10[%dma_start3A_64, %dma_start3A_65] : memref<1024x16xf32, #tpu.memory_space<vmem_shared>> -> memref<1024x16xf32, #tpu.memory_space<vmem_shared>>
          tpu.enqueue_indirect_dma source(%arg12 : memref<128x16xf32, #tpu.memory_space<vmem>>) target(%dma_start3A_66 : memref<1024x16xf32, #tpu.memory_space<vmem_shared>>) offsets(%dma_start3A_63 : memref<128xi32, #tpu.memory_space<vmem>>) semaphore(%run_scoped3A_61 : memref<!tpu.dma_semaphore, #tpu.memory_space<semaphore_mem>>) {add = true}
          %dma_wait3A = arith.constant 0 : i32
          %dma_wait3A_67 = tpu.memref_slice %arg11[%run_scoped3A, %dma_wait3A] : memref<8x128xi32, #tpu.memory_space<vmem>> -> memref<1x128xi32, #tpu.memory_space<vmem>>
          %dma_wait3A_68 = tpu.memref_squeeze %dma_wait3A_67 : memref<1x128xi32, #tpu.memory_space<vmem>> -> memref<128xi32, #tpu.memory_space<vmem>>
          %dma_wait3A_69 = arith.constant 0 : i32
          %dma_wait3A_70 = arith.constant 0 : i32
          %dma_wait3A_71 = tpu.memref_slice %arg10[%dma_wait3A_69, %dma_wait3A_70] : memref<1024x16xf32, #tpu.memory_space<vmem_shared>> -> memref<1024x16xf32, #tpu.memory_space<vmem_shared>>
          tpu.wait_indirect_dma semaphore(%run_scoped3A_61 : memref<!tpu.dma_semaphore, #tpu.memory_space<semaphore_mem>>) src(%arg12 : memref<128x16xf32, #tpu.memory_space<vmem>>) dst(%dma_wait3A_71 : memref<1024x16xf32, #tpu.memory_space<vmem_shared>>)
          tpu.yield
        }) : () -> ()
        %run_scoped3A_54 = arith.constant 1 : i32
        "tpu.region"() ({
          %run_scoped3A_61 = tpu.sem_alloc : memref<!tpu.dma_semaphore, #tpu.memory_space<semaphore_mem>>
          %dma_start3A = arith.constant 0 : i32
          %dma_start3A_62 = tpu.memref_slice %arg11[%run_scoped3A_54, %dma_start3A] : memref<8x128xi32, #tpu.memory_space<vmem>> -> memref<1x128xi32, #tpu.memory_space<vmem>>
          %dma_start3A_63 = tpu.memref_squeeze %dma_start3A_62 : memref<1x128xi32, #tpu.memory_space<vmem>> -> memref<128xi32, #tpu.memory_space<vmem>>
          %dma_start3A_64 = arith.constant 0 : i32
          %dma_start3A_65 = arith.constant 0 : i32
          %dma_start3A_66 = tpu.memref_slice %arg10[%dma_start3A_64, %dma_start3A_65] : memref<1024x16xf32, #tpu.memory_space<vmem_shared>> -> memref<1024x16xf32, #tpu.memory_space<vmem_shared>>
          tpu.enqueue_indirect_dma source(%arg12 : memref<128x16xf32, #tpu.memory_space<vmem>>) target(%dma_start3A_66 : memref<1024x16xf32, #tpu.memory_space<vmem_shared>>) offsets(%dma_start3A_63 : memref<128xi32, #tpu.memory_space<vmem>>) semaphore(%run_scoped3A_61 : memref<!tpu.dma_semaphore, #tpu.memory_space<semaphore_mem>>) {add = true}
          %dma_wait3A = arith.constant 0 : i32
          %dma_wait3A_67 = tpu.memref_slice %arg11[%run_scoped3A_54, %dma_wait3A] : memref<8x128xi32, #tpu.memory_space<vmem>> -> memref<1x128xi32, #tpu.memory_space<vmem>>
          %dma_wait3A_68 = tpu.memref_squeeze %dma_wait3A_67 : memref<1x128xi32, #tpu.memory_space<vmem>> -> memref<128xi32, #tpu.memory_space<vmem>>
          %dma_wait3A_69 = arith.constant 0 : i32
          %dma_wait3A_70 = arith.constant 0 : i32
          %dma_wait3A_71 = tpu.memref_slice %arg10[%dma_wait3A_69, %dma_wait3A_70] : memref<1024x16xf32, #tpu.memory_space<vmem_shared>> -> memref<1024x16xf32, #tpu.memory_space<vmem_shared>>
          tpu.wait_indirect_dma semaphore(%run_scoped3A_61 : memref<!tpu.dma_semaphore, #tpu.memory_space<semaphore_mem>>) src(%arg12 : memref<128x16xf32, #tpu.memory_space<vmem>>) dst(%dma_wait3A_71 : memref<1024x16xf32, #tpu.memory_space<vmem_shared>>)
          tpu.yield
        }) : () -> ()
        %run_scoped3A_55 = arith.constant 2 : i32
        "tpu.region"() ({
          %run_scoped3A_61 = tpu.sem_alloc : memref<!tpu.dma_semaphore, #tpu.memory_space<semaphore_mem>>
          %dma_start3A = arith.constant 0 : i32
          %dma_start3A_62 = tpu.memref_slice %arg11[%run_scoped3A_55, %dma_start3A] : memref<8x128xi32, #tpu.memory_space<vmem>> -> memref<1x128xi32, #tpu.memory_space<vmem>>
          %dma_start3A_63 = tpu.memref_squeeze %dma_start3A_62 : memref<1x128xi32, #tpu.memory_space<vmem>> -> memref<128xi32, #tpu.memory_space<vmem>>
          %dma_start3A_64 = arith.constant 0 : i32
          %dma_start3A_65 = arith.constant 0 : i32
          %dma_start3A_66 = tpu.memref_slice %arg10[%dma_start3A_64, %dma_start3A_65] : memref<1024x16xf32, #tpu.memory_space<vmem_shared>> -> memref<1024x16xf32, #tpu.memory_space<vmem_shared>>
          tpu.enqueue_indirect_dma source(%arg12 : memref<128x16xf32, #tpu.memory_space<vmem>>) target(%dma_start3A_66 : memref<1024x16xf32, #tpu.memory_space<vmem_shared>>) offsets(%dma_start3A_63 : memref<128xi32, #tpu.memory_space<vmem>>) semaphore(%run_scoped3A_61 : memref<!tpu.dma_semaphore, #tpu.memory_space<semaphore_mem>>) {add = true}
          %dma_wait3A = arith.constant 0 : i32
          %dma_wait3A_67 = tpu.memref_slice %arg11[%run_scoped3A_55, %dma_wait3A] : memref<8x128xi32, #tpu.memory_space<vmem>> -> memref<1x128xi32, #tpu.memory_space<vmem>>
          %dma_wait3A_68 = tpu.memref_squeeze %dma_wait3A_67 : memref<1x128xi32, #tpu.memory_space<vmem>> -> memref<128xi32, #tpu.memory_space<vmem>>
          %dma_wait3A_69 = arith.constant 0 : i32
          %dma_wait3A_70 = arith.constant 0 : i32
          %dma_wait3A_71 = tpu.memref_slice %arg10[%dma_wait3A_69, %dma_wait3A_70] : memref<1024x16xf32, #tpu.memory_space<vmem_shared>> -> memref<1024x16xf32, #tpu.memory_space<vmem_shared>>
          tpu.wait_indirect_dma semaphore(%run_scoped3A_61 : memref<!tpu.dma_semaphore, #tpu.memory_space<semaphore_mem>>) src(%arg12 : memref<128x16xf32, #tpu.memory_space<vmem>>) dst(%dma_wait3A_71 : memref<1024x16xf32, #tpu.memory_space<vmem_shared>>)
          tpu.yield
        }) : () -> ()
        %run_scoped3A_56 = arith.constant 3 : i32
        "tpu.region"() ({
          %run_scoped3A_61 = tpu.sem_alloc : memref<!tpu.dma_semaphore, #tpu.memory_space<semaphore_mem>>
          %dma_start3A = arith.constant 0 : i32
          %dma_start3A_62 = tpu.memref_slice %arg11[%run_scoped3A_56, %dma_start3A] : memref<8x128xi32, #tpu.memory_space<vmem>> -> memref<1x128xi32, #tpu.memory_space<vmem>>
          %dma_start3A_63 = tpu.memref_squeeze %dma_start3A_62 : memref<1x128xi32, #tpu.memory_space<vmem>> -> memref<128xi32, #tpu.memory_space<vmem>>
          %dma_start3A_64 = arith.constant 0 : i32
          %dma_start3A_65 = arith.constant 0 : i32
          %dma_start3A_66 = tpu.memref_slice %arg10[%dma_start3A_64, %dma_start3A_65] : memref<1024x16xf32, #tpu.memory_space<vmem_shared>> -> memref<1024x16xf32, #tpu.memory_space<vmem_shared>>
          tpu.enqueue_indirect_dma source(%arg12 : memref<128x16xf32, #tpu.memory_space<vmem>>) target(%dma_start3A_66 : memref<1024x16xf32, #tpu.memory_space<vmem_shared>>) offsets(%dma_start3A_63 : memref<128xi32, #tpu.memory_space<vmem>>) semaphore(%run_scoped3A_61 : memref<!tpu.dma_semaphore, #tpu.memory_space<semaphore_mem>>) {add = true}
          %dma_wait3A = arith.constant 0 : i32
          %dma_wait3A_67 = tpu.memref_slice %arg11[%run_scoped3A_56, %dma_wait3A] : memref<8x128xi32, #tpu.memory_space<vmem>> -> memref<1x128xi32, #tpu.memory_space<vmem>>
          %dma_wait3A_68 = tpu.memref_squeeze %dma_wait3A_67 : memref<1x128xi32, #tpu.memory_space<vmem>> -> memref<128xi32, #tpu.memory_space<vmem>>
          %dma_wait3A_69 = arith.constant 0 : i32
          %dma_wait3A_70 = arith.constant 0 : i32
          %dma_wait3A_71 = tpu.memref_slice %arg10[%dma_wait3A_69, %dma_wait3A_70] : memref<1024x16xf32, #tpu.memory_space<vmem_shared>> -> memref<1024x16xf32, #tpu.memory_space<vmem_shared>>
          tpu.wait_indirect_dma semaphore(%run_scoped3A_61 : memref<!tpu.dma_semaphore, #tpu.memory_space<semaphore_mem>>) src(%arg12 : memref<128x16xf32, #tpu.memory_space<vmem>>) dst(%dma_wait3A_71 : memref<1024x16xf32, #tpu.memory_space<vmem_shared>>)
          tpu.yield
        }) : () -> ()
        %run_scoped3A_57 = arith.constant 4 : i32
        "tpu.region"() ({
          %run_scoped3A_61 = tpu.sem_alloc : memref<!tpu.dma_semaphore, #tpu.memory_space<semaphore_mem>>
          %dma_start3A = arith.constant 0 : i32
          %dma_start3A_62 = tpu.memref_slice %arg11[%run_scoped3A_57, %dma_start3A] : memref<8x128xi32, #tpu.memory_space<vmem>> -> memref<1x128xi32, #tpu.memory_space<vmem>>
          %dma_start3A_63 = tpu.memref_squeeze %dma_start3A_62 : memref<1x128xi32, #tpu.memory_space<vmem>> -> memref<128xi32, #tpu.memory_space<vmem>>
          %dma_start3A_64 = arith.constant 0 : i32
          %dma_start3A_65 = arith.constant 0 : i32
          %dma_start3A_66 = tpu.memref_slice %arg10[%dma_start3A_64, %dma_start3A_65] : memref<1024x16xf32, #tpu.memory_space<vmem_shared>> -> memref<1024x16xf32, #tpu.memory_space<vmem_shared>>
          tpu.enqueue_indirect_dma source(%arg12 : memref<128x16xf32, #tpu.memory_space<vmem>>) target(%dma_start3A_66 : memref<1024x16xf32, #tpu.memory_space<vmem_shared>>) offsets(%dma_start3A_63 : memref<128xi32, #tpu.memory_space<vmem>>) semaphore(%run_scoped3A_61 : memref<!tpu.dma_semaphore, #tpu.memory_space<semaphore_mem>>) {add = true}
          %dma_wait3A = arith.constant 0 : i32
          %dma_wait3A_67 = tpu.memref_slice %arg11[%run_scoped3A_57, %dma_wait3A] : memref<8x128xi32, #tpu.memory_space<vmem>> -> memref<1x128xi32, #tpu.memory_space<vmem>>
          %dma_wait3A_68 = tpu.memref_squeeze %dma_wait3A_67 : memref<1x128xi32, #tpu.memory_space<vmem>> -> memref<128xi32, #tpu.memory_space<vmem>>
          %dma_wait3A_69 = arith.constant 0 : i32
          %dma_wait3A_70 = arith.constant 0 : i32
          %dma_wait3A_71 = tpu.memref_slice %arg10[%dma_wait3A_69, %dma_wait3A_70] : memref<1024x16xf32, #tpu.memory_space<vmem_shared>> -> memref<1024x16xf32, #tpu.memory_space<vmem_shared>>
          tpu.wait_indirect_dma semaphore(%run_scoped3A_61 : memref<!tpu.dma_semaphore, #tpu.memory_space<semaphore_mem>>) src(%arg12 : memref<128x16xf32, #tpu.memory_space<vmem>>) dst(%dma_wait3A_71 : memref<1024x16xf32, #tpu.memory_space<vmem_shared>>)
          tpu.yield
        }) : () -> ()
        %run_scoped3A_58 = arith.constant 5 : i32
        "tpu.region"() ({
          %run_scoped3A_61 = tpu.sem_alloc : memref<!tpu.dma_semaphore, #tpu.memory_space<semaphore_mem>>
          %dma_start3A = arith.constant 0 : i32
          %dma_start3A_62 = tpu.memref_slice %arg11[%run_scoped3A_58, %dma_start3A] : memref<8x128xi32, #tpu.memory_space<vmem>> -> memref<1x128xi32, #tpu.memory_space<vmem>>
          %dma_start3A_63 = tpu.memref_squeeze %dma_start3A_62 : memref<1x128xi32, #tpu.memory_space<vmem>> -> memref<128xi32, #tpu.memory_space<vmem>>
          %dma_start3A_64 = arith.constant 0 : i32
          %dma_start3A_65 = arith.constant 0 : i32
          %dma_start3A_66 = tpu.memref_slice %arg10[%dma_start3A_64, %dma_start3A_65] : memref<1024x16xf32, #tpu.memory_space<vmem_shared>> -> memref<1024x16xf32, #tpu.memory_space<vmem_shared>>
          tpu.enqueue_indirect_dma source(%arg12 : memref<128x16xf32, #tpu.memory_space<vmem>>) target(%dma_start3A_66 : memref<1024x16xf32, #tpu.memory_space<vmem_shared>>) offsets(%dma_start3A_63 : memref<128xi32, #tpu.memory_space<vmem>>) semaphore(%run_scoped3A_61 : memref<!tpu.dma_semaphore, #tpu.memory_space<semaphore_mem>>) {add = true}
          %dma_wait3A = arith.constant 0 : i32
          %dma_wait3A_67 = tpu.memref_slice %arg11[%run_scoped3A_58, %dma_wait3A] : memref<8x128xi32, #tpu.memory_space<vmem>> -> memref<1x128xi32, #tpu.memory_space<vmem>>
          %dma_wait3A_68 = tpu.memref_squeeze %dma_wait3A_67 : memref<1x128xi32, #tpu.memory_space<vmem>> -> memref<128xi32, #tpu.memory_space<vmem>>
          %dma_wait3A_69 = arith.constant 0 : i32
          %dma_wait3A_70 = arith.constant 0 : i32
          %dma_wait3A_71 = tpu.memref_slice %arg10[%dma_wait3A_69, %dma_wait3A_70] : memref<1024x16xf32, #tpu.memory_space<vmem_shared>> -> memref<1024x16xf32, #tpu.memory_space<vmem_shared>>
          tpu.wait_indirect_dma semaphore(%run_scoped3A_61 : memref<!tpu.dma_semaphore, #tpu.memory_space<semaphore_mem>>) src(%arg12 : memref<128x16xf32, #tpu.memory_space<vmem>>) dst(%dma_wait3A_71 : memref<1024x16xf32, #tpu.memory_space<vmem_shared>>)
          tpu.yield
        }) : () -> ()
        %run_scoped3A_59 = arith.constant 6 : i32
        "tpu.region"() ({
          %run_scoped3A_61 = tpu.sem_alloc : memref<!tpu.dma_semaphore, #tpu.memory_space<semaphore_mem>>
          %dma_start3A = arith.constant 0 : i32
          %dma_start3A_62 = tpu.memref_slice %arg11[%run_scoped3A_59, %dma_start3A] : memref<8x128xi32, #tpu.memory_space<vmem>> -> memref<1x128xi32, #tpu.memory_space<vmem>>
          %dma_start3A_63 = tpu.memref_squeeze %dma_start3A_62 : memref<1x128xi32, #tpu.memory_space<vmem>> -> memref<128xi32, #tpu.memory_space<vmem>>
          %dma_start3A_64 = arith.constant 0 : i32
          %dma_start3A_65 = arith.constant 0 : i32
          %dma_start3A_66 = tpu.memref_slice %arg10[%dma_start3A_64, %dma_start3A_65] : memref<1024x16xf32, #tpu.memory_space<vmem_shared>> -> memref<1024x16xf32, #tpu.memory_space<vmem_shared>>
          tpu.enqueue_indirect_dma source(%arg12 : memref<128x16xf32, #tpu.memory_space<vmem>>) target(%dma_start3A_66 : memref<1024x16xf32, #tpu.memory_space<vmem_shared>>) offsets(%dma_start3A_63 : memref<128xi32, #tpu.memory_space<vmem>>) semaphore(%run_scoped3A_61 : memref<!tpu.dma_semaphore, #tpu.memory_space<semaphore_mem>>) {add = true}
          %dma_wait3A = arith.constant 0 : i32
          %dma_wait3A_67 = tpu.memref_slice %arg11[%run_scoped3A_59, %dma_wait3A] : memref<8x128xi32, #tpu.memory_space<vmem>> -> memref<1x128xi32, #tpu.memory_space<vmem>>
          %dma_wait3A_68 = tpu.memref_squeeze %dma_wait3A_67 : memref<1x128xi32, #tpu.memory_space<vmem>> -> memref<128xi32, #tpu.memory_space<vmem>>
          %dma_wait3A_69 = arith.constant 0 : i32
          %dma_wait3A_70 = arith.constant 0 : i32
          %dma_wait3A_71 = tpu.memref_slice %arg10[%dma_wait3A_69, %dma_wait3A_70] : memref<1024x16xf32, #tpu.memory_space<vmem_shared>> -> memref<1024x16xf32, #tpu.memory_space<vmem_shared>>
          tpu.wait_indirect_dma semaphore(%run_scoped3A_61 : memref<!tpu.dma_semaphore, #tpu.memory_space<semaphore_mem>>) src(%arg12 : memref<128x16xf32, #tpu.memory_space<vmem>>) dst(%dma_wait3A_71 : memref<1024x16xf32, #tpu.memory_space<vmem_shared>>)
          tpu.yield
        }) : () -> ()
        %run_scoped3A_60 = arith.constant 7 : i32
        "tpu.region"() ({
          %run_scoped3A_61 = tpu.sem_alloc : memref<!tpu.dma_semaphore, #tpu.memory_space<semaphore_mem>>
          %dma_start3A = arith.constant 0 : i32
          %dma_start3A_62 = tpu.memref_slice %arg11[%run_scoped3A_60, %dma_start3A] : memref<8x128xi32, #tpu.memory_space<vmem>> -> memref<1x128xi32, #tpu.memory_space<vmem>>
          %dma_start3A_63 = tpu.memref_squeeze %dma_start3A_62 : memref<1x128xi32, #tpu.memory_space<vmem>> -> memref<128xi32, #tpu.memory_space<vmem>>
          %dma_start3A_64 = arith.constant 0 : i32
          %dma_start3A_65 = arith.constant 0 : i32
          %dma_start3A_66 = tpu.memref_slice %arg10[%dma_start3A_64, %dma_start3A_65] : memref<1024x16xf32, #tpu.memory_space<vmem_shared>> -> memref<1024x16xf32, #tpu.memory_space<vmem_shared>>
          tpu.enqueue_indirect_dma source(%arg12 : memref<128x16xf32, #tpu.memory_space<vmem>>) target(%dma_start3A_66 : memref<1024x16xf32, #tpu.memory_space<vmem_shared>>) offsets(%dma_start3A_63 : memref<128xi32, #tpu.memory_space<vmem>>) semaphore(%run_scoped3A_61 : memref<!tpu.dma_semaphore, #tpu.memory_space<semaphore_mem>>) {add = true}
          %dma_wait3A = arith.constant 0 : i32
          %dma_wait3A_67 = tpu.memref_slice %arg11[%run_scoped3A_60, %dma_wait3A] : memref<8x128xi32, #tpu.memory_space<vmem>> -> memref<1x128xi32, #tpu.memory_space<vmem>>
          %dma_wait3A_68 = tpu.memref_squeeze %dma_wait3A_67 : memref<1x128xi32, #tpu.memory_space<vmem>> -> memref<128xi32, #tpu.memory_space<vmem>>
          %dma_wait3A_69 = arith.constant 0 : i32
          %dma_wait3A_70 = arith.constant 0 : i32
          %dma_wait3A_71 = tpu.memref_slice %arg10[%dma_wait3A_69, %dma_wait3A_70] : memref<1024x16xf32, #tpu.memory_space<vmem_shared>> -> memref<1024x16xf32, #tpu.memory_space<vmem_shared>>
          tpu.wait_indirect_dma semaphore(%run_scoped3A_61 : memref<!tpu.dma_semaphore, #tpu.memory_space<semaphore_mem>>) src(%arg12 : memref<128x16xf32, #tpu.memory_space<vmem>>) dst(%dma_wait3A_71 : memref<1024x16xf32, #tpu.memory_space<vmem_shared>>)
          tpu.yield
        }) : () -> ()
      }
      %scan3A_49 = arith.constant 4 : i32
    } else {
    }
    %barrier3A_33 = arith.constant 0 : index
    tpu.barrier barrier_id(%barrier3A_33)
    %scan3A_34 = arith.constant 0 : i32
    %scan3A_35 = arith.constant 25 : i32
    %scan3A_36 = arith.addi %scan3A_34, %scan3A_35 : i32
    %scan3A_37 = arith.constant 1 : i32
    scf.for %scan3A_43 = %scan3A_34 to %scan3A_36 step %scan3A_37  : i32 {
      %mul3A_44 = arith.constant 256 : i32
      %mul3A_45 = arith.muli %scan3A_43, %mul3A_44 : i32
      %add3A_46 = arith.addi %mul3A_11, %mul3A_45 : i32
      %mul3A_47 = arith.constant 256 : i32
      %mul3A_48 = arith.muli %scan3A_43, %mul3A_47 : i32
      %add3A_49 = arith.addi %mul3A_11, %mul3A_48 : i32
      "tpu.region"() ({
        %run_scoped3A = tpu.sem_alloc : memref<!tpu.dma_semaphore, #tpu.memory_space<semaphore_mem>>
        %dma_start3A = arith.constant 0 : i32
        %dma_start3A_50 = tpu.memref_slice %arg6[%arg0, %add3A_49, %dma_start3A] : memref<2x102400x16xf32, #tpu.memory_space<hbm>> -> memref<1x256x16xf32, #tpu.memory_space<hbm>>
        %dma_start3A_51 = tpu.memref_squeeze %dma_start3A_50 : memref<1x256x16xf32, #tpu.memory_space<hbm>> -> memref<256x16xf32, #tpu.memory_space<hbm>>
        %dma_start3A_52 = arith.constant 0 : i32
        %dma_start3A_53 = tpu.memref_slice %arg9[%add3A_46, %dma_start3A_52] : memref<102400x16xf32, #tpu.memory_space<vmem_shared>> -> memref<256x16xf32, #tpu.memory_space<vmem_shared>>
        tpu.enqueue_dma source(%dma_start3A_53 : memref<256x16xf32, #tpu.memory_space<vmem_shared>>) target(%dma_start3A_51 : memref<256x16xf32, #tpu.memory_space<hbm>>) target_semaphore(%run_scoped3A : memref<!tpu.dma_semaphore, #tpu.memory_space<semaphore_mem>>)
        %dma_wait3A = arith.constant 0 : i32
        %dma_wait3A_54 = tpu.memref_slice %arg6[%arg0, %add3A_49, %dma_wait3A] : memref<2x102400x16xf32, #tpu.memory_space<hbm>> -> memref<1x256x16xf32, #tpu.memory_space<hbm>>
        %dma_wait3A_55 = tpu.memref_squeeze %dma_wait3A_54 : memref<1x256x16xf32, #tpu.memory_space<hbm>> -> memref<256x16xf32, #tpu.memory_space<hbm>>
        %dma_wait3A_56 = arith.constant 0 : i32
        %dma_wait3A_57 = tpu.memref_slice %arg9[%add3A_46, %dma_wait3A_56] : memref<102400x16xf32, #tpu.memory_space<vmem_shared>> -> memref<256x16xf32, #tpu.memory_space<vmem_shared>>
        tpu.wait_dma2 semaphore(%run_scoped3A : memref<!tpu.dma_semaphore, #tpu.memory_space<semaphore_mem>>) src(%dma_wait3A_57 : memref<256x16xf32, #tpu.memory_space<vmem_shared>>) dst(%dma_wait3A_55 : memref<256x16xf32, #tpu.memory_space<hbm>>)
        tpu.yield
      }) : () -> ()
    }
    %scan3A_38 = arith.constant 25 : i32
    %mul3A_39 = arith.constant 64 : i32
    %mul3A_40 = arith.muli %arg1, %mul3A_39 : i32
    %mul3A_41 = arith.constant 64 : i32
    %mul3A_42 = arith.muli %arg1, %mul3A_41 : i32
    "tpu.region"() ({
      %run_scoped3A = tpu.sem_alloc : memref<!tpu.dma_semaphore, #tpu.memory_space<semaphore_mem>>
      %dma_start3A = arith.constant 0 : i32
      %dma_start3A_43 = tpu.memref_slice %arg7[%arg0, %mul3A_42, %dma_start3A] : memref<2x1024x16xf32, #tpu.memory_space<hbm>> -> memref<1x64x16xf32, #tpu.memory_space<hbm>>
      %dma_start3A_44 = tpu.memref_squeeze %dma_start3A_43 : memref<1x64x16xf32, #tpu.memory_space<hbm>> -> memref<64x16xf32, #tpu.memory_space<hbm>>
      %dma_start3A_45 = arith.constant 0 : i32
      %dma_start3A_46 = tpu.memref_slice %arg10[%mul3A_40, %dma_start3A_45] : memref<1024x16xf32, #tpu.memory_space<vmem_shared>> -> memref<64x16xf32, #tpu.memory_space<vmem_shared>>
      tpu.enqueue_dma source(%dma_start3A_46 : memref<64x16xf32, #tpu.memory_space<vmem_shared>>) target(%dma_start3A_44 : memref<64x16xf32, #tpu.memory_space<hbm>>) target_semaphore(%run_scoped3A : memref<!tpu.dma_semaphore, #tpu.memory_space<semaphore_mem>>)
      %dma_wait3A = arith.constant 0 : i32
      %dma_wait3A_47 = tpu.memref_slice %arg7[%arg0, %mul3A_42, %dma_wait3A] : memref<2x1024x16xf32, #tpu.memory_space<hbm>> -> memref<1x64x16xf32, #tpu.memory_space<hbm>>
      %dma_wait3A_48 = tpu.memref_squeeze %dma_wait3A_47 : memref<1x64x16xf32, #tpu.memory_space<hbm>> -> memref<64x16xf32, #tpu.memory_space<hbm>>
      %dma_wait3A_49 = arith.constant 0 : i32
      %dma_wait3A_50 = tpu.memref_slice %arg10[%mul3A_40, %dma_wait3A_49] : memref<1024x16xf32, #tpu.memory_space<vmem_shared>> -> memref<64x16xf32, #tpu.memory_space<vmem_shared>>
      tpu.wait_dma2 semaphore(%run_scoped3A : memref<!tpu.dma_semaphore, #tpu.memory_space<semaphore_mem>>) src(%dma_wait3A_50 : memref<64x16xf32, #tpu.memory_space<vmem_shared>>) dst(%dma_wait3A_48 : memref<64x16xf32, #tpu.memory_space<hbm>>)
      tpu.yield
    }) : () -> ()
    return
  }
}

#map = affine_map<(d0, d1) -> (0, 0)>
#map1 = affine_map<(d0, d1) -> (0, 0, 0)>
module attributes {stable_mosaic.version = 14 : i64} {
  func.func @_pool_body(%arg0: i32, %arg1: i32, %arg2: memref<102400x32xf32, #tpu.memory_space<hbm>>, %arg3: memref<800x128xi32, #tpu.memory_space<hbm>>, %arg4: memref<2x1024x32xf32, #tpu.memory_space<hbm>>, %arg5: memref<1024x32xf32, #tpu.memory_space<vmem_shared>>, %arg6: memref<32x128xi32, #tpu.memory_space<vmem>>, %arg7: memref<128x32xf32, #tpu.memory_space<vmem>>, %arg8: memref<64x32xf32, #tpu.memory_space<vmem>>) attributes {dimension_semantics = [#tpu.dimension_semantics<core_parallel>, #tpu.dimension_semantics<subcore_parallel>], iteration_bounds = array<i64: 2, 16>, scalar_prefetch = 0 : i64, scratch_operands = 4 : i64, tpu.core_type = #tpu.core_type<sc_vector_subcore>, window_params = [{transform_indices = #map}, {transform_indices = #map}, {transform_indices = #map1}]} {
    %mul3A = arith.constant 16 : i32
    %mul3A_0 = arith.muli %arg0, %mul3A : i32
    %add3A = arith.addi %mul3A_0, %arg1 : i32
    %scan3A = arith.constant 0 : i32
    %scan3A_1 = arith.constant 64 : i32
    %scan3A_2 = arith.addi %scan3A, %scan3A_1 : i32
    %scan3A_3 = arith.constant 1 : i32
    scf.for %scan3A_14 = %scan3A to %scan3A_2 step %scan3A_3  : i32 {
      %broadcast_in_dim3A = arith.constant 0.000000e+00 : f32
      %broadcast_in_dim3A_15 = vector.broadcast %broadcast_in_dim3A : f32 to vector<16xf32>
      %swap3A = arith.index_cast %scan3A_14 : i32 to index
      %swap3A_16 = arith.constant 0 : index
      %swap3A_17 = tpu.vector_load %arg8[%swap3A, %swap3A_16] {strides = array<i32>} : memref<64x32xf32, #tpu.memory_space<vmem>>, vector<1x16xf32>,
      %swap3A_18 = vector.shape_cast %swap3A_17 : vector<1x16xf32> to vector<16xf32>
      %swap3A_19 = vector.shape_cast %broadcast_in_dim3A_15 : vector<16xf32> to vector<1x16xf32>
      tpu.vector_store %arg8[%swap3A, %swap3A_16], %swap3A_19 {strides = array<i32>} : memref<64x32xf32, #tpu.memory_space<vmem>>, vector<1x16xf32>,
      %broadcast_in_dim3A_20 = arith.constant 0.000000e+00 : f32
      %broadcast_in_dim3A_21 = vector.broadcast %broadcast_in_dim3A_20 : f32 to vector<16xf32>
      %swap3A_22 = arith.index_cast %scan3A_14 : i32 to index
      %swap3A_23 = arith.constant 16 : index
      %swap3A_24 = tpu.vector_load %arg8[%swap3A_22, %swap3A_23] {strides = array<i32>} : memref<64x32xf32, #tpu.memory_space<vmem>>, vector<1x16xf32>,
      %swap3A_25 = vector.shape_cast %swap3A_24 : vector<1x16xf32> to vector<16xf32>
      %swap3A_26 = vector.shape_cast %broadcast_in_dim3A_21 : vector<16xf32> to vector<1x16xf32>
      tpu.vector_store %arg8[%swap3A_22, %swap3A_23], %swap3A_26 {strides = array<i32>} : memref<64x32xf32, #tpu.memory_space<vmem>>, vector<1x16xf32>,
    }
    %scan3A_4 = arith.constant 64 : i32
    %mul3A_5 = arith.constant 64 : i32
    %mul3A_6 = arith.muli %arg1, %mul3A_5 : i32
    "tpu.region"() ({
      %run_scoped3A = tpu.sem_alloc : memref<!tpu.dma_semaphore, #tpu.memory_space<semaphore_mem>>
      %dma_start3A = arith.constant 0 : i32
      %dma_start3A_14 = tpu.memref_slice %arg5[%mul3A_6, %dma_start3A] : memref<1024x32xf32, #tpu.memory_space<vmem_shared>> -> memref<64x32xf32, #tpu.memory_space<vmem_shared>>
      %dma_start3A_15 = arith.constant 0 : i32
      %dma_start3A_16 = tpu.memref_slice %arg5[%mul3A_6, %dma_start3A_15] : memref<1024x32xf32, #tpu.memory_space<vmem_shared>> -> memref<64x32xf32, #tpu.memory_space<vmem_shared>>
      tpu.enqueue_dma source(%arg8 : memref<64x32xf32, #tpu.memory_space<vmem>>) target(%dma_start3A_16 : memref<64x32xf32, #tpu.memory_space<vmem_shared>>) target_semaphore(%run_scoped3A : memref<!tpu.dma_semaphore, #tpu.memory_space<semaphore_mem>>)
      %dma_wait3A = arith.constant 0 : i32
      %dma_wait3A_17 = tpu.memref_slice %arg5[%mul3A_6, %dma_wait3A] : memref<1024x32xf32, #tpu.memory_space<vmem_shared>> -> memref<64x32xf32, #tpu.memory_space<vmem_shared>>
      %dma_wait3A_18 = arith.constant 0 : i32
      %dma_wait3A_19 = tpu.memref_slice %arg5[%mul3A_6, %dma_wait3A_18] : memref<1024x32xf32, #tpu.memory_space<vmem_shared>> -> memref<64x32xf32, #tpu.memory_space<vmem_shared>>
      tpu.wait_dma2 semaphore(%run_scoped3A : memref<!tpu.dma_semaphore, #tpu.memory_space<semaphore_mem>>) src(%arg8 : memref<64x32xf32, #tpu.memory_space<vmem>>) dst(%dma_wait3A_19 : memref<64x32xf32, #tpu.memory_space<vmem_shared>>)
      tpu.yield
    }) : () -> ()
    %barrier3A = arith.constant 0 : index
    tpu.barrier barrier_id(%barrier3A)
    %lt3A = arith.constant 25 : i32
    %lt3A_7 = arith.cmpi slt, %add3A, %lt3A : i32
    %convert_element_type3A = arith.extui %lt3A_7 : i1 to i32
    %cond3A = arith.constant 0 : i32
    %cond3A_8 = arith.cmpi ne, %convert_element_type3A, %cond3A : i32
    scf.if %cond3A_8 {
      %mul3A_14 = arith.constant 32 : i32
      %mul3A_15 = arith.muli %add3A, %mul3A_14 : i32
      "tpu.region"() ({
        %run_scoped3A = tpu.sem_alloc : memref<!tpu.dma_semaphore, #tpu.memory_space<semaphore_mem>>
        %dma_start3A = arith.constant 0 : i32
        %dma_start3A_25 = tpu.memref_slice %arg3[%mul3A_15, %dma_start3A] : memref<800x128xi32, #tpu.memory_space<hbm>> -> memref<32x128xi32, #tpu.memory_space<hbm>>
        %dma_start3A_26 = arith.constant 0 : i32
        %dma_start3A_27 = tpu.memref_slice %arg3[%mul3A_15, %dma_start3A_26] : memref<800x128xi32, #tpu.memory_space<hbm>> -> memref<32x128xi32, #tpu.memory_space<hbm>>
        tpu.enqueue_dma source(%dma_start3A_27 : memref<32x128xi32, #tpu.memory_space<hbm>>) target(%arg6 : memref<32x128xi32, #tpu.memory_space<vmem>>) target_semaphore(%run_scoped3A : memref<!tpu.dma_semaphore, #tpu.memory_space<semaphore_mem>>)
        %dma_wait3A = arith.constant 0 : i32
        %dma_wait3A_28 = tpu.memref_slice %arg3[%mul3A_15, %dma_wait3A] : memref<800x128xi32, #tpu.memory_space<hbm>> -> memref<32x128xi32, #tpu.memory_space<hbm>>
        %dma_wait3A_29 = arith.constant 0 : i32
        %dma_wait3A_30 = tpu.memref_slice %arg3[%mul3A_15, %dma_wait3A_29] : memref<800x128xi32, #tpu.memory_space<hbm>> -> memref<32x128xi32, #tpu.memory_space<hbm>>
        tpu.wait_dma2 semaphore(%run_scoped3A : memref<!tpu.dma_semaphore, #tpu.memory_space<semaphore_mem>>) src(%dma_wait3A_30 : memref<32x128xi32, #tpu.memory_space<hbm>>) dst(%arg6 : memref<32x128xi32, #tpu.memory_space<vmem>>)
        tpu.yield
      }) : () -> ()
      %mul3A_16 = arith.constant 32 : i32
      %mul3A_17 = arith.muli %add3A, %mul3A_16 : i32
      %mul3A_18 = arith.constant 128 : i32
      %mul3A_19 = arith.muli %mul3A_17, %mul3A_18 : i32
      %scan3A_20 = arith.constant 0 : i32
      %scan3A_21 = arith.constant 32 : i32
      %scan3A_22 = arith.addi %scan3A_20, %scan3A_21 : i32
      %scan3A_23 = arith.constant 1 : i32
      scf.for %scan3A_25 = %scan3A_20 to %scan3A_22 step %scan3A_23  : i32 {
        %mul3A_26 = arith.constant 128 : i32
        %mul3A_27 = arith.muli %scan3A_25, %mul3A_26 : i32
        %add3A_28 = arith.addi %mul3A_19, %mul3A_27 : i32
        "tpu.region"() ({
          %run_scoped3A = tpu.sem_alloc : memref<!tpu.dma_semaphore, #tpu.memory_space<semaphore_mem>>
          %dma_start3A = arith.constant 0 : i32
          %dma_start3A_29 = tpu.memref_slice %arg2[%add3A_28, %dma_start3A] : memref<102400x32xf32, #tpu.memory_space<hbm>> -> memref<128x32xf32, #tpu.memory_space<hbm>>
          %dma_start3A_30 = arith.constant 0 : i32
          %dma_start3A_31 = tpu.memref_slice %arg2[%add3A_28, %dma_start3A_30] : memref<102400x32xf32, #tpu.memory_space<hbm>> -> memref<128x32xf32, #tpu.memory_space<hbm>>
          tpu.enqueue_dma source(%dma_start3A_31 : memref<128x32xf32, #tpu.memory_space<hbm>>) target(%arg7 : memref<128x32xf32, #tpu.memory_space<vmem>>) target_semaphore(%run_scoped3A : memref<!tpu.dma_semaphore, #tpu.memory_space<semaphore_mem>>)
          %dma_wait3A = arith.constant 0 : i32
          %dma_wait3A_32 = tpu.memref_slice %arg2[%add3A_28, %dma_wait3A] : memref<102400x32xf32, #tpu.memory_space<hbm>> -> memref<128x32xf32, #tpu.memory_space<hbm>>
          %dma_wait3A_33 = arith.constant 0 : i32
          %dma_wait3A_34 = tpu.memref_slice %arg2[%add3A_28, %dma_wait3A_33] : memref<102400x32xf32, #tpu.memory_space<hbm>> -> memref<128x32xf32, #tpu.memory_space<hbm>>
          tpu.wait_dma2 semaphore(%run_scoped3A : memref<!tpu.dma_semaphore, #tpu.memory_space<semaphore_mem>>) src(%dma_wait3A_34 : memref<128x32xf32, #tpu.memory_space<hbm>>) dst(%arg7 : memref<128x32xf32, #tpu.memory_space<vmem>>)
          tpu.yield
        }) : () -> ()
        "tpu.region"() ({
          %run_scoped3A = tpu.sem_alloc : memref<!tpu.dma_semaphore, #tpu.memory_space<semaphore_mem>>
          %dma_start3A = arith.constant 0 : i32
          %dma_start3A_29 = tpu.memref_slice %arg6[%scan3A_25, %dma_start3A] : memref<32x128xi32, #tpu.memory_space<vmem>> -> memref<1x128xi32, #tpu.memory_space<vmem>>
          %dma_start3A_30 = tpu.memref_squeeze %dma_start3A_29 : memref<1x128xi32, #tpu.memory_space<vmem>> -> memref<128xi32, #tpu.memory_space<vmem>>
          %dma_start3A_31 = arith.constant 0 : i32
          %dma_start3A_32 = arith.constant 0 : i32
          %dma_start3A_33 = tpu.memref_slice %arg5[%dma_start3A_31, %dma_start3A_32] : memref<1024x32xf32, #tpu.memory_space<vmem_shared>> -> memref<1024x32xf32, #tpu.memory_space<vmem_shared>>
          tpu.enqueue_indirect_dma source(%arg7 : memref<128x32xf32, #tpu.memory_space<vmem>>) target(%dma_start3A_33 : memref<1024x32xf32, #tpu.memory_space<vmem_shared>>) offsets(%dma_start3A_30 : memref<128xi32, #tpu.memory_space<vmem>>) semaphore(%run_scoped3A : memref<!tpu.dma_semaphore, #tpu.memory_space<semaphore_mem>>) {add = true}
          %dma_wait3A = arith.constant 0 : i32
          %dma_wait3A_34 = tpu.memref_slice %arg6[%scan3A_25, %dma_wait3A] : memref<32x128xi32, #tpu.memory_space<vmem>> -> memref<1x128xi32, #tpu.memory_space<vmem>>
          %dma_wait3A_35 = tpu.memref_squeeze %dma_wait3A_34 : memref<1x128xi32, #tpu.memory_space<vmem>> -> memref<128xi32, #tpu.memory_space<vmem>>
          %dma_wait3A_36 = arith.constant 0 : i32
          %dma_wait3A_37 = arith.constant 0 : i32
          %dma_wait3A_38 = tpu.memref_slice %arg5[%dma_wait3A_36, %dma_wait3A_37] : memref<1024x32xf32, #tpu.memory_space<vmem_shared>> -> memref<1024x32xf32, #tpu.memory_space<vmem_shared>>
          tpu.wait_indirect_dma semaphore(%run_scoped3A : memref<!tpu.dma_semaphore, #tpu.memory_space<semaphore_mem>>) src(%arg7 : memref<128x32xf32, #tpu.memory_space<vmem>>) dst(%dma_wait3A_38 : memref<1024x32xf32, #tpu.memory_space<vmem_shared>>)
          tpu.yield
        }) : () -> ()
      }
      %scan3A_24 = arith.constant 32 : i32
    } else {
    }
    %barrier3A_9 = arith.constant 0 : index
    tpu.barrier barrier_id(%barrier3A_9)
    %mul3A_10 = arith.constant 64 : i32
    %mul3A_11 = arith.muli %arg1, %mul3A_10 : i32
    %mul3A_12 = arith.constant 64 : i32
    %mul3A_13 = arith.muli %arg1, %mul3A_12 : i32
    "tpu.region"() ({
      %run_scoped3A = tpu.sem_alloc : memref<!tpu.dma_semaphore, #tpu.memory_space<semaphore_mem>>
      %dma_start3A = arith.constant 0 : i32
      %dma_start3A_14 = tpu.memref_slice %arg4[%arg0, %mul3A_13, %dma_start3A] : memref<2x1024x32xf32, #tpu.memory_space<hbm>> -> memref<1x64x32xf32, #tpu.memory_space<hbm>>
      %dma_start3A_15 = tpu.memref_squeeze %dma_start3A_14 : memref<1x64x32xf32, #tpu.memory_space<hbm>> -> memref<64x32xf32, #tpu.memory_space<hbm>>
      %dma_start3A_16 = arith.constant 0 : i32
      %dma_start3A_17 = tpu.memref_slice %arg5[%mul3A_11, %dma_start3A_16] : memref<1024x32xf32, #tpu.memory_space<vmem_shared>> -> memref<64x32xf32, #tpu.memory_space<vmem_shared>>
      tpu.enqueue_dma source(%dma_start3A_17 : memref<64x32xf32, #tpu.memory_space<vmem_shared>>) target(%dma_start3A_15 : memref<64x32xf32, #tpu.memory_space<hbm>>) target_semaphore(%run_scoped3A : memref<!tpu.dma_semaphore, #tpu.memory_space<semaphore_mem>>)
      %dma_wait3A = arith.constant 0 : i32
      %dma_wait3A_18 = tpu.memref_slice %arg4[%arg0, %mul3A_13, %dma_wait3A] : memref<2x1024x32xf32, #tpu.memory_space<hbm>> -> memref<1x64x32xf32, #tpu.memory_space<hbm>>
      %dma_wait3A_19 = tpu.memref_squeeze %dma_wait3A_18 : memref<1x64x32xf32, #tpu.memory_space<hbm>> -> memref<64x32xf32, #tpu.memory_space<hbm>>
      %dma_wait3A_20 = arith.constant 0 : i32
      %dma_wait3A_21 = tpu.memref_slice %arg5[%mul3A_11, %dma_wait3A_20] : memref<1024x32xf32, #tpu.memory_space<vmem_shared>> -> memref<64x32xf32, #tpu.memory_space<vmem_shared>>
      tpu.wait_dma2 semaphore(%run_scoped3A : memref<!tpu.dma_semaphore, #tpu.memory_space<semaphore_mem>>) src(%dma_wait3A_21 : memref<64x32xf32, #tpu.memory_space<vmem_shared>>) dst(%dma_wait3A_19 : memref<64x32xf32, #tpu.memory_space<hbm>>)
      tpu.yield
    }) : () -> ()
    return
  }
}

module attributes {stable_mosaic.version = 14 : i64} {
  func.func @_mlp_body(%arg0: i32, %arg1: memref<512x128xf32, #tpu.memory_space<vmem>>, %arg2: memref<1x512x128xf32, #tpu.memory_space<vmem>>, %arg3: memref<1x512x128xf32, #tpu.memory_space<vmem>>, %arg4: memref<1x512x128xf32, #tpu.memory_space<vmem>>, %arg5: memref<1x512x128xf32, #tpu.memory_space<vmem>>, %arg6: memref<128x256xf32, #tpu.memory_space<vmem>>, %arg7: memref<128x256xf32, #tpu.memory_space<vmem>>, %arg8: memref<256x128xf32, #tpu.memory_space<vmem>>, %arg9: memref<512x128xf32, #tpu.memory_space<vmem>>) attributes {dimension_semantics = [#tpu.dimension_semantics<arbitrary>], iteration_bounds = array<i64: 25>, scalar_prefetch = 0 : i64, scratch_operands = 0 : i64, tpu.core_type = #tpu.core_type<tc>, window_params = [{transform_indices = @transform_0, window_bounds = array<i64: 512, 128>}, {transform_indices = @transform_1, window_bounds = array<i64: 1, 512, 128>}, {transform_indices = @transform_2, window_bounds = array<i64: 1, 512, 128>}, {transform_indices = @transform_3, window_bounds = array<i64: 1, 512, 128>}, {transform_indices = @transform_4, window_bounds = array<i64: 1, 512, 128>}, {pipeline_mode = #tpu.pipeline_mode<synchronous>, transform_indices = @transform_5, window_bounds = array<i64: 128, 256>}, {pipeline_mode = #tpu.pipeline_mode<synchronous>, transform_indices = @transform_6, window_bounds = array<i64: 128, 256>}, {pipeline_mode = #tpu.pipeline_mode<synchronous>, transform_indices = @transform_7, window_bounds = array<i64: 256, 128>}, {transform_indices = @transform_8, window_bounds = array<i64: 512, 128>}]} {
    %get3A = arith.constant 0 : index
    %get3A_0 = arith.constant 0 : index
    %get3A_1 = arith.constant 0 : index
    %get3A_2 = vector.load %arg4[%get3A, %get3A_0, %get3A_1] : memref<1x512x128xf32, #tpu.memory_space<vmem>>, vector<1x512x128xf32>
    %squeeze3A = vector.shape_cast %get3A_2 : vector<1x512x128xf32> to vector<512x128xf32>
    %get3A_3 = arith.constant 0 : index
    %get3A_4 = arith.constant 0 : index
    %get3A_5 = arith.constant 0 : index
    %get3A_6 = vector.load %arg5[%get3A_3, %get3A_4, %get3A_5] : memref<1x512x128xf32, #tpu.memory_space<vmem>>, vector<1x512x128xf32>
    %squeeze3A_7 = vector.shape_cast %get3A_6 : vector<1x512x128xf32> to vector<512x128xf32>
    %add3A = arith.addf %squeeze3A, %squeeze3A_7 : vector<512x128xf32>
    %max3A = arith.constant 1.000000e+00 : f32
    %max3A_8 = vector.broadcast %max3A : f32 to vector<512x128xf32>
    %max3A_9 = arith.maximumf %add3A, %max3A_8 : vector<512x128xf32>
    %div3A = arith.constant 1.000000e+00 : f32
    %div3A_10 = vector.broadcast %div3A : f32 to vector<512x128xf32>
    %div3A_11 = arith.divf %div3A_10, %max3A_9 : vector<512x128xf32>
    %get3A_12 = arith.constant 0 : index
    %get3A_13 = arith.constant 0 : index
    %get3A_14 = vector.load %arg1[%get3A_12, %get3A_13] : memref<512x128xf32, #tpu.memory_space<vmem>>, vector<512x128xf32>
    %mul3A = arith.mulf %get3A_14, %div3A_11 : vector<512x128xf32>
    %get3A_15 = arith.constant 0 : index
    %get3A_16 = arith.constant 0 : index
    %get3A_17 = arith.constant 0 : index
    %get3A_18 = vector.load %arg2[%get3A_15, %get3A_16, %get3A_17] : memref<1x512x128xf32, #tpu.memory_space<vmem>>, vector<1x512x128xf32>
    %squeeze3A_19 = vector.shape_cast %get3A_18 : vector<1x512x128xf32> to vector<512x128xf32>
    %get3A_20 = arith.constant 0 : index
    %get3A_21 = arith.constant 0 : index
    %get3A_22 = arith.constant 0 : index
    %get3A_23 = vector.load %arg3[%get3A_20, %get3A_21, %get3A_22] : memref<1x512x128xf32, #tpu.memory_space<vmem>>, vector<1x512x128xf32>
    %squeeze3A_24 = vector.shape_cast %get3A_23 : vector<1x512x128xf32> to vector<512x128xf32>
    %add3A_25 = arith.addf %squeeze3A_19, %squeeze3A_24 : vector<512x128xf32>
    %mul3A_26 = arith.mulf %add3A_25, %div3A_11 : vector<512x128xf32>
    %get3A_27 = arith.constant 0 : index
    %get3A_28 = arith.constant 0 : index
    %get3A_29 = vector.load %arg6[%get3A_27, %get3A_28] : memref<128x256xf32, #tpu.memory_space<vmem>>, vector<128x256xf32>
    %dot_general3A = arith.constant dense<0.000000e+00> : vector<512x256xf32>
    %dot_general3A_30 = tpu.matmul %mul3A, %get3A_29, %dot_general3A {dimension_numbers = #tpu.dot_dimension_numbers<[1], [0], [0], [1], [0, 0, 1, 1], [], []>, transpose_lhs_hint = false} : vector<512x128xf32>, vector<128x256xf32>, vector<512x256xf32> -> vector<512x256xf32>
    %get3A_31 = arith.constant 0 : index
    %get3A_32 = arith.constant 0 : index
    %get3A_33 = vector.load %arg7[%get3A_31, %get3A_32] : memref<128x256xf32, #tpu.memory_space<vmem>>, vector<128x256xf32>
    %dot_general3A_34 = arith.constant dense<0.000000e+00> : vector<512x256xf32>
    %dot_general3A_35 = tpu.matmul %mul3A_26, %get3A_33, %dot_general3A_34 {dimension_numbers = #tpu.dot_dimension_numbers<[1], [0], [0], [1], [0, 0, 1, 1], [], []>, transpose_lhs_hint = false} : vector<512x128xf32>, vector<128x256xf32>, vector<512x256xf32> -> vector<512x256xf32>
    %add3A_36 = arith.addf %dot_general3A_30, %dot_general3A_35 : vector<512x256xf32>
    %max3A_37 = arith.constant 0.000000e+00 : f32
    %max3A_38 = vector.broadcast %max3A_37 : f32 to vector<512x256xf32>
    %max3A_39 = arith.maximumf %add3A_36, %max3A_38 : vector<512x256xf32>
    %get3A_40 = arith.constant 0 : index
    %get3A_41 = arith.constant 0 : index
    %get3A_42 = vector.load %arg8[%get3A_40, %get3A_41] : memref<256x128xf32, #tpu.memory_space<vmem>>, vector<256x128xf32>
    %dot_general3A_43 = arith.constant dense<0.000000e+00> : vector<512x128xf32>
    %dot_general3A_44 = tpu.matmul %max3A_39, %get3A_42, %dot_general3A_43 {dimension_numbers = #tpu.dot_dimension_numbers<[1], [0], [0], [1], [0, 0, 1, 1], [], []>, transpose_lhs_hint = false} : vector<512x256xf32>, vector<256x128xf32>, vector<512x128xf32> -> vector<512x128xf32>
    %max3A_45 = arith.constant 0.000000e+00 : f32
    %max3A_46 = vector.broadcast %max3A_45 : f32 to vector<512x128xf32>
    %max3A_47 = arith.maximumf %dot_general3A_44, %max3A_46 : vector<512x128xf32>
    %swap3A = arith.constant 0 : index
    %swap3A_48 = arith.constant 0 : index
    %swap3A_49 = vector.load %arg9[%swap3A, %swap3A_48] : memref<512x128xf32, #tpu.memory_space<vmem>>, vector<512x128xf32>
    tpu.vector_store %arg9[%swap3A, %swap3A_48], %max3A_47 {strides = array<i32>} : memref<512x128xf32, #tpu.memory_space<vmem>>, vector<512x128xf32>,
    return
  }
  func.func @transform_0(%arg0: i32) -> (i32, i32) {
    %c0_i32 = arith.constant 0 : i32
    %c0_i32_0 = arith.constant 0 : i32
    return %arg0, %c0_i32 : i32, i32
  }
  func.func @transform_1(%arg0: i32) -> (i32, i32, i32) {
    %c0_i32 = arith.constant 0 : i32
    %c0_i32_0 = arith.constant 0 : i32
    %c0_i32_1 = arith.constant 0 : i32
    return %c0_i32, %arg0, %c0_i32_0 : i32, i32, i32
  }
  func.func @transform_2(%arg0: i32) -> (i32, i32, i32) {
    %c1_i32 = arith.constant 1 : i32
    %c0_i32 = arith.constant 0 : i32
    %c0_i32_0 = arith.constant 0 : i32
    return %c1_i32, %arg0, %c0_i32 : i32, i32, i32
  }
  func.func @transform_3(%arg0: i32) -> (i32, i32, i32) {
    %c0_i32 = arith.constant 0 : i32
    %c0_i32_0 = arith.constant 0 : i32
    %c0_i32_1 = arith.constant 0 : i32
    return %c0_i32, %arg0, %c0_i32_0 : i32, i32, i32
  }
  func.func @transform_4(%arg0: i32) -> (i32, i32, i32) {
    %c1_i32 = arith.constant 1 : i32
    %c0_i32 = arith.constant 0 : i32
    %c0_i32_0 = arith.constant 0 : i32
    return %c1_i32, %arg0, %c0_i32 : i32, i32, i32
  }
  func.func @transform_5(%arg0: i32) -> (i32, i32) {
    %c0_i32 = arith.constant 0 : i32
    %c0_i32_0 = arith.constant 0 : i32
    %c0_i32_1 = arith.constant 0 : i32
    return %c0_i32, %c0_i32_0 : i32, i32
  }
  func.func @transform_6(%arg0: i32) -> (i32, i32) {
    %c0_i32 = arith.constant 0 : i32
    %c0_i32_0 = arith.constant 0 : i32
    %c0_i32_1 = arith.constant 0 : i32
    return %c0_i32, %c0_i32_0 : i32, i32
  }
  func.func @transform_7(%arg0: i32) -> (i32, i32) {
    %c0_i32 = arith.constant 0 : i32
    %c0_i32_0 = arith.constant 0 : i32
    %c0_i32_1 = arith.constant 0 : i32
    return %c0_i32, %c0_i32_0 : i32, i32
  }
  func.func @transform_8(%arg0: i32) -> (i32, i32) {
    %c0_i32 = arith.constant 0 : i32
    %c0_i32_0 = arith.constant 0 : i32
    return %arg0, %c0_i32 : i32, i32
  }
}

module attributes {stable_mosaic.version = 14 : i64} {
  func.func @_final_body(%arg0: i32, %arg1: memref<512x128xf32, #tpu.memory_space<vmem>>, %arg2: memref<512x128xf32, #tpu.memory_space<vmem>>, %arg3: memref<1x512x128xf32, #tpu.memory_space<vmem>>, %arg4: memref<1x512x128xf32, #tpu.memory_space<vmem>>, %arg5: memref<1x512x128xf32, #tpu.memory_space<vmem>>, %arg6: memref<1x512x128xf32, #tpu.memory_space<vmem>>, %arg7: memref<128x256xf32, #tpu.memory_space<vmem>>, %arg8: memref<128x256xf32, #tpu.memory_space<vmem>>, %arg9: memref<256x128xf32, #tpu.memory_space<vmem>>, %arg10: memref<128x256xf32, #tpu.memory_space<vmem>>, %arg11: memref<128x256xf32, #tpu.memory_space<vmem>>, %arg12: memref<128x256xf32, #tpu.memory_space<vmem>>, %arg13: memref<512x256xf32, #tpu.memory_space<vmem>>) attributes {dimension_semantics = [#tpu.dimension_semantics<arbitrary>], iteration_bounds = array<i64: 25>, scalar_prefetch = 0 : i64, scratch_operands = 0 : i64, tpu.core_type = #tpu.core_type<tc>, window_params = [{transform_indices = @transform_0, window_bounds = array<i64: 512, 128>}, {transform_indices = @transform_1, window_bounds = array<i64: 512, 128>}, {transform_indices = @transform_2, window_bounds = array<i64: 1, 512, 128>}, {transform_indices = @transform_3, window_bounds = array<i64: 1, 512, 128>}, {transform_indices = @transform_4, window_bounds = array<i64: 1, 512, 128>}, {transform_indices = @transform_5, window_bounds = array<i64: 1, 512, 128>}, {pipeline_mode = #tpu.pipeline_mode<synchronous>, transform_indices = @transform_6, window_bounds = array<i64: 128, 256>}, {pipeline_mode = #tpu.pipeline_mode<synchronous>, transform_indices = @transform_7, window_bounds = array<i64: 128, 256>}, {pipeline_mode = #tpu.pipeline_mode<synchronous>, transform_indices = @transform_8, window_bounds = array<i64: 256, 128>}, {pipeline_mode = #tpu.pipeline_mode<synchronous>, transform_indices = @transform_9, window_bounds = array<i64: 128, 256>}, {pipeline_mode = #tpu.pipeline_mode<synchronous>, transform_indices = @transform_10, window_bounds = array<i64: 128, 256>}, {pipeline_mode = #tpu.pipeline_mode<synchronous>, transform_indices = @transform_11, window_bounds = array<i64: 128, 256>}, {transform_indices = @transform_12, window_bounds = array<i64: 512, 256>}]} {
    %get3A = arith.constant 0 : index
    %get3A_0 = arith.constant 0 : index
    %get3A_1 = arith.constant 0 : index
    %get3A_2 = vector.load %arg5[%get3A, %get3A_0, %get3A_1] : memref<1x512x128xf32, #tpu.memory_space<vmem>>, vector<1x512x128xf32>
    %squeeze3A = vector.shape_cast %get3A_2 : vector<1x512x128xf32> to vector<512x128xf32>
    %get3A_3 = arith.constant 0 : index
    %get3A_4 = arith.constant 0 : index
    %get3A_5 = arith.constant 0 : index
    %get3A_6 = vector.load %arg6[%get3A_3, %get3A_4, %get3A_5] : memref<1x512x128xf32, #tpu.memory_space<vmem>>, vector<1x512x128xf32>
    %squeeze3A_7 = vector.shape_cast %get3A_6 : vector<1x512x128xf32> to vector<512x128xf32>
    %add3A = arith.addf %squeeze3A, %squeeze3A_7 : vector<512x128xf32>
    %max3A = arith.constant 1.000000e+00 : f32
    %max3A_8 = vector.broadcast %max3A : f32 to vector<512x128xf32>
    %max3A_9 = arith.maximumf %add3A, %max3A_8 : vector<512x128xf32>
    %div3A = arith.constant 1.000000e+00 : f32
    %div3A_10 = vector.broadcast %div3A : f32 to vector<512x128xf32>
    %div3A_11 = arith.divf %div3A_10, %max3A_9 : vector<512x128xf32>
    %get3A_12 = arith.constant 0 : index
    %get3A_13 = arith.constant 0 : index
    %get3A_14 = vector.load %arg2[%get3A_12, %get3A_13] : memref<512x128xf32, #tpu.memory_space<vmem>>, vector<512x128xf32>
    %mul3A = arith.mulf %get3A_14, %div3A_11 : vector<512x128xf32>
    %get3A_15 = arith.constant 0 : index
    %get3A_16 = arith.constant 0 : index
    %get3A_17 = arith.constant 0 : index
    %get3A_18 = vector.load %arg3[%get3A_15, %get3A_16, %get3A_17] : memref<1x512x128xf32, #tpu.memory_space<vmem>>, vector<1x512x128xf32>
    %squeeze3A_19 = vector.shape_cast %get3A_18 : vector<1x512x128xf32> to vector<512x128xf32>
    %get3A_20 = arith.constant 0 : index
    %get3A_21 = arith.constant 0 : index
    %get3A_22 = arith.constant 0 : index
    %get3A_23 = vector.load %arg4[%get3A_20, %get3A_21, %get3A_22] : memref<1x512x128xf32, #tpu.memory_space<vmem>>, vector<1x512x128xf32>
    %squeeze3A_24 = vector.shape_cast %get3A_23 : vector<1x512x128xf32> to vector<512x128xf32>
    %add3A_25 = arith.addf %squeeze3A_19, %squeeze3A_24 : vector<512x128xf32>
    %mul3A_26 = arith.mulf %add3A_25, %div3A_11 : vector<512x128xf32>
    %get3A_27 = arith.constant 0 : index
    %get3A_28 = arith.constant 0 : index
    %get3A_29 = vector.load %arg7[%get3A_27, %get3A_28] : memref<128x256xf32, #tpu.memory_space<vmem>>, vector<128x256xf32>
    %dot_general3A = arith.constant dense<0.000000e+00> : vector<512x256xf32>
    %dot_general3A_30 = tpu.matmul %mul3A, %get3A_29, %dot_general3A {dimension_numbers = #tpu.dot_dimension_numbers<[1], [0], [0], [1], [0, 0, 1, 1], [], []>, transpose_lhs_hint = false} : vector<512x128xf32>, vector<128x256xf32>, vector<512x256xf32> -> vector<512x256xf32>
    %get3A_31 = arith.constant 0 : index
    %get3A_32 = arith.constant 0 : index
    %get3A_33 = vector.load %arg8[%get3A_31, %get3A_32] : memref<128x256xf32, #tpu.memory_space<vmem>>, vector<128x256xf32>
    %dot_general3A_34 = arith.constant dense<0.000000e+00> : vector<512x256xf32>
    %dot_general3A_35 = tpu.matmul %mul3A_26, %get3A_33, %dot_general3A_34 {dimension_numbers = #tpu.dot_dimension_numbers<[1], [0], [0], [1], [0, 0, 1, 1], [], []>, transpose_lhs_hint = false} : vector<512x128xf32>, vector<128x256xf32>, vector<512x256xf32> -> vector<512x256xf32>
    %add3A_36 = arith.addf %dot_general3A_30, %dot_general3A_35 : vector<512x256xf32>
    %max3A_37 = arith.constant 0.000000e+00 : f32
    %max3A_38 = vector.broadcast %max3A_37 : f32 to vector<512x256xf32>
    %max3A_39 = arith.maximumf %add3A_36, %max3A_38 : vector<512x256xf32>
    %get3A_40 = arith.constant 0 : index
    %get3A_41 = arith.constant 0 : index
    %get3A_42 = vector.load %arg9[%get3A_40, %get3A_41] : memref<256x128xf32, #tpu.memory_space<vmem>>, vector<256x128xf32>
    %dot_general3A_43 = arith.constant dense<0.000000e+00> : vector<512x128xf32>
    %dot_general3A_44 = tpu.matmul %max3A_39, %get3A_42, %dot_general3A_43 {dimension_numbers = #tpu.dot_dimension_numbers<[1], [0], [0], [1], [0, 0, 1, 1], [], []>, transpose_lhs_hint = false} : vector<512x256xf32>, vector<256x128xf32>, vector<512x128xf32> -> vector<512x128xf32>
    %max3A_45 = arith.constant 0.000000e+00 : f32
    %max3A_46 = vector.broadcast %max3A_45 : f32 to vector<512x128xf32>
    %max3A_47 = arith.maximumf %dot_general3A_44, %max3A_46 : vector<512x128xf32>
    %get3A_48 = arith.constant 0 : index
    %get3A_49 = arith.constant 0 : index
    %get3A_50 = vector.load %arg1[%get3A_48, %get3A_49] : memref<512x128xf32, #tpu.memory_space<vmem>>, vector<512x128xf32>
    %get3A_51 = arith.constant 0 : index
    %get3A_52 = arith.constant 0 : index
    %get3A_53 = vector.load %arg10[%get3A_51, %get3A_52] : memref<128x256xf32, #tpu.memory_space<vmem>>, vector<128x256xf32>
    %dot_general3A_54 = arith.constant dense<0.000000e+00> : vector<512x256xf32>
    %dot_general3A_55 = tpu.matmul %get3A_50, %get3A_53, %dot_general3A_54 {dimension_numbers = #tpu.dot_dimension_numbers<[1], [0], [0], [1], [0, 0, 1, 1], [], []>, transpose_lhs_hint = false} : vector<512x128xf32>, vector<128x256xf32>, vector<512x256xf32> -> vector<512x256xf32>
    %get3A_56 = arith.constant 0 : index
    %get3A_57 = arith.constant 0 : index
    %get3A_58 = vector.load %arg11[%get3A_56, %get3A_57] : memref<128x256xf32, #tpu.memory_space<vmem>>, vector<128x256xf32>
    %dot_general3A_59 = arith.constant dense<0.000000e+00> : vector<512x256xf32>
    %dot_general3A_60 = tpu.matmul %get3A_14, %get3A_58, %dot_general3A_59 {dimension_numbers = #tpu.dot_dimension_numbers<[1], [0], [0], [1], [0, 0, 1, 1], [], []>, transpose_lhs_hint = false} : vector<512x128xf32>, vector<128x256xf32>, vector<512x256xf32> -> vector<512x256xf32>
    %add3A_61 = arith.addf %dot_general3A_55, %dot_general3A_60 : vector<512x256xf32>
    %get3A_62 = arith.constant 0 : index
    %get3A_63 = arith.constant 0 : index
    %get3A_64 = vector.load %arg12[%get3A_62, %get3A_63] : memref<128x256xf32, #tpu.memory_space<vmem>>, vector<128x256xf32>
    %dot_general3A_65 = arith.constant dense<0.000000e+00> : vector<512x256xf32>
    %dot_general3A_66 = tpu.matmul %max3A_47, %get3A_64, %dot_general3A_65 {dimension_numbers = #tpu.dot_dimension_numbers<[1], [0], [0], [1], [0, 0, 1, 1], [], []>, transpose_lhs_hint = false} : vector<512x128xf32>, vector<128x256xf32>, vector<512x256xf32> -> vector<512x256xf32>
    %add3A_67 = arith.addf %add3A_61, %dot_general3A_66 : vector<512x256xf32>
    %swap3A = arith.constant 0 : index
    %swap3A_68 = arith.constant 0 : index
    %swap3A_69 = vector.load %arg13[%swap3A, %swap3A_68] : memref<512x256xf32, #tpu.memory_space<vmem>>, vector<512x256xf32>
    tpu.vector_store %arg13[%swap3A, %swap3A_68], %add3A_67 {strides = array<i32>} : memref<512x256xf32, #tpu.memory_space<vmem>>, vector<512x256xf32>,
    return
  }
  func.func @transform_0(%arg0: i32) -> (i32, i32) {
    %c0_i32 = arith.constant 0 : i32
    %c0_i32_0 = arith.constant 0 : i32
    return %arg0, %c0_i32 : i32, i32
  }
  func.func @transform_1(%arg0: i32) -> (i32, i32) {
    %c0_i32 = arith.constant 0 : i32
    %c0_i32_0 = arith.constant 0 : i32
    return %arg0, %c0_i32 : i32, i32
  }
  func.func @transform_2(%arg0: i32) -> (i32, i32, i32) {
    %c0_i32 = arith.constant 0 : i32
    %c0_i32_0 = arith.constant 0 : i32
    %c0_i32_1 = arith.constant 0 : i32
    return %c0_i32, %arg0, %c0_i32_0 : i32, i32, i32
  }
  func.func @transform_3(%arg0: i32) -> (i32, i32, i32) {
    %c1_i32 = arith.constant 1 : i32
    %c0_i32 = arith.constant 0 : i32
    %c0_i32_0 = arith.constant 0 : i32
    return %c1_i32, %arg0, %c0_i32 : i32, i32, i32
  }
  func.func @transform_4(%arg0: i32) -> (i32, i32, i32) {
    %c0_i32 = arith.constant 0 : i32
    %c0_i32_0 = arith.constant 0 : i32
    %c0_i32_1 = arith.constant 0 : i32
    return %c0_i32, %arg0, %c0_i32_0 : i32, i32, i32
  }
  func.func @transform_5(%arg0: i32) -> (i32, i32, i32) {
    %c1_i32 = arith.constant 1 : i32
    %c0_i32 = arith.constant 0 : i32
    %c0_i32_0 = arith.constant 0 : i32
    return %c1_i32, %arg0, %c0_i32 : i32, i32, i32
  }
  func.func @transform_6(%arg0: i32) -> (i32, i32) {
    %c0_i32 = arith.constant 0 : i32
    %c0_i32_0 = arith.constant 0 : i32
    %c0_i32_1 = arith.constant 0 : i32
    return %c0_i32, %c0_i32_0 : i32, i32
  }
  func.func @transform_7(%arg0: i32) -> (i32, i32) {
    %c0_i32 = arith.constant 0 : i32
    %c0_i32_0 = arith.constant 0 : i32
    %c0_i32_1 = arith.constant 0 : i32
    return %c0_i32, %c0_i32_0 : i32, i32
  }
  func.func @transform_8(%arg0: i32) -> (i32, i32) {
    %c0_i32 = arith.constant 0 : i32
    %c0_i32_0 = arith.constant 0 : i32
    %c0_i32_1 = arith.constant 0 : i32
    return %c0_i32, %c0_i32_0 : i32, i32
  }
  func.func @transform_9(%arg0: i32) -> (i32, i32) {
    %c0_i32 = arith.constant 0 : i32
    %c0_i32_0 = arith.constant 0 : i32
    %c0_i32_1 = arith.constant 0 : i32
    return %c0_i32, %c0_i32_0 : i32, i32
  }
  func.func @transform_10(%arg0: i32) -> (i32, i32) {
    %c0_i32 = arith.constant 0 : i32
    %c0_i32_0 = arith.constant 0 : i32
    %c0_i32_1 = arith.constant 0 : i32
    return %c0_i32, %c0_i32_0 : i32, i32
  }
  func.func @transform_11(%arg0: i32) -> (i32, i32) {
    %c0_i32 = arith.constant 0 : i32
    %c0_i32_0 = arith.constant 0 : i32
    %c0_i32_1 = arith.constant 0 : i32
    return %c0_i32, %c0_i32_0 : i32, i32
  }
  func.func @transform_12(%arg0: i32) -> (i32, i32) {
    %c0_i32 = arith.constant 0 : i32
    %c0_i32_0 = arith.constant 0 : i32
    return %arg0, %c0_i32 : i32, i32
  }
}

module attributes {stable_mosaic.version = 14 : i64} {
  func.func @_finish_body(%arg0: i32, %arg1: memref<1024x32xf32, #tpu.memory_space<vmem>>, %arg2: memref<1024x32xf32, #tpu.memory_space<vmem>>, %arg3: memref<1024x16xf32, #tpu.memory_space<vmem>>, %arg4: memref<1024x16xf32, #tpu.memory_space<vmem>>, %arg5: memref<32xf32, #tpu.memory_space<vmem>>, %arg6: memref<1000x32xf32, #tpu.memory_space<vmem>>) attributes {dimension_semantics = [#tpu.dimension_semantics<arbitrary>], iteration_bounds = array<i64: 1>, scalar_prefetch = 0 : i64, scratch_operands = 0 : i64, tpu.core_type = #tpu.core_type<tc>, window_params = [{pipeline_mode = #tpu.pipeline_mode<synchronous>, transform_indices = @transform_0, window_bounds = array<i64: 1024, 32>}, {pipeline_mode = #tpu.pipeline_mode<synchronous>, transform_indices = @transform_1, window_bounds = array<i64: 1024, 32>}, {pipeline_mode = #tpu.pipeline_mode<synchronous>, transform_indices = @transform_2, window_bounds = array<i64: 1024, 16>}, {pipeline_mode = #tpu.pipeline_mode<synchronous>, transform_indices = @transform_3, window_bounds = array<i64: 1024, 16>}, {pipeline_mode = #tpu.pipeline_mode<synchronous>, transform_indices = @transform_4, window_bounds = array<i64: 32>}, {pipeline_mode = #tpu.pipeline_mode<synchronous>, transform_indices = @transform_5, window_bounds = array<i64: 1000, 32>}]} {
    %get3A = arith.constant 0 : index
    %get3A_0 = arith.constant 0 : index
    %get3A_1 = vector.load %arg1[%get3A, %get3A_0] : memref<1024x32xf32, #tpu.memory_space<vmem>>, vector<1024x32xf32>
    %get3A_2 = arith.constant 0 : index
    %get3A_3 = arith.constant 0 : index
    %get3A_4 = vector.load %arg2[%get3A_2, %get3A_3] : memref<1024x32xf32, #tpu.memory_space<vmem>>, vector<1024x32xf32>
    %add3A = arith.addf %get3A_1, %get3A_4 : vector<1024x32xf32>
    %get3A_5 = arith.constant 0 : index
    %get3A_6 = arith.constant 0 : index
    %get3A_7 = vector.load %arg3[%get3A_5, %get3A_6] : memref<1024x16xf32, #tpu.memory_space<vmem>>, vector<1024x16xf32>
    %slice3A = vector.extract_strided_slice %get3A_7 {offsets = [0, 0], sizes = [1024, 1], strides = [1, 1]} : vector<1024x16xf32> to vector<1024x1xf32>
    %squeeze3A = vector.shape_cast %slice3A : vector<1024x1xf32> to vector<1024xf32>
    %get3A_8 = arith.constant 0 : index
    %get3A_9 = arith.constant 0 : index
    %get3A_10 = vector.load %arg4[%get3A_8, %get3A_9] : memref<1024x16xf32, #tpu.memory_space<vmem>>, vector<1024x16xf32>
    %slice3A_11 = vector.extract_strided_slice %get3A_10 {offsets = [0, 0], sizes = [1024, 1], strides = [1, 1]} : vector<1024x16xf32> to vector<1024x1xf32>
    %squeeze3A_12 = vector.shape_cast %slice3A_11 : vector<1024x1xf32> to vector<1024xf32>
    %add3A_13 = arith.addf %squeeze3A, %squeeze3A_12 : vector<1024xf32>
    %max3A = arith.constant 1.000000e+00 : f32
    %max3A_14 = vector.broadcast %max3A : f32 to vector<1024xf32>
    %max3A_15 = arith.maximumf %add3A_13, %max3A_14 : vector<1024xf32>
    %slice3A_16 = vector.extract_strided_slice %add3A {offsets = [0, 0], sizes = [1000, 32], strides = [1, 1]} : vector<1024x32xf32> to vector<1000x32xf32>
    %slice3A_17 = vector.extract_strided_slice %max3A_15 {offsets = [0], sizes = [1000], strides = [1]} : vector<1024xf32> to vector<1000xf32>
    %broadcast_in_dim3A = vector.shape_cast %slice3A_17 : vector<1000xf32> to vector<1000x1xf32>
    %div3A = vector.broadcast %broadcast_in_dim3A : vector<1000x1xf32> to vector<1000x32xf32>
    %div3A_18 = arith.divf %slice3A_16, %div3A : vector<1000x32xf32>
    %get3A_19 = arith.constant 0 : index
    %get3A_20 = vector.load %arg5[%get3A_19] : memref<32xf32, #tpu.memory_space<vmem>>, vector<32xf32>
    %broadcast_in_dim3A_21 = vector.shape_cast %get3A_20 : vector<32xf32> to vector<1x32xf32>
    %add3A_22 = vector.broadcast %broadcast_in_dim3A_21 : vector<1x32xf32> to vector<1000x32xf32>
    %add3A_23 = arith.addf %div3A_18, %add3A_22 : vector<1000x32xf32>
    %swap3A = arith.constant 0 : index
    %swap3A_24 = arith.constant 0 : index
    %swap3A_25 = vector.load %arg6[%swap3A, %swap3A_24] : memref<1000x32xf32, #tpu.memory_space<vmem>>, vector<1000x32xf32>
    tpu.vector_store %arg6[%swap3A, %swap3A_24], %add3A_23 {strides = array<i32>} : memref<1000x32xf32, #tpu.memory_space<vmem>>, vector<1000x32xf32>,
    return
  }
  func.func @transform_0(%arg0: i32) -> (i32, i32) {
    %c0_i32 = arith.constant 0 : i32
    %c0_i32_0 = arith.constant 0 : i32
    %c0_i32_1 = arith.constant 0 : i32
    return %c0_i32, %c0_i32_0 : i32, i32
  }
  func.func @transform_1(%arg0: i32) -> (i32, i32) {
    %c0_i32 = arith.constant 0 : i32
    %c0_i32_0 = arith.constant 0 : i32
    %c0_i32_1 = arith.constant 0 : i32
    return %c0_i32, %c0_i32_0 : i32, i32
  }
  func.func @transform_2(%arg0: i32) -> (i32, i32) {
    %c0_i32 = arith.constant 0 : i32
    %c0_i32_0 = arith.constant 0 : i32
    %c0_i32_1 = arith.constant 0 : i32
    return %c0_i32, %c0_i32_0 : i32, i32
  }
  func.func @transform_3(%arg0: i32) -> (i32, i32) {
    %c0_i32 = arith.constant 0 : i32
    %c0_i32_0 = arith.constant 0 : i32
    %c0_i32_1 = arith.constant 0 : i32
    return %c0_i32, %c0_i32_0 : i32, i32
  }
  func.func @transform_4(%arg0: i32) -> i32 {
    %c0_i32 = arith.constant 0 : i32
    %c0_i32_0 = arith.constant 0 : i32
    return %c0_i32 : i32
  }
  func.func @transform_5(%arg0: i32) -> (i32, i32) {
    %c0_i32 = arith.constant 0 : i32
    %c0_i32_0 = arith.constant 0 : i32
    %c0_i32_1 = arith.constant 0 : i32
    return %c0_i32, %c0_i32_0 : i32, i32
  }
}

</mosaic_0001>

<sc_bundles>
// kernel: kernel.12.cloned.1.call-start
scs
__scs_entry_jumppad:
0x0: {  	(pc) =	sbr.rel $0x88, $3  }
0x1: {  	(tag) =	ssettag $0x0;
	lr =	simm.s32 $0x1  }
0x2: {  	[smem:$0x3F97] =	sst lr;
	_ =	strace $0xD0000000  }
0x3: {  	_ = 	snop  }
0x4: {  	_ = 	snop  }
0x5: {  	_ = 	snop  }
0x6: {  	_ = 	snop  }
0x7: {  	_ = 	snop  }
__scs_overlays_trampoline_lowered:
0x8: {  	[smem:$0x3FA6] =	sst s0  }
0x9: {  	[smem:$0x3FA7] =	sst s1  }
0xa: {  	[smem:$0x3FA8] =	sst s2  }
0xb: {  	[smem:$0x3FA9] =	sst s3  }
0xc: {  	[smem:$0x3FAA] =	sst s4  }
0xd: {  	[smem:$0x3FAB] =	sst s5  }
0xe: {  	[smem:$0x3FAC] =	sst s6  }
0xf: {  	[smem:$0x3FAD] =	sst s7  }
0x10: {  	[smem:$0x3FAE] =	sst s8  }
0x11: {  	[smem:$0x3FAF] =	sst s9;
	s0 =	simm.s32 @!p0 $0x0  }
0x12: {  	s1 =	sld [smem:$0x3F95];
	s0 =	simm.s32 @p0 $0x1  }
0x13: {  	[smem:$0x3FB0] =	sst s0;
	s0 =	simm.s32 @!p1 $0x0  }
0x14: {  	s2 =	sld [smem:$0x3F94];
	s0 =	simm.s32 @p1 $0x1  }
0x15: {  	[smem:$0x3FB1] =	sst s0;
	s0 =	simm.s32 @!p2 $0x0  }
0x16: {  	s3 =	sld [smem:$0x3FDB];
	s0 =	simm.s32 @p2 $0x1  }
0x17: {  	s4 =	simm.s32 $0x1BF5;
	[smem:$0x3FB3] =	sst s0  }
0x18: {  	s0 =	sld [smem:$0x3F96];
	_ =	swait.ge [sflag:s4], $0x0  }
0x19: {  	s7 =	sld [smem:$0x3F97]  }
0x1a: {  	s8 =	sadd.s32 $0xFFFFE003, lr  }
0x1b: {  	s9 =	sadd.s32 $0xFFFFFEF7, lr;
	s5 =	simm.s32 $0xFFFFFFFF;
	p2 =	slt.u32 s8, $0xFFFFF086  }
0x1c: {  	p1 =	slt.u32 s9, $0xF7A;
	s5 =	simm.s32 @!p2 $0x0  }
0x1d: {  	s5 =	simm.s32 @p1 $0x1;
	p0 =	seq.s32 s7, s2  }
0x1e: {  	s7 =	smul.u32 @!p0 $0xF7A, s2;
	p2 =	seq.s32 @!p0 s5, $0x0  }
0x1f: {  	s9 =	smul.u32 $0xF7A, s1;
	s8 =	simm.s32 @!p0 $0x1BF5;
	p2 =	por !p2, p0  }
0x20: {  	[sflag:s8] =	ssyncset.s32 @!p0 $0xFFFFF086;
	s6 =	sadd.s32 @!p0 s3, s7;
	s7 =	simm.s32 @!p0 $0x108  }
0x21: {  	s3 =	sadd.s32 s3, s9;
	s6 =	sadd.s32 @!p0 $0x88, s6;
	s7 =	simm.s32 @p2 $0x1082  }
0x22: {  	[simem:s7], [sflag:s8] =	dma.local @!p0 [hbm:s6], $0xF7A  }
0x23: {  	s9 =	sor.u32 $0xD0000000, s2;
	s6 =	simm.s32 $0x108;
	_ =	swait.ge @!p0 [sflag:s8], $0x0  }
0x24: {  	s3 =	sadd.s32 $0x88, s3;
	s6 =	simm.s32 @!p1 $0x1082;
	[sflag:s4] =	ssyncset.s32 $0xFFFFF086  }
0x25: {  	[simem:s6], [sflag:s4] =	dma.local [hbm:s3], $0xF7A  }
0x26: {  	[smem:$0x3F97] =	sst s1;
	(tag) =	ssettag s2;
	_ =	strace s9  }
0x27: {  	s1 =	sld [smem:$0x3FA7]  }
0x28: {  	s2 =	sld [smem:$0x3FA8]  }
0x29: {  	s4 =	sld [smem:$0x3FAA]  }
0x2a: {  	p0 =	seq.s32 s5, $0x0;
	s5 =	sld [smem:$0x3FAB]  }
0x2b: {  	s6 =	sld [smem:$0x3FAC]  }
0x2c: {  	s7 =	sld [smem:$0x3FAD]  }
0x2d: {  	s3 =	simm.s32 $0x108;
	s8 =	sld [smem:$0x3FAE]  }
0x2e: {  	s3 =	simm.s32 @!p0 $0x1082;
	s9 =	sld [smem:$0x3FAF]  }
0x2f: {  	lr =	sadd.s32 s0, s3;
	s0 =	sld [smem:$0x3FA6]  }
0x30: {  	s3 =	sld [smem:$0x3FA9]  }
0x31: {  	[smem:$0x3FB2] =	sst s10  }
0x32: {  	s10 =	sld [smem:$0x3FB0];
	_ =	sdelay $0x3  }
0x33: {  	p0 =	seq.s32 s10, $0x1;
	s10 =	sld [smem:$0x3FB2];
	_ =	sdelay $0x3  }
0x34: {  	[smem:$0x3FB2] =	sst s10  }
0x35: {  	s10 =	sld [smem:$0x3FB1];
	_ =	sdelay $0x3  }
0x36: {  	p1 =	seq.s32 s10, $0x1;
	s10 =	sld [smem:$0x3FB2];
	_ =	sdelay $0x3  }
0x37: {  	[smem:$0x3FB2] =	sst s10  }
0x38: {  	s10 =	sld [smem:$0x3FB3]  }
0x39: {  	_ = 	snop;
	(pc) =	sbr.ind lr, $3  }
0x3a: {  	_ = 	snop  }
0x3b: {  	_ = 	snop  }
0x3c: {  	p2 =	seq.s32 s10, $0x1;
	s10 =	sld [smem:$0x3FB2]  }
0x3d: {  	_ =	shalt  }
0x3e: {  	_ =	shalt  }
0x3f: {  	_ =	shalt  }
0x40: {  	_ =	shalt  }
0x41: {  	_ =	shalt  }
0x42: {  	_ =	shalt  }
0x43: {  	_ =	shalt  }
0x44: {  	_ =	shalt  }
0x45: {  	_ =	shalt  }
0x46: {  	_ =	shalt  }
0x47: {  	_ =	shalt  }
0x48: {  	_ =	shalt  }
0x49: {  	_ =	shalt  }
0x4a: {  	_ =	shalt  }
0x4b: {  	_ =	shalt  }
0x4c: {  	_ =	shalt  }
0x4d: {  	_ =	shalt  }
0x4e: {  	_ =	shalt  }
0x4f: {  	_ =	shalt  }
0x50: {  	_ =	shalt  }
0x51: {  	_ =	shalt  }
0x52: {  	_ =	shalt  }
0x53: {  	_ =	shalt  }
0x54: {  	_ =	shalt  }
0x55: {  	_ =	shalt  }
0x56: {  	_ =	shalt  }
0x57: {  	_ =	shalt  }
0x58: {  	_ =	shalt  }
0x59: {  	_ =	shalt  }
0x5a: {  	_ =	shalt  }
0x5b: {  	_ =	shalt  }
0x5c: {  	_ =	shalt  }
0x5d: {  	_ =	shalt  }
0x5e: {  	_ =	shalt  }
0x5f: {  	_ =	shalt  }
0x60: {  	_ =	shalt  }
0x61: {  	_ =	shalt  }
0x62: {  	_ =	shalt  }
0x63: {  	_ =	shalt  }
0x64: {  	_ =	shalt  }
0x65: {  	_ =	shalt  }
0x66: {  	_ =	shalt  }
0x67: {  	_ =	shalt  }
0x68: {  	_ =	shalt  }
0x69: {  	_ =	shalt  }
0x6a: {  	_ =	shalt  }
0x6b: {  	_ =	shalt  }
0x6c: {  	_ =	shalt  }
0x6d: {  	_ =	shalt  }
0x6e: {  	_ =	shalt  }
0x6f: {  	_ =	shalt  }
0x70: {  	_ =	shalt  }
0x71: {  	_ =	shalt  }
0x72: {  	_ =	shalt  }
0x73: {  	_ =	shalt  }
0x74: {  	_ =	shalt  }
0x75: {  	_ =	shalt  }
0x76: {  	_ =	shalt  }
0x77: {  	_ =	shalt  }
0x78: {  	_ =	shalt  }
0x79: {  	_ =	shalt  }
0x7a: {  	_ =	shalt  }
0x7b: {  	_ =	shalt  }
0x7c: {  	_ =	shalt  }
0x7d: {  	_ =	shalt  }
0x7e: {  	_ =	shalt  }
0x7f: {  	_ =	shalt  }
0x80: {  	_ =	shalt  }
0x81: {  	_ =	shalt  }
0x82: {  	_ =	shalt  }
0x83: {  	_ =	shalt  }
0x84: {  	_ =	shalt  }
0x85: {  	_ =	shalt  }
0x86: {  	_ =	shalt  }
0x87: {  	_ =	shalt  }
.Lfunc_end0:
.L_simem_size_0:
called_computation.1_lowered:
.L_overlay_start_0:
0x88: {  	s2 =	sld [smem:$0x3FD9]  }
0x89: {  	s3 =	sld [smem:$0x3FFE];
	_ =	sdelay $0x1  }
0x8a: {  	s1 =	srdreg.scid  }
0x8b: {  	s0 =	sand.u32 $0x1, s1  }
0x8c: {  	s16 =	sshll.u32 s0, $0xA;
	s2 =	sadd.s32 s3, s2  }
0x8d: {  	s2 =	sadd.s32 s2, s16  }
0x8e: {  	[smem:$0x3FBE] =	sst s2  }
0x8f: {  	_ = 	snop  }
0x90: {  	(tm) =	ssettm $0x1  }
0x91: {  	s17 =	sld [smem:$0x3FFB];
	_ =	sdelay $0x3  }
0x92: {  	_ =	strace s17  }
0x93: {  	s2 =	sld [smem:$0x3FFC];
	_ =	sdelay $0x3  }
0x94: {  	_ =	strace s2  }
0x95: {  	s2 =	sld [smem:$0x3FFD];
	_ =	sdelay $0x3  }
0x96: {  	_ =	strace s2  }
0x97: {  	_ =	strace $0x8FFFFFFF  }
0x98: {  	s18 =	sld [smem:$0x3FDB];
	_ =	sdelay $0x1  }
0x99: {  	s19 =	simm.s32 $_scs_section_size  }
0x9a: {  	s4 =	simm.s32 $_size__tile_overlayer_lowered;
	s5 =	simm.s32 $_tile_overlayer_lowered  }
0x9b: {  	s22 =	simm.s32 $0x1BFF;
	s21 =	sshll.u32 s5, $0x1;
	s2 =	sadd.s32 s19, s18  }
0x9c: {  	s6 =	simm.s32 $0x0;
	s20 =	sshll.u32 s4, $0x1;
	s4 =	sadd.s32 s21, s2  }
0x9d: {  	[timem:s6], [sflag:s22] =	dma.local [hbm:s4], s20  }
0x9e: {  	_ =	swait.ge [sflag:s22], s20  }
0x9f: {  	s3 =	ssub.s32 $0x0, s20;
	[sflag:s22] =	ssyncset.done $0x0  }
0xa0: {  	[sflag:s22] =	ssyncadd.s32 s3;
	_ =	sdelay $0x1  }
0xa1: {  	s23 =	simm.s32 $0x1B8B  }
0xa2: {  	_ =	swait.ge [sflag:s23], $0x1  }
0xa3: {  	[sflag:s23] =	ssyncset.done $0x0  }
0xa4: {  	s25 =	simm.s32 $0x1B8E;
	s24 =	sld [smem:$0x3FFE];
	[sflag:s23] =	ssyncadd.s32 $0xFFFFFFFF  }
0xa5: {  	s26 =	simm.s32 $execute0_lowered;
	[smem:$0x3FD2] =	sst s25  }
0xa6: {  	s4 =	sshll.u32 s26, $0x1;
	_ =	strace $0x80000049;
	[dreg:$0x1] =	wrdreg $0xFFFFFFFF  }
0xa7: {  	s28 =	simm.s32 $_size_execute0_lowered;
	s2 =	sadd.s32 s2, s4;
	[dreg:$0x0] =	wrdreg $0x0  }
0xa8: {  	s4 =	sshll.u32 s28, $0x1;
	[dreg:$0x2] =	wrdreg s2  }
0xa9: {  	[dreg:$0x3] =	wrdreg s4  }
0xaa: {  	[dreg:$0x4] =	wrdreg $0xC0  }
0xab: {  	_ =	task [dreg:s6], $0x5FFFF  }
0xac: {  	[dreg:$0x1] =	wrdreg $0xFFFFFFFF  }
0xad: {  	[dreg:$0x0] =	wrdreg $0x60  }
0xae: {  	[dreg:$0x2] =	wrdreg s24  }
0xaf: {  	[dreg:$0x3] =	wrdreg $0x0  }
0xb0: {  	[dreg:$0x4] =	wrdreg $0x9  }
0xb1: {  	_ =	task.clear_ibuf [dreg:s6], $0x5FFFF;
	_ =	strace $0x90000049  }
0xb2: {  	s29 =	simm.s32 $0x9;
	_ =	strace $0x8000004B  }
0xb3: {  	_ =	swait.ge [sflag:s29], $0x1  }
0xb4: {  	[sflag:s29] =	ssyncadd.s32 $0xFFFFFFFF  }
0xb5: {  	_ =	strace $0x9000004B  }
0xb6: {  	_ =	sfence  }
0xb7: {  	s30 =	sld [smem:$0x0];
	_ =	sdelay $0x2  }
0xb8: {  	s31 =	sshll.u32 s1, $0xD;
	s1 =	sshrl.u32 s1, $0x2  }
0xb9: {  	s3 =	sand.u32 $0x4000, s31;
	s1 =	sadd.s32 s1, s30  }
0xba: {  	s0 =	sor.u32 s3, s0;
	s1 =	sshll.u32 s1, $0x11  }
0xbb: {  	s0 =	sor.u32 s1, s0  }
0xbc: {  	s0 =	sadd.s32 $0x8F2B, s0  }
0xbd: {  	[sflag:s0] =	ssyncadd.remote.s32 $0x1  }
0xbe: {  	_ =	sfence.sel $0xFFFF  }
0xbf: {  	[dreg:$0x0] =	wrdreg $0xFFFFFFFF;
	(pc) =	sbr.abs _section_cstart, $3  }
0xc0: {  	[dreg:$0x1] =	wrdreg $0xFFFFFFFF  }
0xc1: {  	_ =	task.clear_ibuf [dreg:s6], $0x2FFFF;
	_ =	strace $0x9FFFFFFF  }
0xc2: {  	(tm) =	ssettm $0x7FFFFFFF  }
0xc3: {  	_ =	shalt  }
tec
execute0_lowered:
.L_overlay_start_1:
0x0: {  	(tag) =	ssettag $0x1  }
0x1: {  	s0 =	srdreg.scid  }
0x2: {  	s1 =	rddreg [dreg:$0x0];
	s8 =	stileid.u32  }
0x3: {  	s2 =	rddreg [dreg:$0x1];
	s5 =	smul.u32 $0xC400, s8  }
0x4: {  	s3 =	simm.s32 $0x0;
	s28 =	simm.s32 $0x1A000;
	s16 =	smul.u32 $0x64000, s8  }
0x5: {  	s29 =	simm.s32 $0x1A800;
	s0 =	sand.u32 $0x1, s0;
	s8 =	smul.u32 $0x19000, s8  }
0x6: {  	s30 =	simm.s32 $0x1B000;
	s31 =	simm.s32 $0x19200;
	s4 =	smul.u32 $0xC4000, s0  }
0x7: {  	[smem:$0x7FF] =	sst s3;
	s6 =	smul.u32 $0x190000, s0;
	s0 =	ssub.s32 $0x2, s0  }
0x8: {  	_ =	strace $0x8000004A;
	s9 =	sshrl.u32 s0, $0x1;
	s10 =	sadd.s32 $0x4000, s8  }
0x9: {  	s11 =	sadd.s32 $0x8000, s8;
	s12 =	sadd.s32 s8, s2;
	s20 =	sadd.s32 $0xC000, s8  }
0xa: {  	s14 =	sadd.s32 $0x10000, s8;
	s15 =	sadd.s32 $0x14000, s8;
	s4 =	sadd.s32 s5, s4  }
0xb: {  	s0 =	ssub.s32 s0, s9;
	s5 =	sshrl.u32 s16, $0x2;
	s17 =	sadd.s32 s8, s6  }
0xc: {  	s18 =	sadd.s32 s6, s10;
	s13 =	sadd.s32 s6, s11;
	s10 =	sadd.s32 s10, s2  }
0xd: {  	s21 =	sadd.s32 s6, s20;
	s11 =	sadd.s32 s11, s2;
	s22 =	sadd.s32 s6, s14  }
0xe: {  	s16 =	sadd.s32 s6, s15;
	s8 =	sadd.s32 $0x18000, s8;
	s14 =	sadd.s32 s14, s2  }
0xf: {  	s4 =	sshrl.u32 s4, $0x3;
	s5 =	sadd.s32 s5, s2;
	s9 =	sshrl.u32 s17, $0x3  }
0x10: {  	s19 =	sshrl.u32 s13, $0x3;
	s13 =	sadd.s32 s20, s2;
	s23 =	sshrl.u32 s16, $0x3  }
0x11: {  	s6 =	sadd.s32 s6, s8;
	s26 =	sadd.s32 s8, s2;
	s0 =	smax.u32 s0, $0x1  }
0x12: {  	s16 =	simm.s32 $0x19000;
	s8 =	simm.s32 $0x19100;
	s17 =	simm.s32 $0x19400  }
0x13: {  	s20 =	sshrl.u32 s10, $0x3;
	s10 =	simm.s32 $0x1D000;
	[dreg:$0xf] =	wrdreg s0  }
0x14: {  	s7 =	sadd.s32 s4, s1;
	s4 =	sadd.s32 $0x3AC00, s1;
	[dreg:$0x6] =	wrdreg s8  }
0x15: {  	s1 =	sadd.s32 $0x101C00, s1;
	s6 =	sshrl.u32 s6, $0x3;
	[dreg:$0x11] =	wrdreg s20  }
0x16: {  	s26 =	sshrl.u32 s26, $0x3;
	s0 =	simm.s32 $0x19280;
	s8 =	simm.s32 $0x1C800  }
0x17: {  	s20 =	simm.s32 $0x19600;
	s9 =	sadd.s32 s1, s9;
	[dreg:$0x16] =	wrdreg s26  }
0x18: {  	s24 =	sadd.s32 $0x9C00, s7;
	s25 =	sadd.s32 $0xD0C00, s7;
	[dreg:$0x8] =	wrdreg s9  }
0x19: {  	s7 =	simm.s32 $0x19080;
	s26 =	simm.s32 $0x19800;
	[dreg:$0x3] =	wrdreg s24  }
0x1a: {  	s9 =	sshrl.u32 s18, $0x3;
	[dreg:$0x4] =	wrdreg s25;
	s25 =	simm.s32 $0x1D800  }
0x1b: {  	[dreg:$0x5] =	wrdreg s7;
	s18 =	simm.s32 $0x19180;
	s7 =	simm.s32 $0x19300  }
0x1c: {  	s9 =	sadd.s32 s1, s9;
	[dreg:$0x7] =	wrdreg s18;
	s18 =	simm.s32 $0x80  }
0x1d: {  	[dreg:$0x9] =	wrdreg s9;
	s9 =	sadd.s32 s1, s19;
	s19 =	sshrl.u32 s12, $0x3  }
0x1e: {  	s12 =	simm.s32 $0x19480;
	[dreg:$0xa] =	wrdreg s9;
	s9 =	sshrl.u32 s21, $0x3  }
0x1f: {  	[dreg:$0x10] =	wrdreg s19;
	s21 =	sshrl.u32 s11, $0x3;
	s11 =	simm.s32 $0x1  }
0x20: {  	s19 =	simm.s32 $0x19580;
	s9 =	sadd.s32 s1, s9;
	[dreg:$0x12] =	wrdreg s21  }
0x21: {  	[dreg:$0xb] =	wrdreg s9;
	s9 =	sshrl.u32 s22, $0x3;
	s22 =	sshrl.u32 s13, $0x3  }
0x22: {  	s21 =	simm.s32 $0x19680;
	s9 =	sadd.s32 s1, s9;
	[dreg:$0x13] =	wrdreg s22  }
0x23: {  	s13 =	simm.s32 $0x19500;
	[dreg:$0xc] =	wrdreg s9;
	s9 =	sadd.s32 s1, s23  }
0x24: {  	s22 =	simm.s32 $0x19700;
	s1 =	sadd.s32 s1, s6;
	[dreg:$0xd] =	wrdreg s9  }
0x25: {  	s23 =	sshrl.u32 s14, $0x3;
	s6 =	simm.s32 $0x1C000;
	[dreg:$0xe] =	wrdreg s1  }
0x26: {  	s9 =	sadd.s32 s15, s2;
	s15 =	simm.s32 $0x2;
	[dreg:$0x14] =	wrdreg s23  }
0x27: {  	s1 =	simm.s32 $0x1B800;
	s23 =	simm.s32 $0x19780;
	s24 =	sshrl.u32 s9, $0x3  }
0x28: {  	v0 =	vimm.f32 $0.0e+00;
	s9 =	simm.s32 $0x19380;
	[dreg:$0x15] =	wrdreg s24;
	s24 =	simm.s32 $0x0  }
.LBB2_1:
0x29: {  	[dreg:$0x17] =	wrdreg s24;
	s14 =	simm.s32 $0x0  }
.LBB2_2:
0x2a: {  	p0 =	sne.s32 s14, $0x3FC0  }
.Ltmp0:
0x2b: {  	_ = 	snop;
	(pc) =	sbr.rel @p0 .LBB2_2-.Ltmp0, $3  }
0x2c: {  	_ =	sdelay $0x1  }
0x2d: {  	s24 =	sshra.s32 s14, $0x2  }
0x2e: {  	s14 =	sadd.s32 $0x40, s14;
	[tilespmem:s24+$0x1D800] =	vst v0  }
0x2f: {  	s14 =	sadd.s32 $0x0, s5  }
0x30: {  	[spmem:s14] =	stream.linear.scatter [tilespmem:s25], [sflag:$0x2], $0x1000, $0x38;
	[tilespmem:$0x1E800] =	vst v63  }
0x31: {  	s24 =	simm.s32 $0x4000;
	_ =	swait.ge [sflag:s15], $0x1000  }
.LBB2_4:
0x32: {  	s14 =	sshra.s32 s24, $0x2;
	[sflag:s15] =	ssyncset.done $0x0;
	p0 =	sne.s32 s24, $0x60000  }
.Ltmp1:
0x33: {  	s14 =	sadd.s32 s14, s5;
	[sflag:s15] =	ssyncadd.s32 $0xFFFFF000;
	(pc) =	sbr.rel @p0 .LBB2_4-.Ltmp1, $3  }
0x34: {  	[spmem:s14] =	stream.linear.scatter [tilespmem:s25], [sflag:$0x2], $0x1000, $0x38;
	[tilespmem:$0x1E800] =	vst v63  }
0x35: {  	s24 =	sadd.s32 $0x4000, s24;
	_ =	sdelay $0x1  }
0x36: {  	_ =	swait.ge [sflag:s15], $0x1000  }
0x37: {  	[sflag:s15] =	ssyncset.done $0x0  }
0x38: {  	[sflag:s15] =	ssyncadd.s32 $0xFFFFF000  }
0x39: {  	[bflag:$0x0] =	sbarrier.arrive $0xFFFF  }
0x3a: {  	s14 =	rddreg [dreg:$0x4]  }
0x3b: {  	s14 =	sadd.s32 $0x0, s14  }
0x3c: {  	[tilespmem:s16], [sflag:$0x2] =	stream.linear.gather [hbm4b:s14+s3], $0x400, $0x38;
	[tilespmem:$0x1E800] =	vst v63  }
0x3d: {  	_ =	swait.ge [sflag:s15], $0x400  }
0x3e: {  	s24 =	rddreg [dreg:$0x3];
	[sflag:s15] =	ssyncset.done $0x0  }
0x3f: {  	[sflag:s15] =	ssyncadd.s32 $0xFFFFFC00;
	s14 =	sadd.s32 $0x0, s24  }
0x40: {  	[tilespmem:s17], [sflag:$0x2] =	stream.linear.gather [hbm4b:s14+s3], $0x400, $0x38;
	[tilespmem:$0x1E800] =	vst v63  }
0x41: {  	_ =	swait.ge [sflag:s15], $0x400  }
0x42: {  	[sflag:s15] =	ssyncset.done $0x0  }
0x43: {  	[sflag:s15] =	ssyncadd.s32 $0xFFFFFC00  }
0x44: {  	[tilespmem:s26], [sflag:$0x1] =	stream.indirect.gather [hbm4b:s4+s18], $0x10, s16, s18, $0xb8;
	[tilespmem:$0x1E800] =	vst v63  }
0x45: {  	s25 =	rddreg [dreg:$0x5]  }
0x46: {  	[tilespmem:s28], [sflag:$0x1] =	stream.indirect.gather [hbm4b:s4+s18], $0x10, s25, s18, $0xb8;
	[tilespmem:$0x1E800] =	vst v63  }
0x47: {  	s24 =	rddreg [dreg:$0x6]  }
0x48: {  	[tilespmem:s29], [sflag:$0x1] =	stream.indirect.gather [hbm4b:s4+s18], $0x10, s24, s18, $0xb8;
	[tilespmem:$0x1E800] =	vst v63  }
0x49: {  	s25 =	rddreg [dreg:$0x7]  }
0x4a: {  	[tilespmem:s30], [sflag:$0x1] =	stream.indirect.gather [hbm4b:s4+s18], $0x10, s25, s18, $0xb8;
	[tilespmem:$0x1E800] =	vst v63  }
0x4b: {  	_ = 	snop  }
0x4c: {  	[tilespmem:s1], [sflag:$0x1] =	stream.indirect.gather [hbm4b:s4+s18], $0x10, s31, s18, $0xb8;
	[tilespmem:$0x1E800] =	vst v63  }
0x4d: {  	_ = 	snop  }
0x4e: {  	[tilespmem:s6], [sflag:$0x1] =	stream.indirect.gather [hbm4b:s4+s18], $0x10, s0, s18, $0xb8;
	[tilespmem:$0x1E800] =	vst v63  }
0x4f: {  	_ = 	snop  }
0x50: {  	[tilespmem:s8], [sflag:$0x1] =	stream.indirect.gather [hbm4b:s4+s18], $0x10, s7, s18, $0xb8;
	[tilespmem:$0x1E800] =	vst v63  }
0x51: {  	_ = 	snop  }
0x52: {  	[tilespmem:s10], [sflag:$0x1] =	stream.indirect.gather [hbm4b:s4+s18], $0x10, s9, s18, $0xb8;
	[tilespmem:$0x1E800] =	vst v63  }
0x53: {  	_ =	swait.ge [sflag:s11], $0x800  }
0x54: {  	[sflag:s11] =	ssyncset.done $0x0  }
0x55: {  	[sflag:s11] =	ssyncadd.s32 $0xFFFFF800  }
0x56: {  	_ =	swait.ge [sflag:s11], $0x800  }
0x57: {  	[sflag:s11] =	ssyncset.done $0x0  }
0x58: {  	[sflag:s11] =	ssyncadd.s32 $0xFFFFF800  }
0x59: {  	_ =	swait.ge [sflag:s11], $0x800  }
0x5a: {  	[sflag:s11] =	ssyncset.done $0x0  }
0x5b: {  	[sflag:s11] =	ssyncadd.s32 $0xFFFFF800  }
0x5c: {  	_ =	swait.ge [sflag:s11], $0x800  }
0x5d: {  	[sflag:s11] =	ssyncset.done $0x0  }
0x5e: {  	[sflag:s11] =	ssyncadd.s32 $0xFFFFF800  }
0x5f: {  	_ =	swait.ge [sflag:s11], $0x800  }
0x60: {  	[sflag:s11] =	ssyncset.done $0x0  }
0x61: {  	[sflag:s11] =	ssyncadd.s32 $0xFFFFF800  }
0x62: {  	_ =	swait.ge [sflag:s11], $0x800  }
0x63: {  	[sflag:s11] =	ssyncset.done $0x0  }
0x64: {  	[sflag:s11] =	ssyncadd.s32 $0xFFFFF800  }
0x65: {  	_ =	swait.ge [sflag:s11], $0x800  }
0x66: {  	[sflag:s11] =	ssyncset.done $0x0  }
0x67: {  	[sflag:s11] =	ssyncadd.s32 $0xFFFFF800  }
0x68: {  	_ =	swait.ge [sflag:s11], $0x800  }
0x69: {  	[sflag:s11] =	ssyncset.done $0x0  }
0x6a: {  	[sflag:s11] =	ssyncadd.s32 $0xFFFFF800  }
0x6b: {  	[spmem:s2] =	stream.indirect.scatter.add.f32 [tilespmem:s26], [sflag:$0x2], $0x10, s17, s18, $0xb8;
	[tilespmem:$0x1E800] =	vst v63  }
0x6c: {  	_ =	swait.ge [sflag:s15], $0x800  }
0x6d: {  	[sflag:s15] =	ssyncset.done $0x0  }
0x6e: {  	[sflag:s15] =	ssyncadd.s32 $0xFFFFF800  }
0x6f: {  	[spmem:s2] =	stream.indirect.scatter.add.f32 [tilespmem:s28], [sflag:$0x2], $0x10, s12, s18, $0xb8;
	[tilespmem:$0x1E800] =	vst v63  }
0x70: {  	_ =	swait.ge [sflag:s15], $0x800  }
0x71: {  	[sflag:s15] =	ssyncset.done $0x0  }
0x72: {  	[sflag:s15] =	ssyncadd.s32 $0xFFFFF800  }
0x73: {  	[spmem:s2] =	stream.indirect.scatter.add.f32 [tilespmem:s29], [sflag:$0x2], $0x10, s13, s18, $0xb8;
	[tilespmem:$0x1E800] =	vst v63  }
0x74: {  	_ =	swait.ge [sflag:s15], $0x800  }
0x75: {  	[sflag:s15] =	ssyncset.done $0x0  }
0x76: {  	[sflag:s15] =	ssyncadd.s32 $0xFFFFF800  }
0x77: {  	[spmem:s2] =	stream.indirect.scatter.add.f32 [tilespmem:s30], [sflag:$0x2], $0x10, s19, s18, $0xb8;
	[tilespmem:$0x1E800] =	vst v63  }
0x78: {  	_ =	swait.ge [sflag:s15], $0x800  }
0x79: {  	[sflag:s15] =	ssyncset.done $0x0  }
0x7a: {  	[sflag:s15] =	ssyncadd.s32 $0xFFFFF800  }
0x7b: {  	[spmem:s2] =	stream.indirect.scatter.add.f32 [tilespmem:s1], [sflag:$0x2], $0x10, s20, s18, $0xb8;
	[tilespmem:$0x1E800] =	vst v63  }
0x7c: {  	_ =	swait.ge [sflag:s15], $0x800  }
0x7d: {  	[sflag:s15] =	ssyncset.done $0x0  }
0x7e: {  	[sflag:s15] =	ssyncadd.s32 $0xFFFFF800  }
0x7f: {  	[spmem:s2] =	stream.indirect.scatter.add.f32 [tilespmem:s6], [sflag:$0x2], $0x10, s21, s18, $0xb8;
	[tilespmem:$0x1E800] =	vst v63  }
0x80: {  	_ =	swait.ge [sflag:s15], $0x800  }
0x81: {  	[sflag:s15] =	ssyncset.done $0x0  }
0x82: {  	[sflag:s15] =	ssyncadd.s32 $0xFFFFF800  }
0x83: {  	[spmem:s2] =	stream.indirect.scatter.add.f32 [tilespmem:s8], [sflag:$0x2], $0x10, s22, s18, $0xb8;
	[tilespmem:$0x1E800] =	vst v63  }
0x84: {  	_ =	swait.ge [sflag:s15], $0x800  }
0x85: {  	[sflag:s15] =	ssyncset.done $0x0  }
0x86: {  	[sflag:s15] =	ssyncadd.s32 $0xFFFFF800  }
0x87: {  	[spmem:s2] =	stream.indirect.scatter.add.f32 [tilespmem:s10], [sflag:$0x2], $0x10, s23, s18, $0xb8;
	[tilespmem:$0x1E800] =	vst v63  }
0x88: {  	s24 =	simm.s32 $0x100;
	_ =	swait.ge [sflag:s15], $0x800  }
0x89: {  	s25 =	simm.s32 $0x80;
	s14 =	rddreg [dreg:$0x4];
	[sflag:s15] =	ssyncset.done $0x0  }
.LBB2_6:
0x8a: {  	[sflag:s15] =	ssyncadd.s32 $0xFFFFF800;
	s14 =	sadd.s32 s25, s14  }
0x8b: {  	[tilespmem:s16], [sflag:$0x2] =	stream.linear.gather [hbm4b:s14+s3], $0x400, $0x38;
	[tilespmem:$0x1E800] =	vst v63  }
0x8c: {  	_ =	swait.ge [sflag:s15], $0x400  }
0x8d: {  	s14 =	rddreg [dreg:$0x3];
	[sflag:s15] =	ssyncset.done $0x0  }
0x8e: {  	[sflag:s15] =	ssyncadd.s32 $0xFFFFFC00;
	s14 =	sadd.s32 s25, s14  }
0x8f: {  	[tilespmem:s17], [sflag:$0x2] =	stream.linear.gather [hbm4b:s14+s3], $0x400, $0x38;
	[tilespmem:$0x1E800] =	vst v63  }
0x90: {  	_ =	swait.ge [sflag:s15], $0x400  }
0x91: {  	[sflag:s15] =	ssyncset.done $0x0  }
0x92: {  	[sflag:s15] =	ssyncadd.s32 $0xFFFFFC00  }
0x93: {  	[tilespmem:s26], [sflag:$0x1] =	stream.indirect.gather [hbm4b:s4+s18], $0x10, s16, s18, $0xb8;
	[tilespmem:$0x1E800] =	vst v63  }
0x94: {  	s31 =	smov.u32 s24;
	s14 =	rddreg [dreg:$0x5]  }
0x95: {  	[tilespmem:s28], [sflag:$0x1] =	stream.indirect.gather [hbm4b:s4+s18], $0x10, s14, s18, $0xb8;
	[tilespmem:$0x1E800] =	vst v63  }
0x96: {  	s25 =	smov.u32 s31;
	s31 =	rddreg [dreg:$0x6]  }
0x97: {  	[tilespmem:s29], [sflag:$0x1] =	stream.indirect.gather [hbm4b:s4+s18], $0x10, s31, s18, $0xb8;
	[tilespmem:$0x1E800] =	vst v63  }
0x98: {  	s14 =	rddreg [dreg:$0x7]  }
0x99: {  	[tilespmem:s30], [sflag:$0x1] =	stream.indirect.gather [hbm4b:s4+s18], $0x10, s14, s18, $0xb8;
	[tilespmem:$0x1E800] =	vst v63  }
0x9a: {  	s31 =	simm.s32 $0x19200  }
0x9b: {  	[tilespmem:s1], [sflag:$0x1] =	stream.indirect.gather [hbm4b:s4+s18], $0x10, s31, s18, $0xb8;
	[tilespmem:$0x1E800] =	vst v63  }
0x9c: {  	_ = 	snop  }
0x9d: {  	[tilespmem:s6], [sflag:$0x1] =	stream.indirect.gather [hbm4b:s4+s18], $0x10, s0, s18, $0xb8;
	[tilespmem:$0x1E800] =	vst v63  }
0x9e: {  	_ = 	snop  }
0x9f: {  	[tilespmem:s8], [sflag:$0x1] =	stream.indirect.gather [hbm4b:s4+s18], $0x10, s7, s18, $0xb8;
	[tilespmem:$0x1E800] =	vst v63  }
0xa0: {  	_ = 	snop  }
0xa1: {  	[tilespmem:s10], [sflag:$0x1] =	stream.indirect.gather [hbm4b:s4+s18], $0x10, s9, s18, $0xb8;
	[tilespmem:$0x1E800] =	vst v63  }
0xa2: {  	_ =	swait.ge [sflag:s11], $0x800  }
0xa3: {  	[sflag:s11] =	ssyncset.done $0x0  }
0xa4: {  	[sflag:s11] =	ssyncadd.s32 $0xFFFFF800  }
0xa5: {  	_ =	swait.ge [sflag:s11], $0x800  }
0xa6: {  	[sflag:s11] =	ssyncset.done $0x0  }
0xa7: {  	[sflag:s11] =	ssyncadd.s32 $0xFFFFF800  }
0xa8: {  	_ =	swait.ge [sflag:s11], $0x800  }
0xa9: {  	[sflag:s11] =	ssyncset.done $0x0  }
0xaa: {  	[sflag:s11] =	ssyncadd.s32 $0xFFFFF800  }
0xab: {  	_ =	swait.ge [sflag:s11], $0x800  }
0xac: {  	[sflag:s11] =	ssyncset.done $0x0  }
0xad: {  	[sflag:s11] =	ssyncadd.s32 $0xFFFFF800  }
0xae: {  	_ =	swait.ge [sflag:s11], $0x800  }
0xaf: {  	[sflag:s11] =	ssyncset.done $0x0  }
0xb0: {  	[sflag:s11] =	ssyncadd.s32 $0xFFFFF800  }
0xb1: {  	_ =	swait.ge [sflag:s11], $0x800  }
0xb2: {  	[sflag:s11] =	ssyncset.done $0x0  }
0xb3: {  	[sflag:s11] =	ssyncadd.s32 $0xFFFFF800  }
0xb4: {  	_ =	swait.ge [sflag:s11], $0x800  }
0xb5: {  	[sflag:s11] =	ssyncset.done $0x0  }
0xb6: {  	[sflag:s11] =	ssyncadd.s32 $0xFFFFF800  }
0xb7: {  	_ =	swait.ge [sflag:s11], $0x800  }
0xb8: {  	[sflag:s11] =	ssyncset.done $0x0  }
0xb9: {  	[sflag:s11] =	ssyncadd.s32 $0xFFFFF800  }
0xba: {  	[spmem:s2] =	stream.indirect.scatter.add.f32 [tilespmem:s26], [sflag:$0x2], $0x10, s17, s18, $0xb8;
	[tilespmem:$0x1E800] =	vst v63  }
0xbb: {  	_ =	swait.ge [sflag:s15], $0x800  }
0xbc: {  	[sflag:s15] =	ssyncset.done $0x0  }
0xbd: {  	[sflag:s15] =	ssyncadd.s32 $0xFFFFF800  }
0xbe: {  	[spmem:s2] =	stream.indirect.scatter.add.f32 [tilespmem:s28], [sflag:$0x2], $0x10, s12, s18, $0xb8;
	[tilespmem:$0x1E800] =	vst v63  }
0xbf: {  	_ =	swait.ge [sflag:s15], $0x800  }
0xc0: {  	[sflag:s15] =	ssyncset.done $0x0  }
0xc1: {  	[sflag:s15] =	ssyncadd.s32 $0xFFFFF800  }
0xc2: {  	[spmem:s2] =	stream.indirect.scatter.add.f32 [tilespmem:s29], [sflag:$0x2], $0x10, s13, s18, $0xb8;
	[tilespmem:$0x1E800] =	vst v63  }
0xc3: {  	_ =	swait.ge [sflag:s15], $0x800  }
0xc4: {  	[sflag:s15] =	ssyncset.done $0x0  }
0xc5: {  	[sflag:s15] =	ssyncadd.s32 $0xFFFFF800  }
0xc6: {  	[spmem:s2] =	stream.indirect.scatter.add.f32 [tilespmem:s30], [sflag:$0x2], $0x10, s19, s18, $0xb8;
	[tilespmem:$0x1E800] =	vst v63  }
0xc7: {  	_ =	swait.ge [sflag:s15], $0x800  }
0xc8: {  	[sflag:s15] =	ssyncset.done $0x0  }
0xc9: {  	[sflag:s15] =	ssyncadd.s32 $0xFFFFF800  }
0xca: {  	[spmem:s2] =	stream.indirect.scatter.add.f32 [tilespmem:s1], [sflag:$0x2], $0x10, s20, s18, $0xb8;
	[tilespmem:$0x1E800] =	vst v63  }
0xcb: {  	_ =	swait.ge [sflag:s15], $0x800  }
0xcc: {  	[sflag:s15] =	ssyncset.done $0x0  }
0xcd: {  	[sflag:s15] =	ssyncadd.s32 $0xFFFFF800  }
0xce: {  	[spmem:s2] =	stream.indirect.scatter.add.f32 [tilespmem:s6], [sflag:$0x2], $0x10, s21, s18, $0xb8;
	[tilespmem:$0x1E800] =	vst v63  }
0xcf: {  	_ =	swait.ge [sflag:s15], $0x800  }
0xd0: {  	[sflag:s15] =	ssyncset.done $0x0  }
0xd1: {  	[sflag:s15] =	ssyncadd.s32 $0xFFFFF800  }
0xd2: {  	[spmem:s2] =	stream.indirect.scatter.add.f32 [tilespmem:s8], [sflag:$0x2], $0x10, s22, s18, $0xb8;
	[tilespmem:$0x1E800] =	vst v63  }
0xd3: {  	p0 =	sne.s32 s24, $0x1800;
	_ =	swait.ge [sflag:s15], $0x800  }
.Ltmp2:
0xd4: {  	[sflag:s15] =	ssyncset.done $0x0;
	(pc) =	sbr.rel @p0 .LBB2_6-.Ltmp2, $4  }
0xd5: {  	[sflag:s15] =	ssyncadd.s32 $0xFFFFF800  }
0xd6: {  	[spmem:s2] =	stream.indirect.scatter.add.f32 [tilespmem:s10], [sflag:$0x2], $0x10, s23, s18, $0xb8;
	[tilespmem:$0x1E800] =	vst v63  }
0xd7: {  	_ =	swait.ge [sflag:s15], $0x800  }
0xd8: {  	s24 =	sadd.s32 $0x80, s24;
	s14 =	rddreg [dreg:$0x4];
	[sflag:s15] =	ssyncset.done $0x0  }
0xd9: {  	[sflag:s15] =	ssyncadd.s32 $0xFFFFF800;
	s14 =	sadd.s32 s25, s14  }
0xda: {  	[tilespmem:s16], [sflag:$0x2] =	stream.linear.gather [hbm4b:s14+s3], $0x400, $0x38;
	[tilespmem:$0x1E800] =	vst v63  }
0xdb: {  	_ =	swait.ge [sflag:s15], $0x400  }
0xdc: {  	s24 =	rddreg [dreg:$0x3];
	[sflag:s15] =	ssyncset.done $0x0  }
0xdd: {  	[sflag:s15] =	ssyncadd.s32 $0xFFFFFC00;
	s14 =	sadd.s32 s25, s24  }
0xde: {  	[tilespmem:s17], [sflag:$0x2] =	stream.linear.gather [hbm4b:s14+s3], $0x400, $0x38;
	[tilespmem:$0x1E800] =	vst v63  }
0xdf: {  	_ =	swait.ge [sflag:s15], $0x400  }
0xe0: {  	[sflag:s15] =	ssyncset.done $0x0  }
0xe1: {  	[sflag:s15] =	ssyncadd.s32 $0xFFFFFC00  }
0xe2: {  	[tilespmem:s26], [sflag:$0x1] =	stream.indirect.gather [hbm4b:s4+s18], $0x10, s16, s18, $0xb8;
	[tilespmem:$0x1E800] =	vst v63  }
0xe3: {  	s25 =	rddreg [dreg:$0x5]  }
0xe4: {  	[tilespmem:s28], [sflag:$0x1] =	stream.indirect.gather [hbm4b:s4+s18], $0x10, s25, s18, $0xb8;
	[tilespmem:$0x1E800] =	vst v63  }
0xe5: {  	s24 =	rddreg [dreg:$0x6]  }
0xe6: {  	[tilespmem:s29], [sflag:$0x1] =	stream.indirect.gather [hbm4b:s4+s18], $0x10, s24, s18, $0xb8;
	[tilespmem:$0x1E800] =	vst v63  }
0xe7: {  	s25 =	rddreg [dreg:$0x7]  }
0xe8: {  	[tilespmem:s30], [sflag:$0x1] =	stream.indirect.gather [hbm4b:s4+s18], $0x10, s25, s18, $0xb8;
	[tilespmem:$0x1E800] =	vst v63  }
0xe9: {  	_ = 	snop  }
0xea: {  	[tilespmem:s1], [sflag:$0x1] =	stream.indirect.gather [hbm4b:s4+s18], $0x10, s31, s18, $0xb8;
	[tilespmem:$0x1E800] =	vst v63  }
0xeb: {  	_ = 	snop  }
0xec: {  	[tilespmem:s6], [sflag:$0x1] =	stream.indirect.gather [hbm4b:s4+s18], $0x10, s0, s18, $0xb8;
	[tilespmem:$0x1E800] =	vst v63  }
0xed: {  	_ = 	snop  }
0xee: {  	[tilespmem:s8], [sflag:$0x1] =	stream.indirect.gather [hbm4b:s4+s18], $0x10, s7, s18, $0xb8;
	[tilespmem:$0x1E800] =	vst v63  }
0xef: {  	_ = 	snop  }
0xf0: {  	[tilespmem:s10], [sflag:$0x1] =	stream.indirect.gather [hbm4b:s4+s18], $0x10, s9, s18, $0xb8;
	[tilespmem:$0x1E800] =	vst v63  }
0xf1: {  	_ =	swait.ge [sflag:s11], $0x800  }
0xf2: {  	[sflag:s11] =	ssyncset.done $0x0  }
0xf3: {  	[sflag:s11] =	ssyncadd.s32 $0xFFFFF800  }
0xf4: {  	_ =	swait.ge [sflag:s11], $0x800  }
0xf5: {  	[sflag:s11] =	ssyncset.done $0x0  }
0xf6: {  	[sflag:s11] =	ssyncadd.s32 $0xFFFFF800  }
0xf7: {  	_ =	swait.ge [sflag:s11], $0x800  }
0xf8: {  	[sflag:s11] =	ssyncset.done $0x0  }
0xf9: {  	[sflag:s11] =	ssyncadd.s32 $0xFFFFF800  }
0xfa: {  	_ =	swait.ge [sflag:s11], $0x800  }
0xfb: {  	[sflag:s11] =	ssyncset.done $0x0  }
0xfc: {  	[sflag:s11] =	ssyncadd.s32 $0xFFFFF800  }
0xfd: {  	_ =	swait.ge [sflag:s11], $0x800  }
0xfe: {  	[sflag:s11] =	ssyncset.done $0x0  }
0xff: {  	[sflag:s11] =	ssyncadd.s32 $0xFFFFF800  }
0x100: {  	_ =	swait.ge [sflag:s11], $0x800  }
0x101: {  	[sflag:s11] =	ssyncset.done $0x0  }
0x102: {  	[sflag:s11] =	ssyncadd.s32 $0xFFFFF800  }
0x103: {  	_ =	swait.ge [sflag:s11], $0x800  }
0x104: {  	[sflag:s11] =	ssyncset.done $0x0  }
0x105: {  	[sflag:s11] =	ssyncadd.s32 $0xFFFFF800  }
0x106: {  	_ =	swait.ge [sflag:s11], $0x800  }
0x107: {  	[sflag:s11] =	ssyncset.done $0x0  }
0x108: {  	[sflag:s11] =	ssyncadd.s32 $0xFFFFF800  }
0x109: {  	[spmem:s2] =	stream.indirect.scatter.add.f32 [tilespmem:s26], [sflag:$0x2], $0x10, s17, s18, $0xb8;
	[tilespmem:$0x1E800] =	vst v63  }
0x10a: {  	_ =	swait.ge [sflag:s15], $0x800  }
0x10b: {  	[sflag:s15] =	ssyncset.done $0x0  }
0x10c: {  	[sflag:s15] =	ssyncadd.s32 $0xFFFFF800  }
0x10d: {  	[spmem:s2] =	stream.indirect.scatter.add.f32 [tilespmem:s28], [sflag:$0x2], $0x10, s12, s18, $0xb8;
	[tilespmem:$0x1E800] =	vst v63  }
0x10e: {  	_ =	swait.ge [sflag:s15], $0x800  }
0x10f: {  	[sflag:s15] =	ssyncset.done $0x0  }
0x110: {  	[sflag:s15] =	ssyncadd.s32 $0xFFFFF800  }
0x111: {  	[spmem:s2] =	stream.indirect.scatter.add.f32 [tilespmem:s29], [sflag:$0x2], $0x10, s13, s18, $0xb8;
	[tilespmem:$0x1E800] =	vst v63  }
0x112: {  	_ =	swait.ge [sflag:s15], $0x800  }
0x113: {  	[sflag:s15] =	ssyncset.done $0x0  }
0x114: {  	[sflag:s15] =	ssyncadd.s32 $0xFFFFF800  }
0x115: {  	[spmem:s2] =	stream.indirect.scatter.add.f32 [tilespmem:s30], [sflag:$0x2], $0x10, s19, s18, $0xb8;
	[tilespmem:$0x1E800] =	vst v63  }
0x116: {  	_ =	swait.ge [sflag:s15], $0x800  }
0x117: {  	[sflag:s15] =	ssyncset.done $0x0  }
0x118: {  	[sflag:s15] =	ssyncadd.s32 $0xFFFFF800  }
0x119: {  	[spmem:s2] =	stream.indirect.scatter.add.f32 [tilespmem:s1], [sflag:$0x2], $0x10, s20, s18, $0xb8;
	[tilespmem:$0x1E800] =	vst v63  }
0x11a: {  	_ =	swait.ge [sflag:s15], $0x800  }
0x11b: {  	[sflag:s15] =	ssyncset.done $0x0  }
0x11c: {  	[sflag:s15] =	ssyncadd.s32 $0xFFFFF800  }
0x11d: {  	[spmem:s2] =	stream.indirect.scatter.add.f32 [tilespmem:s6], [sflag:$0x2], $0x10, s21, s18, $0xb8;
	[tilespmem:$0x1E800] =	vst v63  }
0x11e: {  	_ =	swait.ge [sflag:s15], $0x800  }
0x11f: {  	[sflag:s15] =	ssyncset.done $0x0  }
0x120: {  	[sflag:s15] =	ssyncadd.s32 $0xFFFFF800  }
0x121: {  	[spmem:s2] =	stream.indirect.scatter.add.f32 [tilespmem:s8], [sflag:$0x2], $0x10, s22, s18, $0xb8;
	[tilespmem:$0x1E800] =	vst v63  }
0x122: {  	_ =	swait.ge [sflag:s15], $0x800  }
0x123: {  	[sflag:s15] =	ssyncset.done $0x0  }
0x124: {  	[sflag:s15] =	ssyncadd.s32 $0xFFFFF800  }
0x125: {  	[spmem:s2] =	stream.indirect.scatter.add.f32 [tilespmem:s10], [sflag:$0x2], $0x10, s23, s18, $0xb8;
	[tilespmem:$0x1E800] =	vst v63  }
0x126: {  	_ =	swait.ge [sflag:s15], $0x800  }
0x127: {  	[sflag:s15] =	ssyncset.done $0x0  }
0x128: {  	[sflag:s15] =	ssyncadd.s32 $0xFFFFF800  }
0x129: {  	s25 =	stileid.u32;
	[bflag:$0x0] =	sbarrier.arrive $0xFFFF  }
0x12a: {  	s14 =	sshll.u32 s25, $0x6;
	s24 =	rddreg [dreg:$0x8]  }
0x12b: {  	s14 =	sor.u32 $0x1C02, s14;
	s25 =	rddreg [dreg:$0x10]  }
0x12c: {  	[hbm:s24], [sflag:s14] =	dma.local [spmem:s25], $0x800  }
0x12d: {  	_ =	swait.ge [sflag:s15], $0x800  }
0x12e: {  	[sflag:s15] =	ssyncset.done $0x0;
	s24 =	rddreg [dreg:$0x9]  }
0x12f: {  	s25 =	rddreg [dreg:$0x11];
	[sflag:s15] =	ssyncadd.s32 $0xFFFFF800  }
0x130: {  	[hbm:s24], [sflag:s14] =	dma.local [spmem:s25], $0x800  }
0x131: {  	_ =	swait.ge [sflag:s15], $0x800  }
0x132: {  	[sflag:s15] =	ssyncset.done $0x0;
	s24 =	rddreg [dreg:$0xa]  }
0x133: {  	s25 =	rddreg [dreg:$0x12];
	[sflag:s15] =	ssyncadd.s32 $0xFFFFF800  }
0x134: {  	[hbm:s24], [sflag:s14] =	dma.local [spmem:s25], $0x800  }
0x135: {  	_ =	swait.ge [sflag:s15], $0x800  }
0x136: {  	[sflag:s15] =	ssyncset.done $0x0;
	s24 =	rddreg [dreg:$0xb]  }
0x137: {  	s25 =	rddreg [dreg:$0x13];
	[sflag:s15] =	ssyncadd.s32 $0xFFFFF800  }
0x138: {  	[hbm:s24], [sflag:s14] =	dma.local [spmem:s25], $0x800  }
0x139: {  	_ =	swait.ge [sflag:s15], $0x800  }
0x13a: {  	[sflag:s15] =	ssyncset.done $0x0;
	s24 =	rddreg [dreg:$0xc]  }
0x13b: {  	s25 =	rddreg [dreg:$0x14];
	[sflag:s15] =	ssyncadd.s32 $0xFFFFF800  }
0x13c: {  	[hbm:s24], [sflag:s14] =	dma.local [spmem:s25], $0x800  }
0x13d: {  	_ =	swait.ge [sflag:s15], $0x800  }
0x13e: {  	[sflag:s15] =	ssyncset.done $0x0;
	s24 =	rddreg [dreg:$0xd]  }
0x13f: {  	s25 =	rddreg [dreg:$0x15];
	[sflag:s15] =	ssyncadd.s32 $0xFFFFF800  }
0x140: {  	[hbm:s24], [sflag:s14] =	dma.local [spmem:s25], $0x800  }
0x141: {  	_ =	swait.ge [sflag:s15], $0x800  }
0x142: {  	[sflag:s15] =	ssyncset.done $0x0;
	s24 =	rddreg [dreg:$0xe]  }
0x143: {  	s25 =	rddreg [dreg:$0x16];
	[sflag:s15] =	ssyncadd.s32 $0xFFFFF800  }
0x144: {  	[hbm:s24], [sflag:s14] =	dma.local [spmem:s25], $0x200  }
0x145: {  	_ =	swait.ge [sflag:s15], $0x200  }
0x146: {  	s14 =	rddreg [dreg:$0x17]  }
0x147: {  	s25 =	rddreg [dreg:$0xf];
	s24 =	sadd.s32 $0x1, s14  }
0x148: {  	p0 =	sne.s32 s24, s25  }
.Ltmp3:
0x149: {  	_ = 	snop;
	(pc) =	sbr.rel @p0 .LBB2_1-.Ltmp3, $3  }
0x14a: {  	_ =	sdelay $0x1  }
0x14b: {  	[sflag:s15] =	ssyncset.done $0x0  }
0x14c: {  	[sflag:s15] =	ssyncadd.s32 $0xFFFFFE00;
	s25 =	simm.s32 $0x1D800  }
0x14d: {  	_ =	sfence.sel $0x180000  }
0x14e: {  	[bflag:$0x0] =	sbarrier.arrive $0xFFFF  }
0x14f: {  	_ =	strace $0x9000004A  }
0x150: {  	s0 =	stileid.u32;
	[bflag:$0x2] =	sbarrier.arrive $0xFFFF  }
0x151: {  	p0 =	sne.s32 s0, $0x0;
	s0 =	rddreg [dreg:$0x2]  }
0x152: {  	s0 =	sadd.s32 @!p0 $0x100000, s0  }
0x153: {  	[sflag:s0] =	ssyncadd.tile.s32 @!p0 $0x1;
	_ =	shalt  }
.Lfunc_end2:
_tile_overlayer_lowered:
.L_overlay_start_2:
0x154: {  	(tag) =	ssettag $0x2  }
0x155: {  	s0 =	rddreg [dreg:$0x0];
	s2 =	stileid.u32  }
0x156: {  	s1 =	rddreg [dreg:$0x1];
	p0 =	sne.s32 s2, $0x0  }
0x157: {  	s3 =	rddreg [dreg:$0x2];
	[bflag:$0x3] =	sbarrier.arrive $0xFFFF;
	s2 =	simm.s32 @!p0 $0x1C02  }
0x158: {  	[timem:s3], [sflag:s2] =	dma.local @!p0 [hbm:s0], s1  }
0x159: {  	s0 =	simm.s32 @!p0 $0x2  }
0x15a: {  	_ =	swait.ge @!p0 [sflag:s0], s1  }
0x15b: {  	s1 =	ssub.s32 @!p0 $0x0, s1;
	[sflag:s0] =	ssyncset.done @!p0 $0x0  }
0x15c: {  	[sflag:s0] =	ssyncadd.s32 @!p0 s1  }
0x15d: {  	[bflag:$0x3] =	sbarrier.arrive $0xFFFF  }
0x15e: {  	_ =	shalt  }

// kernel: kernel.15.cloned.1.call-start
scs
__scs_entry_jumppad:
0x0: {  	(pc) =	sbr.rel $0x88, $3  }
0x1: {  	(tag) =	ssettag $0x0;
	lr =	simm.s32 $0x1  }
0x2: {  	[smem:$0x3F97] =	sst lr;
	_ =	strace $0xD0000000  }
0x3: {  	_ = 	snop  }
0x4: {  	_ = 	snop  }
0x5: {  	_ = 	snop  }
0x6: {  	_ = 	snop  }
0x7: {  	_ = 	snop  }
__scs_overlays_trampoline_lowered:
0x8: {  	[smem:$0x3FA6] =	sst s0  }
0x9: {  	[smem:$0x3FA7] =	sst s1  }
0xa: {  	[smem:$0x3FA8] =	sst s2  }
0xb: {  	[smem:$0x3FA9] =	sst s3  }
0xc: {  	[smem:$0x3FAA] =	sst s4  }
0xd: {  	[smem:$0x3FAB] =	sst s5  }
0xe: {  	[smem:$0x3FAC] =	sst s6  }
0xf: {  	[smem:$0x3FAD] =	sst s7  }
0x10: {  	[smem:$0x3FAE] =	sst s8  }
0x11: {  	[smem:$0x3FAF] =	sst s9;
	s0 =	simm.s32 @!p0 $0x0  }
0x12: {  	s1 =	sld [smem:$0x3F95];
	s0 =	simm.s32 @p0 $0x1  }
0x13: {  	[smem:$0x3FB0] =	sst s0;
	s0 =	simm.s32 @!p1 $0x0  }
0x14: {  	s2 =	sld [smem:$0x3F94];
	s0 =	simm.s32 @p1 $0x1  }
0x15: {  	[smem:$0x3FB1] =	sst s0;
	s0 =	simm.s32 @!p2 $0x0  }
0x16: {  	s3 =	sld [smem:$0x3FDB];
	s0 =	simm.s32 @p2 $0x1  }
0x17: {  	s4 =	simm.s32 $0x1BF5;
	[smem:$0x3FB3] =	sst s0  }
0x18: {  	s0 =	sld [smem:$0x3F96];
	_ =	swait.ge [sflag:s4], $0x0  }
0x19: {  	s7 =	sld [smem:$0x3F97]  }
0x1a: {  	s8 =	sadd.s32 $0xFFFFE003, lr  }
0x1b: {  	s9 =	sadd.s32 $0xFFFFFEF7, lr;
	s5 =	simm.s32 $0xFFFFFFFF;
	p2 =	slt.u32 s8, $0xFFFFF086  }
0x1c: {  	p1 =	slt.u32 s9, $0xF7A;
	s5 =	simm.s32 @!p2 $0x0  }
0x1d: {  	s5 =	simm.s32 @p1 $0x1;
	p0 =	seq.s32 s7, s2  }
0x1e: {  	s7 =	smul.u32 @!p0 $0xF7A, s2;
	p2 =	seq.s32 @!p0 s5, $0x0  }
0x1f: {  	s9 =	smul.u32 $0xF7A, s1;
	s8 =	simm.s32 @!p0 $0x1BF5;
	p2 =	por !p2, p0  }
0x20: {  	[sflag:s8] =	ssyncset.s32 @!p0 $0xFFFFF086;
	s6 =	sadd.s32 @!p0 s3, s7;
	s7 =	simm.s32 @!p0 $0x108  }
0x21: {  	s3 =	sadd.s32 s3, s9;
	s6 =	sadd.s32 @!p0 $0x88, s6;
	s7 =	simm.s32 @p2 $0x1082  }
0x22: {  	[simem:s7], [sflag:s8] =	dma.local @!p0 [hbm:s6], $0xF7A  }
0x23: {  	s9 =	sor.u32 $0xD0000000, s2;
	s6 =	simm.s32 $0x108;
	_ =	swait.ge @!p0 [sflag:s8], $0x0  }
0x24: {  	s3 =	sadd.s32 $0x88, s3;
	s6 =	simm.s32 @!p1 $0x1082;
	[sflag:s4] =	ssyncset.s32 $0xFFFFF086  }
0x25: {  	[simem:s6], [sflag:s4] =	dma.local [hbm:s3], $0xF7A  }
0x26: {  	[smem:$0x3F97] =	sst s1;
	(tag) =	ssettag s2;
	_ =	strace s9  }
0x27: {  	s1 =	sld [smem:$0x3FA7]  }
0x28: {  	s2 =	sld [smem:$0x3FA8]  }
0x29: {  	s4 =	sld [smem:$0x3FAA]  }
0x2a: {  	p0 =	seq.s32 s5, $0x0;
	s5 =	sld [smem:$0x3FAB]  }
0x2b: {  	s6 =	sld [smem:$0x3FAC]  }
0x2c: {  	s7 =	sld [smem:$0x3FAD]  }
0x2d: {  	s3 =	simm.s32 $0x108;
	s8 =	sld [smem:$0x3FAE]  }
0x2e: {  	s3 =	simm.s32 @!p0 $0x1082;
	s9 =	sld [smem:$0x3FAF]  }
0x2f: {  	lr =	sadd.s32 s0, s3;
	s0 =	sld [smem:$0x3FA6]  }
0x30: {  	s3 =	sld [smem:$0x3FA9]  }
0x31: {  	[smem:$0x3FB2] =	sst s10  }
0x32: {  	s10 =	sld [smem:$0x3FB0];
	_ =	sdelay $0x3  }
0x33: {  	p0 =	seq.s32 s10, $0x1;
	s10 =	sld [smem:$0x3FB2];
	_ =	sdelay $0x3  }
0x34: {  	[smem:$0x3FB2] =	sst s10  }
0x35: {  	s10 =	sld [smem:$0x3FB1];
	_ =	sdelay $0x3  }
0x36: {  	p1 =	seq.s32 s10, $0x1;
	s10 =	sld [smem:$0x3FB2];
	_ =	sdelay $0x3  }
0x37: {  	[smem:$0x3FB2] =	sst s10  }
0x38: {  	s10 =	sld [smem:$0x3FB3]  }
0x39: {  	_ = 	snop;
	(pc) =	sbr.ind lr, $3  }
0x3a: {  	_ = 	snop  }
0x3b: {  	_ = 	snop  }
0x3c: {  	p2 =	seq.s32 s10, $0x1;
	s10 =	sld [smem:$0x3FB2]  }
0x3d: {  	_ =	shalt  }
0x3e: {  	_ =	shalt  }
0x3f: {  	_ =	shalt  }
0x40: {  	_ =	shalt  }
0x41: {  	_ =	shalt  }
0x42: {  	_ =	shalt  }
0x43: {  	_ =	shalt  }
0x44: {  	_ =	shalt  }
0x45: {  	_ =	shalt  }
0x46: {  	_ =	shalt  }
0x47: {  	_ =	shalt  }
0x48: {  	_ =	shalt  }
0x49: {  	_ =	shalt  }
0x4a: {  	_ =	shalt  }
0x4b: {  	_ =	shalt  }
0x4c: {  	_ =	shalt  }
0x4d: {  	_ =	shalt  }
0x4e: {  	_ =	shalt  }
0x4f: {  	_ =	shalt  }
0x50: {  	_ =	shalt  }
0x51: {  	_ =	shalt  }
0x52: {  	_ =	shalt  }
0x53: {  	_ =	shalt  }
0x54: {  	_ =	shalt  }
0x55: {  	_ =	shalt  }
0x56: {  	_ =	shalt  }
0x57: {  	_ =	shalt  }
0x58: {  	_ =	shalt  }
0x59: {  	_ =	shalt  }
0x5a: {  	_ =	shalt  }
0x5b: {  	_ =	shalt  }
0x5c: {  	_ =	shalt  }
0x5d: {  	_ =	shalt  }
0x5e: {  	_ =	shalt  }
0x5f: {  	_ =	shalt  }
0x60: {  	_ =	shalt  }
0x61: {  	_ =	shalt  }
0x62: {  	_ =	shalt  }
0x63: {  	_ =	shalt  }
0x64: {  	_ =	shalt  }
0x65: {  	_ =	shalt  }
0x66: {  	_ =	shalt  }
0x67: {  	_ =	shalt  }
0x68: {  	_ =	shalt  }
0x69: {  	_ =	shalt  }
0x6a: {  	_ =	shalt  }
0x6b: {  	_ =	shalt  }
0x6c: {  	_ =	shalt  }
0x6d: {  	_ =	shalt  }
0x6e: {  	_ =	shalt  }
0x6f: {  	_ =	shalt  }
0x70: {  	_ =	shalt  }
0x71: {  	_ =	shalt  }
0x72: {  	_ =	shalt  }
0x73: {  	_ =	shalt  }
0x74: {  	_ =	shalt  }
0x75: {  	_ =	shalt  }
0x76: {  	_ =	shalt  }
0x77: {  	_ =	shalt  }
0x78: {  	_ =	shalt  }
0x79: {  	_ =	shalt  }
0x7a: {  	_ =	shalt  }
0x7b: {  	_ =	shalt  }
0x7c: {  	_ =	shalt  }
0x7d: {  	_ =	shalt  }
0x7e: {  	_ =	shalt  }
0x7f: {  	_ =	shalt  }
0x80: {  	_ =	shalt  }
0x81: {  	_ =	shalt  }
0x82: {  	_ =	shalt  }
0x83: {  	_ =	shalt  }
0x84: {  	_ =	shalt  }
0x85: {  	_ =	shalt  }
0x86: {  	_ =	shalt  }
0x87: {  	_ =	shalt  }
.Lfunc_end0:
.L_simem_size_0:
called_computation.2_lowered:
.L_overlay_start_0:
0x88: {  	s2 =	sld [smem:$0x3FD9]  }
0x89: {  	s3 =	sld [smem:$0x3FFE];
	_ =	sdelay $0x1  }
0x8a: {  	s1 =	srdreg.scid  }
0x8b: {  	s0 =	sand.u32 $0x1, s1  }
0x8c: {  	s16 =	sshll.u32 s0, $0xA;
	s2 =	sadd.s32 s3, s2  }
0x8d: {  	s2 =	sadd.s32 s2, s16  }
0x8e: {  	[smem:$0x3FBE] =	sst s2  }
0x8f: {  	_ = 	snop  }
0x90: {  	(tm) =	ssettm $0x1  }
0x91: {  	s17 =	sld [smem:$0x3FFB];
	_ =	sdelay $0x3  }
0x92: {  	_ =	strace s17  }
0x93: {  	s2 =	sld [smem:$0x3FFC];
	_ =	sdelay $0x3  }
0x94: {  	_ =	strace s2  }
0x95: {  	s2 =	sld [smem:$0x3FFD];
	_ =	sdelay $0x3  }
0x96: {  	_ =	strace s2  }
0x97: {  	_ =	strace $0x8FFFFFFF  }
0x98: {  	s18 =	sld [smem:$0x3FDB];
	_ =	sdelay $0x1  }
0x99: {  	s19 =	simm.s32 $_scs_section_size  }
0x9a: {  	s4 =	simm.s32 $_size__tile_overlayer_lowered;
	s5 =	simm.s32 $_tile_overlayer_lowered  }
0x9b: {  	s22 =	simm.s32 $0x1BFF;
	s21 =	sshll.u32 s5, $0x1;
	s2 =	sadd.s32 s19, s18  }
0x9c: {  	s6 =	simm.s32 $0x0;
	s20 =	sshll.u32 s4, $0x1;
	s4 =	sadd.s32 s21, s2  }
0x9d: {  	[timem:s6], [sflag:s22] =	dma.local [hbm:s4], s20  }
0x9e: {  	_ =	swait.ge [sflag:s22], s20  }
0x9f: {  	s3 =	ssub.s32 $0x0, s20;
	[sflag:s22] =	ssyncset.done $0x0  }
0xa0: {  	[sflag:s22] =	ssyncadd.s32 s3;
	_ =	sdelay $0x1  }
0xa1: {  	s23 =	simm.s32 $0x1B8B  }
0xa2: {  	_ =	swait.ge [sflag:s23], $0x1  }
0xa3: {  	[sflag:s23] =	ssyncset.done $0x0  }
0xa4: {  	s25 =	simm.s32 $0x1B8E;
	s24 =	sld [smem:$0x3FFE];
	[sflag:s23] =	ssyncadd.s32 $0xFFFFFFFF  }
0xa5: {  	s26 =	simm.s32 $execute0_lowered;
	[smem:$0x3FD2] =	sst s25  }
0xa6: {  	s4 =	sshll.u32 s26, $0x1;
	_ =	strace $0x8000004C;
	[dreg:$0x1] =	wrdreg $0xFFFFFFFF  }
0xa7: {  	s28 =	simm.s32 $_size_execute0_lowered;
	s2 =	sadd.s32 s2, s4;
	[dreg:$0x0] =	wrdreg $0x0  }
0xa8: {  	s4 =	sshll.u32 s28, $0x1;
	[dreg:$0x2] =	wrdreg s2  }
0xa9: {  	[dreg:$0x3] =	wrdreg s4  }
0xaa: {  	[dreg:$0x4] =	wrdreg $0xC0  }
0xab: {  	_ =	task [dreg:s6], $0x5FFFF  }
0xac: {  	[dreg:$0x1] =	wrdreg $0xFFFFFFFF  }
0xad: {  	[dreg:$0x0] =	wrdreg $0x60  }
0xae: {  	[dreg:$0x2] =	wrdreg s24  }
0xaf: {  	[dreg:$0x3] =	wrdreg $0x0  }
0xb0: {  	[dreg:$0x4] =	wrdreg $0x9  }
0xb1: {  	_ =	task.clear_ibuf [dreg:s6], $0x5FFFF;
	_ =	strace $0x9000004C  }
0xb2: {  	s29 =	simm.s32 $0x9;
	_ =	strace $0x8000004E  }
0xb3: {  	_ =	swait.ge [sflag:s29], $0x1  }
0xb4: {  	[sflag:s29] =	ssyncadd.s32 $0xFFFFFFFF  }
0xb5: {  	_ =	strace $0x9000004E  }
0xb6: {  	_ =	sfence  }
0xb7: {  	s30 =	sld [smem:$0x0];
	_ =	sdelay $0x2  }
0xb8: {  	s31 =	sshll.u32 s1, $0xD;
	s1 =	sshrl.u32 s1, $0x2  }
0xb9: {  	s3 =	sand.u32 $0x4000, s31;
	s1 =	sadd.s32 s1, s30  }
0xba: {  	s0 =	sor.u32 s3, s0;
	s1 =	sshll.u32 s1, $0x11  }
0xbb: {  	s0 =	sor.u32 s1, s0  }
0xbc: {  	s0 =	sadd.s32 $0x8F2B, s0  }
0xbd: {  	[sflag:s0] =	ssyncadd.remote.s32 $0x1  }
0xbe: {  	_ =	sfence.sel $0xFFFF  }
0xbf: {  	[dreg:$0x0] =	wrdreg $0xFFFFFFFF;
	(pc) =	sbr.abs _section_cstart, $3  }
0xc0: {  	[dreg:$0x1] =	wrdreg $0xFFFFFFFF  }
0xc1: {  	_ =	task.clear_ibuf [dreg:s6], $0x2FFFF;
	_ =	strace $0x9FFFFFFF  }
0xc2: {  	(tm) =	ssettm $0x7FFFFFFF  }
0xc3: {  	_ =	shalt  }
tec
execute0_lowered:
.L_overlay_start_1:
0x0: {  	(tag) =	ssettag $0x1  }
0x1: {  	s0 =	srdreg.scid  }
0x2: {  	s1 =	rddreg [dreg:$0x0];
	s8 =	stileid.u32  }
0x3: {  	s2 =	rddreg [dreg:$0x1];
	s5 =	smul.u32 $0xC400, s8  }
0x4: {  	s3 =	simm.s32 $0x0;
	s28 =	simm.s32 $0x1A000;
	s16 =	smul.u32 $0x64000, s8  }
0x5: {  	s29 =	simm.s32 $0x1A800;
	s0 =	sand.u32 $0x1, s0;
	s8 =	smul.u32 $0x19000, s8  }
0x6: {  	s30 =	simm.s32 $0x1B000;
	s31 =	simm.s32 $0x19200;
	s4 =	smul.u32 $0xC4000, s0  }
0x7: {  	[smem:$0x7FF] =	sst s3;
	s6 =	smul.u32 $0x190000, s0;
	s0 =	ssub.s32 $0x2, s0  }
0x8: {  	_ =	strace $0x8000004D;
	s9 =	sshrl.u32 s0, $0x1;
	s10 =	sadd.s32 $0x4000, s8  }
0x9: {  	s11 =	sadd.s32 $0x8000, s8;
	s12 =	sadd.s32 s8, s2;
	s20 =	sadd.s32 $0xC000, s8  }
0xa: {  	s14 =	sadd.s32 $0x10000, s8;
	s15 =	sadd.s32 $0x14000, s8;
	s4 =	sadd.s32 s5, s4  }
0xb: {  	s0 =	ssub.s32 s0, s9;
	s5 =	sshrl.u32 s16, $0x2;
	s17 =	sadd.s32 s8, s6  }
0xc: {  	s18 =	sadd.s32 s6, s10;
	s13 =	sadd.s32 s6, s11;
	s10 =	sadd.s32 s10, s2  }
0xd: {  	s21 =	sadd.s32 s6, s20;
	s11 =	sadd.s32 s11, s2;
	s22 =	sadd.s32 s6, s14  }
0xe: {  	s16 =	sadd.s32 s6, s15;
	s8 =	sadd.s32 $0x18000, s8;
	s14 =	sadd.s32 s14, s2  }
0xf: {  	s4 =	sshrl.u32 s4, $0x3;
	s5 =	sadd.s32 s5, s2;
	s9 =	sshrl.u32 s17, $0x3  }
0x10: {  	s19 =	sshrl.u32 s13, $0x3;
	s13 =	sadd.s32 s20, s2;
	s23 =	sshrl.u32 s16, $0x3  }
0x11: {  	s6 =	sadd.s32 s6, s8;
	s26 =	sadd.s32 s8, s2;
	s0 =	smax.u32 s0, $0x1  }
0x12: {  	s16 =	simm.s32 $0x19000;
	s8 =	simm.s32 $0x19100;
	s17 =	simm.s32 $0x19400  }
0x13: {  	s20 =	sshrl.u32 s10, $0x3;
	s10 =	simm.s32 $0x1D000;
	[dreg:$0xf] =	wrdreg s0  }
0x14: {  	s7 =	sadd.s32 s4, s1;
	s4 =	sadd.s32 $0x3AC00, s1;
	[dreg:$0x6] =	wrdreg s8  }
0x15: {  	s1 =	sadd.s32 $0x101C00, s1;
	s6 =	sshrl.u32 s6, $0x3;
	[dreg:$0x11] =	wrdreg s20  }
0x16: {  	s26 =	sshrl.u32 s26, $0x3;
	s0 =	simm.s32 $0x19280;
	s8 =	simm.s32 $0x1C800  }
0x17: {  	s20 =	simm.s32 $0x19600;
	s9 =	sadd.s32 s1, s9;
	[dreg:$0x16] =	wrdreg s26  }
0x18: {  	s24 =	sadd.s32 $0x9C00, s7;
	s25 =	sadd.s32 $0xD0C00, s7;
	[dreg:$0x8] =	wrdreg s9  }
0x19: {  	s7 =	simm.s32 $0x19080;
	s26 =	simm.s32 $0x19800;
	[dreg:$0x3] =	wrdreg s24  }
0x1a: {  	s9 =	sshrl.u32 s18, $0x3;
	[dreg:$0x4] =	wrdreg s25;
	s25 =	simm.s32 $0x1D800  }
0x1b: {  	[dreg:$0x5] =	wrdreg s7;
	s18 =	simm.s32 $0x19180;
	s7 =	simm.s32 $0x19300  }
0x1c: {  	s9 =	sadd.s32 s1, s9;
	[dreg:$0x7] =	wrdreg s18;
	s18 =	simm.s32 $0x80  }
0x1d: {  	[dreg:$0x9] =	wrdreg s9;
	s9 =	sadd.s32 s1, s19;
	s19 =	sshrl.u32 s12, $0x3  }
0x1e: {  	s12 =	simm.s32 $0x19480;
	[dreg:$0xa] =	wrdreg s9;
	s9 =	sshrl.u32 s21, $0x3  }
0x1f: {  	[dreg:$0x10] =	wrdreg s19;
	s21 =	sshrl.u32 s11, $0x3;
	s11 =	simm.s32 $0x1  }
0x20: {  	s19 =	simm.s32 $0x19580;
	s9 =	sadd.s32 s1, s9;
	[dreg:$0x12] =	wrdreg s21  }
0x21: {  	[dreg:$0xb] =	wrdreg s9;
	s9 =	sshrl.u32 s22, $0x3;
	s22 =	sshrl.u32 s13, $0x3  }
0x22: {  	s21 =	simm.s32 $0x19680;
	s9 =	sadd.s32 s1, s9;
	[dreg:$0x13] =	wrdreg s22  }
0x23: {  	s13 =	simm.s32 $0x19500;
	[dreg:$0xc] =	wrdreg s9;
	s9 =	sadd.s32 s1, s23  }
0x24: {  	s22 =	simm.s32 $0x19700;
	s1 =	sadd.s32 s1, s6;
	[dreg:$0xd] =	wrdreg s9  }
0x25: {  	s23 =	sshrl.u32 s14, $0x3;
	s6 =	simm.s32 $0x1C000;
	[dreg:$0xe] =	wrdreg s1  }
0x26: {  	s9 =	sadd.s32 s15, s2;
	s15 =	simm.s32 $0x2;
	[dreg:$0x14] =	wrdreg s23  }
0x27: {  	s1 =	simm.s32 $0x1B800;
	s23 =	simm.s32 $0x19780;
	s24 =	sshrl.u32 s9, $0x3  }
0x28: {  	v0 =	vimm.f32 $0.0e+00;
	s9 =	simm.s32 $0x19380;
	[dreg:$0x15] =	wrdreg s24;
	s24 =	simm.s32 $0x0  }
.LBB2_1:
0x29: {  	[dreg:$0x17] =	wrdreg s24;
	s14 =	simm.s32 $0x0  }
.LBB2_2:
0x2a: {  	p0 =	sne.s32 s14, $0x3FC0  }
.Ltmp0:
0x2b: {  	_ = 	snop;
	(pc) =	sbr.rel @p0 .LBB2_2-.Ltmp0, $3  }
0x2c: {  	_ =	sdelay $0x1  }
0x2d: {  	s24 =	sshra.s32 s14, $0x2  }
0x2e: {  	s14 =	sadd.s32 $0x40, s14;
	[tilespmem:s24+$0x1D800] =	vst v0  }
0x2f: {  	s14 =	sadd.s32 $0x0, s5  }
0x30: {  	[spmem:s14] =	stream.linear.scatter [tilespmem:s25], [sflag:$0x2], $0x1000, $0x38;
	[tilespmem:$0x1E800] =	vst v63  }
0x31: {  	s24 =	simm.s32 $0x4000;
	_ =	swait.ge [sflag:s15], $0x1000  }
.LBB2_4:
0x32: {  	s14 =	sshra.s32 s24, $0x2;
	[sflag:s15] =	ssyncset.done $0x0;
	p0 =	sne.s32 s24, $0x60000  }
.Ltmp1:
0x33: {  	s14 =	sadd.s32 s14, s5;
	[sflag:s15] =	ssyncadd.s32 $0xFFFFF000;
	(pc) =	sbr.rel @p0 .LBB2_4-.Ltmp1, $3  }
0x34: {  	[spmem:s14] =	stream.linear.scatter [tilespmem:s25], [sflag:$0x2], $0x1000, $0x38;
	[tilespmem:$0x1E800] =	vst v63  }
0x35: {  	s24 =	sadd.s32 $0x4000, s24;
	_ =	sdelay $0x1  }
0x36: {  	_ =	swait.ge [sflag:s15], $0x1000  }
0x37: {  	[sflag:s15] =	ssyncset.done $0x0  }
0x38: {  	[sflag:s15] =	ssyncadd.s32 $0xFFFFF000  }
0x39: {  	[bflag:$0x0] =	sbarrier.arrive $0xFFFF  }
0x3a: {  	s14 =	rddreg [dreg:$0x4]  }
0x3b: {  	s14 =	sadd.s32 $0x0, s14  }
0x3c: {  	[tilespmem:s16], [sflag:$0x2] =	stream.linear.gather [hbm4b:s14+s3], $0x400, $0x38;
	[tilespmem:$0x1E800] =	vst v63  }
0x3d: {  	_ =	swait.ge [sflag:s15], $0x400  }
0x3e: {  	s24 =	rddreg [dreg:$0x3];
	[sflag:s15] =	ssyncset.done $0x0  }
0x3f: {  	[sflag:s15] =	ssyncadd.s32 $0xFFFFFC00;
	s14 =	sadd.s32 $0x0, s24  }
0x40: {  	[tilespmem:s17], [sflag:$0x2] =	stream.linear.gather [hbm4b:s14+s3], $0x400, $0x38;
	[tilespmem:$0x1E800] =	vst v63  }
0x41: {  	_ =	swait.ge [sflag:s15], $0x400  }
0x42: {  	[sflag:s15] =	ssyncset.done $0x0  }
0x43: {  	[sflag:s15] =	ssyncadd.s32 $0xFFFFFC00  }
0x44: {  	[tilespmem:s26], [sflag:$0x1] =	stream.indirect.gather [hbm4b:s4+s18], $0x10, s16, s18, $0xb8;
	[tilespmem:$0x1E800] =	vst v63  }
0x45: {  	s25 =	rddreg [dreg:$0x5]  }
0x46: {  	[tilespmem:s28], [sflag:$0x1] =	stream.indirect.gather [hbm4b:s4+s18], $0x10, s25, s18, $0xb8;
	[tilespmem:$0x1E800] =	vst v63  }
0x47: {  	s24 =	rddreg [dreg:$0x6]  }
0x48: {  	[tilespmem:s29], [sflag:$0x1] =	stream.indirect.gather [hbm4b:s4+s18], $0x10, s24, s18, $0xb8;
	[tilespmem:$0x1E800] =	vst v63  }
0x49: {  	s25 =	rddreg [dreg:$0x7]  }
0x4a: {  	[tilespmem:s30], [sflag:$0x1] =	stream.indirect.gather [hbm4b:s4+s18], $0x10, s25, s18, $0xb8;
	[tilespmem:$0x1E800] =	vst v63  }
0x4b: {  	_ = 	snop  }
0x4c: {  	[tilespmem:s1], [sflag:$0x1] =	stream.indirect.gather [hbm4b:s4+s18], $0x10, s31, s18, $0xb8;
	[tilespmem:$0x1E800] =	vst v63  }
0x4d: {  	_ = 	snop  }
0x4e: {  	[tilespmem:s6], [sflag:$0x1] =	stream.indirect.gather [hbm4b:s4+s18], $0x10, s0, s18, $0xb8;
	[tilespmem:$0x1E800] =	vst v63  }
0x4f: {  	_ = 	snop  }
0x50: {  	[tilespmem:s8], [sflag:$0x1] =	stream.indirect.gather [hbm4b:s4+s18], $0x10, s7, s18, $0xb8;
	[tilespmem:$0x1E800] =	vst v63  }
0x51: {  	_ = 	snop  }
0x52: {  	[tilespmem:s10], [sflag:$0x1] =	stream.indirect.gather [hbm4b:s4+s18], $0x10, s9, s18, $0xb8;
	[tilespmem:$0x1E800] =	vst v63  }
0x53: {  	_ =	swait.ge [sflag:s11], $0x800  }
0x54: {  	[sflag:s11] =	ssyncset.done $0x0  }
0x55: {  	[sflag:s11] =	ssyncadd.s32 $0xFFFFF800  }
0x56: {  	_ =	swait.ge [sflag:s11], $0x800  }
0x57: {  	[sflag:s11] =	ssyncset.done $0x0  }
0x58: {  	[sflag:s11] =	ssyncadd.s32 $0xFFFFF800  }
0x59: {  	_ =	swait.ge [sflag:s11], $0x800  }
0x5a: {  	[sflag:s11] =	ssyncset.done $0x0  }
0x5b: {  	[sflag:s11] =	ssyncadd.s32 $0xFFFFF800  }
0x5c: {  	_ =	swait.ge [sflag:s11], $0x800  }
0x5d: {  	[sflag:s11] =	ssyncset.done $0x0  }
0x5e: {  	[sflag:s11] =	ssyncadd.s32 $0xFFFFF800  }
0x5f: {  	_ =	swait.ge [sflag:s11], $0x800  }
0x60: {  	[sflag:s11] =	ssyncset.done $0x0  }
0x61: {  	[sflag:s11] =	ssyncadd.s32 $0xFFFFF800  }
0x62: {  	_ =	swait.ge [sflag:s11], $0x800  }
0x63: {  	[sflag:s11] =	ssyncset.done $0x0  }
0x64: {  	[sflag:s11] =	ssyncadd.s32 $0xFFFFF800  }
0x65: {  	_ =	swait.ge [sflag:s11], $0x800  }
0x66: {  	[sflag:s11] =	ssyncset.done $0x0  }
0x67: {  	[sflag:s11] =	ssyncadd.s32 $0xFFFFF800  }
0x68: {  	_ =	swait.ge [sflag:s11], $0x800  }
0x69: {  	[sflag:s11] =	ssyncset.done $0x0  }
0x6a: {  	[sflag:s11] =	ssyncadd.s32 $0xFFFFF800  }
0x6b: {  	[spmem:s2] =	stream.indirect.scatter.add.f32 [tilespmem:s26], [sflag:$0x2], $0x10, s17, s18, $0xb8;
	[tilespmem:$0x1E800] =	vst v63  }
0x6c: {  	_ =	swait.ge [sflag:s15], $0x800  }
0x6d: {  	[sflag:s15] =	ssyncset.done $0x0  }
0x6e: {  	[sflag:s15] =	ssyncadd.s32 $0xFFFFF800  }
0x6f: {  	[spmem:s2] =	stream.indirect.scatter.add.f32 [tilespmem:s28], [sflag:$0x2], $0x10, s12, s18, $0xb8;
	[tilespmem:$0x1E800] =	vst v63  }
0x70: {  	_ =	swait.ge [sflag:s15], $0x800  }
0x71: {  	[sflag:s15] =	ssyncset.done $0x0  }
0x72: {  	[sflag:s15] =	ssyncadd.s32 $0xFFFFF800  }
0x73: {  	[spmem:s2] =	stream.indirect.scatter.add.f32 [tilespmem:s29], [sflag:$0x2], $0x10, s13, s18, $0xb8;
	[tilespmem:$0x1E800] =	vst v63  }
0x74: {  	_ =	swait.ge [sflag:s15], $0x800  }
0x75: {  	[sflag:s15] =	ssyncset.done $0x0  }
0x76: {  	[sflag:s15] =	ssyncadd.s32 $0xFFFFF800  }
0x77: {  	[spmem:s2] =	stream.indirect.scatter.add.f32 [tilespmem:s30], [sflag:$0x2], $0x10, s19, s18, $0xb8;
	[tilespmem:$0x1E800] =	vst v63  }
0x78: {  	_ =	swait.ge [sflag:s15], $0x800  }
0x79: {  	[sflag:s15] =	ssyncset.done $0x0  }
0x7a: {  	[sflag:s15] =	ssyncadd.s32 $0xFFFFF800  }
0x7b: {  	[spmem:s2] =	stream.indirect.scatter.add.f32 [tilespmem:s1], [sflag:$0x2], $0x10, s20, s18, $0xb8;
	[tilespmem:$0x1E800] =	vst v63  }
0x7c: {  	_ =	swait.ge [sflag:s15], $0x800  }
0x7d: {  	[sflag:s15] =	ssyncset.done $0x0  }
0x7e: {  	[sflag:s15] =	ssyncadd.s32 $0xFFFFF800  }
0x7f: {  	[spmem:s2] =	stream.indirect.scatter.add.f32 [tilespmem:s6], [sflag:$0x2], $0x10, s21, s18, $0xb8;
	[tilespmem:$0x1E800] =	vst v63  }
0x80: {  	_ =	swait.ge [sflag:s15], $0x800  }
0x81: {  	[sflag:s15] =	ssyncset.done $0x0  }
0x82: {  	[sflag:s15] =	ssyncadd.s32 $0xFFFFF800  }
0x83: {  	[spmem:s2] =	stream.indirect.scatter.add.f32 [tilespmem:s8], [sflag:$0x2], $0x10, s22, s18, $0xb8;
	[tilespmem:$0x1E800] =	vst v63  }
0x84: {  	_ =	swait.ge [sflag:s15], $0x800  }
0x85: {  	[sflag:s15] =	ssyncset.done $0x0  }
0x86: {  	[sflag:s15] =	ssyncadd.s32 $0xFFFFF800  }
0x87: {  	[spmem:s2] =	stream.indirect.scatter.add.f32 [tilespmem:s10], [sflag:$0x2], $0x10, s23, s18, $0xb8;
	[tilespmem:$0x1E800] =	vst v63  }
0x88: {  	s24 =	simm.s32 $0x100;
	_ =	swait.ge [sflag:s15], $0x800  }
0x89: {  	s25 =	simm.s32 $0x80;
	s14 =	rddreg [dreg:$0x4];
	[sflag:s15] =	ssyncset.done $0x0  }
.LBB2_6:
0x8a: {  	[sflag:s15] =	ssyncadd.s32 $0xFFFFF800;
	s14 =	sadd.s32 s25, s14  }
0x8b: {  	[tilespmem:s16], [sflag:$0x2] =	stream.linear.gather [hbm4b:s14+s3], $0x400, $0x38;
	[tilespmem:$0x1E800] =	vst v63  }
0x8c: {  	_ =	swait.ge [sflag:s15], $0x400  }
0x8d: {  	s14 =	rddreg [dreg:$0x3];
	[sflag:s15] =	ssyncset.done $0x0  }
0x8e: {  	[sflag:s15] =	ssyncadd.s32 $0xFFFFFC00;
	s14 =	sadd.s32 s25, s14  }
0x8f: {  	[tilespmem:s17], [sflag:$0x2] =	stream.linear.gather [hbm4b:s14+s3], $0x400, $0x38;
	[tilespmem:$0x1E800] =	vst v63  }
0x90: {  	_ =	swait.ge [sflag:s15], $0x400  }
0x91: {  	[sflag:s15] =	ssyncset.done $0x0  }
0x92: {  	[sflag:s15] =	ssyncadd.s32 $0xFFFFFC00  }
0x93: {  	[tilespmem:s26], [sflag:$0x1] =	stream.indirect.gather [hbm4b:s4+s18], $0x10, s16, s18, $0xb8;
	[tilespmem:$0x1E800] =	vst v63  }
0x94: {  	s31 =	smov.u32 s24;
	s14 =	rddreg [dreg:$0x5]  }
0x95: {  	[tilespmem:s28], [sflag:$0x1] =	stream.indirect.gather [hbm4b:s4+s18], $0x10, s14, s18, $0xb8;
	[tilespmem:$0x1E800] =	vst v63  }
0x96: {  	s25 =	smov.u32 s31;
	s31 =	rddreg [dreg:$0x6]  }
0x97: {  	[tilespmem:s29], [sflag:$0x1] =	stream.indirect.gather [hbm4b:s4+s18], $0x10, s31, s18, $0xb8;
	[tilespmem:$0x1E800] =	vst v63  }
0x98: {  	s14 =	rddreg [dreg:$0x7]  }
0x99: {  	[tilespmem:s30], [sflag:$0x1] =	stream.indirect.gather [hbm4b:s4+s18], $0x10, s14, s18, $0xb8;
	[tilespmem:$0x1E800] =	vst v63  }
0x9a: {  	s31 =	simm.s32 $0x19200  }
0x9b: {  	[tilespmem:s1], [sflag:$0x1] =	stream.indirect.gather [hbm4b:s4+s18], $0x10, s31, s18, $0xb8;
	[tilespmem:$0x1E800] =	vst v63  }
0x9c: {  	_ = 	snop  }
0x9d: {  	[tilespmem:s6], [sflag:$0x1] =	stream.indirect.gather [hbm4b:s4+s18], $0x10, s0, s18, $0xb8;
	[tilespmem:$0x1E800] =	vst v63  }
0x9e: {  	_ = 	snop  }
0x9f: {  	[tilespmem:s8], [sflag:$0x1] =	stream.indirect.gather [hbm4b:s4+s18], $0x10, s7, s18, $0xb8;
	[tilespmem:$0x1E800] =	vst v63  }
0xa0: {  	_ = 	snop  }
0xa1: {  	[tilespmem:s10], [sflag:$0x1] =	stream.indirect.gather [hbm4b:s4+s18], $0x10, s9, s18, $0xb8;
	[tilespmem:$0x1E800] =	vst v63  }
0xa2: {  	_ =	swait.ge [sflag:s11], $0x800  }
0xa3: {  	[sflag:s11] =	ssyncset.done $0x0  }
0xa4: {  	[sflag:s11] =	ssyncadd.s32 $0xFFFFF800  }
0xa5: {  	_ =	swait.ge [sflag:s11], $0x800  }
0xa6: {  	[sflag:s11] =	ssyncset.done $0x0  }
0xa7: {  	[sflag:s11] =	ssyncadd.s32 $0xFFFFF800  }
0xa8: {  	_ =	swait.ge [sflag:s11], $0x800  }
0xa9: {  	[sflag:s11] =	ssyncset.done $0x0  }
0xaa: {  	[sflag:s11] =	ssyncadd.s32 $0xFFFFF800  }
0xab: {  	_ =	swait.ge [sflag:s11], $0x800  }
0xac: {  	[sflag:s11] =	ssyncset.done $0x0  }
0xad: {  	[sflag:s11] =	ssyncadd.s32 $0xFFFFF800  }
0xae: {  	_ =	swait.ge [sflag:s11], $0x800  }
0xaf: {  	[sflag:s11] =	ssyncset.done $0x0  }
0xb0: {  	[sflag:s11] =	ssyncadd.s32 $0xFFFFF800  }
0xb1: {  	_ =	swait.ge [sflag:s11], $0x800  }
0xb2: {  	[sflag:s11] =	ssyncset.done $0x0  }
0xb3: {  	[sflag:s11] =	ssyncadd.s32 $0xFFFFF800  }
0xb4: {  	_ =	swait.ge [sflag:s11], $0x800  }
0xb5: {  	[sflag:s11] =	ssyncset.done $0x0  }
0xb6: {  	[sflag:s11] =	ssyncadd.s32 $0xFFFFF800  }
0xb7: {  	_ =	swait.ge [sflag:s11], $0x800  }
0xb8: {  	[sflag:s11] =	ssyncset.done $0x0  }
0xb9: {  	[sflag:s11] =	ssyncadd.s32 $0xFFFFF800  }
0xba: {  	[spmem:s2] =	stream.indirect.scatter.add.f32 [tilespmem:s26], [sflag:$0x2], $0x10, s17, s18, $0xb8;
	[tilespmem:$0x1E800] =	vst v63  }
0xbb: {  	_ =	swait.ge [sflag:s15], $0x800  }
0xbc: {  	[sflag:s15] =	ssyncset.done $0x0  }
0xbd: {  	[sflag:s15] =	ssyncadd.s32 $0xFFFFF800  }
0xbe: {  	[spmem:s2] =	stream.indirect.scatter.add.f32 [tilespmem:s28], [sflag:$0x2], $0x10, s12, s18, $0xb8;
	[tilespmem:$0x1E800] =	vst v63  }
0xbf: {  	_ =	swait.ge [sflag:s15], $0x800  }
0xc0: {  	[sflag:s15] =	ssyncset.done $0x0  }
0xc1: {  	[sflag:s15] =	ssyncadd.s32 $0xFFFFF800  }
0xc2: {  	[spmem:s2] =	stream.indirect.scatter.add.f32 [tilespmem:s29], [sflag:$0x2], $0x10, s13, s18, $0xb8;
	[tilespmem:$0x1E800] =	vst v63  }
0xc3: {  	_ =	swait.ge [sflag:s15], $0x800  }
0xc4: {  	[sflag:s15] =	ssyncset.done $0x0  }
0xc5: {  	[sflag:s15] =	ssyncadd.s32 $0xFFFFF800  }
0xc6: {  	[spmem:s2] =	stream.indirect.scatter.add.f32 [tilespmem:s30], [sflag:$0x2], $0x10, s19, s18, $0xb8;
	[tilespmem:$0x1E800] =	vst v63  }
0xc7: {  	_ =	swait.ge [sflag:s15], $0x800  }
0xc8: {  	[sflag:s15] =	ssyncset.done $0x0  }
0xc9: {  	[sflag:s15] =	ssyncadd.s32 $0xFFFFF800  }
0xca: {  	[spmem:s2] =	stream.indirect.scatter.add.f32 [tilespmem:s1], [sflag:$0x2], $0x10, s20, s18, $0xb8;
	[tilespmem:$0x1E800] =	vst v63  }
0xcb: {  	_ =	swait.ge [sflag:s15], $0x800  }
0xcc: {  	[sflag:s15] =	ssyncset.done $0x0  }
0xcd: {  	[sflag:s15] =	ssyncadd.s32 $0xFFFFF800  }
0xce: {  	[spmem:s2] =	stream.indirect.scatter.add.f32 [tilespmem:s6], [sflag:$0x2], $0x10, s21, s18, $0xb8;
	[tilespmem:$0x1E800] =	vst v63  }
0xcf: {  	_ =	swait.ge [sflag:s15], $0x800  }
0xd0: {  	[sflag:s15] =	ssyncset.done $0x0  }
0xd1: {  	[sflag:s15] =	ssyncadd.s32 $0xFFFFF800  }
0xd2: {  	[spmem:s2] =	stream.indirect.scatter.add.f32 [tilespmem:s8], [sflag:$0x2], $0x10, s22, s18, $0xb8;
	[tilespmem:$0x1E800] =	vst v63  }
0xd3: {  	p0 =	sne.s32 s24, $0x1800;
	_ =	swait.ge [sflag:s15], $0x800  }
.Ltmp2:
0xd4: {  	[sflag:s15] =	ssyncset.done $0x0;
	(pc) =	sbr.rel @p0 .LBB2_6-.Ltmp2, $4  }
0xd5: {  	[sflag:s15] =	ssyncadd.s32 $0xFFFFF800  }
0xd6: {  	[spmem:s2] =	stream.indirect.scatter.add.f32 [tilespmem:s10], [sflag:$0x2], $0x10, s23, s18, $0xb8;
	[tilespmem:$0x1E800] =	vst v63  }
0xd7: {  	_ =	swait.ge [sflag:s15], $0x800  }
0xd8: {  	s24 =	sadd.s32 $0x80, s24;
	s14 =	rddreg [dreg:$0x4];
	[sflag:s15] =	ssyncset.done $0x0  }
0xd9: {  	[sflag:s15] =	ssyncadd.s32 $0xFFFFF800;
	s14 =	sadd.s32 s25, s14  }
0xda: {  	[tilespmem:s16], [sflag:$0x2] =	stream.linear.gather [hbm4b:s14+s3], $0x400, $0x38;
	[tilespmem:$0x1E800] =	vst v63  }
0xdb: {  	_ =	swait.ge [sflag:s15], $0x400  }
0xdc: {  	s24 =	rddreg [dreg:$0x3];
	[sflag:s15] =	ssyncset.done $0x0  }
0xdd: {  	[sflag:s15] =	ssyncadd.s32 $0xFFFFFC00;
	s14 =	sadd.s32 s25, s24  }
0xde: {  	[tilespmem:s17], [sflag:$0x2] =	stream.linear.gather [hbm4b:s14+s3], $0x400, $0x38;
	[tilespmem:$0x1E800] =	vst v63  }
0xdf: {  	_ =	swait.ge [sflag:s15], $0x400  }
0xe0: {  	[sflag:s15] =	ssyncset.done $0x0  }
0xe1: {  	[sflag:s15] =	ssyncadd.s32 $0xFFFFFC00  }
0xe2: {  	[tilespmem:s26], [sflag:$0x1] =	stream.indirect.gather [hbm4b:s4+s18], $0x10, s16, s18, $0xb8;
	[tilespmem:$0x1E800] =	vst v63  }
0xe3: {  	s25 =	rddreg [dreg:$0x5]  }
0xe4: {  	[tilespmem:s28], [sflag:$0x1] =	stream.indirect.gather [hbm4b:s4+s18], $0x10, s25, s18, $0xb8;
	[tilespmem:$0x1E800] =	vst v63  }
0xe5: {  	s24 =	rddreg [dreg:$0x6]  }
0xe6: {  	[tilespmem:s29], [sflag:$0x1] =	stream.indirect.gather [hbm4b:s4+s18], $0x10, s24, s18, $0xb8;
	[tilespmem:$0x1E800] =	vst v63  }
0xe7: {  	s25 =	rddreg [dreg:$0x7]  }
0xe8: {  	[tilespmem:s30], [sflag:$0x1] =	stream.indirect.gather [hbm4b:s4+s18], $0x10, s25, s18, $0xb8;
	[tilespmem:$0x1E800] =	vst v63  }
0xe9: {  	_ = 	snop  }
0xea: {  	[tilespmem:s1], [sflag:$0x1] =	stream.indirect.gather [hbm4b:s4+s18], $0x10, s31, s18, $0xb8;
	[tilespmem:$0x1E800] =	vst v63  }
0xeb: {  	_ = 	snop  }
0xec: {  	[tilespmem:s6], [sflag:$0x1] =	stream.indirect.gather [hbm4b:s4+s18], $0x10, s0, s18, $0xb8;
	[tilespmem:$0x1E800] =	vst v63  }
0xed: {  	_ = 	snop  }
0xee: {  	[tilespmem:s8], [sflag:$0x1] =	stream.indirect.gather [hbm4b:s4+s18], $0x10, s7, s18, $0xb8;
	[tilespmem:$0x1E800] =	vst v63  }
0xef: {  	_ = 	snop  }
0xf0: {  	[tilespmem:s10], [sflag:$0x1] =	stream.indirect.gather [hbm4b:s4+s18], $0x10, s9, s18, $0xb8;
	[tilespmem:$0x1E800] =	vst v63  }
0xf1: {  	_ =	swait.ge [sflag:s11], $0x800  }
0xf2: {  	[sflag:s11] =	ssyncset.done $0x0  }
0xf3: {  	[sflag:s11] =	ssyncadd.s32 $0xFFFFF800  }
0xf4: {  	_ =	swait.ge [sflag:s11], $0x800  }
0xf5: {  	[sflag:s11] =	ssyncset.done $0x0  }
0xf6: {  	[sflag:s11] =	ssyncadd.s32 $0xFFFFF800  }
0xf7: {  	_ =	swait.ge [sflag:s11], $0x800  }
0xf8: {  	[sflag:s11] =	ssyncset.done $0x0  }
0xf9: {  	[sflag:s11] =	ssyncadd.s32 $0xFFFFF800  }
0xfa: {  	_ =	swait.ge [sflag:s11], $0x800  }
0xfb: {  	[sflag:s11] =	ssyncset.done $0x0  }
0xfc: {  	[sflag:s11] =	ssyncadd.s32 $0xFFFFF800  }
0xfd: {  	_ =	swait.ge [sflag:s11], $0x800  }
0xfe: {  	[sflag:s11] =	ssyncset.done $0x0  }
0xff: {  	[sflag:s11] =	ssyncadd.s32 $0xFFFFF800  }
0x100: {  	_ =	swait.ge [sflag:s11], $0x800  }
0x101: {  	[sflag:s11] =	ssyncset.done $0x0  }
0x102: {  	[sflag:s11] =	ssyncadd.s32 $0xFFFFF800  }
0x103: {  	_ =	swait.ge [sflag:s11], $0x800  }
0x104: {  	[sflag:s11] =	ssyncset.done $0x0  }
0x105: {  	[sflag:s11] =	ssyncadd.s32 $0xFFFFF800  }
0x106: {  	_ =	swait.ge [sflag:s11], $0x800  }
0x107: {  	[sflag:s11] =	ssyncset.done $0x0  }
0x108: {  	[sflag:s11] =	ssyncadd.s32 $0xFFFFF800  }
0x109: {  	[spmem:s2] =	stream.indirect.scatter.add.f32 [tilespmem:s26], [sflag:$0x2], $0x10, s17, s18, $0xb8;
	[tilespmem:$0x1E800] =	vst v63  }
0x10a: {  	_ =	swait.ge [sflag:s15], $0x800  }
0x10b: {  	[sflag:s15] =	ssyncset.done $0x0  }
0x10c: {  	[sflag:s15] =	ssyncadd.s32 $0xFFFFF800  }
0x10d: {  	[spmem:s2] =	stream.indirect.scatter.add.f32 [tilespmem:s28], [sflag:$0x2], $0x10, s12, s18, $0xb8;
	[tilespmem:$0x1E800] =	vst v63  }
0x10e: {  	_ =	swait.ge [sflag:s15], $0x800  }
0x10f: {  	[sflag:s15] =	ssyncset.done $0x0  }
0x110: {  	[sflag:s15] =	ssyncadd.s32 $0xFFFFF800  }
0x111: {  	[spmem:s2] =	stream.indirect.scatter.add.f32 [tilespmem:s29], [sflag:$0x2], $0x10, s13, s18, $0xb8;
	[tilespmem:$0x1E800] =	vst v63  }
0x112: {  	_ =	swait.ge [sflag:s15], $0x800  }
0x113: {  	[sflag:s15] =	ssyncset.done $0x0  }
0x114: {  	[sflag:s15] =	ssyncadd.s32 $0xFFFFF800  }
0x115: {  	[spmem:s2] =	stream.indirect.scatter.add.f32 [tilespmem:s30], [sflag:$0x2], $0x10, s19, s18, $0xb8;
	[tilespmem:$0x1E800] =	vst v63  }
0x116: {  	_ =	swait.ge [sflag:s15], $0x800  }
0x117: {  	[sflag:s15] =	ssyncset.done $0x0  }
0x118: {  	[sflag:s15] =	ssyncadd.s32 $0xFFFFF800  }
0x119: {  	[spmem:s2] =	stream.indirect.scatter.add.f32 [tilespmem:s1], [sflag:$0x2], $0x10, s20, s18, $0xb8;
	[tilespmem:$0x1E800] =	vst v63  }
0x11a: {  	_ =	swait.ge [sflag:s15], $0x800  }
0x11b: {  	[sflag:s15] =	ssyncset.done $0x0  }
0x11c: {  	[sflag:s15] =	ssyncadd.s32 $0xFFFFF800  }
0x11d: {  	[spmem:s2] =	stream.indirect.scatter.add.f32 [tilespmem:s6], [sflag:$0x2], $0x10, s21, s18, $0xb8;
	[tilespmem:$0x1E800] =	vst v63  }
0x11e: {  	_ =	swait.ge [sflag:s15], $0x800  }
0x11f: {  	[sflag:s15] =	ssyncset.done $0x0  }
0x120: {  	[sflag:s15] =	ssyncadd.s32 $0xFFFFF800  }
0x121: {  	[spmem:s2] =	stream.indirect.scatter.add.f32 [tilespmem:s8], [sflag:$0x2], $0x10, s22, s18, $0xb8;
	[tilespmem:$0x1E800] =	vst v63  }
0x122: {  	_ =	swait.ge [sflag:s15], $0x800  }
0x123: {  	[sflag:s15] =	ssyncset.done $0x0  }
0x124: {  	[sflag:s15] =	ssyncadd.s32 $0xFFFFF800  }
0x125: {  	[spmem:s2] =	stream.indirect.scatter.add.f32 [tilespmem:s10], [sflag:$0x2], $0x10, s23, s18, $0xb8;
	[tilespmem:$0x1E800] =	vst v63  }
0x126: {  	_ =	swait.ge [sflag:s15], $0x800  }
0x127: {  	[sflag:s15] =	ssyncset.done $0x0  }
0x128: {  	[sflag:s15] =	ssyncadd.s32 $0xFFFFF800  }
0x129: {  	s25 =	stileid.u32;
	[bflag:$0x0] =	sbarrier.arrive $0xFFFF  }
0x12a: {  	s14 =	sshll.u32 s25, $0x6;
	s24 =	rddreg [dreg:$0x8]  }
0x12b: {  	s14 =	sor.u32 $0x1C02, s14;
	s25 =	rddreg [dreg:$0x10]  }
0x12c: {  	[hbm:s24], [sflag:s14] =	dma.local [spmem:s25], $0x800  }
0x12d: {  	_ =	swait.ge [sflag:s15], $0x800  }
0x12e: {  	[sflag:s15] =	ssyncset.done $0x0;
	s24 =	rddreg [dreg:$0x9]  }
0x12f: {  	s25 =	rddreg [dreg:$0x11];
	[sflag:s15] =	ssyncadd.s32 $0xFFFFF800  }
0x130: {  	[hbm:s24], [sflag:s14] =	dma.local [spmem:s25], $0x800  }
0x131: {  	_ =	swait.ge [sflag:s15], $0x800  }
0x132: {  	[sflag:s15] =	ssyncset.done $0x0;
	s24 =	rddreg [dreg:$0xa]  }
0x133: {  	s25 =	rddreg [dreg:$0x12];
	[sflag:s15] =	ssyncadd.s32 $0xFFFFF800  }
0x134: {  	[hbm:s24], [sflag:s14] =	dma.local [spmem:s25], $0x800  }
0x135: {  	_ =	swait.ge [sflag:s15], $0x800  }
0x136: {  	[sflag:s15] =	ssyncset.done $0x0;
	s24 =	rddreg [dreg:$0xb]  }
0x137: {  	s25 =	rddreg [dreg:$0x13];
	[sflag:s15] =	ssyncadd.s32 $0xFFFFF800  }
0x138: {  	[hbm:s24], [sflag:s14] =	dma.local [spmem:s25], $0x800  }
0x139: {  	_ =	swait.ge [sflag:s15], $0x800  }
0x13a: {  	[sflag:s15] =	ssyncset.done $0x0;
	s24 =	rddreg [dreg:$0xc]  }
0x13b: {  	s25 =	rddreg [dreg:$0x14];
	[sflag:s15] =	ssyncadd.s32 $0xFFFFF800  }
0x13c: {  	[hbm:s24], [sflag:s14] =	dma.local [spmem:s25], $0x800  }
0x13d: {  	_ =	swait.ge [sflag:s15], $0x800  }
0x13e: {  	[sflag:s15] =	ssyncset.done $0x0;
	s24 =	rddreg [dreg:$0xd]  }
0x13f: {  	s25 =	rddreg [dreg:$0x15];
	[sflag:s15] =	ssyncadd.s32 $0xFFFFF800  }
0x140: {  	[hbm:s24], [sflag:s14] =	dma.local [spmem:s25], $0x800  }
0x141: {  	_ =	swait.ge [sflag:s15], $0x800  }
0x142: {  	[sflag:s15] =	ssyncset.done $0x0;
	s24 =	rddreg [dreg:$0xe]  }
0x143: {  	s25 =	rddreg [dreg:$0x16];
	[sflag:s15] =	ssyncadd.s32 $0xFFFFF800  }
0x144: {  	[hbm:s24], [sflag:s14] =	dma.local [spmem:s25], $0x200  }
0x145: {  	_ =	swait.ge [sflag:s15], $0x200  }
0x146: {  	s14 =	rddreg [dreg:$0x17]  }
0x147: {  	s25 =	rddreg [dreg:$0xf];
	s24 =	sadd.s32 $0x1, s14  }
0x148: {  	p0 =	sne.s32 s24, s25  }
.Ltmp3:
0x149: {  	_ = 	snop;
	(pc) =	sbr.rel @p0 .LBB2_1-.Ltmp3, $3  }
0x14a: {  	_ =	sdelay $0x1  }
0x14b: {  	[sflag:s15] =	ssyncset.done $0x0  }
0x14c: {  	[sflag:s15] =	ssyncadd.s32 $0xFFFFFE00;
	s25 =	simm.s32 $0x1D800  }
0x14d: {  	_ =	sfence.sel $0x180000  }
0x14e: {  	[bflag:$0x0] =	sbarrier.arrive $0xFFFF  }
0x14f: {  	_ =	strace $0x9000004D  }
0x150: {  	s0 =	stileid.u32;
	[bflag:$0x2] =	sbarrier.arrive $0xFFFF  }
0x151: {  	p0 =	sne.s32 s0, $0x0;
	s0 =	rddreg [dreg:$0x2]  }
0x152: {  	s0 =	sadd.s32 @!p0 $0x100000, s0  }
0x153: {  	[sflag:s0] =	ssyncadd.tile.s32 @!p0 $0x1;
	_ =	shalt  }
.Lfunc_end2:
_tile_overlayer_lowered:
.L_overlay_start_2:
0x154: {  	(tag) =	ssettag $0x2  }
0x155: {  	s0 =	rddreg [dreg:$0x0];
	s2 =	stileid.u32  }
0x156: {  	s1 =	rddreg [dreg:$0x1];
	p0 =	sne.s32 s2, $0x0  }
0x157: {  	s3 =	rddreg [dreg:$0x2];
	[bflag:$0x3] =	sbarrier.arrive $0xFFFF;
	s2 =	simm.s32 @!p0 $0x1C02  }
0x158: {  	[timem:s3], [sflag:s2] =	dma.local @!p0 [hbm:s0], s1  }
0x159: {  	s0 =	simm.s32 @!p0 $0x2  }
0x15a: {  	_ =	swait.ge @!p0 [sflag:s0], s1  }
0x15b: {  	s1 =	ssub.s32 @!p0 $0x0, s1;
	[sflag:s0] =	ssyncset.done @!p0 $0x0  }
0x15c: {  	[sflag:s0] =	ssyncadd.s32 @!p0 s1  }
0x15d: {  	[bflag:$0x3] =	sbarrier.arrive $0xFFFF  }
0x15e: {  	_ =	shalt  }

// kernel: kernel.18.cloned.1.call-start
scs
__scs_entry_jumppad:
0x0: {  	(pc) =	sbr.rel $0x88, $3  }
0x1: {  	(tag) =	ssettag $0x0;
	lr =	simm.s32 $0x1  }
0x2: {  	[smem:$0x3F97] =	sst lr;
	_ =	strace $0xD0000000  }
0x3: {  	_ = 	snop  }
0x4: {  	_ = 	snop  }
0x5: {  	_ = 	snop  }
0x6: {  	_ = 	snop  }
0x7: {  	_ = 	snop  }
__scs_overlays_trampoline_lowered:
0x8: {  	[smem:$0x3FA6] =	sst s0  }
0x9: {  	[smem:$0x3FA7] =	sst s1  }
0xa: {  	[smem:$0x3FA8] =	sst s2  }
0xb: {  	[smem:$0x3FA9] =	sst s3  }
0xc: {  	[smem:$0x3FAA] =	sst s4  }
0xd: {  	[smem:$0x3FAB] =	sst s5  }
0xe: {  	[smem:$0x3FAC] =	sst s6  }
0xf: {  	[smem:$0x3FAD] =	sst s7  }
0x10: {  	[smem:$0x3FAE] =	sst s8  }
0x11: {  	[smem:$0x3FAF] =	sst s9;
	s0 =	simm.s32 @!p0 $0x0  }
0x12: {  	s1 =	sld [smem:$0x3F95];
	s0 =	simm.s32 @p0 $0x1  }
0x13: {  	[smem:$0x3FB0] =	sst s0;
	s0 =	simm.s32 @!p1 $0x0  }
0x14: {  	s2 =	sld [smem:$0x3F94];
	s0 =	simm.s32 @p1 $0x1  }
0x15: {  	[smem:$0x3FB1] =	sst s0;
	s0 =	simm.s32 @!p2 $0x0  }
0x16: {  	s3 =	sld [smem:$0x3FDB];
	s0 =	simm.s32 @p2 $0x1  }
0x17: {  	s4 =	simm.s32 $0x1BF5;
	[smem:$0x3FB3] =	sst s0  }
0x18: {  	s0 =	sld [smem:$0x3F96];
	_ =	swait.ge [sflag:s4], $0x0  }
0x19: {  	s7 =	sld [smem:$0x3F97]  }
0x1a: {  	s8 =	sadd.s32 $0xFFFFE003, lr  }
0x1b: {  	s9 =	sadd.s32 $0xFFFFFEF7, lr;
	s5 =	simm.s32 $0xFFFFFFFF;
	p2 =	slt.u32 s8, $0xFFFFF086  }
0x1c: {  	p1 =	slt.u32 s9, $0xF7A;
	s5 =	simm.s32 @!p2 $0x0  }
0x1d: {  	s5 =	simm.s32 @p1 $0x1;
	p0 =	seq.s32 s7, s2  }
0x1e: {  	s7 =	smul.u32 @!p0 $0xF7A, s2;
	p2 =	seq.s32 @!p0 s5, $0x0  }
0x1f: {  	s9 =	smul.u32 $0xF7A, s1;
	s8 =	simm.s32 @!p0 $0x1BF5;
	p2 =	por !p2, p0  }
0x20: {  	[sflag:s8] =	ssyncset.s32 @!p0 $0xFFFFF086;
	s6 =	sadd.s32 @!p0 s3, s7;
	s7 =	simm.s32 @!p0 $0x108  }
0x21: {  	s3 =	sadd.s32 s3, s9;
	s6 =	sadd.s32 @!p0 $0x88, s6;
	s7 =	simm.s32 @p2 $0x1082  }
0x22: {  	[simem:s7], [sflag:s8] =	dma.local @!p0 [hbm:s6], $0xF7A  }
0x23: {  	s9 =	sor.u32 $0xD0000000, s2;
	s6 =	simm.s32 $0x108;
	_ =	swait.ge @!p0 [sflag:s8], $0x0  }
0x24: {  	s3 =	sadd.s32 $0x88, s3;
	s6 =	simm.s32 @!p1 $0x1082;
	[sflag:s4] =	ssyncset.s32 $0xFFFFF086  }
0x25: {  	[simem:s6], [sflag:s4] =	dma.local [hbm:s3], $0xF7A  }
0x26: {  	[smem:$0x3F97] =	sst s1;
	(tag) =	ssettag s2;
	_ =	strace s9  }
0x27: {  	s1 =	sld [smem:$0x3FA7]  }
0x28: {  	s2 =	sld [smem:$0x3FA8]  }
0x29: {  	s4 =	sld [smem:$0x3FAA]  }
0x2a: {  	p0 =	seq.s32 s5, $0x0;
	s5 =	sld [smem:$0x3FAB]  }
0x2b: {  	s6 =	sld [smem:$0x3FAC]  }
0x2c: {  	s7 =	sld [smem:$0x3FAD]  }
0x2d: {  	s3 =	simm.s32 $0x108;
	s8 =	sld [smem:$0x3FAE]  }
0x2e: {  	s3 =	simm.s32 @!p0 $0x1082;
	s9 =	sld [smem:$0x3FAF]  }
0x2f: {  	lr =	sadd.s32 s0, s3;
	s0 =	sld [smem:$0x3FA6]  }
0x30: {  	s3 =	sld [smem:$0x3FA9]  }
0x31: {  	[smem:$0x3FB2] =	sst s10  }
0x32: {  	s10 =	sld [smem:$0x3FB0];
	_ =	sdelay $0x3  }
0x33: {  	p0 =	seq.s32 s10, $0x1;
	s10 =	sld [smem:$0x3FB2];
	_ =	sdelay $0x3  }
0x34: {  	[smem:$0x3FB2] =	sst s10  }
0x35: {  	s10 =	sld [smem:$0x3FB1];
	_ =	sdelay $0x3  }
0x36: {  	p1 =	seq.s32 s10, $0x1;
	s10 =	sld [smem:$0x3FB2];
	_ =	sdelay $0x3  }
0x37: {  	[smem:$0x3FB2] =	sst s10  }
0x38: {  	s10 =	sld [smem:$0x3FB3]  }
0x39: {  	_ = 	snop;
	(pc) =	sbr.ind lr, $3  }
0x3a: {  	_ = 	snop  }
0x3b: {  	_ = 	snop  }
0x3c: {  	p2 =	seq.s32 s10, $0x1;
	s10 =	sld [smem:$0x3FB2]  }
0x3d: {  	_ =	shalt  }
0x3e: {  	_ =	shalt  }
0x3f: {  	_ =	shalt  }
0x40: {  	_ =	shalt  }
0x41: {  	_ =	shalt  }
0x42: {  	_ =	shalt  }
0x43: {  	_ =	shalt  }
0x44: {  	_ =	shalt  }
0x45: {  	_ =	shalt  }
0x46: {  	_ =	shalt  }
0x47: {  	_ =	shalt  }
0x48: {  	_ =	shalt  }
0x49: {  	_ =	shalt  }
0x4a: {  	_ =	shalt  }
0x4b: {  	_ =	shalt  }
0x4c: {  	_ =	shalt  }
0x4d: {  	_ =	shalt  }
0x4e: {  	_ =	shalt  }
0x4f: {  	_ =	shalt  }
0x50: {  	_ =	shalt  }
0x51: {  	_ =	shalt  }
0x52: {  	_ =	shalt  }
0x53: {  	_ =	shalt  }
0x54: {  	_ =	shalt  }
0x55: {  	_ =	shalt  }
0x56: {  	_ =	shalt  }
0x57: {  	_ =	shalt  }
0x58: {  	_ =	shalt  }
0x59: {  	_ =	shalt  }
0x5a: {  	_ =	shalt  }
0x5b: {  	_ =	shalt  }
0x5c: {  	_ =	shalt  }
0x5d: {  	_ =	shalt  }
0x5e: {  	_ =	shalt  }
0x5f: {  	_ =	shalt  }
0x60: {  	_ =	shalt  }
0x61: {  	_ =	shalt  }
0x62: {  	_ =	shalt  }
0x63: {  	_ =	shalt  }
0x64: {  	_ =	shalt  }
0x65: {  	_ =	shalt  }
0x66: {  	_ =	shalt  }
0x67: {  	_ =	shalt  }
0x68: {  	_ =	shalt  }
0x69: {  	_ =	shalt  }
0x6a: {  	_ =	shalt  }
0x6b: {  	_ =	shalt  }
0x6c: {  	_ =	shalt  }
0x6d: {  	_ =	shalt  }
0x6e: {  	_ =	shalt  }
0x6f: {  	_ =	shalt  }
0x70: {  	_ =	shalt  }
0x71: {  	_ =	shalt  }
0x72: {  	_ =	shalt  }
0x73: {  	_ =	shalt  }
0x74: {  	_ =	shalt  }
0x75: {  	_ =	shalt  }
0x76: {  	_ =	shalt  }
0x77: {  	_ =	shalt  }
0x78: {  	_ =	shalt  }
0x79: {  	_ =	shalt  }
0x7a: {  	_ =	shalt  }
0x7b: {  	_ =	shalt  }
0x7c: {  	_ =	shalt  }
0x7d: {  	_ =	shalt  }
0x7e: {  	_ =	shalt  }
0x7f: {  	_ =	shalt  }
0x80: {  	_ =	shalt  }
0x81: {  	_ =	shalt  }
0x82: {  	_ =	shalt  }
0x83: {  	_ =	shalt  }
0x84: {  	_ =	shalt  }
0x85: {  	_ =	shalt  }
0x86: {  	_ =	shalt  }
0x87: {  	_ =	shalt  }
.Lfunc_end0:
.L_simem_size_0:
called_computation.3_lowered:
.L_overlay_start_0:
0x88: {  	s2 =	sld [smem:$0x3FD9]  }
0x89: {  	s3 =	sld [smem:$0x3FFE];
	_ =	sdelay $0x1  }
0x8a: {  	s1 =	srdreg.scid  }
0x8b: {  	s0 =	sand.u32 $0x1, s1  }
0x8c: {  	s16 =	sshll.u32 s0, $0xA;
	s2 =	sadd.s32 s3, s2  }
0x8d: {  	s2 =	sadd.s32 s2, s16  }
0x8e: {  	[smem:$0x3FBE] =	sst s2  }
0x8f: {  	_ = 	snop  }
0x90: {  	(tm) =	ssettm $0x1  }
0x91: {  	s17 =	sld [smem:$0x3FFB];
	_ =	sdelay $0x3  }
0x92: {  	_ =	strace s17  }
0x93: {  	s2 =	sld [smem:$0x3FFC];
	_ =	sdelay $0x3  }
0x94: {  	_ =	strace s2  }
0x95: {  	s2 =	sld [smem:$0x3FFD];
	_ =	sdelay $0x3  }
0x96: {  	_ =	strace s2  }
0x97: {  	_ =	strace $0x8FFFFFFF  }
0x98: {  	s18 =	sld [smem:$0x3FDB];
	_ =	sdelay $0x1  }
0x99: {  	s19 =	simm.s32 $_scs_section_size  }
0x9a: {  	s4 =	simm.s32 $_size__tile_overlayer_lowered;
	s5 =	simm.s32 $_tile_overlayer_lowered  }
0x9b: {  	s22 =	simm.s32 $0x1BFF;
	s21 =	sshll.u32 s5, $0x1;
	s2 =	sadd.s32 s19, s18  }
0x9c: {  	s6 =	simm.s32 $0x0;
	s20 =	sshll.u32 s4, $0x1;
	s4 =	sadd.s32 s21, s2  }
0x9d: {  	[timem:s6], [sflag:s22] =	dma.local [hbm:s4], s20  }
0x9e: {  	_ =	swait.ge [sflag:s22], s20  }
0x9f: {  	s3 =	ssub.s32 $0x0, s20;
	[sflag:s22] =	ssyncset.done $0x0  }
0xa0: {  	[sflag:s22] =	ssyncadd.s32 s3;
	_ =	sdelay $0x1  }
0xa1: {  	s23 =	simm.s32 $0x1B8B  }
0xa2: {  	_ =	swait.ge [sflag:s23], $0x1  }
0xa3: {  	[sflag:s23] =	ssyncset.done $0x0  }
0xa4: {  	s25 =	simm.s32 $0x1B8E;
	s24 =	sld [smem:$0x3FFE];
	[sflag:s23] =	ssyncadd.s32 $0xFFFFFFFF  }
0xa5: {  	s26 =	simm.s32 $execute0_lowered;
	[smem:$0x3FD2] =	sst s25  }
0xa6: {  	s4 =	sshll.u32 s26, $0x1;
	_ =	strace $0x8000004F;
	[dreg:$0x1] =	wrdreg $0xFFFFFFFF  }
0xa7: {  	s28 =	simm.s32 $_size_execute0_lowered;
	s2 =	sadd.s32 s2, s4;
	[dreg:$0x0] =	wrdreg $0x0  }
0xa8: {  	s4 =	sshll.u32 s28, $0x1;
	[dreg:$0x2] =	wrdreg s2  }
0xa9: {  	[dreg:$0x3] =	wrdreg s4  }
0xaa: {  	[dreg:$0x4] =	wrdreg $0xC0  }
0xab: {  	_ =	task [dreg:s6], $0x5FFFF  }
0xac: {  	[dreg:$0x1] =	wrdreg $0xFFFFFFFF  }
0xad: {  	[dreg:$0x0] =	wrdreg $0x60  }
0xae: {  	[dreg:$0x2] =	wrdreg s24  }
0xaf: {  	[dreg:$0x3] =	wrdreg $0x0  }
0xb0: {  	[dreg:$0x4] =	wrdreg $0x9  }
0xb1: {  	_ =	task.clear_ibuf [dreg:s6], $0x5FFFF;
	_ =	strace $0x9000004F  }
0xb2: {  	s29 =	simm.s32 $0x9;
	_ =	strace $0x80000051  }
0xb3: {  	_ =	swait.ge [sflag:s29], $0x1  }
0xb4: {  	[sflag:s29] =	ssyncadd.s32 $0xFFFFFFFF  }
0xb5: {  	_ =	strace $0x90000051  }
0xb6: {  	_ =	sfence  }
0xb7: {  	s30 =	sld [smem:$0x0];
	_ =	sdelay $0x2  }
0xb8: {  	s31 =	sshll.u32 s1, $0xD;
	s1 =	sshrl.u32 s1, $0x2  }
0xb9: {  	s3 =	sand.u32 $0x4000, s31;
	s1 =	sadd.s32 s1, s30  }
0xba: {  	s0 =	sor.u32 s3, s0;
	s1 =	sshll.u32 s1, $0x11  }
0xbb: {  	s0 =	sor.u32 s1, s0  }
0xbc: {  	s0 =	sadd.s32 $0x8F2B, s0  }
0xbd: {  	[sflag:s0] =	ssyncadd.remote.s32 $0x1  }
0xbe: {  	_ =	sfence.sel $0xFFFF  }
0xbf: {  	[dreg:$0x0] =	wrdreg $0xFFFFFFFF;
	(pc) =	sbr.abs _section_cstart, $3  }
0xc0: {  	[dreg:$0x1] =	wrdreg $0xFFFFFFFF  }
0xc1: {  	_ =	task.clear_ibuf [dreg:s6], $0x2FFFF;
	_ =	strace $0x9FFFFFFF  }
0xc2: {  	(tm) =	ssettm $0x7FFFFFFF  }
0xc3: {  	_ =	shalt  }
tec
execute0_lowered:
.L_overlay_start_1:
0x0: {  	(tag) =	ssettag $0x1  }
0x1: {  	s4 =	rddreg [dreg:$0x0]  }
0x2: {  	s1 =	rddreg [dreg:$0x1]  }
0x3: {  	s0 =	rddreg [dreg:$0x2];
	s2 =	simm.s32 $0x0;
	s3 =	srdreg.scid  }
0x4: {  	s12 =	simm.s32 $0x1800;
	s13 =	simm.s32 $0x80;
	s16 =	simm.s32 $0x0  }
0x5: {  	[smem:$0x7FF] =	sst s2;
	s5 =	sand.u32 $0x1, s3;
	s3 =	stileid.u32  }
0x6: {  	_ =	strace $0x80000050;
	s6 =	sshll.u32 s5, $0x12;
	s7 =	sshll.u32 s5, $0x4  }
0x7: {  	s8 =	sshll.u32 s3, $0xB;
	s9 =	sshll.u32 s5, $0xF;
	s5 =	ssub.s32 $0x2, s5  }
0x8: {  	s31 =	sshll.u32 s3, $0xE;
	s14 =	sshll.u32 s3, $0x6;
	s10 =	sadd.s32 s6, s4  }
0x9: {  	s11 =	sor.u32 s3, s7;
	s28 =	sor.u32 s8, s9;
	s29 =	sshrl.u32 s5, $0x1  }
0xa: {  	s9 =	simm.s32 $0x2800;
	s14 =	sor.u32 $0x1C01, s14;
	s7 =	sshll.u32 s11, $0x9  }
.Ltmp0:
0xb: {  	s6 =	sshrl.u32 s28, $0x3;
	s30 =	ssub.s32 s5, s29;
	(pc) =	sbr.rel .LBB2_1-.Ltmp0, $4  }
0xc: {  	p0 =	sgt.u32 s11, $0x18;
	s11 =	simm.s32 $0x800;
	s7 =	sadd.s32 s7, s4  }
0xd: {  	s6 =	sadd.s32 s6, s4;
	s4 =	sadd.s32 s8, s1;
	s8 =	sadd.s32 s31, s10  }
0xe: {  	s10 =	simm.s32 $0x1;
	s5 =	sadd.s32 $0x6A00, s7;
	s6 =	sadd.s32 $0x3600, s6  }
0xf: {  	v0 =	vimm.f32 $0.0e+00;
	s7 =	smax.u32 s30, $0x1;
	s8 =	sadd.s32 $0x9C00, s8;
	s15 =	sshrl.u32 s4, $0x3  }
.LBB2_6:
0x10: {  	s18 =	sadd.s32 s17, s8;
	[sflag:s10] =	ssyncadd.s32 $0xFFFFF000  }
0x11: {  	[tilespmem:s12], [sflag:$0x1] =	stream.linear.gather [hbm4b:s18+s2], $0x1000, $0x38;
	[tilespmem:$0x3000] =	vst v63  }
0x12: {  	_ =	swait.ge [sflag:s10], $0x1000  }
0x13: {  	s31 =	sshra.s32 s17, $0x2;
	[sflag:s10] =	ssyncset.done $0x0  }
0x14: {  	s17 =	sadd.s32 $0x800, s31;
	[sflag:s10] =	ssyncadd.s32 $0xFFFFF000  }
0x15: {  	[spmem:s1] =	stream.indirect.scatter.add.f32 [tilespmem:s12], [sflag:$0x1], $0x20, s17, s13, $0xb8;
	[tilespmem:$0x3000] =	vst v63  }
0x16: {  	_ =	swait.ge [sflag:s10], $0x1000  }
0x17: {  	[sflag:s10] =	ssyncset.done $0x0  }
0x18: {  	[sflag:s10] =	ssyncadd.s32 $0xFFFFF000  }
.LBB2_7:
0x19: {  	s16 =	sadd.s32 $0x1, s16  }
0x1a: {  	p1 =	sne.s32 s16, s7  }
.Ltmp1:
0x1b: {  	[bflag:$0x0] =	sbarrier.arrive $0xFFFF;
	(pc) =	sbr.rel @!p1 .LBB2_8-.Ltmp1, $4  }
0x1c: {  	[hbm:s6], [sflag:s14] =	dma.local [spmem:s15], $0x100  }
0x1d: {  	_ =	swait.ge [sflag:s10], $0x100  }
0x1e: {  	[sflag:s10] =	ssyncset.done $0x0  }
0x1f: {  	[sflag:s10] =	ssyncadd.s32 $0xFFFFFF00  }
.LBB2_1:
0x20: {  	s17 =	simm.s32 $0x80;
	s18 =	simm.s32 $0x0  }
.LBB2_2:
0x21: {  	p1 =	sne.s32 s17, $0x1F80;
	[tilespmem:s18+$0x2800] =	vst v0;
	s19 =	smov.u32 s17;
	s17 =	sadd.s32 $0x80, s17  }
.Ltmp2:
0x22: {  	[tilespmem:s18+$0x2810] =	vst v0;
	(pc) =	sbr.rel @p1 .LBB2_2-.Ltmp2, $2  }
0x23: {  	_ =	sdelay $0x2  }
0x24: {  	s18 =	sshra.s32 s19, $0x2  }
0x25: {  	[tilespmem:s18+$0x2800] =	vst v0  }
0x26: {  	[tilespmem:s18+$0x2810] =	vst v0  }
0x27: {  	[spmem:s4] =	stream.linear.scatter [tilespmem:s9], [sflag:$0x1], $0x800, $0x38;
	[tilespmem:$0x3000] =	vst v63  }
.Ltmp3:
0x28: {  	_ =	swait.ge [sflag:s10], $0x800;
	(pc) =	sbr.rel @p0 .LBB2_7-.Ltmp3, $3  }
0x29: {  	[sflag:s10] =	ssyncset.done $0x0  }
0x2a: {  	[sflag:s10] =	ssyncadd.s32 $0xFFFFF800  }
0x2b: {  	[bflag:$0x0] =	sbarrier.arrive $0xFFFF;
	_ =	sdelay $0x1  }
0x2c: {  	s17 =	simm.s32 $0x0  }
0x2d: {  	[tilespmem:s11], [sflag:$0x1] =	stream.linear.gather [hbm4b:s5+s17], $0x1000, $0x38;
	[tilespmem:$0x3000] =	vst v63  }
0x2e: {  	_ =	swait.ge [sflag:s10], $0x1000  }
0x2f: {  	[sflag:s10] =	ssyncset.done $0x0  }
0x30: {  	s30 =	sadd.s32 $0x0, s8;
	[sflag:s10] =	ssyncadd.s32 $0xFFFFF000  }
0x31: {  	[tilespmem:s12], [sflag:$0x1] =	stream.linear.gather [hbm4b:s30+s2], $0x1000, $0x38;
	[tilespmem:$0x3000] =	vst v63  }
0x32: {  	_ =	swait.ge [sflag:s10], $0x1000  }
0x33: {  	[sflag:s10] =	ssyncset.done $0x0  }
0x34: {  	s31 =	simm.s32 $0x800;
	[sflag:s10] =	ssyncadd.s32 $0xFFFFF000  }
0x35: {  	[spmem:s1] =	stream.indirect.scatter.add.f32 [tilespmem:s12], [sflag:$0x1], $0x20, s31, s13, $0xb8;
	[tilespmem:$0x3000] =	vst v63  }
0x36: {  	_ =	swait.ge [sflag:s10], $0x1000  }
0x37: {  	s18 =	simm.s32 $0x400;
	s17 =	simm.s32 $0x200;
	[sflag:s10] =	ssyncset.done $0x0  }
.LBB2_5:
0x38: {  	s19 =	sadd.s32 s17, s8  }
0x39: {  	[sflag:s10] =	ssyncadd.s32 $0xFFFFF000;
	s20 =	smov.u32 s18;
	s21 =	sadd.s32 $0x200, s18  }
0x3a: {  	[tilespmem:s12], [sflag:$0x1] =	stream.linear.gather [hbm4b:s19+s2], $0x1000, $0x38;
	[tilespmem:$0x3000] =	vst v63  }
0x3b: {  	p1 =	sne.s32 s18, $0x3E00;
	_ =	swait.ge [sflag:s10], $0x1000  }
.Ltmp4:
0x3c: {  	s17 =	sshra.s32 s17, $0x2;
	[sflag:s10] =	ssyncset.done $0x0;
	(pc) =	sbr.rel @p1 .LBB2_5-.Ltmp4, $4  }
0x3d: {  	s18 =	sadd.s32 $0x800, s17;
	s17 =	smov.u32 s20;
	[sflag:s10] =	ssyncadd.s32 $0xFFFFF000  }
0x3e: {  	[spmem:s1] =	stream.indirect.scatter.add.f32 [tilespmem:s12], [sflag:$0x1], $0x20, s18, s13, $0xb8;
	[tilespmem:$0x3000] =	vst v63  }
0x3f: {  	_ =	swait.ge [sflag:s10], $0x1000  }
0x40: {  	s18 =	smov.u32 s21;
	[sflag:s10] =	ssyncset.done $0x0  }
.Ltmp5:
0x41: {  	_ = 	snop;
	(pc) =	sbr.rel .LBB2_6-.Ltmp5, $1  }
0x42: {  	_ =	sdelay $0x3  }
.LBB2_8:
0x43: {  	_ =	sfence.sel $0x180000  }
0x44: {  	[bflag:$0x0] =	sbarrier.arrive $0xFFFF  }
0x45: {  	p0 =	sne.s32 s3, $0x0;
	_ =	strace $0x90000050  }
0x46: {  	s0 =	sadd.s32 @!p0 $0x100000, s0;
	[bflag:$0x2] =	sbarrier.arrive $0xFFFF  }
0x47: {  	[sflag:s0] =	ssyncadd.tile.s32 @!p0 $0x1;
	_ =	shalt  }
.Lfunc_end2:
_tile_overlayer_lowered:
.L_overlay_start_2:
0x48: {  	(tag) =	ssettag $0x2  }
0x49: {  	s0 =	rddreg [dreg:$0x0];
	s2 =	stileid.u32  }
0x4a: {  	s1 =	rddreg [dreg:$0x1];
	p0 =	sne.s32 s2, $0x0  }
0x4b: {  	s3 =	rddreg [dreg:$0x2];
	[bflag:$0x3] =	sbarrier.arrive $0xFFFF;
	s2 =	simm.s32 @!p0 $0x1C01  }
0x4c: {  	[timem:s3], [sflag:s2] =	dma.local @!p0 [hbm:s0], s1  }
0x4d: {  	s0 =	simm.s32 @!p0 $0x1  }
0x4e: {  	_ =	swait.ge @!p0 [sflag:s0], s1  }
0x4f: {  	s1 =	ssub.s32 @!p0 $0x0, s1;
	[sflag:s0] =	ssyncset.done @!p0 $0x0  }
0x50: {  	[sflag:s0] =	ssyncadd.s32 @!p0 s1  }
0x51: {  	[bflag:$0x3] =	sbarrier.arrive $0xFFFF  }
0x52: {  	_ =	shalt  }

// kernel: kernel.9.cloned.1.call-start
scs
__scs_entry_jumppad:
0x0: {  	(pc) =	sbr.rel $0x88, $3  }
0x1: {  	(tag) =	ssettag $0x0;
	lr =	simm.s32 $0x1  }
0x2: {  	[smem:$0x3F97] =	sst lr;
	_ =	strace $0xD0000000  }
0x3: {  	_ = 	snop  }
0x4: {  	_ = 	snop  }
0x5: {  	_ = 	snop  }
0x6: {  	_ = 	snop  }
0x7: {  	_ = 	snop  }
__scs_overlays_trampoline_lowered:
0x8: {  	[smem:$0x3FA6] =	sst s0  }
0x9: {  	[smem:$0x3FA7] =	sst s1  }
0xa: {  	[smem:$0x3FA8] =	sst s2  }
0xb: {  	[smem:$0x3FA9] =	sst s3  }
0xc: {  	[smem:$0x3FAA] =	sst s4  }
0xd: {  	[smem:$0x3FAB] =	sst s5  }
0xe: {  	[smem:$0x3FAC] =	sst s6  }
0xf: {  	[smem:$0x3FAD] =	sst s7  }
0x10: {  	[smem:$0x3FAE] =	sst s8  }
0x11: {  	[smem:$0x3FAF] =	sst s9;
	s0 =	simm.s32 @!p0 $0x0  }
0x12: {  	s1 =	sld [smem:$0x3F95];
	s0 =	simm.s32 @p0 $0x1  }
0x13: {  	[smem:$0x3FB0] =	sst s0;
	s0 =	simm.s32 @!p1 $0x0  }
0x14: {  	s2 =	sld [smem:$0x3F94];
	s0 =	simm.s32 @p1 $0x1  }
0x15: {  	[smem:$0x3FB1] =	sst s0;
	s0 =	simm.s32 @!p2 $0x0  }
0x16: {  	s3 =	sld [smem:$0x3FDB];
	s0 =	simm.s32 @p2 $0x1  }
0x17: {  	s4 =	simm.s32 $0x1BF5;
	[smem:$0x3FB3] =	sst s0  }
0x18: {  	s0 =	sld [smem:$0x3F96];
	_ =	swait.ge [sflag:s4], $0x0  }
0x19: {  	s7 =	sld [smem:$0x3F97]  }
0x1a: {  	s8 =	sadd.s32 $0xFFFFE003, lr  }
0x1b: {  	s9 =	sadd.s32 $0xFFFFFEF7, lr;
	s5 =	simm.s32 $0xFFFFFFFF;
	p2 =	slt.u32 s8, $0xFFFFF086  }
0x1c: {  	p1 =	slt.u32 s9, $0xF7A;
	s5 =	simm.s32 @!p2 $0x0  }
0x1d: {  	s5 =	simm.s32 @p1 $0x1;
	p0 =	seq.s32 s7, s2  }
0x1e: {  	s7 =	smul.u32 @!p0 $0xF7A, s2;
	p2 =	seq.s32 @!p0 s5, $0x0  }
0x1f: {  	s9 =	smul.u32 $0xF7A, s1;
	s8 =	simm.s32 @!p0 $0x1BF5;
	p2 =	por !p2, p0  }
0x20: {  	[sflag:s8] =	ssyncset.s32 @!p0 $0xFFFFF086;
	s6 =	sadd.s32 @!p0 s3, s7;
	s7 =	simm.s32 @!p0 $0x108  }
0x21: {  	s3 =	sadd.s32 s3, s9;
	s6 =	sadd.s32 @!p0 $0x88, s6;
	s7 =	simm.s32 @p2 $0x1082  }
0x22: {  	[simem:s7], [sflag:s8] =	dma.local @!p0 [hbm:s6], $0xF7A  }
0x23: {  	s9 =	sor.u32 $0xD0000000, s2;
	s6 =	simm.s32 $0x108;
	_ =	swait.ge @!p0 [sflag:s8], $0x0  }
0x24: {  	s3 =	sadd.s32 $0x88, s3;
	s6 =	simm.s32 @!p1 $0x1082;
	[sflag:s4] =	ssyncset.s32 $0xFFFFF086  }
0x25: {  	[simem:s6], [sflag:s4] =	dma.local [hbm:s3], $0xF7A  }
0x26: {  	[smem:$0x3F97] =	sst s1;
	(tag) =	ssettag s2;
	_ =	strace s9  }
0x27: {  	s1 =	sld [smem:$0x3FA7]  }
0x28: {  	s2 =	sld [smem:$0x3FA8]  }
0x29: {  	s4 =	sld [smem:$0x3FAA]  }
0x2a: {  	p0 =	seq.s32 s5, $0x0;
	s5 =	sld [smem:$0x3FAB]  }
0x2b: {  	s6 =	sld [smem:$0x3FAC]  }
0x2c: {  	s7 =	sld [smem:$0x3FAD]  }
0x2d: {  	s3 =	simm.s32 $0x108;
	s8 =	sld [smem:$0x3FAE]  }
0x2e: {  	s3 =	simm.s32 @!p0 $0x1082;
	s9 =	sld [smem:$0x3FAF]  }
0x2f: {  	lr =	sadd.s32 s0, s3;
	s0 =	sld [smem:$0x3FA6]  }
0x30: {  	s3 =	sld [smem:$0x3FA9]  }
0x31: {  	[smem:$0x3FB2] =	sst s10  }
0x32: {  	s10 =	sld [smem:$0x3FB0];
	_ =	sdelay $0x3  }
0x33: {  	p0 =	seq.s32 s10, $0x1;
	s10 =	sld [smem:$0x3FB2];
	_ =	sdelay $0x3  }
0x34: {  	[smem:$0x3FB2] =	sst s10  }
0x35: {  	s10 =	sld [smem:$0x3FB1];
	_ =	sdelay $0x3  }
0x36: {  	p1 =	seq.s32 s10, $0x1;
	s10 =	sld [smem:$0x3FB2];
	_ =	sdelay $0x3  }
0x37: {  	[smem:$0x3FB2] =	sst s10  }
0x38: {  	s10 =	sld [smem:$0x3FB3]  }
0x39: {  	_ = 	snop;
	(pc) =	sbr.ind lr, $3  }
0x3a: {  	_ = 	snop  }
0x3b: {  	_ = 	snop  }
0x3c: {  	p2 =	seq.s32 s10, $0x1;
	s10 =	sld [smem:$0x3FB2]  }
0x3d: {  	_ =	shalt  }
0x3e: {  	_ =	shalt  }
0x3f: {  	_ =	shalt  }
0x40: {  	_ =	shalt  }
0x41: {  	_ =	shalt  }
0x42: {  	_ =	shalt  }
0x43: {  	_ =	shalt  }
0x44: {  	_ =	shalt  }
0x45: {  	_ =	shalt  }
0x46: {  	_ =	shalt  }
0x47: {  	_ =	shalt  }
0x48: {  	_ =	shalt  }
0x49: {  	_ =	shalt  }
0x4a: {  	_ =	shalt  }
0x4b: {  	_ =	shalt  }
0x4c: {  	_ =	shalt  }
0x4d: {  	_ =	shalt  }
0x4e: {  	_ =	shalt  }
0x4f: {  	_ =	shalt  }
0x50: {  	_ =	shalt  }
0x51: {  	_ =	shalt  }
0x52: {  	_ =	shalt  }
0x53: {  	_ =	shalt  }
0x54: {  	_ =	shalt  }
0x55: {  	_ =	shalt  }
0x56: {  	_ =	shalt  }
0x57: {  	_ =	shalt  }
0x58: {  	_ =	shalt  }
0x59: {  	_ =	shalt  }
0x5a: {  	_ =	shalt  }
0x5b: {  	_ =	shalt  }
0x5c: {  	_ =	shalt  }
0x5d: {  	_ =	shalt  }
0x5e: {  	_ =	shalt  }
0x5f: {  	_ =	shalt  }
0x60: {  	_ =	shalt  }
0x61: {  	_ =	shalt  }
0x62: {  	_ =	shalt  }
0x63: {  	_ =	shalt  }
0x64: {  	_ =	shalt  }
0x65: {  	_ =	shalt  }
0x66: {  	_ =	shalt  }
0x67: {  	_ =	shalt  }
0x68: {  	_ =	shalt  }
0x69: {  	_ =	shalt  }
0x6a: {  	_ =	shalt  }
0x6b: {  	_ =	shalt  }
0x6c: {  	_ =	shalt  }
0x6d: {  	_ =	shalt  }
0x6e: {  	_ =	shalt  }
0x6f: {  	_ =	shalt  }
0x70: {  	_ =	shalt  }
0x71: {  	_ =	shalt  }
0x72: {  	_ =	shalt  }
0x73: {  	_ =	shalt  }
0x74: {  	_ =	shalt  }
0x75: {  	_ =	shalt  }
0x76: {  	_ =	shalt  }
0x77: {  	_ =	shalt  }
0x78: {  	_ =	shalt  }
0x79: {  	_ =	shalt  }
0x7a: {  	_ =	shalt  }
0x7b: {  	_ =	shalt  }
0x7c: {  	_ =	shalt  }
0x7d: {  	_ =	shalt  }
0x7e: {  	_ =	shalt  }
0x7f: {  	_ =	shalt  }
0x80: {  	_ =	shalt  }
0x81: {  	_ =	shalt  }
0x82: {  	_ =	shalt  }
0x83: {  	_ =	shalt  }
0x84: {  	_ =	shalt  }
0x85: {  	_ =	shalt  }
0x86: {  	_ =	shalt  }
0x87: {  	_ =	shalt  }
.Lfunc_end0:
.L_simem_size_0:
called_computation_lowered:
.L_overlay_start_0:
0x88: {  	s2 =	sld [smem:$0x3FD9]  }
0x89: {  	s3 =	sld [smem:$0x3FFE];
	_ =	sdelay $0x1  }
0x8a: {  	s1 =	srdreg.scid  }
0x8b: {  	s0 =	sand.u32 $0x1, s1  }
0x8c: {  	s17 =	sshll.u32 s0, $0xA;
	s2 =	sadd.s32 s3, s2  }
0x8d: {  	s2 =	sadd.s32 s2, s17  }
0x8e: {  	[smem:$0x3FBE] =	sst s2  }
0x8f: {  	_ = 	snop  }
0x90: {  	s2 =	sld [smem:$0x3FD0];
	(tm) =	ssettm $0x1  }
0x91: {  	s18 =	sld [smem:$0x3FFB];
	_ =	sdelay $0x3  }
0x92: {  	_ =	strace s18  }
0x93: {  	s3 =	sld [smem:$0x3FFC];
	_ =	sdelay $0x3  }
0x94: {  	_ =	strace s3  }
0x95: {  	s3 =	sld [smem:$0x3FFD];
	_ =	sdelay $0x3  }
0x96: {  	_ =	strace s3  }
0x97: {  	_ =	strace $0x8FFFFFFF  }
0x98: {  	s19 =	sld [smem:$0x3FDB];
	_ =	sdelay $0x1  }
0x99: {  	s4 =	simm.s32 $_scs_section_size  }
0x9a: {  	s5 =	simm.s32 $_size__tile_overlayer_lowered;
	s6 =	simm.s32 $_tile_overlayer_lowered  }
0x9b: {  	s22 =	simm.s32 $0x1BFF;
	s21 =	sshll.u32 s6, $0x1;
	s3 =	sadd.s32 s4, s19  }
0x9c: {  	s7 =	simm.s32 $0x0;
	s20 =	sshll.u32 s5, $0x1;
	s5 =	sadd.s32 s21, s3  }
0x9d: {  	[timem:s7], [sflag:s22] =	dma.local [hbm:s5], s20  }
0x9e: {  	_ =	swait.ge [sflag:s22], s20  }
0x9f: {  	s4 =	ssub.s32 $0x0, s20;
	[sflag:s22] =	ssyncset.done $0x0  }
0xa0: {  	[sflag:s22] =	ssyncadd.s32 s4;
	_ =	sdelay $0x1  }
0xa1: {  	s23 =	simm.s32 $0x1B8B  }
0xa2: {  	_ =	swait.ge [sflag:s23], $0x1  }
0xa3: {  	[sflag:s23] =	ssyncset.done $0x0  }
0xa4: {  	s25 =	simm.s32 $0x1B8E;
	s24 =	sld [smem:$0x3FFE];
	[sflag:s23] =	ssyncadd.s32 $0xFFFFFFFF  }
0xa5: {  	s26 =	simm.s32 $execute0_lowered;
	[smem:$0x3FD2] =	sst s25  }
0xa6: {  	s5 =	sshll.u32 s26, $0x1;
	_ =	strace $0x80000046;
	[dreg:$0x1] =	wrdreg $0xFFFFFFFF  }
0xa7: {  	s28 =	simm.s32 $_size_execute0_lowered;
	s3 =	sadd.s32 s3, s5;
	[dreg:$0x0] =	wrdreg $0x0  }
0xa8: {  	s5 =	sshll.u32 s28, $0x1;
	[dreg:$0x2] =	wrdreg s3  }
0xa9: {  	[dreg:$0x3] =	wrdreg s5  }
0xaa: {  	[dreg:$0x4] =	wrdreg $0xC0  }
0xab: {  	_ =	task [dreg:s7], $0x5FFFF  }
0xac: {  	[dreg:$0x1] =	wrdreg $0xFFFFFFFF  }
0xad: {  	[dreg:$0x0] =	wrdreg $0x60  }
0xae: {  	[dreg:$0x2] =	wrdreg s24  }
0xaf: {  	[dreg:$0x3] =	wrdreg s2  }
0xb0: {  	[dreg:$0x4] =	wrdreg $0x0  }
0xb1: {  	[dreg:$0x5] =	wrdreg $0x190000  }
0xb2: {  	[dreg:$0x6] =	wrdreg $0x9  }
0xb3: {  	_ =	task.clear_ibuf [dreg:s7], $0x7FFFF;
	_ =	strace $0x90000046  }
0xb4: {  	s29 =	simm.s32 $0x9;
	_ =	strace $0x80000048  }
0xb5: {  	_ =	swait.ge [sflag:s29], $0x1  }
0xb6: {  	[sflag:s29] =	ssyncadd.s32 $0xFFFFFFFF  }
0xb7: {  	_ =	strace $0x90000048  }
0xb8: {  	_ =	sfence  }
0xb9: {  	s30 =	sld [smem:$0x0];
	_ =	sdelay $0x2  }
0xba: {  	s31 =	sshll.u32 s1, $0xD;
	s1 =	sshrl.u32 s1, $0x2  }
0xbb: {  	s3 =	sand.u32 $0x4000, s31;
	s1 =	sadd.s32 s1, s30  }
0xbc: {  	s0 =	sor.u32 s3, s0;
	s1 =	sshll.u32 s1, $0x11  }
0xbd: {  	s0 =	sor.u32 s1, s0  }
0xbe: {  	s0 =	sadd.s32 $0x8F2B, s0  }
0xbf: {  	[sflag:s0] =	ssyncadd.remote.s32 $0x1  }
0xc0: {  	_ =	sfence.sel $0xFFFF  }
0xc1: {  	[dreg:$0x0] =	wrdreg $0xFFFFFFFF;
	(pc) =	sbr.abs _section_cstart, $3  }
0xc2: {  	[dreg:$0x1] =	wrdreg $0xFFFFFFFF  }
0xc3: {  	_ =	task.clear_ibuf [dreg:s7], $0x2FFFF;
	_ =	strace $0x9FFFFFFF  }
0xc4: {  	(tm) =	ssettm $0x7FFFFFFF  }
0xc5: {  	_ =	shalt  }
tec
execute0_lowered:
.L_overlay_start_1:
0x0: {  	(tag) =	ssettag $0x1  }
0x1: {  	s0 =	rddreg [dreg:$0x0]  }
0x2: {  	s1 =	rddreg [dreg:$0x1]  }
0x3: {  	s2 =	rddreg [dreg:$0x2];
	s3 =	srdreg.scid  }
0x4: {  	s15 =	rddreg [dreg:$0x3];
	s14 =	stileid.u32;
	s4 =	simm.s32 $0x0  }
0x5: {  	s29 =	simm.s32 $0x1B800;
	s28 =	simm.s32 $0x19580;
	s6 =	smul.u32 $0xC400, s14  }
0x6: {  	s30 =	simm.s32 $0x19600;
	s3 =	sand.u32 $0x1, s3;
	s9 =	smul.u32 $0x19000, s14  }
0x7: {  	s31 =	simm.s32 $0x1D000;
	[smem:$0x7FF] =	sst s4;
	s5 =	smul.u32 $0xC4000, s3  }
0x8: {  	s19 =	sshll.u32 s14, $0xA;
	s8 =	sshll.u32 s3, $0x4;
	s7 =	smul.u32 $0x190000, s3  }
0x9: {  	_ =	strace $0x80000047;
	s16 =	ssub.s32 $0x2, s3;
	s3 =	sshll.u32 s3, $0xE  }
0xa: {  	s24 =	sadd.s32 s19, s15;
	s15 =	simm.s32 $0x19780;
	s10 =	sor.u32 s14, s8  }
0xb: {  	s8 =	smul.u32 $0x64000, s14;
	s3 =	sor.u32 s19, s3;
	s19 =	simm.s32 $0x2  }
0xc: {  	s14 =	simm.s32 $0x1E000;
	[dreg:$0x5] =	wrdreg s24;
	s5 =	sadd.s32 s6, s5  }
0xd: {  	s13 =	sshll.u32 s10, $0x9;
	s6 =	sadd.s32 s9, s7;
	s17 =	sshll.u32 s10, $0xD  }
0xe: {  	s9 =	sshrl.u32 s16, $0x1;
	s21 =	sshrl.u32 s3, $0x3;
	p0 =	sgt.u32 s10, $0x18  }
0xf: {  	s10 =	simm.s32 $0x1D800;
	s5 =	sshrl.u32 s5, $0x3;
	s12 =	sadd.s32 s13, s0  }
0x10: {  	s6 =	sshrl.u32 s6, $0x3;
	s7 =	ssub.s32 s16, s9;
	s18 =	sshrl.u32 s8, $0x2  }
0x11: {  	s11 =	sadd.s32 s5, s0;
	s5 =	sadd.s32 $0x3600, s0;
	s13 =	sadd.s32 s6, s0  }
0x12: {  	s0 =	sadd.s32 s17, s0;
	s6 =	sadd.s32 s18, s2;
	s20 =	sadd.s32 $0x6A00, s12  }
0x13: {  	s8 =	sadd.s32 $0x3800, s12;
	s22 =	smax.u32 s7, $0x1;
	[dreg:$0x6] =	wrdreg s20  }
0x14: {  	s23 =	sadd.s32 $0x6A80, s12;
	s25 =	sadd.s32 $0x6B00, s12;
	[dreg:$0x8] =	wrdreg s22  }
0x15: {  	s26 =	sadd.s32 $0x6B80, s12;
	s18 =	simm.s32 $0x1A000;
	[dreg:$0x9] =	wrdreg s23  }
0x16: {  	s12 =	simm.s32 $0x19800;
	s7 =	simm.s32 $0x0;
	[dreg:$0xa] =	wrdreg s25  }
0x17: {  	s9 =	sadd.s32 $0x3AC00, s0;
	s0 =	sadd.s32 s1, s21;
	[dreg:$0xb] =	wrdreg s26  }
0x18: {  	s16 =	sadd.s32 $0x9C00, s11;
	s17 =	sadd.s32 $0x6CC00, s13;
	s20 =	simm.s32 $0x19400  }
0x19: {  	s21 =	simm.s32 $0x80;
	s22 =	simm.s32 $0x1B000;
	s23 =	simm.s32 $0x19480  }
0x1a: {  	s25 =	simm.s32 $0x19500;
	s13 =	simm.s32 $0x19700;
	s1 =	simm.s32 $0x1E800  }
0x1b: {  	v0 =	vimm.f32 $0.0e+00;
	v1 =	vimm.f32 $1.000000000e+00;
	s11 =	simm.s32 $0x1;
	[dreg:$0x7] =	wrdreg s0;
	s0 =	simm.s32 $0x19680  }
.LBB2_1:
0x1c: {  	[dreg:$0xc] =	wrdreg s7;
	s3 =	simm.s32 $0x40;
	s7 =	simm.s32 $0x0  }
.LBB2_2:
0x1d: {  	p1 =	sne.s32 s3, $0x3FC0;
	[tilespmem:s7+$0x1A000] =	vst v0;
	s7 =	smov.u32 s3;
	s3 =	sadd.s32 $0x40, s3  }
.Ltmp0:
0x1e: {  	(pc) =	sbr.rel @p1 .LBB2_2-.Ltmp0, $2  }
0x1f: {  	_ =	sdelay $0x2  }
0x20: {  	s7 =	sshra.s32 s7, $0x2  }
0x21: {  	[tilespmem:s7+$0x1A000] =	vst v0;
	s3 =	simm.s32 $0x40;
	s7 =	simm.s32 $0x0  }
.LBB2_4:
0x22: {  	p1 =	sne.s32 s3, $0x1FC0;
	[tilespmem:s7+$0x19800] =	vst v1;
	s7 =	smov.u32 s3;
	s3 =	sadd.s32 $0x40, s3  }
.Ltmp1:
0x23: {  	(pc) =	sbr.rel @p1 .LBB2_4-.Ltmp1, $2  }
0x24: {  	_ =	sdelay $0x2  }
0x25: {  	s7 =	sshra.s32 s7, $0x2  }
0x26: {  	[tilespmem:s7+$0x19800] =	vst v1;
	s3 =	sadd.s32 $0x0, s6  }
0x27: {  	[spmem:s3] =	stream.linear.scatter [tilespmem:s18], [sflag:$0x2], $0x1000, $0x38;
	[tilespmem:$0x1F000] =	vst v63  }
0x28: {  	s3 =	simm.s32 $0x4000;
	_ =	swait.ge [sflag:s19], $0x1000  }
.LBB2_6:
0x29: {  	s7 =	sshra.s32 s3, $0x2;
	[sflag:s19] =	ssyncset.done $0x0;
	p1 =	sne.s32 s3, $0x60000  }
.Ltmp2:
0x2a: {  	s7 =	sadd.s32 s7, s6;
	[sflag:s19] =	ssyncadd.s32 $0xFFFFF000;
	(pc) =	sbr.rel @p1 .LBB2_6-.Ltmp2, $3  }
0x2b: {  	[spmem:s7] =	stream.linear.scatter [tilespmem:s18], [sflag:$0x2], $0x1000, $0x38;
	[tilespmem:$0x1F000] =	vst v63  }
0x2c: {  	s3 =	sadd.s32 $0x4000, s3;
	_ =	sdelay $0x1  }
0x2d: {  	_ =	swait.ge [sflag:s19], $0x1000  }
0x2e: {  	[sflag:s19] =	ssyncset.done $0x0  }
0x2f: {  	[sflag:s19] =	ssyncadd.s32 $0xFFFFF000  }
0x30: {  	[spmem:s24] =	stream.linear.scatter [tilespmem:s18], [sflag:$0x2], $0x400, $0x38;
	[tilespmem:$0x1F000] =	vst v63  }
.Ltmp3:
0x31: {  	_ =	swait.ge [sflag:s19], $0x400;
	(pc) =	sbr.rel @p0 .LBB2_11-.Ltmp3, $4  }
0x32: {  	[sflag:s19] =	ssyncset.done $0x0  }
0x33: {  	[sflag:s19] =	ssyncadd.s32 $0xFFFFFC00  }
0x34: {  	[bflag:$0x0] =	sbarrier.arrive $0xFFFF  }
0x35: {  	s7 =	simm.s32 $0x0;
	s3 =	simm.s32 $0x0  }
.LBB2_8:
0x36: {  	s24 =	sshll.u32 s3, $0x7  }
0x37: {  	s24 =	sadd.s32 s24, s8  }
0x38: {  	[tilespmem:s20], [sflag:$0x2] =	stream.linear.gather [hbm4b:s24+s7], $0x400, $0x38;
	[tilespmem:$0x1F000] =	vst v63  }
0x39: {  	_ =	swait.ge [sflag:s19], $0x400  }
0x3a: {  	[sflag:s19] =	ssyncset.done $0x0  }
0x3b: {  	[sflag:s19] =	ssyncadd.s32 $0xFFFFFC00  }
0x3c: {  	[tilespmem:s22], [sflag:$0x1] =	stream.indirect.gather [hbm4b:s5+s21], $0x10, s20, s21, $0xb8;
	[tilespmem:$0x1F000] =	vst v63  }
0x3d: {  	_ = 	snop  }
0x3e: {  	[tilespmem:s29], [sflag:$0x1] =	stream.indirect.gather [hbm4b:s5+s21], $0x10, s23, s21, $0xb8;
	[tilespmem:$0x1F000] =	vst v63  }
0x3f: {  	s26 =	simm.s32 $0x1C000  }
0x40: {  	[tilespmem:s26], [sflag:$0x1] =	stream.indirect.gather [hbm4b:s5+s21], $0x10, s25, s21, $0xb8;
	[tilespmem:$0x1F000] =	vst v63  }
0x41: {  	s26 =	simm.s32 $0x1C800  }
0x42: {  	[tilespmem:s26], [sflag:$0x1] =	stream.indirect.gather [hbm4b:s5+s21], $0x10, s28, s21, $0xb8;
	[tilespmem:$0x1F000] =	vst v63  }
0x43: {  	_ = 	snop  }
0x44: {  	[tilespmem:s31], [sflag:$0x1] =	stream.indirect.gather [hbm4b:s5+s21], $0x10, s30, s21, $0xb8;
	[tilespmem:$0x1F000] =	vst v63  }
0x45: {  	_ = 	snop  }
0x46: {  	[tilespmem:s10], [sflag:$0x1] =	stream.indirect.gather [hbm4b:s5+s21], $0x10, s0, s21, $0xb8;
	[tilespmem:$0x1F000] =	vst v63  }
0x47: {  	_ = 	snop  }
0x48: {  	[tilespmem:s14], [sflag:$0x1] =	stream.indirect.gather [hbm4b:s5+s21], $0x10, s13, s21, $0xb8;
	[tilespmem:$0x1F000] =	vst v63  }
0x49: {  	_ = 	snop  }
0x4a: {  	[tilespmem:s1], [sflag:$0x1] =	stream.indirect.gather [hbm4b:s5+s21], $0x10, s15, s21, $0xb8;
	[tilespmem:$0x1F000] =	vst v63  }
0x4b: {  	_ =	swait.ge [sflag:s11], $0x800  }
0x4c: {  	[sflag:s11] =	ssyncset.done $0x0  }
0x4d: {  	[sflag:s11] =	ssyncadd.s32 $0xFFFFF800  }
0x4e: {  	_ =	swait.ge [sflag:s11], $0x800  }
0x4f: {  	[sflag:s11] =	ssyncset.done $0x0  }
0x50: {  	[sflag:s11] =	ssyncadd.s32 $0xFFFFF800  }
0x51: {  	_ =	swait.ge [sflag:s11], $0x800  }
0x52: {  	[sflag:s11] =	ssyncset.done $0x0  }
0x53: {  	[sflag:s11] =	ssyncadd.s32 $0xFFFFF800  }
0x54: {  	_ =	swait.ge [sflag:s11], $0x800  }
0x55: {  	[sflag:s11] =	ssyncset.done $0x0  }
0x56: {  	[sflag:s11] =	ssyncadd.s32 $0xFFFFF800  }
0x57: {  	_ =	swait.ge [sflag:s11], $0x800  }
0x58: {  	[sflag:s11] =	ssyncset.done $0x0  }
0x59: {  	[sflag:s11] =	ssyncadd.s32 $0xFFFFF800  }
0x5a: {  	_ =	swait.ge [sflag:s11], $0x800  }
0x5b: {  	[sflag:s11] =	ssyncset.done $0x0  }
0x5c: {  	[sflag:s11] =	ssyncadd.s32 $0xFFFFF800  }
0x5d: {  	_ =	swait.ge [sflag:s11], $0x800  }
0x5e: {  	[sflag:s11] =	ssyncset.done $0x0  }
0x5f: {  	[sflag:s11] =	ssyncadd.s32 $0xFFFFF800  }
0x60: {  	_ =	swait.ge [sflag:s11], $0x800  }
0x61: {  	[sflag:s11] =	ssyncset.done $0x0  }
0x62: {  	s24 =	simm.s32 $0x0;
	s26 =	simm.s32 $0x40;
	[sflag:s11] =	ssyncadd.s32 $0xFFFFF800  }
.LBB2_9:
0x63: {  	p1 =	sne.s32 s26, $0xFFC0;
	v2 =	vld [tilespmem:s24+$0x1B000];
	_ =	sdelay $0x1  }
.Ltmp4:
0x64: {  	(pc) =	sbr.rel @p1 .LBB2_9-.Ltmp4, $3  }
0x65: {  	_ =	sdelay $0x1  }
0x66: {  	v2 =	vmax.f32 v2, $0.0e+00  }
0x67: {  	[tilespmem:s24+$0x1B000] =	vst v2;
	s24 =	sshra.s32 s26, $0x2;
	s26 =	sadd.s32 $0x40, s26  }
0x68: {  	v2 =	vld [tilespmem:s24+$0x1B000];
	_ =	sdelay $0x3  }
0x69: {  	s26 =	sshll.u32 s3, $0xB;
	s3 =	sadd.s32 $0x1, s3  }
0x6a: {  	p1 =	sne.s32 s3, $0x4;
	v2 =	vmax.f32 v2, $0.0e+00  }
.Ltmp5:
0x6b: {  	s26 =	sadd.s32 s26, s9;
	[tilespmem:s24+$0x1B000] =	vst v2;
	(pc) =	sbr.rel @p1 .LBB2_8-.Ltmp5, $4  }
0x6c: {  	[hbm4b:s26+s4] =	stream.linear.scatter [tilespmem:s22], [sflag:$0x2], $0x4000, $0x38;
	[tilespmem:$0x1F000] =	vst v63  }
0x6d: {  	_ =	swait.ge [sflag:s19], $0x4000  }
0x6e: {  	[sflag:s19] =	ssyncset.done $0x0  }
0x6f: {  	[sflag:s19] =	ssyncadd.s32 $0xFFFFC000  }
.LBB2_11:
0x70: {  	s3 =	sadd.s32 $0x0, s16  }
0x71: {  	[tilespmem:s20], [sflag:$0x2] =	stream.linear.gather [hbm4b:s3+s4], $0x400, $0x38;
	[tilespmem:$0x1F000] =	vst v63  }
0x72: {  	_ =	swait.ge [sflag:s19], $0x400  }
0x73: {  	[sflag:s19] =	ssyncset.done $0x0  }
0x74: {  	[sflag:s19] =	ssyncadd.s32 $0xFFFFFC00  }
0x75: {  	[spmem:s2] =	stream.indirect.scatter.add.f32 [tilespmem:s12], [sflag:$0x2], $0x10, s20, s21, $0xb8;
	[tilespmem:$0x1F000] =	vst v63  }
0x76: {  	_ =	swait.ge [sflag:s19], $0x800  }
0x77: {  	[sflag:s19] =	ssyncset.done $0x0  }
0x78: {  	[sflag:s19] =	ssyncadd.s32 $0xFFFFF800  }
0x79: {  	[spmem:s2] =	stream.indirect.scatter.add.f32 [tilespmem:s12], [sflag:$0x2], $0x10, s23, s21, $0xb8;
	[tilespmem:$0x1F000] =	vst v63  }
0x7a: {  	_ =	swait.ge [sflag:s19], $0x800  }
0x7b: {  	[sflag:s19] =	ssyncset.done $0x0  }
0x7c: {  	[sflag:s19] =	ssyncadd.s32 $0xFFFFF800  }
0x7d: {  	[spmem:s2] =	stream.indirect.scatter.add.f32 [tilespmem:s12], [sflag:$0x2], $0x10, s25, s21, $0xb8;
	[tilespmem:$0x1F000] =	vst v63  }
0x7e: {  	_ =	swait.ge [sflag:s19], $0x800  }
0x7f: {  	[sflag:s19] =	ssyncset.done $0x0  }
0x80: {  	[sflag:s19] =	ssyncadd.s32 $0xFFFFF800  }
0x81: {  	[spmem:s2] =	stream.indirect.scatter.add.f32 [tilespmem:s12], [sflag:$0x2], $0x10, s28, s21, $0xb8;
	[tilespmem:$0x1F000] =	vst v63  }
0x82: {  	_ =	swait.ge [sflag:s19], $0x800  }
0x83: {  	[sflag:s19] =	ssyncset.done $0x0  }
0x84: {  	[sflag:s19] =	ssyncadd.s32 $0xFFFFF800  }
0x85: {  	[spmem:s2] =	stream.indirect.scatter.add.f32 [tilespmem:s12], [sflag:$0x2], $0x10, s30, s21, $0xb8;
	[tilespmem:$0x1F000] =	vst v63  }
0x86: {  	_ =	swait.ge [sflag:s19], $0x800  }
0x87: {  	[sflag:s19] =	ssyncset.done $0x0  }
0x88: {  	[sflag:s19] =	ssyncadd.s32 $0xFFFFF800  }
0x89: {  	[spmem:s2] =	stream.indirect.scatter.add.f32 [tilespmem:s12], [sflag:$0x2], $0x10, s0, s21, $0xb8;
	[tilespmem:$0x1F000] =	vst v63  }
0x8a: {  	_ =	swait.ge [sflag:s19], $0x800  }
0x8b: {  	[sflag:s19] =	ssyncset.done $0x0  }
0x8c: {  	[sflag:s19] =	ssyncadd.s32 $0xFFFFF800  }
0x8d: {  	[spmem:s2] =	stream.indirect.scatter.add.f32 [tilespmem:s12], [sflag:$0x2], $0x10, s13, s21, $0xb8;
	[tilespmem:$0x1F000] =	vst v63  }
0x8e: {  	_ =	swait.ge [sflag:s19], $0x800  }
0x8f: {  	[sflag:s19] =	ssyncset.done $0x0  }
0x90: {  	[sflag:s19] =	ssyncadd.s32 $0xFFFFF800  }
0x91: {  	[spmem:s2] =	stream.indirect.scatter.add.f32 [tilespmem:s12], [sflag:$0x2], $0x10, s15, s21, $0xb8;
	[tilespmem:$0x1F000] =	vst v63  }
0x92: {  	_ =	swait.ge [sflag:s19], $0x800  }
0x93: {  	s7 =	simm.s32 $0x80;
	s24 =	simm.s32 $0x100;
	[sflag:s19] =	ssyncset.done $0x0  }
.LBB2_12:
0x94: {  	s26 =	sadd.s32 s7, s16  }
0x95: {  	[sflag:s19] =	ssyncadd.s32 $0xFFFFF800;
	s7 =	smov.u32 s24;
	s3 =	sadd.s32 $0x80, s24  }
0x96: {  	[tilespmem:s20], [sflag:$0x2] =	stream.linear.gather [hbm4b:s26+s4], $0x400, $0x38;
	[tilespmem:$0x1F000] =	vst v63  }
0x97: {  	p1 =	sne.s32 s24, $0x1800;
	_ =	swait.ge [sflag:s19], $0x400  }
0x98: {  	[sflag:s19] =	ssyncset.done $0x0  }
0x99: {  	[sflag:s19] =	ssyncadd.s32 $0xFFFFFC00  }
0x9a: {  	[spmem:s2] =	stream.indirect.scatter.add.f32 [tilespmem:s12], [sflag:$0x2], $0x10, s20, s21, $0xb8;
	[tilespmem:$0x1F000] =	vst v63  }
0x9b: {  	_ =	swait.ge [sflag:s19], $0x800  }
0x9c: {  	[sflag:s19] =	ssyncset.done $0x0  }
0x9d: {  	[sflag:s19] =	ssyncadd.s32 $0xFFFFF800  }
0x9e: {  	[spmem:s2] =	stream.indirect.scatter.add.f32 [tilespmem:s12], [sflag:$0x2], $0x10, s23, s21, $0xb8;
	[tilespmem:$0x1F000] =	vst v63  }
0x9f: {  	_ =	swait.ge [sflag:s19], $0x800  }
0xa0: {  	[sflag:s19] =	ssyncset.done $0x0  }
0xa1: {  	[sflag:s19] =	ssyncadd.s32 $0xFFFFF800  }
0xa2: {  	[spmem:s2] =	stream.indirect.scatter.add.f32 [tilespmem:s12], [sflag:$0x2], $0x10, s25, s21, $0xb8;
	[tilespmem:$0x1F000] =	vst v63  }
0xa3: {  	_ =	swait.ge [sflag:s19], $0x800  }
0xa4: {  	[sflag:s19] =	ssyncset.done $0x0  }
0xa5: {  	[sflag:s19] =	ssyncadd.s32 $0xFFFFF800  }
0xa6: {  	[spmem:s2] =	stream.indirect.scatter.add.f32 [tilespmem:s12], [sflag:$0x2], $0x10, s28, s21, $0xb8;
	[tilespmem:$0x1F000] =	vst v63  }
0xa7: {  	_ =	swait.ge [sflag:s19], $0x800  }
0xa8: {  	[sflag:s19] =	ssyncset.done $0x0  }
0xa9: {  	[sflag:s19] =	ssyncadd.s32 $0xFFFFF800  }
0xaa: {  	[spmem:s2] =	stream.indirect.scatter.add.f32 [tilespmem:s12], [sflag:$0x2], $0x10, s30, s21, $0xb8;
	[tilespmem:$0x1F000] =	vst v63  }
0xab: {  	_ =	swait.ge [sflag:s19], $0x800  }
0xac: {  	[sflag:s19] =	ssyncset.done $0x0  }
0xad: {  	[sflag:s19] =	ssyncadd.s32 $0xFFFFF800  }
0xae: {  	[spmem:s2] =	stream.indirect.scatter.add.f32 [tilespmem:s12], [sflag:$0x2], $0x10, s0, s21, $0xb8;
	[tilespmem:$0x1F000] =	vst v63  }
0xaf: {  	_ =	swait.ge [sflag:s19], $0x800  }
0xb0: {  	[sflag:s19] =	ssyncset.done $0x0  }
0xb1: {  	[sflag:s19] =	ssyncadd.s32 $0xFFFFF800  }
0xb2: {  	[spmem:s2] =	stream.indirect.scatter.add.f32 [tilespmem:s12], [sflag:$0x2], $0x10, s13, s21, $0xb8;
	[tilespmem:$0x1F000] =	vst v63  }
0xb3: {  	_ =	swait.ge [sflag:s19], $0x800  }
.Ltmp6:
0xb4: {  	[sflag:s19] =	ssyncset.done $0x0;
	(pc) =	sbr.rel @p1 .LBB2_12-.Ltmp6, $4  }
0xb5: {  	[sflag:s19] =	ssyncadd.s32 $0xFFFFF800  }
0xb6: {  	[spmem:s2] =	stream.indirect.scatter.add.f32 [tilespmem:s12], [sflag:$0x2], $0x10, s15, s21, $0xb8;
	[tilespmem:$0x1F000] =	vst v63  }
0xb7: {  	_ =	swait.ge [sflag:s19], $0x800  }
0xb8: {  	s24 =	smov.u32 s3;
	[sflag:s19] =	ssyncset.done $0x0  }
0xb9: {  	s3 =	sadd.s32 s7, s16;
	[sflag:s19] =	ssyncadd.s32 $0xFFFFF800  }
0xba: {  	[tilespmem:s20], [sflag:$0x2] =	stream.linear.gather [hbm4b:s3+s4], $0x400, $0x38;
	[tilespmem:$0x1F000] =	vst v63  }
0xbb: {  	_ =	swait.ge [sflag:s19], $0x400  }
0xbc: {  	[sflag:s19] =	ssyncset.done $0x0  }
0xbd: {  	[sflag:s19] =	ssyncadd.s32 $0xFFFFFC00  }
0xbe: {  	[spmem:s2] =	stream.indirect.scatter.add.f32 [tilespmem:s12], [sflag:$0x2], $0x10, s20, s21, $0xb8;
	[tilespmem:$0x1F000] =	vst v63  }
0xbf: {  	_ =	swait.ge [sflag:s19], $0x800  }
0xc0: {  	[sflag:s19] =	ssyncset.done $0x0  }
0xc1: {  	[sflag:s19] =	ssyncadd.s32 $0xFFFFF800  }
0xc2: {  	[spmem:s2] =	stream.indirect.scatter.add.f32 [tilespmem:s12], [sflag:$0x2], $0x10, s23, s21, $0xb8;
	[tilespmem:$0x1F000] =	vst v63  }
0xc3: {  	_ =	swait.ge [sflag:s19], $0x800  }
0xc4: {  	[sflag:s19] =	ssyncset.done $0x0  }
0xc5: {  	[sflag:s19] =	ssyncadd.s32 $0xFFFFF800  }
0xc6: {  	[spmem:s2] =	stream.indirect.scatter.add.f32 [tilespmem:s12], [sflag:$0x2], $0x10, s25, s21, $0xb8;
	[tilespmem:$0x1F000] =	vst v63  }
0xc7: {  	_ =	swait.ge [sflag:s19], $0x800  }
0xc8: {  	[sflag:s19] =	ssyncset.done $0x0  }
0xc9: {  	[sflag:s19] =	ssyncadd.s32 $0xFFFFF800  }
0xca: {  	[spmem:s2] =	stream.indirect.scatter.add.f32 [tilespmem:s12], [sflag:$0x2], $0x10, s28, s21, $0xb8;
	[tilespmem:$0x1F000] =	vst v63  }
0xcb: {  	_ =	swait.ge [sflag:s19], $0x800  }
0xcc: {  	[sflag:s19] =	ssyncset.done $0x0  }
0xcd: {  	[sflag:s19] =	ssyncadd.s32 $0xFFFFF800  }
0xce: {  	[spmem:s2] =	stream.indirect.scatter.add.f32 [tilespmem:s12], [sflag:$0x2], $0x10, s30, s21, $0xb8;
	[tilespmem:$0x1F000] =	vst v63  }
0xcf: {  	_ =	swait.ge [sflag:s19], $0x800  }
0xd0: {  	[sflag:s19] =	ssyncset.done $0x0  }
0xd1: {  	[sflag:s19] =	ssyncadd.s32 $0xFFFFF800  }
0xd2: {  	[spmem:s2] =	stream.indirect.scatter.add.f32 [tilespmem:s12], [sflag:$0x2], $0x10, s0, s21, $0xb8;
	[tilespmem:$0x1F000] =	vst v63  }
0xd3: {  	_ =	swait.ge [sflag:s19], $0x800  }
0xd4: {  	[sflag:s19] =	ssyncset.done $0x0  }
0xd5: {  	[sflag:s19] =	ssyncadd.s32 $0xFFFFF800  }
0xd6: {  	[spmem:s2] =	stream.indirect.scatter.add.f32 [tilespmem:s12], [sflag:$0x2], $0x10, s13, s21, $0xb8;
	[tilespmem:$0x1F000] =	vst v63  }
0xd7: {  	_ =	swait.ge [sflag:s19], $0x800  }
0xd8: {  	[sflag:s19] =	ssyncset.done $0x0  }
.Ltmp7:
0xd9: {  	[sflag:s19] =	ssyncadd.s32 $0xFFFFF800;
	(pc) =	sbr.rel @p0 .LBB2_15-.Ltmp7, $4  }
0xda: {  	[spmem:s2] =	stream.indirect.scatter.add.f32 [tilespmem:s12], [sflag:$0x2], $0x10, s15, s21, $0xb8;
	[tilespmem:$0x1F000] =	vst v63  }
0xdb: {  	_ =	swait.ge [sflag:s19], $0x800  }
0xdc: {  	[sflag:s19] =	ssyncset.done $0x0  }
0xdd: {  	[sflag:s19] =	ssyncadd.s32 $0xFFFFF800  }
0xde: {  	s3 =	rddreg [dreg:$0x6]  }
0xdf: {  	[tilespmem:s20], [sflag:$0x2] =	stream.linear.gather [hbm4b:s3+s4], $0x400, $0x38;
	[tilespmem:$0x1F000] =	vst v63  }
0xe0: {  	_ =	swait.ge [sflag:s19], $0x400  }
0xe1: {  	[sflag:s19] =	ssyncset.done $0x0  }
0xe2: {  	[sflag:s19] =	ssyncadd.s32 $0xFFFFFC00  }
0xe3: {  	s24 =	rddreg [dreg:$0x3]  }
0xe4: {  	[spmem:s24] =	stream.indirect.scatter.add.f32 [tilespmem:s12], [sflag:$0x2], $0x10, s20, s21, $0xb8;
	[tilespmem:$0x1F000] =	vst v63  }
0xe5: {  	_ =	swait.ge [sflag:s19], $0x800  }
0xe6: {  	[sflag:s19] =	ssyncset.done $0x0  }
0xe7: {  	[sflag:s19] =	ssyncadd.s32 $0xFFFFF800  }
0xe8: {  	[spmem:s24] =	stream.indirect.scatter.add.f32 [tilespmem:s12], [sflag:$0x2], $0x10, s23, s21, $0xb8;
	[tilespmem:$0x1F000] =	vst v63  }
0xe9: {  	_ =	swait.ge [sflag:s19], $0x800  }
0xea: {  	[sflag:s19] =	ssyncset.done $0x0  }
0xeb: {  	[sflag:s19] =	ssyncadd.s32 $0xFFFFF800  }
0xec: {  	[spmem:s24] =	stream.indirect.scatter.add.f32 [tilespmem:s12], [sflag:$0x2], $0x10, s25, s21, $0xb8;
	[tilespmem:$0x1F000] =	vst v63  }
0xed: {  	_ =	swait.ge [sflag:s19], $0x800  }
0xee: {  	[sflag:s19] =	ssyncset.done $0x0  }
0xef: {  	[sflag:s19] =	ssyncadd.s32 $0xFFFFF800  }
0xf0: {  	[spmem:s24] =	stream.indirect.scatter.add.f32 [tilespmem:s12], [sflag:$0x2], $0x10, s28, s21, $0xb8;
	[tilespmem:$0x1F000] =	vst v63  }
0xf1: {  	_ =	swait.ge [sflag:s19], $0x800  }
0xf2: {  	[sflag:s19] =	ssyncset.done $0x0  }
0xf3: {  	[sflag:s19] =	ssyncadd.s32 $0xFFFFF800  }
0xf4: {  	[spmem:s24] =	stream.indirect.scatter.add.f32 [tilespmem:s12], [sflag:$0x2], $0x10, s30, s21, $0xb8;
	[tilespmem:$0x1F000] =	vst v63  }
0xf5: {  	_ =	swait.ge [sflag:s19], $0x800  }
0xf6: {  	[sflag:s19] =	ssyncset.done $0x0  }
0xf7: {  	[sflag:s19] =	ssyncadd.s32 $0xFFFFF800  }
0xf8: {  	[spmem:s24] =	stream.indirect.scatter.add.f32 [tilespmem:s12], [sflag:$0x2], $0x10, s0, s21, $0xb8;
	[tilespmem:$0x1F000] =	vst v63  }
0xf9: {  	_ =	swait.ge [sflag:s19], $0x800  }
0xfa: {  	[sflag:s19] =	ssyncset.done $0x0  }
0xfb: {  	[sflag:s19] =	ssyncadd.s32 $0xFFFFF800  }
0xfc: {  	[spmem:s24] =	stream.indirect.scatter.add.f32 [tilespmem:s12], [sflag:$0x2], $0x10, s13, s21, $0xb8;
	[tilespmem:$0x1F000] =	vst v63  }
0xfd: {  	_ =	swait.ge [sflag:s19], $0x800  }
0xfe: {  	[sflag:s19] =	ssyncset.done $0x0  }
0xff: {  	[sflag:s19] =	ssyncadd.s32 $0xFFFFF800  }
0x100: {  	[spmem:s24] =	stream.indirect.scatter.add.f32 [tilespmem:s12], [sflag:$0x2], $0x10, s15, s21, $0xb8;
	[tilespmem:$0x1F000] =	vst v63  }
0x101: {  	_ =	swait.ge [sflag:s19], $0x800  }
0x102: {  	[sflag:s19] =	ssyncset.done $0x0  }
0x103: {  	s7 =	rddreg [dreg:$0x9];
	[sflag:s19] =	ssyncadd.s32 $0xFFFFF800  }
0x104: {  	[tilespmem:s20], [sflag:$0x2] =	stream.linear.gather [hbm4b:s7+s4], $0x400, $0x38;
	[tilespmem:$0x1F000] =	vst v63  }
0x105: {  	_ =	swait.ge [sflag:s19], $0x400  }
0x106: {  	[sflag:s19] =	ssyncset.done $0x0  }
0x107: {  	[sflag:s19] =	ssyncadd.s32 $0xFFFFFC00  }
0x108: {  	[spmem:s24] =	stream.indirect.scatter.add.f32 [tilespmem:s12], [sflag:$0x2], $0x10, s20, s21, $0xb8;
	[tilespmem:$0x1F000] =	vst v63  }
0x109: {  	_ =	swait.ge [sflag:s19], $0x800  }
0x10a: {  	[sflag:s19] =	ssyncset.done $0x0  }
0x10b: {  	[sflag:s19] =	ssyncadd.s32 $0xFFFFF800  }
0x10c: {  	[spmem:s24] =	stream.indirect.scatter.add.f32 [tilespmem:s12], [sflag:$0x2], $0x10, s23, s21, $0xb8;
	[tilespmem:$0x1F000] =	vst v63  }
0x10d: {  	_ =	swait.ge [sflag:s19], $0x800  }
0x10e: {  	[sflag:s19] =	ssyncset.done $0x0  }
0x10f: {  	[sflag:s19] =	ssyncadd.s32 $0xFFFFF800  }
0x110: {  	[spmem:s24] =	stream.indirect.scatter.add.f32 [tilespmem:s12], [sflag:$0x2], $0x10, s25, s21, $0xb8;
	[tilespmem:$0x1F000] =	vst v63  }
0x111: {  	_ =	swait.ge [sflag:s19], $0x800  }
0x112: {  	[sflag:s19] =	ssyncset.done $0x0  }
0x113: {  	[sflag:s19] =	ssyncadd.s32 $0xFFFFF800  }
0x114: {  	[spmem:s24] =	stream.indirect.scatter.add.f32 [tilespmem:s12], [sflag:$0x2], $0x10, s28, s21, $0xb8;
	[tilespmem:$0x1F000] =	vst v63  }
0x115: {  	_ =	swait.ge [sflag:s19], $0x800  }
0x116: {  	[sflag:s19] =	ssyncset.done $0x0  }
0x117: {  	[sflag:s19] =	ssyncadd.s32 $0xFFFFF800  }
0x118: {  	[spmem:s24] =	stream.indirect.scatter.add.f32 [tilespmem:s12], [sflag:$0x2], $0x10, s30, s21, $0xb8;
	[tilespmem:$0x1F000] =	vst v63  }
0x119: {  	_ =	swait.ge [sflag:s19], $0x800  }
0x11a: {  	[sflag:s19] =	ssyncset.done $0x0  }
0x11b: {  	[sflag:s19] =	ssyncadd.s32 $0xFFFFF800  }
0x11c: {  	[spmem:s24] =	stream.indirect.scatter.add.f32 [tilespmem:s12], [sflag:$0x2], $0x10, s0, s21, $0xb8;
	[tilespmem:$0x1F000] =	vst v63  }
0x11d: {  	_ =	swait.ge [sflag:s19], $0x800  }
0x11e: {  	[sflag:s19] =	ssyncset.done $0x0  }
0x11f: {  	[sflag:s19] =	ssyncadd.s32 $0xFFFFF800  }
0x120: {  	[spmem:s24] =	stream.indirect.scatter.add.f32 [tilespmem:s12], [sflag:$0x2], $0x10, s13, s21, $0xb8;
	[tilespmem:$0x1F000] =	vst v63  }
0x121: {  	_ =	swait.ge [sflag:s19], $0x800  }
0x122: {  	[sflag:s19] =	ssyncset.done $0x0  }
0x123: {  	[sflag:s19] =	ssyncadd.s32 $0xFFFFF800  }
0x124: {  	[spmem:s24] =	stream.indirect.scatter.add.f32 [tilespmem:s12], [sflag:$0x2], $0x10, s15, s21, $0xb8;
	[tilespmem:$0x1F000] =	vst v63  }
0x125: {  	_ =	swait.ge [sflag:s19], $0x800  }
0x126: {  	[sflag:s19] =	ssyncset.done $0x0  }
0x127: {  	s26 =	rddreg [dreg:$0xa];
	[sflag:s19] =	ssyncadd.s32 $0xFFFFF800  }
0x128: {  	[tilespmem:s20], [sflag:$0x2] =	stream.linear.gather [hbm4b:s26+s4], $0x400, $0x38;
	[tilespmem:$0x1F000] =	vst v63  }
0x129: {  	_ =	swait.ge [sflag:s19], $0x400  }
0x12a: {  	[sflag:s19] =	ssyncset.done $0x0  }
0x12b: {  	[sflag:s19] =	ssyncadd.s32 $0xFFFFFC00  }
0x12c: {  	[spmem:s24] =	stream.indirect.scatter.add.f32 [tilespmem:s12], [sflag:$0x2], $0x10, s20, s21, $0xb8;
	[tilespmem:$0x1F000] =	vst v63  }
0x12d: {  	_ =	swait.ge [sflag:s19], $0x800  }
0x12e: {  	[sflag:s19] =	ssyncset.done $0x0  }
0x12f: {  	[sflag:s19] =	ssyncadd.s32 $0xFFFFF800  }
0x130: {  	[spmem:s24] =	stream.indirect.scatter.add.f32 [tilespmem:s12], [sflag:$0x2], $0x10, s23, s21, $0xb8;
	[tilespmem:$0x1F000] =	vst v63  }
0x131: {  	_ =	swait.ge [sflag:s19], $0x800  }
0x132: {  	[sflag:s19] =	ssyncset.done $0x0  }
0x133: {  	[sflag:s19] =	ssyncadd.s32 $0xFFFFF800  }
0x134: {  	[spmem:s24] =	stream.indirect.scatter.add.f32 [tilespmem:s12], [sflag:$0x2], $0x10, s25, s21, $0xb8;
	[tilespmem:$0x1F000] =	vst v63  }
0x135: {  	_ =	swait.ge [sflag:s19], $0x800  }
0x136: {  	[sflag:s19] =	ssyncset.done $0x0  }
0x137: {  	[sflag:s19] =	ssyncadd.s32 $0xFFFFF800  }
0x138: {  	[spmem:s24] =	stream.indirect.scatter.add.f32 [tilespmem:s12], [sflag:$0x2], $0x10, s28, s21, $0xb8;
	[tilespmem:$0x1F000] =	vst v63  }
0x139: {  	_ =	swait.ge [sflag:s19], $0x800  }
0x13a: {  	[sflag:s19] =	ssyncset.done $0x0  }
0x13b: {  	[sflag:s19] =	ssyncadd.s32 $0xFFFFF800  }
0x13c: {  	[spmem:s24] =	stream.indirect.scatter.add.f32 [tilespmem:s12], [sflag:$0x2], $0x10, s30, s21, $0xb8;
	[tilespmem:$0x1F000] =	vst v63  }
0x13d: {  	_ =	swait.ge [sflag:s19], $0x800  }
0x13e: {  	[sflag:s19] =	ssyncset.done $0x0  }
0x13f: {  	[sflag:s19] =	ssyncadd.s32 $0xFFFFF800  }
0x140: {  	[spmem:s24] =	stream.indirect.scatter.add.f32 [tilespmem:s12], [sflag:$0x2], $0x10, s0, s21, $0xb8;
	[tilespmem:$0x1F000] =	vst v63  }
0x141: {  	_ =	swait.ge [sflag:s19], $0x800  }
0x142: {  	[sflag:s19] =	ssyncset.done $0x0  }
0x143: {  	[sflag:s19] =	ssyncadd.s32 $0xFFFFF800  }
0x144: {  	[spmem:s24] =	stream.indirect.scatter.add.f32 [tilespmem:s12], [sflag:$0x2], $0x10, s13, s21, $0xb8;
	[tilespmem:$0x1F000] =	vst v63  }
0x145: {  	_ =	swait.ge [sflag:s19], $0x800  }
0x146: {  	[sflag:s19] =	ssyncset.done $0x0  }
0x147: {  	[sflag:s19] =	ssyncadd.s32 $0xFFFFF800  }
0x148: {  	[spmem:s24] =	stream.indirect.scatter.add.f32 [tilespmem:s12], [sflag:$0x2], $0x10, s15, s21, $0xb8;
	[tilespmem:$0x1F000] =	vst v63  }
0x149: {  	_ =	swait.ge [sflag:s19], $0x800  }
0x14a: {  	[sflag:s19] =	ssyncset.done $0x0  }
0x14b: {  	s29 =	rddreg [dreg:$0xb];
	[sflag:s19] =	ssyncadd.s32 $0xFFFFF800  }
0x14c: {  	[tilespmem:s20], [sflag:$0x2] =	stream.linear.gather [hbm4b:s29+s4], $0x400, $0x38;
	[tilespmem:$0x1F000] =	vst v63  }
0x14d: {  	_ =	swait.ge [sflag:s19], $0x400  }
0x14e: {  	[sflag:s19] =	ssyncset.done $0x0  }
0x14f: {  	[sflag:s19] =	ssyncadd.s32 $0xFFFFFC00  }
0x150: {  	[spmem:s24] =	stream.indirect.scatter.add.f32 [tilespmem:s12], [sflag:$0x2], $0x10, s20, s21, $0xb8;
	[tilespmem:$0x1F000] =	vst v63  }
0x151: {  	_ =	swait.ge [sflag:s19], $0x800  }
0x152: {  	[sflag:s19] =	ssyncset.done $0x0  }
0x153: {  	[sflag:s19] =	ssyncadd.s32 $0xFFFFF800  }
0x154: {  	[spmem:s24] =	stream.indirect.scatter.add.f32 [tilespmem:s12], [sflag:$0x2], $0x10, s23, s21, $0xb8;
	[tilespmem:$0x1F000] =	vst v63  }
0x155: {  	_ =	swait.ge [sflag:s19], $0x800  }
0x156: {  	[sflag:s19] =	ssyncset.done $0x0  }
0x157: {  	[sflag:s19] =	ssyncadd.s32 $0xFFFFF800  }
0x158: {  	[spmem:s24] =	stream.indirect.scatter.add.f32 [tilespmem:s12], [sflag:$0x2], $0x10, s25, s21, $0xb8;
	[tilespmem:$0x1F000] =	vst v63  }
0x159: {  	_ =	swait.ge [sflag:s19], $0x800  }
0x15a: {  	[sflag:s19] =	ssyncset.done $0x0  }
0x15b: {  	[sflag:s19] =	ssyncadd.s32 $0xFFFFF800  }
0x15c: {  	[spmem:s24] =	stream.indirect.scatter.add.f32 [tilespmem:s12], [sflag:$0x2], $0x10, s28, s21, $0xb8;
	[tilespmem:$0x1F000] =	vst v63  }
0x15d: {  	_ =	swait.ge [sflag:s19], $0x800  }
0x15e: {  	[sflag:s19] =	ssyncset.done $0x0  }
0x15f: {  	[sflag:s19] =	ssyncadd.s32 $0xFFFFF800  }
0x160: {  	[spmem:s24] =	stream.indirect.scatter.add.f32 [tilespmem:s12], [sflag:$0x2], $0x10, s30, s21, $0xb8;
	[tilespmem:$0x1F000] =	vst v63  }
0x161: {  	_ =	swait.ge [sflag:s19], $0x800  }
0x162: {  	[sflag:s19] =	ssyncset.done $0x0  }
0x163: {  	[sflag:s19] =	ssyncadd.s32 $0xFFFFF800  }
0x164: {  	[spmem:s24] =	stream.indirect.scatter.add.f32 [tilespmem:s12], [sflag:$0x2], $0x10, s0, s21, $0xb8;
	[tilespmem:$0x1F000] =	vst v63  }
0x165: {  	_ =	swait.ge [sflag:s19], $0x800  }
0x166: {  	[sflag:s19] =	ssyncset.done $0x0  }
0x167: {  	[sflag:s19] =	ssyncadd.s32 $0xFFFFF800  }
0x168: {  	[spmem:s24] =	stream.indirect.scatter.add.f32 [tilespmem:s12], [sflag:$0x2], $0x10, s13, s21, $0xb8;
	[tilespmem:$0x1F000] =	vst v63  }
0x169: {  	_ =	swait.ge [sflag:s19], $0x800  }
0x16a: {  	[sflag:s19] =	ssyncset.done $0x0  }
0x16b: {  	[sflag:s19] =	ssyncadd.s32 $0xFFFFF800  }
0x16c: {  	[spmem:s24] =	stream.indirect.scatter.add.f32 [tilespmem:s12], [sflag:$0x2], $0x10, s15, s21, $0xb8;
	[tilespmem:$0x1F000] =	vst v63  }
0x16d: {  	_ =	swait.ge [sflag:s19], $0x800  }
0x16e: {  	[sflag:s19] =	ssyncset.done $0x0  }
0x16f: {  	[sflag:s19] =	ssyncadd.s32 $0xFFFFF800  }
.LBB2_15:
0x170: {  	s3 =	stileid.u32  }
0x171: {  	[bflag:$0x0] =	sbarrier.arrive $0xFFFF;
	s3 =	sshll.u32 s3, $0x6  }
0x172: {  	s7 =	sadd.s32 $0x0, s17;
	s24 =	sshrl.u32 s6, $0x3;
	s3 =	sor.u32 $0x1C02, s3  }
0x173: {  	[hbm:s7], [sflag:s3] =	dma.local [spmem:s24], $0x200  }
0x174: {  	s7 =	simm.s32 $0x200;
	s24 =	sadd.s32 $0x1000, s6;
	_ =	swait.ge [sflag:s19], $0x200  }
.LBB2_16:
0x175: {  	s26 =	sadd.s32 s7, s17;
	[sflag:s19] =	ssyncset.done $0x0;
	p1 =	sne.s32 s7, $0x3000  }
.Ltmp8:
0x176: {  	s29 =	sshrl.u32 s24, $0x3;
	[sflag:s19] =	ssyncadd.s32 $0xFFFFFE00;
	(pc) =	sbr.rel @p1 .LBB2_16-.Ltmp8, $3  }
0x177: {  	[hbm:s26], [sflag:s3] =	dma.local [spmem:s29], $0x200  }
0x178: {  	s7 =	sadd.s32 $0x200, s7;
	_ =	sdelay $0x1  }
0x179: {  	s24 =	sadd.s32 $0x1000, s24;
	_ =	swait.ge [sflag:s19], $0x200  }
0x17a: {  	[sflag:s19] =	ssyncset.done $0x0;
	s24 =	rddreg [dreg:$0x5]  }
0x17b: {  	s26 =	rddreg [dreg:$0x7];
	[sflag:s19] =	ssyncadd.s32 $0xFFFFFE00;
	s7 =	sshrl.u32 s24, $0x3  }
0x17c: {  	[hbm:s26], [sflag:s3] =	dma.local [spmem:s7], $0x80  }
0x17d: {  	_ =	swait.ge [sflag:s19], $0x80  }
0x17e: {  	s3 =	rddreg [dreg:$0xc]  }
0x17f: {  	s26 =	rddreg [dreg:$0x8];
	s7 =	sadd.s32 $0x1, s3  }
0x180: {  	p1 =	sne.s32 s7, s26  }
.Ltmp9:
0x181: {  	_ = 	snop;
	(pc) =	sbr.rel @p1 .LBB2_1-.Ltmp9, $3  }
0x182: {  	_ =	sdelay $0x1  }
0x183: {  	[sflag:s19] =	ssyncset.done $0x0  }
0x184: {  	s29 =	simm.s32 $0x1B800;
	[sflag:s19] =	ssyncadd.s32 $0xFFFFFF80  }
0x185: {  	_ =	sfence.sel $0x180000  }
0x186: {  	[bflag:$0x0] =	sbarrier.arrive $0xFFFF  }
0x187: {  	_ =	strace $0x90000047  }
0x188: {  	s0 =	stileid.u32;
	[bflag:$0x2] =	sbarrier.arrive $0xFFFF  }
0x189: {  	p0 =	sne.s32 s0, $0x0;
	s0 =	rddreg [dreg:$0x4]  }
0x18a: {  	s0 =	sadd.s32 @!p0 $0x100000, s0  }
0x18b: {  	[sflag:s0] =	ssyncadd.tile.s32 @!p0 $0x1;
	_ =	shalt  }
.Lfunc_end2:
_tile_overlayer_lowered:
.L_overlay_start_2:
0x18c: {  	(tag) =	ssettag $0x2  }
0x18d: {  	s0 =	rddreg [dreg:$0x0];
	s2 =	stileid.u32  }
0x18e: {  	s1 =	rddreg [dreg:$0x1];
	p0 =	sne.s32 s2, $0x0  }
0x18f: {  	s3 =	rddreg [dreg:$0x2];
	[bflag:$0x3] =	sbarrier.arrive $0xFFFF;
	s2 =	simm.s32 @!p0 $0x1C02  }
0x190: {  	[timem:s3], [sflag:s2] =	dma.local @!p0 [hbm:s0], s1  }
0x191: {  	s0 =	simm.s32 @!p0 $0x2  }
0x192: {  	_ =	swait.ge @!p0 [sflag:s0], s1  }
0x193: {  	s1 =	ssub.s32 @!p0 $0x0, s1;
	[sflag:s0] =	ssyncset.done @!p0 $0x0  }
0x194: {  	[sflag:s0] =	ssyncadd.s32 @!p0 s1  }
0x195: {  	[bflag:$0x3] =	sbarrier.arrive $0xFFFF  }
0x196: {  	_ =	shalt  }

</sc_bundles>
